<compile_context>
chip_gen: v7x
topology: tpu7x:2x2x1
jax: 0.10.2.dev20260603
libtpu: 0.0.44.dev20260713+nightly
codegen_flags: <defaults>
</compile_context>

<pallas_src>
import jax
import jax.numpy as jnp
from jax import lax
from jax.experimental import pallas as pl
from jax.experimental.pallas import tpu as pltpu
from jax.experimental.pallas import tpu_sc as plsc

B = 16384
NUM_KCS = 1000
KC_PAD = 1024
EPSILON = 1e-08

NC = 2
NS = 16
NW = NC * NS
BPW = B // NW
CHUNK = 128
NCHUNK = BPW // CHUNK
STEPS = BPW // 16
SPC = STEPS // NCHUNK
NUM_STUDENTS = 100000
TH_MAIN = (NUM_STUDENTS // CHUNK) * CHUNK


def _sigmoid(x):
    return 1.0 / (1.0 + jnp.exp(-x))


def _logits_body(kctab_hbm, thblk_hbm,
                 kc_hbm, sid_hbm,
                 pT_hbm, pF_hbm, xg_hbm, xs_hbm,
                 kctab_v, kc_v, sidx_v,
                 ti0_v, ti1_v, ti2_v, ti3_v,
                 th0_v, th1_v, th2_v, th3_v,
                 pT_v, pF_v, xg_v, xs_v, sem, gsem):
    wid = lax.axis_index("s") * NC + lax.axis_index("c")
    base = wid * BPW

    idx_copy = pltpu.async_copy(sid_hbm.at[pl.ds(base, BPW)], sidx_v, sem)
    lin_copies = [
        pltpu.async_copy(kc_hbm.at[pl.ds(base, BPW)], kc_v, sem),
        pltpu.async_copy(kctab_hbm, kctab_v, sem),
    ]
    idx_copy.wait()

    for i in range(STEPS):
        s = pl.multiple_of(i * 16, 16)
        sid = sidx_v[pl.ds(s, 16)]
        low = sid & 127
        main0 = (sid & ~127) * 4 + low
        in_tail = sid >= TH_MAIN
        tail0 = TH_MAIN * 4 + (sid - TH_MAIN)
        ti0_v[pl.ds(s, 16)] = jnp.where(in_tail, tail0, main0)
        ti1_v[pl.ds(s, 16)] = jnp.where(in_tail, tail0 + 32, main0 + 128)
        ti2_v[pl.ds(s, 16)] = jnp.where(in_tail, tail0 + 64, main0 + 256)
        ti3_v[pl.ds(s, 16)] = jnp.where(in_tail, tail0 + 96, main0 + 384)

    gathers = []
    for j in range(NCHUNK):
        sl = pl.ds(j * CHUNK, CHUNK)
        gathers.append([
            pltpu.async_copy(thblk_hbm.at[ti0_v.at[sl]], th0_v.at[sl],
                             gsem.at[j]),
            pltpu.async_copy(thblk_hbm.at[ti1_v.at[sl]], th1_v.at[sl],
                             gsem.at[j]),
            pltpu.async_copy(thblk_hbm.at[ti2_v.at[sl]], th2_v.at[sl],
                             gsem.at[j]),
            pltpu.async_copy(thblk_hbm.at[ti3_v.at[sl]], th3_v.at[sl],
                             gsem.at[j]),
        ])
    for c in lin_copies:
        c.wait()

    def step(i, carry):
        s = pl.multiple_of(i * 16, 16)
        kidx = kc_v[pl.ds(s, 16)]
        pT_l = plsc.load_gather(kctab_v, [kidx])
        pF_l = plsc.load_gather(kctab_v, [kidx + KC_PAD])
        pG_l = plsc.load_gather(kctab_v, [kidx + 2 * KC_PAD])
        pS_l = plsc.load_gather(kctab_v, [kidx + 3 * KC_PAD])
        th_L = th0_v[pl.ds(s, 16)]
        th_nF = th1_v[pl.ds(s, 16)]
        th_G = th2_v[pl.ds(s, 16)]
        th_nS = th3_v[pl.ds(s, 16)]
        pT_v[pl.ds(s, 16)] = _sigmoid(pT_l + th_L)
        pF_v[pl.ds(s, 16)] = _sigmoid(pF_l - th_nF)
        xg_v[pl.ds(s, 16)] = pG_l + th_G
        xs_v[pl.ds(s, 16)] = pS_l - th_nS
        return carry

    for j in range(NCHUNK):
        for g in gathers[j]:
            g.wait()
        lax.fori_loop(j * SPC, (j + 1) * SPC, step, 0)

    outs = [
        pltpu.async_copy(pT_v, pT_hbm.at[pl.ds(base, BPW)], sem),
        pltpu.async_copy(pF_v, pF_hbm.at[pl.ds(base, BPW)], sem),
        pltpu.async_copy(xg_v, xg_hbm.at[pl.ds(base, BPW)], sem),
        pltpu.async_copy(xs_v, xs_hbm.at[pl.ds(base, BPW)], sem),
    ]
    for o in outs:
        o.wait()


def _update_body(omega_hbm, sigma_hbm, hp_hbm, obs_hbm,
                 pT_hbm, pF_hbm, xg_hbm, xs_hbm, pid_hbm,
                 hnew_hbm, pc_hbm,
                 hp_v, obs_v, pidx_v, pT_v, pF_v, xg_v, xs_v,
                 om_v, sg_v, hn_v, pc_v, sem, gsem):
    wid = lax.axis_index("s") * NC + lax.axis_index("c")
    base = wid * BPW
    base2 = wid * (2 * BPW)

    idx_copy = pltpu.async_copy(pid_hbm.at[pl.ds(base, BPW)], pidx_v, sem)
    lin_copies = [
        pltpu.async_copy(hp_hbm.at[pl.ds(base2, 2 * BPW)], hp_v, sem),
        pltpu.async_copy(obs_hbm.at[pl.ds(base, BPW)], obs_v, sem),
        pltpu.async_copy(pT_hbm.at[pl.ds(base, BPW)], pT_v, sem),
        pltpu.async_copy(pF_hbm.at[pl.ds(base, BPW)], pF_v, sem),
        pltpu.async_copy(xg_hbm.at[pl.ds(base, BPW)], xg_v, sem),
        pltpu.async_copy(xs_hbm.at[pl.ds(base, BPW)], xs_v, sem),
    ]
    idx_copy.wait()

    gathers = []
    for j in range(NCHUNK):
        sl = pl.ds(j * CHUNK, CHUNK)
        gathers.append([
            pltpu.async_copy(omega_hbm.at[pidx_v.at[sl]], om_v.at[sl],
                             gsem.at[j]),
            pltpu.async_copy(sigma_hbm.at[pidx_v.at[sl]], sg_v.at[sl],
                             gsem.at[j]),
        ])
    for c in lin_copies:
        c.wait()

    def step(i, carry):
        s = pl.multiple_of(i * 16, 16)
        su = pl.multiple_of((i // 8) * 256 + (i % 8) * 16, 16)

        om = om_v[pl.ds(s, 16)]
        sg = sg_v[pl.ds(s, 16)]
        pT = pT_v[pl.ds(s, 16)]
        pF = pF_v[pl.ds(s, 16)]
        pG = _sigmoid(xg_v[pl.ds(s, 16)] + om)
        pS = _sigmoid(xs_v[pl.ds(s, 16)] + sg)

        h_u = hp_v[pl.ds(su, 16)]
        h_m = hp_v[pl.ds(su + CHUNK, 16)]
        obs_b = obs_v[pl.ds(s, 16)] != 0

        p_m = jnp.where(obs_b, 1.0 - pS, pS)
        p_u = jnp.where(obs_b, pG, 1.0 - pG)

        a_u = p_u * h_u
        a_m = p_m * h_m
        new_m = (1.0 - pF) * a_m + pT * a_u
        new_u = pF * a_m + (1.0 - pT) * a_u
        inv_norm = 1.0 / (new_m + new_u + EPSILON)
        new_m = new_m * inv_norm
        new_u = new_u * inv_norm
        pc = (1.0 - pS) * new_m + pG * new_u

        hn_v[pl.ds(su, 16)] = new_u
        hn_v[pl.ds(su + CHUNK, 16)] = new_m
        pc_v[pl.ds(s, 16)] = pc
        return carry

    for j in range(NCHUNK):
        for g in gathers[j]:
            g.wait()
        lax.fori_loop(j * SPC, (j + 1) * SPC, step, 0)

    pltpu.async_copy(hn_v, hnew_hbm.at[pl.ds(base2, 2 * BPW)], sem).wait()
    pltpu.async_copy(pc_v, pc_hbm.at[pl.ds(base, BPW)], sem).wait()


@jax.jit
def _bkt_sc(kctab, omega1d, sigma1d, thblk, hp_blk, observation,
            kc_ids, problem_ids, student_ids):
    mesh = plsc.VectorSubcoreMesh(core_axis_name="c", subcore_axis_name="s",
                                  num_cores=NC, num_subcores=NS)
    params = pltpu.CompilerParams(needs_layout_passes=False,
                                  disable_bounds_checks=True)
    out1d = jax.ShapeDtypeStruct((B,), jnp.float32)

    logits_fn = pl.kernel(
        _logits_body,
        out_type=(out1d, out1d, out1d, out1d),
        mesh=mesh,
        scratch_types=[
            pltpu.VMEM((4 * KC_PAD,), jnp.float32),
            pltpu.VMEM((BPW,), jnp.int32),
            pltpu.VMEM((BPW,), jnp.int32),
            pltpu.VMEM((BPW,), jnp.int32),
            pltpu.VMEM((BPW,), jnp.int32),
            pltpu.VMEM((BPW,), jnp.int32),
            pltpu.VMEM((BPW,), jnp.int32),
            pltpu.VMEM((BPW,), jnp.float32),
            pltpu.VMEM((BPW,), jnp.float32),
            pltpu.VMEM((BPW,), jnp.float32),
            pltpu.VMEM((BPW,), jnp.float32),
            pltpu.VMEM((BPW,), jnp.float32),
            pltpu.VMEM((BPW,), jnp.float32),
            pltpu.VMEM((BPW,), jnp.float32),
            pltpu.VMEM((BPW,), jnp.float32),
            pltpu.SemaphoreType.DMA,
            pltpu.SemaphoreType.DMA((NCHUNK,)),
        ],
        compiler_params=params,
        name="bkt_logits",
    )
    pT_a, pF_a, xg_a, xs_a = logits_fn(kctab, thblk, kc_ids, student_ids)

    update_fn = pl.kernel(
        _update_body,
        out_type=(
            jax.ShapeDtypeStruct((2 * B,), jnp.float32),
            out1d,
        ),
        mesh=mesh,
        scratch_types=[
            pltpu.VMEM((2 * BPW,), jnp.float32),
            pltpu.VMEM((BPW,), jnp.int32),
            pltpu.VMEM((BPW,), jnp.int32),
            pltpu.VMEM((BPW,), jnp.float32),
            pltpu.VMEM((BPW,), jnp.float32),
            pltpu.VMEM((BPW,), jnp.float32),
            pltpu.VMEM((BPW,), jnp.float32),
            pltpu.VMEM((BPW,), jnp.float32),
            pltpu.VMEM((BPW,), jnp.float32),
            pltpu.VMEM((2 * BPW,), jnp.float32),
            pltpu.VMEM((BPW,), jnp.float32),
            pltpu.SemaphoreType.DMA,
            pltpu.SemaphoreType.DMA((NCHUNK,)),
        ],
        compiler_params=params,
        name="bkt_update",
    )
    return update_fn(omega1d, sigma1d, hp_blk, observation,
                     pT_a, pF_a, xg_a, xs_a, problem_ids)


def kernel(h_prev, observation, kc_ids, problem_ids, student_ids,
           pT_logit, pF_logit, pG_logit, pS_logit, omega, sigma,
           student_ability):
    sigma1d = sigma.reshape(-1)
    (sigma1d, student_ability, pT_logit, pF_logit, pG_logit,
     pS_logit) = jax.lax.optimization_barrier(
        (sigma1d, student_ability, pT_logit, pF_logit, pG_logit, pS_logit))
    pad = KC_PAD - NUM_KCS
    kctab = jnp.concatenate([
        jnp.pad(pT_logit, (0, pad)),
        jnp.pad(pF_logit, (0, pad)),
        jnp.pad(pG_logit, (0, pad)),
        jnp.pad(pS_logit, (0, pad)),
    ])
    omega1d = omega.reshape(-1)
    thblk = jnp.concatenate([
        student_ability[:TH_MAIN]
        .reshape(TH_MAIN // CHUNK, CHUNK, 4).transpose(0, 2, 1).reshape(-1),
        student_ability[TH_MAIN:].T.reshape(-1),
    ])
    hp_blk = h_prev.reshape(B // CHUNK, CHUNK, 2).transpose(0, 2, 1).reshape(-1)
    h_blk, p_correct = _bkt_sc(kctab, omega1d, sigma1d, thblk,
                               hp_blk, observation,
                               kc_ids, problem_ids, student_ids)
    h_new = h_blk.reshape(B // CHUNK, 2, CHUNK).transpose(0, 2, 1).reshape(B, 2)
    return (h_new, p_correct)

# --- scband reference (transcript-rebuilt; emitter-appended) ---
"""Pipeline reference for scband-supercharging-bkt-14860586844437 (READ-ONLY COPY).

The authoritative reference and input builder live on the scoring server;
editing this copy changes nothing except your own understanding.
"""

import jax, jax.numpy as jnp
import numpy as np

NUM_KCS = 1000
NUM_PROBLEMS = 1000000
NUM_STUDENTS = 100000
B = 16384
EPSILON = 1e-08


def setup_inputs(seed: int = 0) -> dict:
    key = jax.random.key(seed)
    ks = jax.random.split(key, 9)
    h_prev = jax.random.uniform(ks[0], (B, 2), dtype=jnp.float32)
    observation = jax.random.randint(ks[1], (B,), 0, 2, dtype=jnp.int32)
    kc_ids = jax.random.randint(ks[2], (B,), 0, NUM_KCS, dtype=jnp.int32)
    problem_ids = jax.random.randint(ks[3], (B,), 0, NUM_PROBLEMS, dtype=jnp.int32)
    student_ids = jax.random.randint(ks[4], (B,), 0, NUM_STUDENTS, dtype=jnp.int32)
    # learned parameters (per module __init__)
    pT_logit = jnp.full((NUM_KCS,), -2.0, dtype=jnp.float32)
    pF_logit = jnp.full((NUM_KCS,), -4.0, dtype=jnp.float32)
    pG_logit = jnp.full((NUM_KCS,), -1.5, dtype=jnp.float32)
    pS_logit = jnp.full((NUM_KCS,), -1.5, dtype=jnp.float32)
    omega = 0.1 * jax.random.normal(ks[5], (NUM_PROBLEMS, 1), dtype=jnp.float32)
    sigma = 0.1 * jax.random.normal(ks[6], (NUM_PROBLEMS, 1), dtype=jnp.float32)
    student_ability = 0.5 * jax.random.normal(ks[7], (NUM_STUDENTS, 4), dtype=jnp.float32)
    return {
        "h_prev": h_prev,
        "observation": observation,
        "kc_ids": kc_ids,
        "problem_ids": problem_ids,
        "student_ids": student_ids,
        "pT_logit": pT_logit,
        "pF_logit": pF_logit,
        "pG_logit": pG_logit,
        "pS_logit": pS_logit,
        "omega": omega,
        "sigma": sigma,
        "student_ability": student_ability,
    }


def reference(h_prev, observation, kc_ids, problem_ids, student_ids,
              pT_logit, pF_logit, pG_logit, pS_logit, omega, sigma, student_ability):
    # gather per-KC logits (embedding-style lookup)
    pT_l = jnp.take(pT_logit, kc_ids, axis=0)
    pF_l = jnp.take(pF_logit, kc_ids, axis=0)
    pG_l = jnp.take(pG_logit, kc_ids, axis=0)
    pS_l = jnp.take(pS_logit, kc_ids, axis=0)
    # per-problem IRT offsets
    omega_p = jnp.take(omega, problem_ids, axis=0)[:, 0]
    sigma_p = jnp.take(sigma, problem_ids, axis=0)[:, 0]
    # multidimensional student ability
    theta = jnp.take(student_ability, student_ids, axis=0)
    theta_L = theta[:, 0]
    theta_nF = theta[:, 1]
    theta_G = theta[:, 2]
    theta_nS = theta[:, 3]
    pT = jax.nn.sigmoid(pT_l + theta_L)
    pF = jax.nn.sigmoid(pF_l - theta_nF)
    pG = jax.nn.sigmoid(pG_l + omega_p + theta_G)
    pS = jax.nn.sigmoid(pS_l + sigma_p - theta_nS)
    obs_bool = observation.astype(jnp.bool_)
    p_obs_given_mastered = jnp.where(obs_bool, 1.0 - pS, pS)
    p_obs_given_unmastered = jnp.where(obs_bool, pG, 1.0 - pG)
    h_unmastered = h_prev[:, 0]
    h_mastered = h_prev[:, 1]
    alpha_unmastered = p_obs_given_unmastered * h_unmastered
    alpha_mastered = p_obs_given_mastered * h_mastered
    new_mastered = (1.0 - pF) * alpha_mastered + pT * alpha_unmastered
    new_unmastered = pF * alpha_mastered + (1.0 - pT) * alpha_unmastered
    normaliser = new_mastered + new_unmastered + EPSILON
    new_mastered = new_mastered / normaliser
    new_unmastered = new_unmastered / normaliser
    h_new = jnp.stack([new_unmastered, new_mastered], axis=-1)
    p_correct = (1.0 - pS) * h_new[:, 1] + pG * h_new[:, 0]
    return (h_new, p_correct)

if __name__ == "__main__":
    import jax
    _d = setup_inputs()
    print(jax.jit(kernel)(*tuple(_d.values())))

</pallas_src>

<mosaic_0001>
#map = affine_map<(d0, d1) -> (0)>
module attributes {stable_mosaic.version = 14 : i64} {
  func.func @bkt_logits(%arg0: i32, %arg1: i32, %arg2: memref<4096xf32, #tpu.memory_space<hbm>>, %arg3: memref<400000xf32, #tpu.memory_space<hbm>>, %arg4: memref<16384xi32, #tpu.memory_space<hbm>>, %arg5: memref<16384xi32, #tpu.memory_space<hbm>>, %arg6: memref<16384xf32, #tpu.memory_space<hbm>>, %arg7: memref<16384xf32, #tpu.memory_space<hbm>>, %arg8: memref<16384xf32, #tpu.memory_space<hbm>>, %arg9: memref<16384xf32, #tpu.memory_space<hbm>>, %arg10: memref<4096xf32, #tpu.memory_space<vmem>>, %arg11: memref<512xi32, #tpu.memory_space<vmem>>, %arg12: memref<512xi32, #tpu.memory_space<vmem>>, %arg13: memref<512xi32, #tpu.memory_space<vmem>>, %arg14: memref<512xi32, #tpu.memory_space<vmem>>, %arg15: memref<512xi32, #tpu.memory_space<vmem>>, %arg16: memref<512xi32, #tpu.memory_space<vmem>>, %arg17: memref<512xf32, #tpu.memory_space<vmem>>, %arg18: memref<512xf32, #tpu.memory_space<vmem>>, %arg19: memref<512xf32, #tpu.memory_space<vmem>>, %arg20: memref<512xf32, #tpu.memory_space<vmem>>, %arg21: memref<512xf32, #tpu.memory_space<vmem>>, %arg22: memref<512xf32, #tpu.memory_space<vmem>>, %arg23: memref<512xf32, #tpu.memory_space<vmem>>, %arg24: memref<512xf32, #tpu.memory_space<vmem>>, %arg25: memref<!tpu.dma_semaphore, #tpu.memory_space<semaphore_mem>>, %arg26: memref<4x!tpu.dma_semaphore, #tpu.memory_space<semaphore_mem>>) attributes {dimension_semantics = [#tpu.dimension_semantics<core_parallel>, #tpu.dimension_semantics<subcore_parallel>], iteration_bounds = array<i64: 2, 16>, scalar_prefetch = 0 : i64, scratch_operands = 17 : i64, tpu.core_type = #tpu.core_type<sc_vector_subcore>, window_params = [{transform_indices = #map}, {transform_indices = #map}, {transform_indices = #map}, {transform_indices = #map}, {transform_indices = #map}, {transform_indices = #map}, {transform_indices = #map}, {transform_indices = #map}]} {
    %mul3A = arith.constant 2 : i32
    %mul3A_0 = arith.muli %arg1, %mul3A : i32
    %add3A = arith.addi %mul3A_0, %arg0 : i32
    %mul3A_1 = arith.constant 512 : i32
    %mul3A_2 = arith.muli %add3A, %mul3A_1 : i32
    %dma_start3A = tpu.memref_slice %arg5[%mul3A_2] : memref<16384xi32, #tpu.memory_space<hbm>> -> memref<512xi32, #tpu.memory_space<hbm>>
    %dma_start3A_3 = tpu.memref_slice %arg5[%mul3A_2] : memref<16384xi32, #tpu.memory_space<hbm>> -> memref<512xi32, #tpu.memory_space<hbm>>
    tpu.enqueue_dma source(%dma_start3A_3 : memref<512xi32, #tpu.memory_space<hbm>>) target(%arg12 : memref<512xi32, #tpu.memory_space<vmem>>) target_semaphore(%arg25 : memref<!tpu.dma_semaphore, #tpu.memory_space<semaphore_mem>>)
    %dma_start3A_4 = tpu.memref_slice %arg4[%mul3A_2] : memref<16384xi32, #tpu.memory_space<hbm>> -> memref<512xi32, #tpu.memory_space<hbm>>
    %dma_start3A_5 = tpu.memref_slice %arg4[%mul3A_2] : memref<16384xi32, #tpu.memory_space<hbm>> -> memref<512xi32, #tpu.memory_space<hbm>>
    tpu.enqueue_dma source(%dma_start3A_5 : memref<512xi32, #tpu.memory_space<hbm>>) target(%arg11 : memref<512xi32, #tpu.memory_space<vmem>>) target_semaphore(%arg25 : memref<!tpu.dma_semaphore, #tpu.memory_space<semaphore_mem>>)
    tpu.enqueue_dma source(%arg2 : memref<4096xf32, #tpu.memory_space<hbm>>) target(%arg10 : memref<4096xf32, #tpu.memory_space<vmem>>) target_semaphore(%arg25 : memref<!tpu.dma_semaphore, #tpu.memory_space<semaphore_mem>>)
    %dma_wait3A = tpu.memref_slice %arg5[%mul3A_2] : memref<16384xi32, #tpu.memory_space<hbm>> -> memref<512xi32, #tpu.memory_space<hbm>>
    %dma_wait3A_6 = tpu.memref_slice %arg5[%mul3A_2] : memref<16384xi32, #tpu.memory_space<hbm>> -> memref<512xi32, #tpu.memory_space<hbm>>
    tpu.wait_dma2 semaphore(%arg25 : memref<!tpu.dma_semaphore, #tpu.memory_space<semaphore_mem>>) src(%dma_wait3A_6 : memref<512xi32, #tpu.memory_space<hbm>>) dst(%arg12 : memref<512xi32, #tpu.memory_space<vmem>>)
    %multiple_of3A = arith.constant 0 : i32
    %multiple_of3A_7 = tpu.assume_multiple %multiple_of3A, 16 : i32
    %get3A = arith.index_cast %multiple_of3A_7 : i32 to index
    %get3A_8 = tpu.vector_load %arg12[%get3A] {strides = array<i32>} : memref<512xi32, #tpu.memory_space<vmem>>, vector<16xi32>,
    %and3A = arith.constant 127 : i32
    %and3A_9 = vector.broadcast %and3A : i32 to vector<16xi32>
    %and3A_10 = arith.andi %get3A_8, %and3A_9 : vector<16xi32>
    %and3A_11 = arith.constant -128 : i32
    %and3A_12 = vector.broadcast %and3A_11 : i32 to vector<16xi32>
    %and3A_13 = arith.andi %get3A_8, %and3A_12 : vector<16xi32>
    %mul3A_14 = arith.constant 4 : i32
    %mul3A_15 = vector.broadcast %mul3A_14 : i32 to vector<16xi32>
    %mul3A_16 = arith.muli %and3A_13, %mul3A_15 : vector<16xi32>
    %add3A_17 = arith.addi %mul3A_16, %and3A_10 : vector<16xi32>
    %ge3A = arith.constant 99968 : i32
    %ge3A_18 = vector.broadcast %ge3A : i32 to vector<16xi32>
    %ge3A_19 = arith.cmpi sge, %get3A_8, %ge3A_18 : vector<16xi32>
    %sub3A = arith.constant 99968 : i32
    %sub3A_20 = vector.broadcast %sub3A : i32 to vector<16xi32>
    %sub3A_21 = arith.subi %get3A_8, %sub3A_20 : vector<16xi32>
    %add3A_22 = arith.constant 399872 : i32
    %add3A_23 = vector.broadcast %add3A_22 : i32 to vector<16xi32>
    %add3A_24 = arith.addi %add3A_23, %sub3A_21 : vector<16xi32>
    %select_n3A = arith.select %ge3A_19, %add3A_24, %add3A_17 : vector<16xi1>, vector<16xi32>
    %swap3A = arith.index_cast %multiple_of3A_7 : i32 to index
    %swap3A_25 = tpu.vector_load %arg13[%swap3A] {strides = array<i32>} : memref<512xi32, #tpu.memory_space<vmem>>, vector<16xi32>,
    tpu.vector_store %arg13[%swap3A], %select_n3A {strides = array<i32>} : memref<512xi32, #tpu.memory_space<vmem>>, vector<16xi32>,
    %add3A_26 = arith.constant 32 : i32
    %add3A_27 = vector.broadcast %add3A_26 : i32 to vector<16xi32>
    %add3A_28 = arith.addi %add3A_24, %add3A_27 : vector<16xi32>
    %add3A_29 = arith.constant 128 : i32
    %add3A_30 = vector.broadcast %add3A_29 : i32 to vector<16xi32>
    %add3A_31 = arith.addi %add3A_17, %add3A_30 : vector<16xi32>
    %select_n3A_32 = arith.select %ge3A_19, %add3A_28, %add3A_31 : vector<16xi1>, vector<16xi32>
    %swap3A_33 = arith.index_cast %multiple_of3A_7 : i32 to index
    %swap3A_34 = tpu.vector_load %arg14[%swap3A_33] {strides = array<i32>} : memref<512xi32, #tpu.memory_space<vmem>>, vector<16xi32>,
    tpu.vector_store %arg14[%swap3A_33], %select_n3A_32 {strides = array<i32>} : memref<512xi32, #tpu.memory_space<vmem>>, vector<16xi32>,
    %add3A_35 = arith.constant 64 : i32
    %add3A_36 = vector.broadcast %add3A_35 : i32 to vector<16xi32>
    %add3A_37 = arith.addi %add3A_24, %add3A_36 : vector<16xi32>
    %add3A_38 = arith.constant 256 : i32
    %add3A_39 = vector.broadcast %add3A_38 : i32 to vector<16xi32>
    %add3A_40 = arith.addi %add3A_17, %add3A_39 : vector<16xi32>
    %select_n3A_41 = arith.select %ge3A_19, %add3A_37, %add3A_40 : vector<16xi1>, vector<16xi32>
    %swap3A_42 = arith.index_cast %multiple_of3A_7 : i32 to index
    %swap3A_43 = tpu.vector_load %arg15[%swap3A_42] {strides = array<i32>} : memref<512xi32, #tpu.memory_space<vmem>>, vector<16xi32>,
    tpu.vector_store %arg15[%swap3A_42], %select_n3A_41 {strides = array<i32>} : memref<512xi32, #tpu.memory_space<vmem>>, vector<16xi32>,
    %add3A_44 = arith.constant 96 : i32
    %add3A_45 = vector.broadcast %add3A_44 : i32 to vector<16xi32>
    %add3A_46 = arith.addi %add3A_24, %add3A_45 : vector<16xi32>
    %add3A_47 = arith.constant 384 : i32
    %add3A_48 = vector.broadcast %add3A_47 : i32 to vector<16xi32>
    %add3A_49 = arith.addi %add3A_17, %add3A_48 : vector<16xi32>
    %select_n3A_50 = arith.select %ge3A_19, %add3A_46, %add3A_49 : vector<16xi1>, vector<16xi32>
    %swap3A_51 = arith.index_cast %multiple_of3A_7 : i32 to index
    %swap3A_52 = tpu.vector_load %arg16[%swap3A_51] {strides = array<i32>} : memref<512xi32, #tpu.memory_space<vmem>>, vector<16xi32>,
    tpu.vector_store %arg16[%swap3A_51], %select_n3A_50 {strides = array<i32>} : memref<512xi32, #tpu.memory_space<vmem>>, vector<16xi32>,
    %multiple_of3A_53 = arith.constant 16 : i32
    %multiple_of3A_54 = tpu.assume_multiple %multiple_of3A_53, 16 : i32
    %get3A_55 = arith.index_cast %multiple_of3A_54 : i32 to index
    %get3A_56 = tpu.vector_load %arg12[%get3A_55] {strides = array<i32>} : memref<512xi32, #tpu.memory_space<vmem>>, vector<16xi32>,
    %and3A_57 = arith.constant 127 : i32
    %and3A_58 = vector.broadcast %and3A_57 : i32 to vector<16xi32>
    %and3A_59 = arith.andi %get3A_56, %and3A_58 : vector<16xi32>
    %and3A_60 = arith.constant -128 : i32
    %and3A_61 = vector.broadcast %and3A_60 : i32 to vector<16xi32>
    %and3A_62 = arith.andi %get3A_56, %and3A_61 : vector<16xi32>
    %mul3A_63 = arith.constant 4 : i32
    %mul3A_64 = vector.broadcast %mul3A_63 : i32 to vector<16xi32>
    %mul3A_65 = arith.muli %and3A_62, %mul3A_64 : vector<16xi32>
    %add3A_66 = arith.addi %mul3A_65, %and3A_59 : vector<16xi32>
    %ge3A_67 = arith.constant 99968 : i32
    %ge3A_68 = vector.broadcast %ge3A_67 : i32 to vector<16xi32>
    %ge3A_69 = arith.cmpi sge, %get3A_56, %ge3A_68 : vector<16xi32>
    %sub3A_70 = arith.constant 99968 : i32
    %sub3A_71 = vector.broadcast %sub3A_70 : i32 to vector<16xi32>
    %sub3A_72 = arith.subi %get3A_56, %sub3A_71 : vector<16xi32>
    %add3A_73 = arith.constant 399872 : i32
    %add3A_74 = vector.broadcast %add3A_73 : i32 to vector<16xi32>
    %add3A_75 = arith.addi %add3A_74, %sub3A_72 : vector<16xi32>
    %select_n3A_76 = arith.select %ge3A_69, %add3A_75, %add3A_66 : vector<16xi1>, vector<16xi32>
    %swap3A_77 = arith.index_cast %multiple_of3A_54 : i32 to index
    %swap3A_78 = tpu.vector_load %arg13[%swap3A_77] {strides = array<i32>} : memref<512xi32, #tpu.memory_space<vmem>>, vector<16xi32>,
    tpu.vector_store %arg13[%swap3A_77], %select_n3A_76 {strides = array<i32>} : memref<512xi32, #tpu.memory_space<vmem>>, vector<16xi32>,
    %add3A_79 = arith.constant 32 : i32
    %add3A_80 = vector.broadcast %add3A_79 : i32 to vector<16xi32>
    %add3A_81 = arith.addi %add3A_75, %add3A_80 : vector<16xi32>
    %add3A_82 = arith.constant 128 : i32
    %add3A_83 = vector.broadcast %add3A_82 : i32 to vector<16xi32>
    %add3A_84 = arith.addi %add3A_66, %add3A_83 : vector<16xi32>
    %select_n3A_85 = arith.select %ge3A_69, %add3A_81, %add3A_84 : vector<16xi1>, vector<16xi32>
    %swap3A_86 = arith.index_cast %multiple_of3A_54 : i32 to index
    %swap3A_87 = tpu.vector_load %arg14[%swap3A_86] {strides = array<i32>} : memref<512xi32, #tpu.memory_space<vmem>>, vector<16xi32>,
    tpu.vector_store %arg14[%swap3A_86], %select_n3A_85 {strides = array<i32>} : memref<512xi32, #tpu.memory_space<vmem>>, vector<16xi32>,
    %add3A_88 = arith.constant 64 : i32
    %add3A_89 = vector.broadcast %add3A_88 : i32 to vector<16xi32>
    %add3A_90 = arith.addi %add3A_75, %add3A_89 : vector<16xi32>
    %add3A_91 = arith.constant 256 : i32
    %add3A_92 = vector.broadcast %add3A_91 : i32 to vector<16xi32>
    %add3A_93 = arith.addi %add3A_66, %add3A_92 : vector<16xi32>
    %select_n3A_94 = arith.select %ge3A_69, %add3A_90, %add3A_93 : vector<16xi1>, vector<16xi32>
    %swap3A_95 = arith.index_cast %multiple_of3A_54 : i32 to index
    %swap3A_96 = tpu.vector_load %arg15[%swap3A_95] {strides = array<i32>} : memref<512xi32, #tpu.memory_space<vmem>>, vector<16xi32>,
    tpu.vector_store %arg15[%swap3A_95], %select_n3A_94 {strides = array<i32>} : memref<512xi32, #tpu.memory_space<vmem>>, vector<16xi32>,
    %add3A_97 = arith.constant 96 : i32
    %add3A_98 = vector.broadcast %add3A_97 : i32 to vector<16xi32>
    %add3A_99 = arith.addi %add3A_75, %add3A_98 : vector<16xi32>
    %add3A_100 = arith.constant 384 : i32
    %add3A_101 = vector.broadcast %add3A_100 : i32 to vector<16xi32>
    %add3A_102 = arith.addi %add3A_66, %add3A_101 : vector<16xi32>
    %select_n3A_103 = arith.select %ge3A_69, %add3A_99, %add3A_102 : vector<16xi1>, vector<16xi32>
    %swap3A_104 = arith.index_cast %multiple_of3A_54 : i32 to index
    %swap3A_105 = tpu.vector_load %arg16[%swap3A_104] {strides = array<i32>} : memref<512xi32, #tpu.memory_space<vmem>>, vector<16xi32>,
    tpu.vector_store %arg16[%swap3A_104], %select_n3A_103 {strides = array<i32>} : memref<512xi32, #tpu.memory_space<vmem>>, vector<16xi32>,
    %multiple_of3A_106 = arith.constant 32 : i32
    %multiple_of3A_107 = tpu.assume_multiple %multiple_of3A_106, 16 : i32
    %get3A_108 = arith.index_cast %multiple_of3A_107 : i32 to index
    %get3A_109 = tpu.vector_load %arg12[%get3A_108] {strides = array<i32>} : memref<512xi32, #tpu.memory_space<vmem>>, vector<16xi32>,
    %and3A_110 = arith.constant 127 : i32
    %and3A_111 = vector.broadcast %and3A_110 : i32 to vector<16xi32>
    %and3A_112 = arith.andi %get3A_109, %and3A_111 : vector<16xi32>
    %and3A_113 = arith.constant -128 : i32
    %and3A_114 = vector.broadcast %and3A_113 : i32 to vector<16xi32>
    %and3A_115 = arith.andi %get3A_109, %and3A_114 : vector<16xi32>
    %mul3A_116 = arith.constant 4 : i32
    %mul3A_117 = vector.broadcast %mul3A_116 : i32 to vector<16xi32>
    %mul3A_118 = arith.muli %and3A_115, %mul3A_117 : vector<16xi32>
    %add3A_119 = arith.addi %mul3A_118, %and3A_112 : vector<16xi32>
    %ge3A_120 = arith.constant 99968 : i32
    %ge3A_121 = vector.broadcast %ge3A_120 : i32 to vector<16xi32>
    %ge3A_122 = arith.cmpi sge, %get3A_109, %ge3A_121 : vector<16xi32>
    %sub3A_123 = arith.constant 99968 : i32
    %sub3A_124 = vector.broadcast %sub3A_123 : i32 to vector<16xi32>
    %sub3A_125 = arith.subi %get3A_109, %sub3A_124 : vector<16xi32>
    %add3A_126 = arith.constant 399872 : i32
    %add3A_127 = vector.broadcast %add3A_126 : i32 to vector<16xi32>
    %add3A_128 = arith.addi %add3A_127, %sub3A_125 : vector<16xi32>
    %select_n3A_129 = arith.select %ge3A_122, %add3A_128, %add3A_119 : vector<16xi1>, vector<16xi32>
    %swap3A_130 = arith.index_cast %multiple_of3A_107 : i32 to index
    %swap3A_131 = tpu.vector_load %arg13[%swap3A_130] {strides = array<i32>} : memref<512xi32, #tpu.memory_space<vmem>>, vector<16xi32>,
    tpu.vector_store %arg13[%swap3A_130], %select_n3A_129 {strides = array<i32>} : memref<512xi32, #tpu.memory_space<vmem>>, vector<16xi32>,
    %add3A_132 = arith.constant 32 : i32
    %add3A_133 = vector.broadcast %add3A_132 : i32 to vector<16xi32>
    %add3A_134 = arith.addi %add3A_128, %add3A_133 : vector<16xi32>
    %add3A_135 = arith.constant 128 : i32
    %add3A_136 = vector.broadcast %add3A_135 : i32 to vector<16xi32>
    %add3A_137 = arith.addi %add3A_119, %add3A_136 : vector<16xi32>
    %select_n3A_138 = arith.select %ge3A_122, %add3A_134, %add3A_137 : vector<16xi1>, vector<16xi32>
    %swap3A_139 = arith.index_cast %multiple_of3A_107 : i32 to index
    %swap3A_140 = tpu.vector_load %arg14[%swap3A_139] {strides = array<i32>} : memref<512xi32, #tpu.memory_space<vmem>>, vector<16xi32>,
    tpu.vector_store %arg14[%swap3A_139], %select_n3A_138 {strides = array<i32>} : memref<512xi32, #tpu.memory_space<vmem>>, vector<16xi32>,
    %add3A_141 = arith.constant 64 : i32
    %add3A_142 = vector.broadcast %add3A_141 : i32 to vector<16xi32>
    %add3A_143 = arith.addi %add3A_128, %add3A_142 : vector<16xi32>
    %add3A_144 = arith.constant 256 : i32
    %add3A_145 = vector.broadcast %add3A_144 : i32 to vector<16xi32>
    %add3A_146 = arith.addi %add3A_119, %add3A_145 : vector<16xi32>
    %select_n3A_147 = arith.select %ge3A_122, %add3A_143, %add3A_146 : vector<16xi1>, vector<16xi32>
    %swap3A_148 = arith.index_cast %multiple_of3A_107 : i32 to index
    %swap3A_149 = tpu.vector_load %arg15[%swap3A_148] {strides = array<i32>} : memref<512xi32, #tpu.memory_space<vmem>>, vector<16xi32>,
    tpu.vector_store %arg15[%swap3A_148], %select_n3A_147 {strides = array<i32>} : memref<512xi32, #tpu.memory_space<vmem>>, vector<16xi32>,
    %add3A_150 = arith.constant 96 : i32
    %add3A_151 = vector.broadcast %add3A_150 : i32 to vector<16xi32>
    %add3A_152 = arith.addi %add3A_128, %add3A_151 : vector<16xi32>
    %add3A_153 = arith.constant 384 : i32
    %add3A_154 = vector.broadcast %add3A_153 : i32 to vector<16xi32>
    %add3A_155 = arith.addi %add3A_119, %add3A_154 : vector<16xi32>
    %select_n3A_156 = arith.select %ge3A_122, %add3A_152, %add3A_155 : vector<16xi1>, vector<16xi32>
    %swap3A_157 = arith.index_cast %multiple_of3A_107 : i32 to index
    %swap3A_158 = tpu.vector_load %arg16[%swap3A_157] {strides = array<i32>} : memref<512xi32, #tpu.memory_space<vmem>>, vector<16xi32>,
    tpu.vector_store %arg16[%swap3A_157], %select_n3A_156 {strides = array<i32>} : memref<512xi32, #tpu.memory_space<vmem>>, vector<16xi32>,
    %multiple_of3A_159 = arith.constant 48 : i32
    %multiple_of3A_160 = tpu.assume_multiple %multiple_of3A_159, 16 : i32
    %get3A_161 = arith.index_cast %multiple_of3A_160 : i32 to index
    %get3A_162 = tpu.vector_load %arg12[%get3A_161] {strides = array<i32>} : memref<512xi32, #tpu.memory_space<vmem>>, vector<16xi32>,
    %and3A_163 = arith.constant 127 : i32
    %and3A_164 = vector.broadcast %and3A_163 : i32 to vector<16xi32>
    %and3A_165 = arith.andi %get3A_162, %and3A_164 : vector<16xi32>
    %and3A_166 = arith.constant -128 : i32
    %and3A_167 = vector.broadcast %and3A_166 : i32 to vector<16xi32>
    %and3A_168 = arith.andi %get3A_162, %and3A_167 : vector<16xi32>
    %mul3A_169 = arith.constant 4 : i32
    %mul3A_170 = vector.broadcast %mul3A_169 : i32 to vector<16xi32>
    %mul3A_171 = arith.muli %and3A_168, %mul3A_170 : vector<16xi32>
    %add3A_172 = arith.addi %mul3A_171, %and3A_165 : vector<16xi32>
    %ge3A_173 = arith.constant 99968 : i32
    %ge3A_174 = vector.broadcast %ge3A_173 : i32 to vector<16xi32>
    %ge3A_175 = arith.cmpi sge, %get3A_162, %ge3A_174 : vector<16xi32>
    %sub3A_176 = arith.constant 99968 : i32
    %sub3A_177 = vector.broadcast %sub3A_176 : i32 to vector<16xi32>
    %sub3A_178 = arith.subi %get3A_162, %sub3A_177 : vector<16xi32>
    %add3A_179 = arith.constant 399872 : i32
    %add3A_180 = vector.broadcast %add3A_179 : i32 to vector<16xi32>
    %add3A_181 = arith.addi %add3A_180, %sub3A_178 : vector<16xi32>
    %select_n3A_182 = arith.select %ge3A_175, %add3A_181, %add3A_172 : vector<16xi1>, vector<16xi32>
    %swap3A_183 = arith.index_cast %multiple_of3A_160 : i32 to index
    %swap3A_184 = tpu.vector_load %arg13[%swap3A_183] {strides = array<i32>} : memref<512xi32, #tpu.memory_space<vmem>>, vector<16xi32>,
    tpu.vector_store %arg13[%swap3A_183], %select_n3A_182 {strides = array<i32>} : memref<512xi32, #tpu.memory_space<vmem>>, vector<16xi32>,
    %add3A_185 = arith.constant 32 : i32
    %add3A_186 = vector.broadcast %add3A_185 : i32 to vector<16xi32>
    %add3A_187 = arith.addi %add3A_181, %add3A_186 : vector<16xi32>
    %add3A_188 = arith.constant 128 : i32
    %add3A_189 = vector.broadcast %add3A_188 : i32 to vector<16xi32>
    %add3A_190 = arith.addi %add3A_172, %add3A_189 : vector<16xi32>
    %select_n3A_191 = arith.select %ge3A_175, %add3A_187, %add3A_190 : vector<16xi1>, vector<16xi32>
    %swap3A_192 = arith.index_cast %multiple_of3A_160 : i32 to index
    %swap3A_193 = tpu.vector_load %arg14[%swap3A_192] {strides = array<i32>} : memref<512xi32, #tpu.memory_space<vmem>>, vector<16xi32>,
    tpu.vector_store %arg14[%swap3A_192], %select_n3A_191 {strides = array<i32>} : memref<512xi32, #tpu.memory_space<vmem>>, vector<16xi32>,
    %add3A_194 = arith.constant 64 : i32
    %add3A_195 = vector.broadcast %add3A_194 : i32 to vector<16xi32>
    %add3A_196 = arith.addi %add3A_181, %add3A_195 : vector<16xi32>
    %add3A_197 = arith.constant 256 : i32
    %add3A_198 = vector.broadcast %add3A_197 : i32 to vector<16xi32>
    %add3A_199 = arith.addi %add3A_172, %add3A_198 : vector<16xi32>
    %select_n3A_200 = arith.select %ge3A_175, %add3A_196, %add3A_199 : vector<16xi1>, vector<16xi32>
    %swap3A_201 = arith.index_cast %multiple_of3A_160 : i32 to index
    %swap3A_202 = tpu.vector_load %arg15[%swap3A_201] {strides = array<i32>} : memref<512xi32, #tpu.memory_space<vmem>>, vector<16xi32>,
    tpu.vector_store %arg15[%swap3A_201], %select_n3A_200 {strides = array<i32>} : memref<512xi32, #tpu.memory_space<vmem>>, vector<16xi32>,
    %add3A_203 = arith.constant 96 : i32
    %add3A_204 = vector.broadcast %add3A_203 : i32 to vector<16xi32>
    %add3A_205 = arith.addi %add3A_181, %add3A_204 : vector<16xi32>
    %add3A_206 = arith.constant 384 : i32
    %add3A_207 = vector.broadcast %add3A_206 : i32 to vector<16xi32>
    %add3A_208 = arith.addi %add3A_172, %add3A_207 : vector<16xi32>
    %select_n3A_209 = arith.select %ge3A_175, %add3A_205, %add3A_208 : vector<16xi1>, vector<16xi32>
    %swap3A_210 = arith.index_cast %multiple_of3A_160 : i32 to index
    %swap3A_211 = tpu.vector_load %arg16[%swap3A_210] {strides = array<i32>} : memref<512xi32, #tpu.memory_space<vmem>>, vector<16xi32>,
    tpu.vector_store %arg16[%swap3A_210], %select_n3A_209 {strides = array<i32>} : memref<512xi32, #tpu.memory_space<vmem>>, vector<16xi32>,
    %multiple_of3A_212 = arith.constant 64 : i32
    %multiple_of3A_213 = tpu.assume_multiple %multiple_of3A_212, 16 : i32
    %get3A_214 = arith.index_cast %multiple_of3A_213 : i32 to index
    %get3A_215 = tpu.vector_load %arg12[%get3A_214] {strides = array<i32>} : memref<512xi32, #tpu.memory_space<vmem>>, vector<16xi32>,
    %and3A_216 = arith.constant 127 : i32
    %and3A_217 = vector.broadcast %and3A_216 : i32 to vector<16xi32>
    %and3A_218 = arith.andi %get3A_215, %and3A_217 : vector<16xi32>
    %and3A_219 = arith.constant -128 : i32
    %and3A_220 = vector.broadcast %and3A_219 : i32 to vector<16xi32>
    %and3A_221 = arith.andi %get3A_215, %and3A_220 : vector<16xi32>
    %mul3A_222 = arith.constant 4 : i32
    %mul3A_223 = vector.broadcast %mul3A_222 : i32 to vector<16xi32>
    %mul3A_224 = arith.muli %and3A_221, %mul3A_223 : vector<16xi32>
    %add3A_225 = arith.addi %mul3A_224, %and3A_218 : vector<16xi32>
    %ge3A_226 = arith.constant 99968 : i32
    %ge3A_227 = vector.broadcast %ge3A_226 : i32 to vector<16xi32>
    %ge3A_228 = arith.cmpi sge, %get3A_215, %ge3A_227 : vector<16xi32>
    %sub3A_229 = arith.constant 99968 : i32
    %sub3A_230 = vector.broadcast %sub3A_229 : i32 to vector<16xi32>
    %sub3A_231 = arith.subi %get3A_215, %sub3A_230 : vector<16xi32>
    %add3A_232 = arith.constant 399872 : i32
    %add3A_233 = vector.broadcast %add3A_232 : i32 to vector<16xi32>
    %add3A_234 = arith.addi %add3A_233, %sub3A_231 : vector<16xi32>
    %select_n3A_235 = arith.select %ge3A_228, %add3A_234, %add3A_225 : vector<16xi1>, vector<16xi32>
    %swap3A_236 = arith.index_cast %multiple_of3A_213 : i32 to index
    %swap3A_237 = tpu.vector_load %arg13[%swap3A_236] {strides = array<i32>} : memref<512xi32, #tpu.memory_space<vmem>>, vector<16xi32>,
    tpu.vector_store %arg13[%swap3A_236], %select_n3A_235 {strides = array<i32>} : memref<512xi32, #tpu.memory_space<vmem>>, vector<16xi32>,
    %add3A_238 = arith.constant 32 : i32
    %add3A_239 = vector.broadcast %add3A_238 : i32 to vector<16xi32>
    %add3A_240 = arith.addi %add3A_234, %add3A_239 : vector<16xi32>
    %add3A_241 = arith.constant 128 : i32
    %add3A_242 = vector.broadcast %add3A_241 : i32 to vector<16xi32>
    %add3A_243 = arith.addi %add3A_225, %add3A_242 : vector<16xi32>
    %select_n3A_244 = arith.select %ge3A_228, %add3A_240, %add3A_243 : vector<16xi1>, vector<16xi32>
    %swap3A_245 = arith.index_cast %multiple_of3A_213 : i32 to index
    %swap3A_246 = tpu.vector_load %arg14[%swap3A_245] {strides = array<i32>} : memref<512xi32, #tpu.memory_space<vmem>>, vector<16xi32>,
    tpu.vector_store %arg14[%swap3A_245], %select_n3A_244 {strides = array<i32>} : memref<512xi32, #tpu.memory_space<vmem>>, vector<16xi32>,
    %add3A_247 = arith.constant 64 : i32
    %add3A_248 = vector.broadcast %add3A_247 : i32 to vector<16xi32>
    %add3A_249 = arith.addi %add3A_234, %add3A_248 : vector<16xi32>
    %add3A_250 = arith.constant 256 : i32
    %add3A_251 = vector.broadcast %add3A_250 : i32 to vector<16xi32>
    %add3A_252 = arith.addi %add3A_225, %add3A_251 : vector<16xi32>
    %select_n3A_253 = arith.select %ge3A_228, %add3A_249, %add3A_252 : vector<16xi1>, vector<16xi32>
    %swap3A_254 = arith.index_cast %multiple_of3A_213 : i32 to index
    %swap3A_255 = tpu.vector_load %arg15[%swap3A_254] {strides = array<i32>} : memref<512xi32, #tpu.memory_space<vmem>>, vector<16xi32>,
    tpu.vector_store %arg15[%swap3A_254], %select_n3A_253 {strides = array<i32>} : memref<512xi32, #tpu.memory_space<vmem>>, vector<16xi32>,
    %add3A_256 = arith.constant 96 : i32
    %add3A_257 = vector.broadcast %add3A_256 : i32 to vector<16xi32>
    %add3A_258 = arith.addi %add3A_234, %add3A_257 : vector<16xi32>
    %add3A_259 = arith.constant 384 : i32
    %add3A_260 = vector.broadcast %add3A_259 : i32 to vector<16xi32>
    %add3A_261 = arith.addi %add3A_225, %add3A_260 : vector<16xi32>
    %select_n3A_262 = arith.select %ge3A_228, %add3A_258, %add3A_261 : vector<16xi1>, vector<16xi32>
    %swap3A_263 = arith.index_cast %multiple_of3A_213 : i32 to index
    %swap3A_264 = tpu.vector_load %arg16[%swap3A_263] {strides = array<i32>} : memref<512xi32, #tpu.memory_space<vmem>>, vector<16xi32>,
    tpu.vector_store %arg16[%swap3A_263], %select_n3A_262 {strides = array<i32>} : memref<512xi32, #tpu.memory_space<vmem>>, vector<16xi32>,
    %multiple_of3A_265 = arith.constant 80 : i32
    %multiple_of3A_266 = tpu.assume_multiple %multiple_of3A_265, 16 : i32
    %get3A_267 = arith.index_cast %multiple_of3A_266 : i32 to index
    %get3A_268 = tpu.vector_load %arg12[%get3A_267] {strides = array<i32>} : memref<512xi32, #tpu.memory_space<vmem>>, vector<16xi32>,
    %and3A_269 = arith.constant 127 : i32
    %and3A_270 = vector.broadcast %and3A_269 : i32 to vector<16xi32>
    %and3A_271 = arith.andi %get3A_268, %and3A_270 : vector<16xi32>
    %and3A_272 = arith.constant -128 : i32
    %and3A_273 = vector.broadcast %and3A_272 : i32 to vector<16xi32>
    %and3A_274 = arith.andi %get3A_268, %and3A_273 : vector<16xi32>
    %mul3A_275 = arith.constant 4 : i32
    %mul3A_276 = vector.broadcast %mul3A_275 : i32 to vector<16xi32>
    %mul3A_277 = arith.muli %and3A_274, %mul3A_276 : vector<16xi32>
    %add3A_278 = arith.addi %mul3A_277, %and3A_271 : vector<16xi32>
    %ge3A_279 = arith.constant 99968 : i32
    %ge3A_280 = vector.broadcast %ge3A_279 : i32 to vector<16xi32>
    %ge3A_281 = arith.cmpi sge, %get3A_268, %ge3A_280 : vector<16xi32>
    %sub3A_282 = arith.constant 99968 : i32
    %sub3A_283 = vector.broadcast %sub3A_282 : i32 to vector<16xi32>
    %sub3A_284 = arith.subi %get3A_268, %sub3A_283 : vector<16xi32>
    %add3A_285 = arith.constant 399872 : i32
    %add3A_286 = vector.broadcast %add3A_285 : i32 to vector<16xi32>
    %add3A_287 = arith.addi %add3A_286, %sub3A_284 : vector<16xi32>
    %select_n3A_288 = arith.select %ge3A_281, %add3A_287, %add3A_278 : vector<16xi1>, vector<16xi32>
    %swap3A_289 = arith.index_cast %multiple_of3A_266 : i32 to index
    %swap3A_290 = tpu.vector_load %arg13[%swap3A_289] {strides = array<i32>} : memref<512xi32, #tpu.memory_space<vmem>>, vector<16xi32>,
    tpu.vector_store %arg13[%swap3A_289], %select_n3A_288 {strides = array<i32>} : memref<512xi32, #tpu.memory_space<vmem>>, vector<16xi32>,
    %add3A_291 = arith.constant 32 : i32
    %add3A_292 = vector.broadcast %add3A_291 : i32 to vector<16xi32>
    %add3A_293 = arith.addi %add3A_287, %add3A_292 : vector<16xi32>
    %add3A_294 = arith.constant 128 : i32
    %add3A_295 = vector.broadcast %add3A_294 : i32 to vector<16xi32>
    %add3A_296 = arith.addi %add3A_278, %add3A_295 : vector<16xi32>
    %select_n3A_297 = arith.select %ge3A_281, %add3A_293, %add3A_296 : vector<16xi1>, vector<16xi32>
    %swap3A_298 = arith.index_cast %multiple_of3A_266 : i32 to index
    %swap3A_299 = tpu.vector_load %arg14[%swap3A_298] {strides = array<i32>} : memref<512xi32, #tpu.memory_space<vmem>>, vector<16xi32>,
    tpu.vector_store %arg14[%swap3A_298], %select_n3A_297 {strides = array<i32>} : memref<512xi32, #tpu.memory_space<vmem>>, vector<16xi32>,
    %add3A_300 = arith.constant 64 : i32
    %add3A_301 = vector.broadcast %add3A_300 : i32 to vector<16xi32>
    %add3A_302 = arith.addi %add3A_287, %add3A_301 : vector<16xi32>
    %add3A_303 = arith.constant 256 : i32
    %add3A_304 = vector.broadcast %add3A_303 : i32 to vector<16xi32>
    %add3A_305 = arith.addi %add3A_278, %add3A_304 : vector<16xi32>
    %select_n3A_306 = arith.select %ge3A_281, %add3A_302, %add3A_305 : vector<16xi1>, vector<16xi32>
    %swap3A_307 = arith.index_cast %multiple_of3A_266 : i32 to index
    %swap3A_308 = tpu.vector_load %arg15[%swap3A_307] {strides = array<i32>} : memref<512xi32, #tpu.memory_space<vmem>>, vector<16xi32>,
    tpu.vector_store %arg15[%swap3A_307], %select_n3A_306 {strides = array<i32>} : memref<512xi32, #tpu.memory_space<vmem>>, vector<16xi32>,
    %add3A_309 = arith.constant 96 : i32
    %add3A_310 = vector.broadcast %add3A_309 : i32 to vector<16xi32>
    %add3A_311 = arith.addi %add3A_287, %add3A_310 : vector<16xi32>
    %add3A_312 = arith.constant 384 : i32
    %add3A_313 = vector.broadcast %add3A_312 : i32 to vector<16xi32>
    %add3A_314 = arith.addi %add3A_278, %add3A_313 : vector<16xi32>
    %select_n3A_315 = arith.select %ge3A_281, %add3A_311, %add3A_314 : vector<16xi1>, vector<16xi32>
    %swap3A_316 = arith.index_cast %multiple_of3A_266 : i32 to index
    %swap3A_317 = tpu.vector_load %arg16[%swap3A_316] {strides = array<i32>} : memref<512xi32, #tpu.memory_space<vmem>>, vector<16xi32>,
    tpu.vector_store %arg16[%swap3A_316], %select_n3A_315 {strides = array<i32>} : memref<512xi32, #tpu.memory_space<vmem>>, vector<16xi32>,
    %multiple_of3A_318 = arith.constant 96 : i32
    %multiple_of3A_319 = tpu.assume_multiple %multiple_of3A_318, 16 : i32
    %get3A_320 = arith.index_cast %multiple_of3A_319 : i32 to index
    %get3A_321 = tpu.vector_load %arg12[%get3A_320] {strides = array<i32>} : memref<512xi32, #tpu.memory_space<vmem>>, vector<16xi32>,
    %and3A_322 = arith.constant 127 : i32
    %and3A_323 = vector.broadcast %and3A_322 : i32 to vector<16xi32>
    %and3A_324 = arith.andi %get3A_321, %and3A_323 : vector<16xi32>
    %and3A_325 = arith.constant -128 : i32
    %and3A_326 = vector.broadcast %and3A_325 : i32 to vector<16xi32>
    %and3A_327 = arith.andi %get3A_321, %and3A_326 : vector<16xi32>
    %mul3A_328 = arith.constant 4 : i32
    %mul3A_329 = vector.broadcast %mul3A_328 : i32 to vector<16xi32>
    %mul3A_330 = arith.muli %and3A_327, %mul3A_329 : vector<16xi32>
    %add3A_331 = arith.addi %mul3A_330, %and3A_324 : vector<16xi32>
    %ge3A_332 = arith.constant 99968 : i32
    %ge3A_333 = vector.broadcast %ge3A_332 : i32 to vector<16xi32>
    %ge3A_334 = arith.cmpi sge, %get3A_321, %ge3A_333 : vector<16xi32>
    %sub3A_335 = arith.constant 99968 : i32
    %sub3A_336 = vector.broadcast %sub3A_335 : i32 to vector<16xi32>
    %sub3A_337 = arith.subi %get3A_321, %sub3A_336 : vector<16xi32>
    %add3A_338 = arith.constant 399872 : i32
    %add3A_339 = vector.broadcast %add3A_338 : i32 to vector<16xi32>
    %add3A_340 = arith.addi %add3A_339, %sub3A_337 : vector<16xi32>
    %select_n3A_341 = arith.select %ge3A_334, %add3A_340, %add3A_331 : vector<16xi1>, vector<16xi32>
    %swap3A_342 = arith.index_cast %multiple_of3A_319 : i32 to index
    %swap3A_343 = tpu.vector_load %arg13[%swap3A_342] {strides = array<i32>} : memref<512xi32, #tpu.memory_space<vmem>>, vector<16xi32>,
    tpu.vector_store %arg13[%swap3A_342], %select_n3A_341 {strides = array<i32>} : memref<512xi32, #tpu.memory_space<vmem>>, vector<16xi32>,
    %add3A_344 = arith.constant 32 : i32
    %add3A_345 = vector.broadcast %add3A_344 : i32 to vector<16xi32>
    %add3A_346 = arith.addi %add3A_340, %add3A_345 : vector<16xi32>
    %add3A_347 = arith.constant 128 : i32
    %add3A_348 = vector.broadcast %add3A_347 : i32 to vector<16xi32>
    %add3A_349 = arith.addi %add3A_331, %add3A_348 : vector<16xi32>
    %select_n3A_350 = arith.select %ge3A_334, %add3A_346, %add3A_349 : vector<16xi1>, vector<16xi32>
    %swap3A_351 = arith.index_cast %multiple_of3A_319 : i32 to index
    %swap3A_352 = tpu.vector_load %arg14[%swap3A_351] {strides = array<i32>} : memref<512xi32, #tpu.memory_space<vmem>>, vector<16xi32>,
    tpu.vector_store %arg14[%swap3A_351], %select_n3A_350 {strides = array<i32>} : memref<512xi32, #tpu.memory_space<vmem>>, vector<16xi32>,
    %add3A_353 = arith.constant 64 : i32
    %add3A_354 = vector.broadcast %add3A_353 : i32 to vector<16xi32>
    %add3A_355 = arith.addi %add3A_340, %add3A_354 : vector<16xi32>
    %add3A_356 = arith.constant 256 : i32
    %add3A_357 = vector.broadcast %add3A_356 : i32 to vector<16xi32>
    %add3A_358 = arith.addi %add3A_331, %add3A_357 : vector<16xi32>
    %select_n3A_359 = arith.select %ge3A_334, %add3A_355, %add3A_358 : vector<16xi1>, vector<16xi32>
    %swap3A_360 = arith.index_cast %multiple_of3A_319 : i32 to index
    %swap3A_361 = tpu.vector_load %arg15[%swap3A_360] {strides = array<i32>} : memref<512xi32, #tpu.memory_space<vmem>>, vector<16xi32>,
    tpu.vector_store %arg15[%swap3A_360], %select_n3A_359 {strides = array<i32>} : memref<512xi32, #tpu.memory_space<vmem>>, vector<16xi32>,
    %add3A_362 = arith.constant 96 : i32
    %add3A_363 = vector.broadcast %add3A_362 : i32 to vector<16xi32>
    %add3A_364 = arith.addi %add3A_340, %add3A_363 : vector<16xi32>
    %add3A_365 = arith.constant 384 : i32
    %add3A_366 = vector.broadcast %add3A_365 : i32 to vector<16xi32>
    %add3A_367 = arith.addi %add3A_331, %add3A_366 : vector<16xi32>
    %select_n3A_368 = arith.select %ge3A_334, %add3A_364, %add3A_367 : vector<16xi1>, vector<16xi32>
    %swap3A_369 = arith.index_cast %multiple_of3A_319 : i32 to index
    %swap3A_370 = tpu.vector_load %arg16[%swap3A_369] {strides = array<i32>} : memref<512xi32, #tpu.memory_space<vmem>>, vector<16xi32>,
    tpu.vector_store %arg16[%swap3A_369], %select_n3A_368 {strides = array<i32>} : memref<512xi32, #tpu.memory_space<vmem>>, vector<16xi32>,
    %multiple_of3A_371 = arith.constant 112 : i32
    %multiple_of3A_372 = tpu.assume_multiple %multiple_of3A_371, 16 : i32
    %get3A_373 = arith.index_cast %multiple_of3A_372 : i32 to index
    %get3A_374 = tpu.vector_load %arg12[%get3A_373] {strides = array<i32>} : memref<512xi32, #tpu.memory_space<vmem>>, vector<16xi32>,
    %and3A_375 = arith.constant 127 : i32
    %and3A_376 = vector.broadcast %and3A_375 : i32 to vector<16xi32>
    %and3A_377 = arith.andi %get3A_374, %and3A_376 : vector<16xi32>
    %and3A_378 = arith.constant -128 : i32
    %and3A_379 = vector.broadcast %and3A_378 : i32 to vector<16xi32>
    %and3A_380 = arith.andi %get3A_374, %and3A_379 : vector<16xi32>
    %mul3A_381 = arith.constant 4 : i32
    %mul3A_382 = vector.broadcast %mul3A_381 : i32 to vector<16xi32>
    %mul3A_383 = arith.muli %and3A_380, %mul3A_382 : vector<16xi32>
    %add3A_384 = arith.addi %mul3A_383, %and3A_377 : vector<16xi32>
    %ge3A_385 = arith.constant 99968 : i32
    %ge3A_386 = vector.broadcast %ge3A_385 : i32 to vector<16xi32>
    %ge3A_387 = arith.cmpi sge, %get3A_374, %ge3A_386 : vector<16xi32>
    %sub3A_388 = arith.constant 99968 : i32
    %sub3A_389 = vector.broadcast %sub3A_388 : i32 to vector<16xi32>
    %sub3A_390 = arith.subi %get3A_374, %sub3A_389 : vector<16xi32>
    %add3A_391 = arith.constant 399872 : i32
    %add3A_392 = vector.broadcast %add3A_391 : i32 to vector<16xi32>
    %add3A_393 = arith.addi %add3A_392, %sub3A_390 : vector<16xi32>
    %select_n3A_394 = arith.select %ge3A_387, %add3A_393, %add3A_384 : vector<16xi1>, vector<16xi32>
    %swap3A_395 = arith.index_cast %multiple_of3A_372 : i32 to index
    %swap3A_396 = tpu.vector_load %arg13[%swap3A_395] {strides = array<i32>} : memref<512xi32, #tpu.memory_space<vmem>>, vector<16xi32>,
    tpu.vector_store %arg13[%swap3A_395], %select_n3A_394 {strides = array<i32>} : memref<512xi32, #tpu.memory_space<vmem>>, vector<16xi32>,
    %add3A_397 = arith.constant 32 : i32
    %add3A_398 = vector.broadcast %add3A_397 : i32 to vector<16xi32>
    %add3A_399 = arith.addi %add3A_393, %add3A_398 : vector<16xi32>
    %add3A_400 = arith.constant 128 : i32
    %add3A_401 = vector.broadcast %add3A_400 : i32 to vector<16xi32>
    %add3A_402 = arith.addi %add3A_384, %add3A_401 : vector<16xi32>
    %select_n3A_403 = arith.select %ge3A_387, %add3A_399, %add3A_402 : vector<16xi1>, vector<16xi32>
    %swap3A_404 = arith.index_cast %multiple_of3A_372 : i32 to index
    %swap3A_405 = tpu.vector_load %arg14[%swap3A_404] {strides = array<i32>} : memref<512xi32, #tpu.memory_space<vmem>>, vector<16xi32>,
    tpu.vector_store %arg14[%swap3A_404], %select_n3A_403 {strides = array<i32>} : memref<512xi32, #tpu.memory_space<vmem>>, vector<16xi32>,
    %add3A_406 = arith.constant 64 : i32
    %add3A_407 = vector.broadcast %add3A_406 : i32 to vector<16xi32>
    %add3A_408 = arith.addi %add3A_393, %add3A_407 : vector<16xi32>
    %add3A_409 = arith.constant 256 : i32
    %add3A_410 = vector.broadcast %add3A_409 : i32 to vector<16xi32>
    %add3A_411 = arith.addi %add3A_384, %add3A_410 : vector<16xi32>
    %select_n3A_412 = arith.select %ge3A_387, %add3A_408, %add3A_411 : vector<16xi1>, vector<16xi32>
    %swap3A_413 = arith.index_cast %multiple_of3A_372 : i32 to index
    %swap3A_414 = tpu.vector_load %arg15[%swap3A_413] {strides = array<i32>} : memref<512xi32, #tpu.memory_space<vmem>>, vector<16xi32>,
    tpu.vector_store %arg15[%swap3A_413], %select_n3A_412 {strides = array<i32>} : memref<512xi32, #tpu.memory_space<vmem>>, vector<16xi32>,
    %add3A_415 = arith.constant 96 : i32
    %add3A_416 = vector.broadcast %add3A_415 : i32 to vector<16xi32>
    %add3A_417 = arith.addi %add3A_393, %add3A_416 : vector<16xi32>
    %add3A_418 = arith.constant 384 : i32
    %add3A_419 = vector.broadcast %add3A_418 : i32 to vector<16xi32>
    %add3A_420 = arith.addi %add3A_384, %add3A_419 : vector<16xi32>
    %select_n3A_421 = arith.select %ge3A_387, %add3A_417, %add3A_420 : vector<16xi1>, vector<16xi32>
    %swap3A_422 = arith.index_cast %multiple_of3A_372 : i32 to index
    %swap3A_423 = tpu.vector_load %arg16[%swap3A_422] {strides = array<i32>} : memref<512xi32, #tpu.memory_space<vmem>>, vector<16xi32>,
    tpu.vector_store %arg16[%swap3A_422], %select_n3A_421 {strides = array<i32>} : memref<512xi32, #tpu.memory_space<vmem>>, vector<16xi32>,
    %multiple_of3A_424 = arith.constant 128 : i32
    %multiple_of3A_425 = tpu.assume_multiple %multiple_of3A_424, 16 : i32
    %get3A_426 = arith.index_cast %multiple_of3A_425 : i32 to index
    %get3A_427 = tpu.vector_load %arg12[%get3A_426] {strides = array<i32>} : memref<512xi32, #tpu.memory_space<vmem>>, vector<16xi32>,
    %and3A_428 = arith.constant 127 : i32
    %and3A_429 = vector.broadcast %and3A_428 : i32 to vector<16xi32>
    %and3A_430 = arith.andi %get3A_427, %and3A_429 : vector<16xi32>
    %and3A_431 = arith.constant -128 : i32
    %and3A_432 = vector.broadcast %and3A_431 : i32 to vector<16xi32>
    %and3A_433 = arith.andi %get3A_427, %and3A_432 : vector<16xi32>
    %mul3A_434 = arith.constant 4 : i32
    %mul3A_435 = vector.broadcast %mul3A_434 : i32 to vector<16xi32>
    %mul3A_436 = arith.muli %and3A_433, %mul3A_435 : vector<16xi32>
    %add3A_437 = arith.addi %mul3A_436, %and3A_430 : vector<16xi32>
    %ge3A_438 = arith.constant 99968 : i32
    %ge3A_439 = vector.broadcast %ge3A_438 : i32 to vector<16xi32>
    %ge3A_440 = arith.cmpi sge, %get3A_427, %ge3A_439 : vector<16xi32>
    %sub3A_441 = arith.constant 99968 : i32
    %sub3A_442 = vector.broadcast %sub3A_441 : i32 to vector<16xi32>
    %sub3A_443 = arith.subi %get3A_427, %sub3A_442 : vector<16xi32>
    %add3A_444 = arith.constant 399872 : i32
    %add3A_445 = vector.broadcast %add3A_444 : i32 to vector<16xi32>
    %add3A_446 = arith.addi %add3A_445, %sub3A_443 : vector<16xi32>
    %select_n3A_447 = arith.select %ge3A_440, %add3A_446, %add3A_437 : vector<16xi1>, vector<16xi32>
    %swap3A_448 = arith.index_cast %multiple_of3A_425 : i32 to index
    %swap3A_449 = tpu.vector_load %arg13[%swap3A_448] {strides = array<i32>} : memref<512xi32, #tpu.memory_space<vmem>>, vector<16xi32>,
    tpu.vector_store %arg13[%swap3A_448], %select_n3A_447 {strides = array<i32>} : memref<512xi32, #tpu.memory_space<vmem>>, vector<16xi32>,
    %add3A_450 = arith.constant 32 : i32
    %add3A_451 = vector.broadcast %add3A_450 : i32 to vector<16xi32>
    %add3A_452 = arith.addi %add3A_446, %add3A_451 : vector<16xi32>
    %add3A_453 = arith.constant 128 : i32
    %add3A_454 = vector.broadcast %add3A_453 : i32 to vector<16xi32>
    %add3A_455 = arith.addi %add3A_437, %add3A_454 : vector<16xi32>
    %select_n3A_456 = arith.select %ge3A_440, %add3A_452, %add3A_455 : vector<16xi1>, vector<16xi32>
    %swap3A_457 = arith.index_cast %multiple_of3A_425 : i32 to index
    %swap3A_458 = tpu.vector_load %arg14[%swap3A_457] {strides = array<i32>} : memref<512xi32, #tpu.memory_space<vmem>>, vector<16xi32>,
    tpu.vector_store %arg14[%swap3A_457], %select_n3A_456 {strides = array<i32>} : memref<512xi32, #tpu.memory_space<vmem>>, vector<16xi32>,
    %add3A_459 = arith.constant 64 : i32
    %add3A_460 = vector.broadcast %add3A_459 : i32 to vector<16xi32>
    %add3A_461 = arith.addi %add3A_446, %add3A_460 : vector<16xi32>
    %add3A_462 = arith.constant 256 : i32
    %add3A_463 = vector.broadcast %add3A_462 : i32 to vector<16xi32>
    %add3A_464 = arith.addi %add3A_437, %add3A_463 : vector<16xi32>
    %select_n3A_465 = arith.select %ge3A_440, %add3A_461, %add3A_464 : vector<16xi1>, vector<16xi32>
    %swap3A_466 = arith.index_cast %multiple_of3A_425 : i32 to index
    %swap3A_467 = tpu.vector_load %arg15[%swap3A_466] {strides = array<i32>} : memref<512xi32, #tpu.memory_space<vmem>>, vector<16xi32>,
    tpu.vector_store %arg15[%swap3A_466], %select_n3A_465 {strides = array<i32>} : memref<512xi32, #tpu.memory_space<vmem>>, vector<16xi32>,
    %add3A_468 = arith.constant 96 : i32
    %add3A_469 = vector.broadcast %add3A_468 : i32 to vector<16xi32>
    %add3A_470 = arith.addi %add3A_446, %add3A_469 : vector<16xi32>
    %add3A_471 = arith.constant 384 : i32
    %add3A_472 = vector.broadcast %add3A_471 : i32 to vector<16xi32>
    %add3A_473 = arith.addi %add3A_437, %add3A_472 : vector<16xi32>
    %select_n3A_474 = arith.select %ge3A_440, %add3A_470, %add3A_473 : vector<16xi1>, vector<16xi32>
    %swap3A_475 = arith.index_cast %multiple_of3A_425 : i32 to index
    %swap3A_476 = tpu.vector_load %arg16[%swap3A_475] {strides = array<i32>} : memref<512xi32, #tpu.memory_space<vmem>>, vector<16xi32>,
    tpu.vector_store %arg16[%swap3A_475], %select_n3A_474 {strides = array<i32>} : memref<512xi32, #tpu.memory_space<vmem>>, vector<16xi32>,
    %multiple_of3A_477 = arith.constant 144 : i32
    %multiple_of3A_478 = tpu.assume_multiple %multiple_of3A_477, 16 : i32
    %get3A_479 = arith.index_cast %multiple_of3A_478 : i32 to index
    %get3A_480 = tpu.vector_load %arg12[%get3A_479] {strides = array<i32>} : memref<512xi32, #tpu.memory_space<vmem>>, vector<16xi32>,
    %and3A_481 = arith.constant 127 : i32
    %and3A_482 = vector.broadcast %and3A_481 : i32 to vector<16xi32>
    %and3A_483 = arith.andi %get3A_480, %and3A_482 : vector<16xi32>
    %and3A_484 = arith.constant -128 : i32
    %and3A_485 = vector.broadcast %and3A_484 : i32 to vector<16xi32>
    %and3A_486 = arith.andi %get3A_480, %and3A_485 : vector<16xi32>
    %mul3A_487 = arith.constant 4 : i32
    %mul3A_488 = vector.broadcast %mul3A_487 : i32 to vector<16xi32>
    %mul3A_489 = arith.muli %and3A_486, %mul3A_488 : vector<16xi32>
    %add3A_490 = arith.addi %mul3A_489, %and3A_483 : vector<16xi32>
    %ge3A_491 = arith.constant 99968 : i32
    %ge3A_492 = vector.broadcast %ge3A_491 : i32 to vector<16xi32>
    %ge3A_493 = arith.cmpi sge, %get3A_480, %ge3A_492 : vector<16xi32>
    %sub3A_494 = arith.constant 99968 : i32
    %sub3A_495 = vector.broadcast %sub3A_494 : i32 to vector<16xi32>
    %sub3A_496 = arith.subi %get3A_480, %sub3A_495 : vector<16xi32>
    %add3A_497 = arith.constant 399872 : i32
    %add3A_498 = vector.broadcast %add3A_497 : i32 to vector<16xi32>
    %add3A_499 = arith.addi %add3A_498, %sub3A_496 : vector<16xi32>
    %select_n3A_500 = arith.select %ge3A_493, %add3A_499, %add3A_490 : vector<16xi1>, vector<16xi32>
    %swap3A_501 = arith.index_cast %multiple_of3A_478 : i32 to index
    %swap3A_502 = tpu.vector_load %arg13[%swap3A_501] {strides = array<i32>} : memref<512xi32, #tpu.memory_space<vmem>>, vector<16xi32>,
    tpu.vector_store %arg13[%swap3A_501], %select_n3A_500 {strides = array<i32>} : memref<512xi32, #tpu.memory_space<vmem>>, vector<16xi32>,
    %add3A_503 = arith.constant 32 : i32
    %add3A_504 = vector.broadcast %add3A_503 : i32 to vector<16xi32>
    %add3A_505 = arith.addi %add3A_499, %add3A_504 : vector<16xi32>
    %add3A_506 = arith.constant 128 : i32
    %add3A_507 = vector.broadcast %add3A_506 : i32 to vector<16xi32>
    %add3A_508 = arith.addi %add3A_490, %add3A_507 : vector<16xi32>
    %select_n3A_509 = arith.select %ge3A_493, %add3A_505, %add3A_508 : vector<16xi1>, vector<16xi32>
    %swap3A_510 = arith.index_cast %multiple_of3A_478 : i32 to index
    %swap3A_511 = tpu.vector_load %arg14[%swap3A_510] {strides = array<i32>} : memref<512xi32, #tpu.memory_space<vmem>>, vector<16xi32>,
    tpu.vector_store %arg14[%swap3A_510], %select_n3A_509 {strides = array<i32>} : memref<512xi32, #tpu.memory_space<vmem>>, vector<16xi32>,
    %add3A_512 = arith.constant 64 : i32
    %add3A_513 = vector.broadcast %add3A_512 : i32 to vector<16xi32>
    %add3A_514 = arith.addi %add3A_499, %add3A_513 : vector<16xi32>
    %add3A_515 = arith.constant 256 : i32
    %add3A_516 = vector.broadcast %add3A_515 : i32 to vector<16xi32>
    %add3A_517 = arith.addi %add3A_490, %add3A_516 : vector<16xi32>
    %select_n3A_518 = arith.select %ge3A_493, %add3A_514, %add3A_517 : vector<16xi1>, vector<16xi32>
    %swap3A_519 = arith.index_cast %multiple_of3A_478 : i32 to index
    %swap3A_520 = tpu.vector_load %arg15[%swap3A_519] {strides = array<i32>} : memref<512xi32, #tpu.memory_space<vmem>>, vector<16xi32>,
    tpu.vector_store %arg15[%swap3A_519], %select_n3A_518 {strides = array<i32>} : memref<512xi32, #tpu.memory_space<vmem>>, vector<16xi32>,
    %add3A_521 = arith.constant 96 : i32
    %add3A_522 = vector.broadcast %add3A_521 : i32 to vector<16xi32>
    %add3A_523 = arith.addi %add3A_499, %add3A_522 : vector<16xi32>
    %add3A_524 = arith.constant 384 : i32
    %add3A_525 = vector.broadcast %add3A_524 : i32 to vector<16xi32>
    %add3A_526 = arith.addi %add3A_490, %add3A_525 : vector<16xi32>
    %select_n3A_527 = arith.select %ge3A_493, %add3A_523, %add3A_526 : vector<16xi1>, vector<16xi32>
    %swap3A_528 = arith.index_cast %multiple_of3A_478 : i32 to index
    %swap3A_529 = tpu.vector_load %arg16[%swap3A_528] {strides = array<i32>} : memref<512xi32, #tpu.memory_space<vmem>>, vector<16xi32>,
    tpu.vector_store %arg16[%swap3A_528], %select_n3A_527 {strides = array<i32>} : memref<512xi32, #tpu.memory_space<vmem>>, vector<16xi32>,
    %multiple_of3A_530 = arith.constant 160 : i32
    %multiple_of3A_531 = tpu.assume_multiple %multiple_of3A_530, 16 : i32
    %get3A_532 = arith.index_cast %multiple_of3A_531 : i32 to index
    %get3A_533 = tpu.vector_load %arg12[%get3A_532] {strides = array<i32>} : memref<512xi32, #tpu.memory_space<vmem>>, vector<16xi32>,
    %and3A_534 = arith.constant 127 : i32
    %and3A_535 = vector.broadcast %and3A_534 : i32 to vector<16xi32>
    %and3A_536 = arith.andi %get3A_533, %and3A_535 : vector<16xi32>
    %and3A_537 = arith.constant -128 : i32
    %and3A_538 = vector.broadcast %and3A_537 : i32 to vector<16xi32>
    %and3A_539 = arith.andi %get3A_533, %and3A_538 : vector<16xi32>
    %mul3A_540 = arith.constant 4 : i32
    %mul3A_541 = vector.broadcast %mul3A_540 : i32 to vector<16xi32>
    %mul3A_542 = arith.muli %and3A_539, %mul3A_541 : vector<16xi32>
    %add3A_543 = arith.addi %mul3A_542, %and3A_536 : vector<16xi32>
    %ge3A_544 = arith.constant 99968 : i32
    %ge3A_545 = vector.broadcast %ge3A_544 : i32 to vector<16xi32>
    %ge3A_546 = arith.cmpi sge, %get3A_533, %ge3A_545 : vector<16xi32>
    %sub3A_547 = arith.constant 99968 : i32
    %sub3A_548 = vector.broadcast %sub3A_547 : i32 to vector<16xi32>
    %sub3A_549 = arith.subi %get3A_533, %sub3A_548 : vector<16xi32>
    %add3A_550 = arith.constant 399872 : i32
    %add3A_551 = vector.broadcast %add3A_550 : i32 to vector<16xi32>
    %add3A_552 = arith.addi %add3A_551, %sub3A_549 : vector<16xi32>
    %select_n3A_553 = arith.select %ge3A_546, %add3A_552, %add3A_543 : vector<16xi1>, vector<16xi32>
    %swap3A_554 = arith.index_cast %multiple_of3A_531 : i32 to index
    %swap3A_555 = tpu.vector_load %arg13[%swap3A_554] {strides = array<i32>} : memref<512xi32, #tpu.memory_space<vmem>>, vector<16xi32>,
    tpu.vector_store %arg13[%swap3A_554], %select_n3A_553 {strides = array<i32>} : memref<512xi32, #tpu.memory_space<vmem>>, vector<16xi32>,
    %add3A_556 = arith.constant 32 : i32
    %add3A_557 = vector.broadcast %add3A_556 : i32 to vector<16xi32>
    %add3A_558 = arith.addi %add3A_552, %add3A_557 : vector<16xi32>
    %add3A_559 = arith.constant 128 : i32
    %add3A_560 = vector.broadcast %add3A_559 : i32 to vector<16xi32>
    %add3A_561 = arith.addi %add3A_543, %add3A_560 : vector<16xi32>
    %select_n3A_562 = arith.select %ge3A_546, %add3A_558, %add3A_561 : vector<16xi1>, vector<16xi32>
    %swap3A_563 = arith.index_cast %multiple_of3A_531 : i32 to index
    %swap3A_564 = tpu.vector_load %arg14[%swap3A_563] {strides = array<i32>} : memref<512xi32, #tpu.memory_space<vmem>>, vector<16xi32>,
    tpu.vector_store %arg14[%swap3A_563], %select_n3A_562 {strides = array<i32>} : memref<512xi32, #tpu.memory_space<vmem>>, vector<16xi32>,
    %add3A_565 = arith.constant 64 : i32
    %add3A_566 = vector.broadcast %add3A_565 : i32 to vector<16xi32>
    %add3A_567 = arith.addi %add3A_552, %add3A_566 : vector<16xi32>
    %add3A_568 = arith.constant 256 : i32
    %add3A_569 = vector.broadcast %add3A_568 : i32 to vector<16xi32>
    %add3A_570 = arith.addi %add3A_543, %add3A_569 : vector<16xi32>
    %select_n3A_571 = arith.select %ge3A_546, %add3A_567, %add3A_570 : vector<16xi1>, vector<16xi32>
    %swap3A_572 = arith.index_cast %multiple_of3A_531 : i32 to index
    %swap3A_573 = tpu.vector_load %arg15[%swap3A_572] {strides = array<i32>} : memref<512xi32, #tpu.memory_space<vmem>>, vector<16xi32>,
    tpu.vector_store %arg15[%swap3A_572], %select_n3A_571 {strides = array<i32>} : memref<512xi32, #tpu.memory_space<vmem>>, vector<16xi32>,
    %add3A_574 = arith.constant 96 : i32
    %add3A_575 = vector.broadcast %add3A_574 : i32 to vector<16xi32>
    %add3A_576 = arith.addi %add3A_552, %add3A_575 : vector<16xi32>
    %add3A_577 = arith.constant 384 : i32
    %add3A_578 = vector.broadcast %add3A_577 : i32 to vector<16xi32>
    %add3A_579 = arith.addi %add3A_543, %add3A_578 : vector<16xi32>
    %select_n3A_580 = arith.select %ge3A_546, %add3A_576, %add3A_579 : vector<16xi1>, vector<16xi32>
    %swap3A_581 = arith.index_cast %multiple_of3A_531 : i32 to index
    %swap3A_582 = tpu.vector_load %arg16[%swap3A_581] {strides = array<i32>} : memref<512xi32, #tpu.memory_space<vmem>>, vector<16xi32>,
    tpu.vector_store %arg16[%swap3A_581], %select_n3A_580 {strides = array<i32>} : memref<512xi32, #tpu.memory_space<vmem>>, vector<16xi32>,
    %multiple_of3A_583 = arith.constant 176 : i32
    %multiple_of3A_584 = tpu.assume_multiple %multiple_of3A_583, 16 : i32
    %get3A_585 = arith.index_cast %multiple_of3A_584 : i32 to index
    %get3A_586 = tpu.vector_load %arg12[%get3A_585] {strides = array<i32>} : memref<512xi32, #tpu.memory_space<vmem>>, vector<16xi32>,
    %and3A_587 = arith.constant 127 : i32
    %and3A_588 = vector.broadcast %and3A_587 : i32 to vector<16xi32>
    %and3A_589 = arith.andi %get3A_586, %and3A_588 : vector<16xi32>
    %and3A_590 = arith.constant -128 : i32
    %and3A_591 = vector.broadcast %and3A_590 : i32 to vector<16xi32>
    %and3A_592 = arith.andi %get3A_586, %and3A_591 : vector<16xi32>
    %mul3A_593 = arith.constant 4 : i32
    %mul3A_594 = vector.broadcast %mul3A_593 : i32 to vector<16xi32>
    %mul3A_595 = arith.muli %and3A_592, %mul3A_594 : vector<16xi32>
    %add3A_596 = arith.addi %mul3A_595, %and3A_589 : vector<16xi32>
    %ge3A_597 = arith.constant 99968 : i32
    %ge3A_598 = vector.broadcast %ge3A_597 : i32 to vector<16xi32>
    %ge3A_599 = arith.cmpi sge, %get3A_586, %ge3A_598 : vector<16xi32>
    %sub3A_600 = arith.constant 99968 : i32
    %sub3A_601 = vector.broadcast %sub3A_600 : i32 to vector<16xi32>
    %sub3A_602 = arith.subi %get3A_586, %sub3A_601 : vector<16xi32>
    %add3A_603 = arith.constant 399872 : i32
    %add3A_604 = vector.broadcast %add3A_603 : i32 to vector<16xi32>
    %add3A_605 = arith.addi %add3A_604, %sub3A_602 : vector<16xi32>
    %select_n3A_606 = arith.select %ge3A_599, %add3A_605, %add3A_596 : vector<16xi1>, vector<16xi32>
    %swap3A_607 = arith.index_cast %multiple_of3A_584 : i32 to index
    %swap3A_608 = tpu.vector_load %arg13[%swap3A_607] {strides = array<i32>} : memref<512xi32, #tpu.memory_space<vmem>>, vector<16xi32>,
    tpu.vector_store %arg13[%swap3A_607], %select_n3A_606 {strides = array<i32>} : memref<512xi32, #tpu.memory_space<vmem>>, vector<16xi32>,
    %add3A_609 = arith.constant 32 : i32
    %add3A_610 = vector.broadcast %add3A_609 : i32 to vector<16xi32>
    %add3A_611 = arith.addi %add3A_605, %add3A_610 : vector<16xi32>
    %add3A_612 = arith.constant 128 : i32
    %add3A_613 = vector.broadcast %add3A_612 : i32 to vector<16xi32>
    %add3A_614 = arith.addi %add3A_596, %add3A_613 : vector<16xi32>
    %select_n3A_615 = arith.select %ge3A_599, %add3A_611, %add3A_614 : vector<16xi1>, vector<16xi32>
    %swap3A_616 = arith.index_cast %multiple_of3A_584 : i32 to index
    %swap3A_617 = tpu.vector_load %arg14[%swap3A_616] {strides = array<i32>} : memref<512xi32, #tpu.memory_space<vmem>>, vector<16xi32>,
    tpu.vector_store %arg14[%swap3A_616], %select_n3A_615 {strides = array<i32>} : memref<512xi32, #tpu.memory_space<vmem>>, vector<16xi32>,
    %add3A_618 = arith.constant 64 : i32
    %add3A_619 = vector.broadcast %add3A_618 : i32 to vector<16xi32>
    %add3A_620 = arith.addi %add3A_605, %add3A_619 : vector<16xi32>
    %add3A_621 = arith.constant 256 : i32
    %add3A_622 = vector.broadcast %add3A_621 : i32 to vector<16xi32>
    %add3A_623 = arith.addi %add3A_596, %add3A_622 : vector<16xi32>
    %select_n3A_624 = arith.select %ge3A_599, %add3A_620, %add3A_623 : vector<16xi1>, vector<16xi32>
    %swap3A_625 = arith.index_cast %multiple_of3A_584 : i32 to index
    %swap3A_626 = tpu.vector_load %arg15[%swap3A_625] {strides = array<i32>} : memref<512xi32, #tpu.memory_space<vmem>>, vector<16xi32>,
    tpu.vector_store %arg15[%swap3A_625], %select_n3A_624 {strides = array<i32>} : memref<512xi32, #tpu.memory_space<vmem>>, vector<16xi32>,
    %add3A_627 = arith.constant 96 : i32
    %add3A_628 = vector.broadcast %add3A_627 : i32 to vector<16xi32>
    %add3A_629 = arith.addi %add3A_605, %add3A_628 : vector<16xi32>
    %add3A_630 = arith.constant 384 : i32
    %add3A_631 = vector.broadcast %add3A_630 : i32 to vector<16xi32>
    %add3A_632 = arith.addi %add3A_596, %add3A_631 : vector<16xi32>
    %select_n3A_633 = arith.select %ge3A_599, %add3A_629, %add3A_632 : vector<16xi1>, vector<16xi32>
    %swap3A_634 = arith.index_cast %multiple_of3A_584 : i32 to index
    %swap3A_635 = tpu.vector_load %arg16[%swap3A_634] {strides = array<i32>} : memref<512xi32, #tpu.memory_space<vmem>>, vector<16xi32>,
    tpu.vector_store %arg16[%swap3A_634], %select_n3A_633 {strides = array<i32>} : memref<512xi32, #tpu.memory_space<vmem>>, vector<16xi32>,
    %multiple_of3A_636 = arith.constant 192 : i32
    %multiple_of3A_637 = tpu.assume_multiple %multiple_of3A_636, 16 : i32
    %get3A_638 = arith.index_cast %multiple_of3A_637 : i32 to index
    %get3A_639 = tpu.vector_load %arg12[%get3A_638] {strides = array<i32>} : memref<512xi32, #tpu.memory_space<vmem>>, vector<16xi32>,
    %and3A_640 = arith.constant 127 : i32
    %and3A_641 = vector.broadcast %and3A_640 : i32 to vector<16xi32>
    %and3A_642 = arith.andi %get3A_639, %and3A_641 : vector<16xi32>
    %and3A_643 = arith.constant -128 : i32
    %and3A_644 = vector.broadcast %and3A_643 : i32 to vector<16xi32>
    %and3A_645 = arith.andi %get3A_639, %and3A_644 : vector<16xi32>
    %mul3A_646 = arith.constant 4 : i32
    %mul3A_647 = vector.broadcast %mul3A_646 : i32 to vector<16xi32>
    %mul3A_648 = arith.muli %and3A_645, %mul3A_647 : vector<16xi32>
    %add3A_649 = arith.addi %mul3A_648, %and3A_642 : vector<16xi32>
    %ge3A_650 = arith.constant 99968 : i32
    %ge3A_651 = vector.broadcast %ge3A_650 : i32 to vector<16xi32>
    %ge3A_652 = arith.cmpi sge, %get3A_639, %ge3A_651 : vector<16xi32>
    %sub3A_653 = arith.constant 99968 : i32
    %sub3A_654 = vector.broadcast %sub3A_653 : i32 to vector<16xi32>
    %sub3A_655 = arith.subi %get3A_639, %sub3A_654 : vector<16xi32>
    %add3A_656 = arith.constant 399872 : i32
    %add3A_657 = vector.broadcast %add3A_656 : i32 to vector<16xi32>
    %add3A_658 = arith.addi %add3A_657, %sub3A_655 : vector<16xi32>
    %select_n3A_659 = arith.select %ge3A_652, %add3A_658, %add3A_649 : vector<16xi1>, vector<16xi32>
    %swap3A_660 = arith.index_cast %multiple_of3A_637 : i32 to index
    %swap3A_661 = tpu.vector_load %arg13[%swap3A_660] {strides = array<i32>} : memref<512xi32, #tpu.memory_space<vmem>>, vector<16xi32>,
    tpu.vector_store %arg13[%swap3A_660], %select_n3A_659 {strides = array<i32>} : memref<512xi32, #tpu.memory_space<vmem>>, vector<16xi32>,
    %add3A_662 = arith.constant 32 : i32
    %add3A_663 = vector.broadcast %add3A_662 : i32 to vector<16xi32>
    %add3A_664 = arith.addi %add3A_658, %add3A_663 : vector<16xi32>
    %add3A_665 = arith.constant 128 : i32
    %add3A_666 = vector.broadcast %add3A_665 : i32 to vector<16xi32>
    %add3A_667 = arith.addi %add3A_649, %add3A_666 : vector<16xi32>
    %select_n3A_668 = arith.select %ge3A_652, %add3A_664, %add3A_667 : vector<16xi1>, vector<16xi32>
    %swap3A_669 = arith.index_cast %multiple_of3A_637 : i32 to index
    %swap3A_670 = tpu.vector_load %arg14[%swap3A_669] {strides = array<i32>} : memref<512xi32, #tpu.memory_space<vmem>>, vector<16xi32>,
    tpu.vector_store %arg14[%swap3A_669], %select_n3A_668 {strides = array<i32>} : memref<512xi32, #tpu.memory_space<vmem>>, vector<16xi32>,
    %add3A_671 = arith.constant 64 : i32
    %add3A_672 = vector.broadcast %add3A_671 : i32 to vector<16xi32>
    %add3A_673 = arith.addi %add3A_658, %add3A_672 : vector<16xi32>
    %add3A_674 = arith.constant 256 : i32
    %add3A_675 = vector.broadcast %add3A_674 : i32 to vector<16xi32>
    %add3A_676 = arith.addi %add3A_649, %add3A_675 : vector<16xi32>
    %select_n3A_677 = arith.select %ge3A_652, %add3A_673, %add3A_676 : vector<16xi1>, vector<16xi32>
    %swap3A_678 = arith.index_cast %multiple_of3A_637 : i32 to index
    %swap3A_679 = tpu.vector_load %arg15[%swap3A_678] {strides = array<i32>} : memref<512xi32, #tpu.memory_space<vmem>>, vector<16xi32>,
    tpu.vector_store %arg15[%swap3A_678], %select_n3A_677 {strides = array<i32>} : memref<512xi32, #tpu.memory_space<vmem>>, vector<16xi32>,
    %add3A_680 = arith.constant 96 : i32
    %add3A_681 = vector.broadcast %add3A_680 : i32 to vector<16xi32>
    %add3A_682 = arith.addi %add3A_658, %add3A_681 : vector<16xi32>
    %add3A_683 = arith.constant 384 : i32
    %add3A_684 = vector.broadcast %add3A_683 : i32 to vector<16xi32>
    %add3A_685 = arith.addi %add3A_649, %add3A_684 : vector<16xi32>
    %select_n3A_686 = arith.select %ge3A_652, %add3A_682, %add3A_685 : vector<16xi1>, vector<16xi32>
    %swap3A_687 = arith.index_cast %multiple_of3A_637 : i32 to index
    %swap3A_688 = tpu.vector_load %arg16[%swap3A_687] {strides = array<i32>} : memref<512xi32, #tpu.memory_space<vmem>>, vector<16xi32>,
    tpu.vector_store %arg16[%swap3A_687], %select_n3A_686 {strides = array<i32>} : memref<512xi32, #tpu.memory_space<vmem>>, vector<16xi32>,
    %multiple_of3A_689 = arith.constant 208 : i32
    %multiple_of3A_690 = tpu.assume_multiple %multiple_of3A_689, 16 : i32
    %get3A_691 = arith.index_cast %multiple_of3A_690 : i32 to index
    %get3A_692 = tpu.vector_load %arg12[%get3A_691] {strides = array<i32>} : memref<512xi32, #tpu.memory_space<vmem>>, vector<16xi32>,
    %and3A_693 = arith.constant 127 : i32
    %and3A_694 = vector.broadcast %and3A_693 : i32 to vector<16xi32>
    %and3A_695 = arith.andi %get3A_692, %and3A_694 : vector<16xi32>
    %and3A_696 = arith.constant -128 : i32
    %and3A_697 = vector.broadcast %and3A_696 : i32 to vector<16xi32>
    %and3A_698 = arith.andi %get3A_692, %and3A_697 : vector<16xi32>
    %mul3A_699 = arith.constant 4 : i32
    %mul3A_700 = vector.broadcast %mul3A_699 : i32 to vector<16xi32>
    %mul3A_701 = arith.muli %and3A_698, %mul3A_700 : vector<16xi32>
    %add3A_702 = arith.addi %mul3A_701, %and3A_695 : vector<16xi32>
    %ge3A_703 = arith.constant 99968 : i32
    %ge3A_704 = vector.broadcast %ge3A_703 : i32 to vector<16xi32>
    %ge3A_705 = arith.cmpi sge, %get3A_692, %ge3A_704 : vector<16xi32>
    %sub3A_706 = arith.constant 99968 : i32
    %sub3A_707 = vector.broadcast %sub3A_706 : i32 to vector<16xi32>
    %sub3A_708 = arith.subi %get3A_692, %sub3A_707 : vector<16xi32>
    %add3A_709 = arith.constant 399872 : i32
    %add3A_710 = vector.broadcast %add3A_709 : i32 to vector<16xi32>
    %add3A_711 = arith.addi %add3A_710, %sub3A_708 : vector<16xi32>
    %select_n3A_712 = arith.select %ge3A_705, %add3A_711, %add3A_702 : vector<16xi1>, vector<16xi32>
    %swap3A_713 = arith.index_cast %multiple_of3A_690 : i32 to index
    %swap3A_714 = tpu.vector_load %arg13[%swap3A_713] {strides = array<i32>} : memref<512xi32, #tpu.memory_space<vmem>>, vector<16xi32>,
    tpu.vector_store %arg13[%swap3A_713], %select_n3A_712 {strides = array<i32>} : memref<512xi32, #tpu.memory_space<vmem>>, vector<16xi32>,
    %add3A_715 = arith.constant 32 : i32
    %add3A_716 = vector.broadcast %add3A_715 : i32 to vector<16xi32>
    %add3A_717 = arith.addi %add3A_711, %add3A_716 : vector<16xi32>
    %add3A_718 = arith.constant 128 : i32
    %add3A_719 = vector.broadcast %add3A_718 : i32 to vector<16xi32>
    %add3A_720 = arith.addi %add3A_702, %add3A_719 : vector<16xi32>
    %select_n3A_721 = arith.select %ge3A_705, %add3A_717, %add3A_720 : vector<16xi1>, vector<16xi32>
    %swap3A_722 = arith.index_cast %multiple_of3A_690 : i32 to index
    %swap3A_723 = tpu.vector_load %arg14[%swap3A_722] {strides = array<i32>} : memref<512xi32, #tpu.memory_space<vmem>>, vector<16xi32>,
    tpu.vector_store %arg14[%swap3A_722], %select_n3A_721 {strides = array<i32>} : memref<512xi32, #tpu.memory_space<vmem>>, vector<16xi32>,
    %add3A_724 = arith.constant 64 : i32
    %add3A_725 = vector.broadcast %add3A_724 : i32 to vector<16xi32>
    %add3A_726 = arith.addi %add3A_711, %add3A_725 : vector<16xi32>
    %add3A_727 = arith.constant 256 : i32
    %add3A_728 = vector.broadcast %add3A_727 : i32 to vector<16xi32>
    %add3A_729 = arith.addi %add3A_702, %add3A_728 : vector<16xi32>
    %select_n3A_730 = arith.select %ge3A_705, %add3A_726, %add3A_729 : vector<16xi1>, vector<16xi32>
    %swap3A_731 = arith.index_cast %multiple_of3A_690 : i32 to index
    %swap3A_732 = tpu.vector_load %arg15[%swap3A_731] {strides = array<i32>} : memref<512xi32, #tpu.memory_space<vmem>>, vector<16xi32>,
    tpu.vector_store %arg15[%swap3A_731], %select_n3A_730 {strides = array<i32>} : memref<512xi32, #tpu.memory_space<vmem>>, vector<16xi32>,
    %add3A_733 = arith.constant 96 : i32
    %add3A_734 = vector.broadcast %add3A_733 : i32 to vector<16xi32>
    %add3A_735 = arith.addi %add3A_711, %add3A_734 : vector<16xi32>
    %add3A_736 = arith.constant 384 : i32
    %add3A_737 = vector.broadcast %add3A_736 : i32 to vector<16xi32>
    %add3A_738 = arith.addi %add3A_702, %add3A_737 : vector<16xi32>
    %select_n3A_739 = arith.select %ge3A_705, %add3A_735, %add3A_738 : vector<16xi1>, vector<16xi32>
    %swap3A_740 = arith.index_cast %multiple_of3A_690 : i32 to index
    %swap3A_741 = tpu.vector_load %arg16[%swap3A_740] {strides = array<i32>} : memref<512xi32, #tpu.memory_space<vmem>>, vector<16xi32>,
    tpu.vector_store %arg16[%swap3A_740], %select_n3A_739 {strides = array<i32>} : memref<512xi32, #tpu.memory_space<vmem>>, vector<16xi32>,
    %multiple_of3A_742 = arith.constant 224 : i32
    %multiple_of3A_743 = tpu.assume_multiple %multiple_of3A_742, 16 : i32
    %get3A_744 = arith.index_cast %multiple_of3A_743 : i32 to index
    %get3A_745 = tpu.vector_load %arg12[%get3A_744] {strides = array<i32>} : memref<512xi32, #tpu.memory_space<vmem>>, vector<16xi32>,
    %and3A_746 = arith.constant 127 : i32
    %and3A_747 = vector.broadcast %and3A_746 : i32 to vector<16xi32>
    %and3A_748 = arith.andi %get3A_745, %and3A_747 : vector<16xi32>
    %and3A_749 = arith.constant -128 : i32
    %and3A_750 = vector.broadcast %and3A_749 : i32 to vector<16xi32>
    %and3A_751 = arith.andi %get3A_745, %and3A_750 : vector<16xi32>
    %mul3A_752 = arith.constant 4 : i32
    %mul3A_753 = vector.broadcast %mul3A_752 : i32 to vector<16xi32>
    %mul3A_754 = arith.muli %and3A_751, %mul3A_753 : vector<16xi32>
    %add3A_755 = arith.addi %mul3A_754, %and3A_748 : vector<16xi32>
    %ge3A_756 = arith.constant 99968 : i32
    %ge3A_757 = vector.broadcast %ge3A_756 : i32 to vector<16xi32>
    %ge3A_758 = arith.cmpi sge, %get3A_745, %ge3A_757 : vector<16xi32>
    %sub3A_759 = arith.constant 99968 : i32
    %sub3A_760 = vector.broadcast %sub3A_759 : i32 to vector<16xi32>
    %sub3A_761 = arith.subi %get3A_745, %sub3A_760 : vector<16xi32>
    %add3A_762 = arith.constant 399872 : i32
    %add3A_763 = vector.broadcast %add3A_762 : i32 to vector<16xi32>
    %add3A_764 = arith.addi %add3A_763, %sub3A_761 : vector<16xi32>
    %select_n3A_765 = arith.select %ge3A_758, %add3A_764, %add3A_755 : vector<16xi1>, vector<16xi32>
    %swap3A_766 = arith.index_cast %multiple_of3A_743 : i32 to index
    %swap3A_767 = tpu.vector_load %arg13[%swap3A_766] {strides = array<i32>} : memref<512xi32, #tpu.memory_space<vmem>>, vector<16xi32>,
    tpu.vector_store %arg13[%swap3A_766], %select_n3A_765 {strides = array<i32>} : memref<512xi32, #tpu.memory_space<vmem>>, vector<16xi32>,
    %add3A_768 = arith.constant 32 : i32
    %add3A_769 = vector.broadcast %add3A_768 : i32 to vector<16xi32>
    %add3A_770 = arith.addi %add3A_764, %add3A_769 : vector<16xi32>
    %add3A_771 = arith.constant 128 : i32
    %add3A_772 = vector.broadcast %add3A_771 : i32 to vector<16xi32>
    %add3A_773 = arith.addi %add3A_755, %add3A_772 : vector<16xi32>
    %select_n3A_774 = arith.select %ge3A_758, %add3A_770, %add3A_773 : vector<16xi1>, vector<16xi32>
    %swap3A_775 = arith.index_cast %multiple_of3A_743 : i32 to index
    %swap3A_776 = tpu.vector_load %arg14[%swap3A_775] {strides = array<i32>} : memref<512xi32, #tpu.memory_space<vmem>>, vector<16xi32>,
    tpu.vector_store %arg14[%swap3A_775], %select_n3A_774 {strides = array<i32>} : memref<512xi32, #tpu.memory_space<vmem>>, vector<16xi32>,
    %add3A_777 = arith.constant 64 : i32
    %add3A_778 = vector.broadcast %add3A_777 : i32 to vector<16xi32>
    %add3A_779 = arith.addi %add3A_764, %add3A_778 : vector<16xi32>
    %add3A_780 = arith.constant 256 : i32
    %add3A_781 = vector.broadcast %add3A_780 : i32 to vector<16xi32>
    %add3A_782 = arith.addi %add3A_755, %add3A_781 : vector<16xi32>
    %select_n3A_783 = arith.select %ge3A_758, %add3A_779, %add3A_782 : vector<16xi1>, vector<16xi32>
    %swap3A_784 = arith.index_cast %multiple_of3A_743 : i32 to index
    %swap3A_785 = tpu.vector_load %arg15[%swap3A_784] {strides = array<i32>} : memref<512xi32, #tpu.memory_space<vmem>>, vector<16xi32>,
    tpu.vector_store %arg15[%swap3A_784], %select_n3A_783 {strides = array<i32>} : memref<512xi32, #tpu.memory_space<vmem>>, vector<16xi32>,
    %add3A_786 = arith.constant 96 : i32
    %add3A_787 = vector.broadcast %add3A_786 : i32 to vector<16xi32>
    %add3A_788 = arith.addi %add3A_764, %add3A_787 : vector<16xi32>
    %add3A_789 = arith.constant 384 : i32
    %add3A_790 = vector.broadcast %add3A_789 : i32 to vector<16xi32>
    %add3A_791 = arith.addi %add3A_755, %add3A_790 : vector<16xi32>
    %select_n3A_792 = arith.select %ge3A_758, %add3A_788, %add3A_791 : vector<16xi1>, vector<16xi32>
    %swap3A_793 = arith.index_cast %multiple_of3A_743 : i32 to index
    %swap3A_794 = tpu.vector_load %arg16[%swap3A_793] {strides = array<i32>} : memref<512xi32, #tpu.memory_space<vmem>>, vector<16xi32>,
    tpu.vector_store %arg16[%swap3A_793], %select_n3A_792 {strides = array<i32>} : memref<512xi32, #tpu.memory_space<vmem>>, vector<16xi32>,
    %multiple_of3A_795 = arith.constant 240 : i32
    %multiple_of3A_796 = tpu.assume_multiple %multiple_of3A_795, 16 : i32
    %get3A_797 = arith.index_cast %multiple_of3A_796 : i32 to index
    %get3A_798 = tpu.vector_load %arg12[%get3A_797] {strides = array<i32>} : memref<512xi32, #tpu.memory_space<vmem>>, vector<16xi32>,
    %and3A_799 = arith.constant 127 : i32
    %and3A_800 = vector.broadcast %and3A_799 : i32 to vector<16xi32>
    %and3A_801 = arith.andi %get3A_798, %and3A_800 : vector<16xi32>
    %and3A_802 = arith.constant -128 : i32
    %and3A_803 = vector.broadcast %and3A_802 : i32 to vector<16xi32>
    %and3A_804 = arith.andi %get3A_798, %and3A_803 : vector<16xi32>
    %mul3A_805 = arith.constant 4 : i32
    %mul3A_806 = vector.broadcast %mul3A_805 : i32 to vector<16xi32>
    %mul3A_807 = arith.muli %and3A_804, %mul3A_806 : vector<16xi32>
    %add3A_808 = arith.addi %mul3A_807, %and3A_801 : vector<16xi32>
    %ge3A_809 = arith.constant 99968 : i32
    %ge3A_810 = vector.broadcast %ge3A_809 : i32 to vector<16xi32>
    %ge3A_811 = arith.cmpi sge, %get3A_798, %ge3A_810 : vector<16xi32>
    %sub3A_812 = arith.constant 99968 : i32
    %sub3A_813 = vector.broadcast %sub3A_812 : i32 to vector<16xi32>
    %sub3A_814 = arith.subi %get3A_798, %sub3A_813 : vector<16xi32>
    %add3A_815 = arith.constant 399872 : i32
    %add3A_816 = vector.broadcast %add3A_815 : i32 to vector<16xi32>
    %add3A_817 = arith.addi %add3A_816, %sub3A_814 : vector<16xi32>
    %select_n3A_818 = arith.select %ge3A_811, %add3A_817, %add3A_808 : vector<16xi1>, vector<16xi32>
    %swap3A_819 = arith.index_cast %multiple_of3A_796 : i32 to index
    %swap3A_820 = tpu.vector_load %arg13[%swap3A_819] {strides = array<i32>} : memref<512xi32, #tpu.memory_space<vmem>>, vector<16xi32>,
    tpu.vector_store %arg13[%swap3A_819], %select_n3A_818 {strides = array<i32>} : memref<512xi32, #tpu.memory_space<vmem>>, vector<16xi32>,
    %add3A_821 = arith.constant 32 : i32
    %add3A_822 = vector.broadcast %add3A_821 : i32 to vector<16xi32>
    %add3A_823 = arith.addi %add3A_817, %add3A_822 : vector<16xi32>
    %add3A_824 = arith.constant 128 : i32
    %add3A_825 = vector.broadcast %add3A_824 : i32 to vector<16xi32>
    %add3A_826 = arith.addi %add3A_808, %add3A_825 : vector<16xi32>
    %select_n3A_827 = arith.select %ge3A_811, %add3A_823, %add3A_826 : vector<16xi1>, vector<16xi32>
    %swap3A_828 = arith.index_cast %multiple_of3A_796 : i32 to index
    %swap3A_829 = tpu.vector_load %arg14[%swap3A_828] {strides = array<i32>} : memref<512xi32, #tpu.memory_space<vmem>>, vector<16xi32>,
    tpu.vector_store %arg14[%swap3A_828], %select_n3A_827 {strides = array<i32>} : memref<512xi32, #tpu.memory_space<vmem>>, vector<16xi32>,
    %add3A_830 = arith.constant 64 : i32
    %add3A_831 = vector.broadcast %add3A_830 : i32 to vector<16xi32>
    %add3A_832 = arith.addi %add3A_817, %add3A_831 : vector<16xi32>
    %add3A_833 = arith.constant 256 : i32
    %add3A_834 = vector.broadcast %add3A_833 : i32 to vector<16xi32>
    %add3A_835 = arith.addi %add3A_808, %add3A_834 : vector<16xi32>
    %select_n3A_836 = arith.select %ge3A_811, %add3A_832, %add3A_835 : vector<16xi1>, vector<16xi32>
    %swap3A_837 = arith.index_cast %multiple_of3A_796 : i32 to index
    %swap3A_838 = tpu.vector_load %arg15[%swap3A_837] {strides = array<i32>} : memref<512xi32, #tpu.memory_space<vmem>>, vector<16xi32>,
    tpu.vector_store %arg15[%swap3A_837], %select_n3A_836 {strides = array<i32>} : memref<512xi32, #tpu.memory_space<vmem>>, vector<16xi32>,
    %add3A_839 = arith.constant 96 : i32
    %add3A_840 = vector.broadcast %add3A_839 : i32 to vector<16xi32>
    %add3A_841 = arith.addi %add3A_817, %add3A_840 : vector<16xi32>
    %add3A_842 = arith.constant 384 : i32
    %add3A_843 = vector.broadcast %add3A_842 : i32 to vector<16xi32>
    %add3A_844 = arith.addi %add3A_808, %add3A_843 : vector<16xi32>
    %select_n3A_845 = arith.select %ge3A_811, %add3A_841, %add3A_844 : vector<16xi1>, vector<16xi32>
    %swap3A_846 = arith.index_cast %multiple_of3A_796 : i32 to index
    %swap3A_847 = tpu.vector_load %arg16[%swap3A_846] {strides = array<i32>} : memref<512xi32, #tpu.memory_space<vmem>>, vector<16xi32>,
    tpu.vector_store %arg16[%swap3A_846], %select_n3A_845 {strides = array<i32>} : memref<512xi32, #tpu.memory_space<vmem>>, vector<16xi32>,
    %multiple_of3A_848 = arith.constant 256 : i32
    %multiple_of3A_849 = tpu.assume_multiple %multiple_of3A_848, 16 : i32
    %get3A_850 = arith.index_cast %multiple_of3A_849 : i32 to index
    %get3A_851 = tpu.vector_load %arg12[%get3A_850] {strides = array<i32>} : memref<512xi32, #tpu.memory_space<vmem>>, vector<16xi32>,
    %and3A_852 = arith.constant 127 : i32
    %and3A_853 = vector.broadcast %and3A_852 : i32 to vector<16xi32>
    %and3A_854 = arith.andi %get3A_851, %and3A_853 : vector<16xi32>
    %and3A_855 = arith.constant -128 : i32
    %and3A_856 = vector.broadcast %and3A_855 : i32 to vector<16xi32>
    %and3A_857 = arith.andi %get3A_851, %and3A_856 : vector<16xi32>
    %mul3A_858 = arith.constant 4 : i32
    %mul3A_859 = vector.broadcast %mul3A_858 : i32 to vector<16xi32>
    %mul3A_860 = arith.muli %and3A_857, %mul3A_859 : vector<16xi32>
    %add3A_861 = arith.addi %mul3A_860, %and3A_854 : vector<16xi32>
    %ge3A_862 = arith.constant 99968 : i32
    %ge3A_863 = vector.broadcast %ge3A_862 : i32 to vector<16xi32>
    %ge3A_864 = arith.cmpi sge, %get3A_851, %ge3A_863 : vector<16xi32>
    %sub3A_865 = arith.constant 99968 : i32
    %sub3A_866 = vector.broadcast %sub3A_865 : i32 to vector<16xi32>
    %sub3A_867 = arith.subi %get3A_851, %sub3A_866 : vector<16xi32>
    %add3A_868 = arith.constant 399872 : i32
    %add3A_869 = vector.broadcast %add3A_868 : i32 to vector<16xi32>
    %add3A_870 = arith.addi %add3A_869, %sub3A_867 : vector<16xi32>
    %select_n3A_871 = arith.select %ge3A_864, %add3A_870, %add3A_861 : vector<16xi1>, vector<16xi32>
    %swap3A_872 = arith.index_cast %multiple_of3A_849 : i32 to index
    %swap3A_873 = tpu.vector_load %arg13[%swap3A_872] {strides = array<i32>} : memref<512xi32, #tpu.memory_space<vmem>>, vector<16xi32>,
    tpu.vector_store %arg13[%swap3A_872], %select_n3A_871 {strides = array<i32>} : memref<512xi32, #tpu.memory_space<vmem>>, vector<16xi32>,
    %add3A_874 = arith.constant 32 : i32
    %add3A_875 = vector.broadcast %add3A_874 : i32 to vector<16xi32>
    %add3A_876 = arith.addi %add3A_870, %add3A_875 : vector<16xi32>
    %add3A_877 = arith.constant 128 : i32
    %add3A_878 = vector.broadcast %add3A_877 : i32 to vector<16xi32>
    %add3A_879 = arith.addi %add3A_861, %add3A_878 : vector<16xi32>
    %select_n3A_880 = arith.select %ge3A_864, %add3A_876, %add3A_879 : vector<16xi1>, vector<16xi32>
    %swap3A_881 = arith.index_cast %multiple_of3A_849 : i32 to index
    %swap3A_882 = tpu.vector_load %arg14[%swap3A_881] {strides = array<i32>} : memref<512xi32, #tpu.memory_space<vmem>>, vector<16xi32>,
    tpu.vector_store %arg14[%swap3A_881], %select_n3A_880 {strides = array<i32>} : memref<512xi32, #tpu.memory_space<vmem>>, vector<16xi32>,
    %add3A_883 = arith.constant 64 : i32
    %add3A_884 = vector.broadcast %add3A_883 : i32 to vector<16xi32>
    %add3A_885 = arith.addi %add3A_870, %add3A_884 : vector<16xi32>
    %add3A_886 = arith.constant 256 : i32
    %add3A_887 = vector.broadcast %add3A_886 : i32 to vector<16xi32>
    %add3A_888 = arith.addi %add3A_861, %add3A_887 : vector<16xi32>
    %select_n3A_889 = arith.select %ge3A_864, %add3A_885, %add3A_888 : vector<16xi1>, vector<16xi32>
    %swap3A_890 = arith.index_cast %multiple_of3A_849 : i32 to index
    %swap3A_891 = tpu.vector_load %arg15[%swap3A_890] {strides = array<i32>} : memref<512xi32, #tpu.memory_space<vmem>>, vector<16xi32>,
    tpu.vector_store %arg15[%swap3A_890], %select_n3A_889 {strides = array<i32>} : memref<512xi32, #tpu.memory_space<vmem>>, vector<16xi32>,
    %add3A_892 = arith.constant 96 : i32
    %add3A_893 = vector.broadcast %add3A_892 : i32 to vector<16xi32>
    %add3A_894 = arith.addi %add3A_870, %add3A_893 : vector<16xi32>
    %add3A_895 = arith.constant 384 : i32
    %add3A_896 = vector.broadcast %add3A_895 : i32 to vector<16xi32>
    %add3A_897 = arith.addi %add3A_861, %add3A_896 : vector<16xi32>
    %select_n3A_898 = arith.select %ge3A_864, %add3A_894, %add3A_897 : vector<16xi1>, vector<16xi32>
    %swap3A_899 = arith.index_cast %multiple_of3A_849 : i32 to index
    %swap3A_900 = tpu.vector_load %arg16[%swap3A_899] {strides = array<i32>} : memref<512xi32, #tpu.memory_space<vmem>>, vector<16xi32>,
    tpu.vector_store %arg16[%swap3A_899], %select_n3A_898 {strides = array<i32>} : memref<512xi32, #tpu.memory_space<vmem>>, vector<16xi32>,
    %multiple_of3A_901 = arith.constant 272 : i32
    %multiple_of3A_902 = tpu.assume_multiple %multiple_of3A_901, 16 : i32
    %get3A_903 = arith.index_cast %multiple_of3A_902 : i32 to index
    %get3A_904 = tpu.vector_load %arg12[%get3A_903] {strides = array<i32>} : memref<512xi32, #tpu.memory_space<vmem>>, vector<16xi32>,
    %and3A_905 = arith.constant 127 : i32
    %and3A_906 = vector.broadcast %and3A_905 : i32 to vector<16xi32>
    %and3A_907 = arith.andi %get3A_904, %and3A_906 : vector<16xi32>
    %and3A_908 = arith.constant -128 : i32
    %and3A_909 = vector.broadcast %and3A_908 : i32 to vector<16xi32>
    %and3A_910 = arith.andi %get3A_904, %and3A_909 : vector<16xi32>
    %mul3A_911 = arith.constant 4 : i32
    %mul3A_912 = vector.broadcast %mul3A_911 : i32 to vector<16xi32>
    %mul3A_913 = arith.muli %and3A_910, %mul3A_912 : vector<16xi32>
    %add3A_914 = arith.addi %mul3A_913, %and3A_907 : vector<16xi32>
    %ge3A_915 = arith.constant 99968 : i32
    %ge3A_916 = vector.broadcast %ge3A_915 : i32 to vector<16xi32>
    %ge3A_917 = arith.cmpi sge, %get3A_904, %ge3A_916 : vector<16xi32>
    %sub3A_918 = arith.constant 99968 : i32
    %sub3A_919 = vector.broadcast %sub3A_918 : i32 to vector<16xi32>
    %sub3A_920 = arith.subi %get3A_904, %sub3A_919 : vector<16xi32>
    %add3A_921 = arith.constant 399872 : i32
    %add3A_922 = vector.broadcast %add3A_921 : i32 to vector<16xi32>
    %add3A_923 = arith.addi %add3A_922, %sub3A_920 : vector<16xi32>
    %select_n3A_924 = arith.select %ge3A_917, %add3A_923, %add3A_914 : vector<16xi1>, vector<16xi32>
    %swap3A_925 = arith.index_cast %multiple_of3A_902 : i32 to index
    %swap3A_926 = tpu.vector_load %arg13[%swap3A_925] {strides = array<i32>} : memref<512xi32, #tpu.memory_space<vmem>>, vector<16xi32>,
    tpu.vector_store %arg13[%swap3A_925], %select_n3A_924 {strides = array<i32>} : memref<512xi32, #tpu.memory_space<vmem>>, vector<16xi32>,
    %add3A_927 = arith.constant 32 : i32
    %add3A_928 = vector.broadcast %add3A_927 : i32 to vector<16xi32>
    %add3A_929 = arith.addi %add3A_923, %add3A_928 : vector<16xi32>
    %add3A_930 = arith.constant 128 : i32
    %add3A_931 = vector.broadcast %add3A_930 : i32 to vector<16xi32>
    %add3A_932 = arith.addi %add3A_914, %add3A_931 : vector<16xi32>
    %select_n3A_933 = arith.select %ge3A_917, %add3A_929, %add3A_932 : vector<16xi1>, vector<16xi32>
    %swap3A_934 = arith.index_cast %multiple_of3A_902 : i32 to index
    %swap3A_935 = tpu.vector_load %arg14[%swap3A_934] {strides = array<i32>} : memref<512xi32, #tpu.memory_space<vmem>>, vector<16xi32>,
    tpu.vector_store %arg14[%swap3A_934], %select_n3A_933 {strides = array<i32>} : memref<512xi32, #tpu.memory_space<vmem>>, vector<16xi32>,
    %add3A_936 = arith.constant 64 : i32
    %add3A_937 = vector.broadcast %add3A_936 : i32 to vector<16xi32>
    %add3A_938 = arith.addi %add3A_923, %add3A_937 : vector<16xi32>
    %add3A_939 = arith.constant 256 : i32
    %add3A_940 = vector.broadcast %add3A_939 : i32 to vector<16xi32>
    %add3A_941 = arith.addi %add3A_914, %add3A_940 : vector<16xi32>
    %select_n3A_942 = arith.select %ge3A_917, %add3A_938, %add3A_941 : vector<16xi1>, vector<16xi32>
    %swap3A_943 = arith.index_cast %multiple_of3A_902 : i32 to index
    %swap3A_944 = tpu.vector_load %arg15[%swap3A_943] {strides = array<i32>} : memref<512xi32, #tpu.memory_space<vmem>>, vector<16xi32>,
    tpu.vector_store %arg15[%swap3A_943], %select_n3A_942 {strides = array<i32>} : memref<512xi32, #tpu.memory_space<vmem>>, vector<16xi32>,
    %add3A_945 = arith.constant 96 : i32
    %add3A_946 = vector.broadcast %add3A_945 : i32 to vector<16xi32>
    %add3A_947 = arith.addi %add3A_923, %add3A_946 : vector<16xi32>
    %add3A_948 = arith.constant 384 : i32
    %add3A_949 = vector.broadcast %add3A_948 : i32 to vector<16xi32>
    %add3A_950 = arith.addi %add3A_914, %add3A_949 : vector<16xi32>
    %select_n3A_951 = arith.select %ge3A_917, %add3A_947, %add3A_950 : vector<16xi1>, vector<16xi32>
    %swap3A_952 = arith.index_cast %multiple_of3A_902 : i32 to index
    %swap3A_953 = tpu.vector_load %arg16[%swap3A_952] {strides = array<i32>} : memref<512xi32, #tpu.memory_space<vmem>>, vector<16xi32>,
    tpu.vector_store %arg16[%swap3A_952], %select_n3A_951 {strides = array<i32>} : memref<512xi32, #tpu.memory_space<vmem>>, vector<16xi32>,
    %multiple_of3A_954 = arith.constant 288 : i32
    %multiple_of3A_955 = tpu.assume_multiple %multiple_of3A_954, 16 : i32
    %get3A_956 = arith.index_cast %multiple_of3A_955 : i32 to index
    %get3A_957 = tpu.vector_load %arg12[%get3A_956] {strides = array<i32>} : memref<512xi32, #tpu.memory_space<vmem>>, vector<16xi32>,
    %and3A_958 = arith.constant 127 : i32
    %and3A_959 = vector.broadcast %and3A_958 : i32 to vector<16xi32>
    %and3A_960 = arith.andi %get3A_957, %and3A_959 : vector<16xi32>
    %and3A_961 = arith.constant -128 : i32
    %and3A_962 = vector.broadcast %and3A_961 : i32 to vector<16xi32>
    %and3A_963 = arith.andi %get3A_957, %and3A_962 : vector<16xi32>
    %mul3A_964 = arith.constant 4 : i32
    %mul3A_965 = vector.broadcast %mul3A_964 : i32 to vector<16xi32>
    %mul3A_966 = arith.muli %and3A_963, %mul3A_965 : vector<16xi32>
    %add3A_967 = arith.addi %mul3A_966, %and3A_960 : vector<16xi32>
    %ge3A_968 = arith.constant 99968 : i32
    %ge3A_969 = vector.broadcast %ge3A_968 : i32 to vector<16xi32>
    %ge3A_970 = arith.cmpi sge, %get3A_957, %ge3A_969 : vector<16xi32>
    %sub3A_971 = arith.constant 99968 : i32
    %sub3A_972 = vector.broadcast %sub3A_971 : i32 to vector<16xi32>
    %sub3A_973 = arith.subi %get3A_957, %sub3A_972 : vector<16xi32>
    %add3A_974 = arith.constant 399872 : i32
    %add3A_975 = vector.broadcast %add3A_974 : i32 to vector<16xi32>
    %add3A_976 = arith.addi %add3A_975, %sub3A_973 : vector<16xi32>
    %select_n3A_977 = arith.select %ge3A_970, %add3A_976, %add3A_967 : vector<16xi1>, vector<16xi32>
    %swap3A_978 = arith.index_cast %multiple_of3A_955 : i32 to index
    %swap3A_979 = tpu.vector_load %arg13[%swap3A_978] {strides = array<i32>} : memref<512xi32, #tpu.memory_space<vmem>>, vector<16xi32>,
    tpu.vector_store %arg13[%swap3A_978], %select_n3A_977 {strides = array<i32>} : memref<512xi32, #tpu.memory_space<vmem>>, vector<16xi32>,
    %add3A_980 = arith.constant 32 : i32
    %add3A_981 = vector.broadcast %add3A_980 : i32 to vector<16xi32>
    %add3A_982 = arith.addi %add3A_976, %add3A_981 : vector<16xi32>
    %add3A_983 = arith.constant 128 : i32
    %add3A_984 = vector.broadcast %add3A_983 : i32 to vector<16xi32>
    %add3A_985 = arith.addi %add3A_967, %add3A_984 : vector<16xi32>
    %select_n3A_986 = arith.select %ge3A_970, %add3A_982, %add3A_985 : vector<16xi1>, vector<16xi32>
    %swap3A_987 = arith.index_cast %multiple_of3A_955 : i32 to index
    %swap3A_988 = tpu.vector_load %arg14[%swap3A_987] {strides = array<i32>} : memref<512xi32, #tpu.memory_space<vmem>>, vector<16xi32>,
    tpu.vector_store %arg14[%swap3A_987], %select_n3A_986 {strides = array<i32>} : memref<512xi32, #tpu.memory_space<vmem>>, vector<16xi32>,
    %add3A_989 = arith.constant 64 : i32
    %add3A_990 = vector.broadcast %add3A_989 : i32 to vector<16xi32>
    %add3A_991 = arith.addi %add3A_976, %add3A_990 : vector<16xi32>
    %add3A_992 = arith.constant 256 : i32
    %add3A_993 = vector.broadcast %add3A_992 : i32 to vector<16xi32>
    %add3A_994 = arith.addi %add3A_967, %add3A_993 : vector<16xi32>
    %select_n3A_995 = arith.select %ge3A_970, %add3A_991, %add3A_994 : vector<16xi1>, vector<16xi32>
    %swap3A_996 = arith.index_cast %multiple_of3A_955 : i32 to index
    %swap3A_997 = tpu.vector_load %arg15[%swap3A_996] {strides = array<i32>} : memref<512xi32, #tpu.memory_space<vmem>>, vector<16xi32>,
    tpu.vector_store %arg15[%swap3A_996], %select_n3A_995 {strides = array<i32>} : memref<512xi32, #tpu.memory_space<vmem>>, vector<16xi32>,
    %add3A_998 = arith.constant 96 : i32
    %add3A_999 = vector.broadcast %add3A_998 : i32 to vector<16xi32>
    %add3A_1000 = arith.addi %add3A_976, %add3A_999 : vector<16xi32>
    %add3A_1001 = arith.constant 384 : i32
    %add3A_1002 = vector.broadcast %add3A_1001 : i32 to vector<16xi32>
    %add3A_1003 = arith.addi %add3A_967, %add3A_1002 : vector<16xi32>
    %select_n3A_1004 = arith.select %ge3A_970, %add3A_1000, %add3A_1003 : vector<16xi1>, vector<16xi32>
    %swap3A_1005 = arith.index_cast %multiple_of3A_955 : i32 to index
    %swap3A_1006 = tpu.vector_load %arg16[%swap3A_1005] {strides = array<i32>} : memref<512xi32, #tpu.memory_space<vmem>>, vector<16xi32>,
    tpu.vector_store %arg16[%swap3A_1005], %select_n3A_1004 {strides = array<i32>} : memref<512xi32, #tpu.memory_space<vmem>>, vector<16xi32>,
    %multiple_of3A_1007 = arith.constant 304 : i32
    %multiple_of3A_1008 = tpu.assume_multiple %multiple_of3A_1007, 16 : i32
    %get3A_1009 = arith.index_cast %multiple_of3A_1008 : i32 to index
    %get3A_1010 = tpu.vector_load %arg12[%get3A_1009] {strides = array<i32>} : memref<512xi32, #tpu.memory_space<vmem>>, vector<16xi32>,
    %and3A_1011 = arith.constant 127 : i32
    %and3A_1012 = vector.broadcast %and3A_1011 : i32 to vector<16xi32>
    %and3A_1013 = arith.andi %get3A_1010, %and3A_1012 : vector<16xi32>
    %and3A_1014 = arith.constant -128 : i32
    %and3A_1015 = vector.broadcast %and3A_1014 : i32 to vector<16xi32>
    %and3A_1016 = arith.andi %get3A_1010, %and3A_1015 : vector<16xi32>
    %mul3A_1017 = arith.constant 4 : i32
    %mul3A_1018 = vector.broadcast %mul3A_1017 : i32 to vector<16xi32>
    %mul3A_1019 = arith.muli %and3A_1016, %mul3A_1018 : vector<16xi32>
    %add3A_1020 = arith.addi %mul3A_1019, %and3A_1013 : vector<16xi32>
    %ge3A_1021 = arith.constant 99968 : i32
    %ge3A_1022 = vector.broadcast %ge3A_1021 : i32 to vector<16xi32>
    %ge3A_1023 = arith.cmpi sge, %get3A_1010, %ge3A_1022 : vector<16xi32>
    %sub3A_1024 = arith.constant 99968 : i32
    %sub3A_1025 = vector.broadcast %sub3A_1024 : i32 to vector<16xi32>
    %sub3A_1026 = arith.subi %get3A_1010, %sub3A_1025 : vector<16xi32>
    %add3A_1027 = arith.constant 399872 : i32
    %add3A_1028 = vector.broadcast %add3A_1027 : i32 to vector<16xi32>
    %add3A_1029 = arith.addi %add3A_1028, %sub3A_1026 : vector<16xi32>
    %select_n3A_1030 = arith.select %ge3A_1023, %add3A_1029, %add3A_1020 : vector<16xi1>, vector<16xi32>
    %swap3A_1031 = arith.index_cast %multiple_of3A_1008 : i32 to index
    %swap3A_1032 = tpu.vector_load %arg13[%swap3A_1031] {strides = array<i32>} : memref<512xi32, #tpu.memory_space<vmem>>, vector<16xi32>,
    tpu.vector_store %arg13[%swap3A_1031], %select_n3A_1030 {strides = array<i32>} : memref<512xi32, #tpu.memory_space<vmem>>, vector<16xi32>,
    %add3A_1033 = arith.constant 32 : i32
    %add3A_1034 = vector.broadcast %add3A_1033 : i32 to vector<16xi32>
    %add3A_1035 = arith.addi %add3A_1029, %add3A_1034 : vector<16xi32>
    %add3A_1036 = arith.constant 128 : i32
    %add3A_1037 = vector.broadcast %add3A_1036 : i32 to vector<16xi32>
    %add3A_1038 = arith.addi %add3A_1020, %add3A_1037 : vector<16xi32>
    %select_n3A_1039 = arith.select %ge3A_1023, %add3A_1035, %add3A_1038 : vector<16xi1>, vector<16xi32>
    %swap3A_1040 = arith.index_cast %multiple_of3A_1008 : i32 to index
    %swap3A_1041 = tpu.vector_load %arg14[%swap3A_1040] {strides = array<i32>} : memref<512xi32, #tpu.memory_space<vmem>>, vector<16xi32>,
    tpu.vector_store %arg14[%swap3A_1040], %select_n3A_1039 {strides = array<i32>} : memref<512xi32, #tpu.memory_space<vmem>>, vector<16xi32>,
    %add3A_1042 = arith.constant 64 : i32
    %add3A_1043 = vector.broadcast %add3A_1042 : i32 to vector<16xi32>
    %add3A_1044 = arith.addi %add3A_1029, %add3A_1043 : vector<16xi32>
    %add3A_1045 = arith.constant 256 : i32
    %add3A_1046 = vector.broadcast %add3A_1045 : i32 to vector<16xi32>
    %add3A_1047 = arith.addi %add3A_1020, %add3A_1046 : vector<16xi32>
    %select_n3A_1048 = arith.select %ge3A_1023, %add3A_1044, %add3A_1047 : vector<16xi1>, vector<16xi32>
    %swap3A_1049 = arith.index_cast %multiple_of3A_1008 : i32 to index
    %swap3A_1050 = tpu.vector_load %arg15[%swap3A_1049] {strides = array<i32>} : memref<512xi32, #tpu.memory_space<vmem>>, vector<16xi32>,
    tpu.vector_store %arg15[%swap3A_1049], %select_n3A_1048 {strides = array<i32>} : memref<512xi32, #tpu.memory_space<vmem>>, vector<16xi32>,
    %add3A_1051 = arith.constant 96 : i32
    %add3A_1052 = vector.broadcast %add3A_1051 : i32 to vector<16xi32>
    %add3A_1053 = arith.addi %add3A_1029, %add3A_1052 : vector<16xi32>
    %add3A_1054 = arith.constant 384 : i32
    %add3A_1055 = vector.broadcast %add3A_1054 : i32 to vector<16xi32>
    %add3A_1056 = arith.addi %add3A_1020, %add3A_1055 : vector<16xi32>
    %select_n3A_1057 = arith.select %ge3A_1023, %add3A_1053, %add3A_1056 : vector<16xi1>, vector<16xi32>
    %swap3A_1058 = arith.index_cast %multiple_of3A_1008 : i32 to index
    %swap3A_1059 = tpu.vector_load %arg16[%swap3A_1058] {strides = array<i32>} : memref<512xi32, #tpu.memory_space<vmem>>, vector<16xi32>,
    tpu.vector_store %arg16[%swap3A_1058], %select_n3A_1057 {strides = array<i32>} : memref<512xi32, #tpu.memory_space<vmem>>, vector<16xi32>,
    %multiple_of3A_1060 = arith.constant 320 : i32
    %multiple_of3A_1061 = tpu.assume_multiple %multiple_of3A_1060, 16 : i32
    %get3A_1062 = arith.index_cast %multiple_of3A_1061 : i32 to index
    %get3A_1063 = tpu.vector_load %arg12[%get3A_1062] {strides = array<i32>} : memref<512xi32, #tpu.memory_space<vmem>>, vector<16xi32>,
    %and3A_1064 = arith.constant 127 : i32
    %and3A_1065 = vector.broadcast %and3A_1064 : i32 to vector<16xi32>
    %and3A_1066 = arith.andi %get3A_1063, %and3A_1065 : vector<16xi32>
    %and3A_1067 = arith.constant -128 : i32
    %and3A_1068 = vector.broadcast %and3A_1067 : i32 to vector<16xi32>
    %and3A_1069 = arith.andi %get3A_1063, %and3A_1068 : vector<16xi32>
    %mul3A_1070 = arith.constant 4 : i32
    %mul3A_1071 = vector.broadcast %mul3A_1070 : i32 to vector<16xi32>
    %mul3A_1072 = arith.muli %and3A_1069, %mul3A_1071 : vector<16xi32>
    %add3A_1073 = arith.addi %mul3A_1072, %and3A_1066 : vector<16xi32>
    %ge3A_1074 = arith.constant 99968 : i32
    %ge3A_1075 = vector.broadcast %ge3A_1074 : i32 to vector<16xi32>
    %ge3A_1076 = arith.cmpi sge, %get3A_1063, %ge3A_1075 : vector<16xi32>
    %sub3A_1077 = arith.constant 99968 : i32
    %sub3A_1078 = vector.broadcast %sub3A_1077 : i32 to vector<16xi32>
    %sub3A_1079 = arith.subi %get3A_1063, %sub3A_1078 : vector<16xi32>
    %add3A_1080 = arith.constant 399872 : i32
    %add3A_1081 = vector.broadcast %add3A_1080 : i32 to vector<16xi32>
    %add3A_1082 = arith.addi %add3A_1081, %sub3A_1079 : vector<16xi32>
    %select_n3A_1083 = arith.select %ge3A_1076, %add3A_1082, %add3A_1073 : vector<16xi1>, vector<16xi32>
    %swap3A_1084 = arith.index_cast %multiple_of3A_1061 : i32 to index
    %swap3A_1085 = tpu.vector_load %arg13[%swap3A_1084] {strides = array<i32>} : memref<512xi32, #tpu.memory_space<vmem>>, vector<16xi32>,
    tpu.vector_store %arg13[%swap3A_1084], %select_n3A_1083 {strides = array<i32>} : memref<512xi32, #tpu.memory_space<vmem>>, vector<16xi32>,
    %add3A_1086 = arith.constant 32 : i32
    %add3A_1087 = vector.broadcast %add3A_1086 : i32 to vector<16xi32>
    %add3A_1088 = arith.addi %add3A_1082, %add3A_1087 : vector<16xi32>
    %add3A_1089 = arith.constant 128 : i32
    %add3A_1090 = vector.broadcast %add3A_1089 : i32 to vector<16xi32>
    %add3A_1091 = arith.addi %add3A_1073, %add3A_1090 : vector<16xi32>
    %select_n3A_1092 = arith.select %ge3A_1076, %add3A_1088, %add3A_1091 : vector<16xi1>, vector<16xi32>
    %swap3A_1093 = arith.index_cast %multiple_of3A_1061 : i32 to index
    %swap3A_1094 = tpu.vector_load %arg14[%swap3A_1093] {strides = array<i32>} : memref<512xi32, #tpu.memory_space<vmem>>, vector<16xi32>,
    tpu.vector_store %arg14[%swap3A_1093], %select_n3A_1092 {strides = array<i32>} : memref<512xi32, #tpu.memory_space<vmem>>, vector<16xi32>,
    %add3A_1095 = arith.constant 64 : i32
    %add3A_1096 = vector.broadcast %add3A_1095 : i32 to vector<16xi32>
    %add3A_1097 = arith.addi %add3A_1082, %add3A_1096 : vector<16xi32>
    %add3A_1098 = arith.constant 256 : i32
    %add3A_1099 = vector.broadcast %add3A_1098 : i32 to vector<16xi32>
    %add3A_1100 = arith.addi %add3A_1073, %add3A_1099 : vector<16xi32>
    %select_n3A_1101 = arith.select %ge3A_1076, %add3A_1097, %add3A_1100 : vector<16xi1>, vector<16xi32>
    %swap3A_1102 = arith.index_cast %multiple_of3A_1061 : i32 to index
    %swap3A_1103 = tpu.vector_load %arg15[%swap3A_1102] {strides = array<i32>} : memref<512xi32, #tpu.memory_space<vmem>>, vector<16xi32>,
    tpu.vector_store %arg15[%swap3A_1102], %select_n3A_1101 {strides = array<i32>} : memref<512xi32, #tpu.memory_space<vmem>>, vector<16xi32>,
    %add3A_1104 = arith.constant 96 : i32
    %add3A_1105 = vector.broadcast %add3A_1104 : i32 to vector<16xi32>
    %add3A_1106 = arith.addi %add3A_1082, %add3A_1105 : vector<16xi32>
    %add3A_1107 = arith.constant 384 : i32
    %add3A_1108 = vector.broadcast %add3A_1107 : i32 to vector<16xi32>
    %add3A_1109 = arith.addi %add3A_1073, %add3A_1108 : vector<16xi32>
    %select_n3A_1110 = arith.select %ge3A_1076, %add3A_1106, %add3A_1109 : vector<16xi1>, vector<16xi32>
    %swap3A_1111 = arith.index_cast %multiple_of3A_1061 : i32 to index
    %swap3A_1112 = tpu.vector_load %arg16[%swap3A_1111] {strides = array<i32>} : memref<512xi32, #tpu.memory_space<vmem>>, vector<16xi32>,
    tpu.vector_store %arg16[%swap3A_1111], %select_n3A_1110 {strides = array<i32>} : memref<512xi32, #tpu.memory_space<vmem>>, vector<16xi32>,
    %multiple_of3A_1113 = arith.constant 336 : i32
    %multiple_of3A_1114 = tpu.assume_multiple %multiple_of3A_1113, 16 : i32
    %get3A_1115 = arith.index_cast %multiple_of3A_1114 : i32 to index
    %get3A_1116 = tpu.vector_load %arg12[%get3A_1115] {strides = array<i32>} : memref<512xi32, #tpu.memory_space<vmem>>, vector<16xi32>,
    %and3A_1117 = arith.constant 127 : i32
    %and3A_1118 = vector.broadcast %and3A_1117 : i32 to vector<16xi32>
    %and3A_1119 = arith.andi %get3A_1116, %and3A_1118 : vector<16xi32>
    %and3A_1120 = arith.constant -128 : i32
    %and3A_1121 = vector.broadcast %and3A_1120 : i32 to vector<16xi32>
    %and3A_1122 = arith.andi %get3A_1116, %and3A_1121 : vector<16xi32>
    %mul3A_1123 = arith.constant 4 : i32
    %mul3A_1124 = vector.broadcast %mul3A_1123 : i32 to vector<16xi32>
    %mul3A_1125 = arith.muli %and3A_1122, %mul3A_1124 : vector<16xi32>
    %add3A_1126 = arith.addi %mul3A_1125, %and3A_1119 : vector<16xi32>
    %ge3A_1127 = arith.constant 99968 : i32
    %ge3A_1128 = vector.broadcast %ge3A_1127 : i32 to vector<16xi32>
    %ge3A_1129 = arith.cmpi sge, %get3A_1116, %ge3A_1128 : vector<16xi32>
    %sub3A_1130 = arith.constant 99968 : i32
    %sub3A_1131 = vector.broadcast %sub3A_1130 : i32 to vector<16xi32>
    %sub3A_1132 = arith.subi %get3A_1116, %sub3A_1131 : vector<16xi32>
    %add3A_1133 = arith.constant 399872 : i32
    %add3A_1134 = vector.broadcast %add3A_1133 : i32 to vector<16xi32>
    %add3A_1135 = arith.addi %add3A_1134, %sub3A_1132 : vector<16xi32>
    %select_n3A_1136 = arith.select %ge3A_1129, %add3A_1135, %add3A_1126 : vector<16xi1>, vector<16xi32>
    %swap3A_1137 = arith.index_cast %multiple_of3A_1114 : i32 to index
    %swap3A_1138 = tpu.vector_load %arg13[%swap3A_1137] {strides = array<i32>} : memref<512xi32, #tpu.memory_space<vmem>>, vector<16xi32>,
    tpu.vector_store %arg13[%swap3A_1137], %select_n3A_1136 {strides = array<i32>} : memref<512xi32, #tpu.memory_space<vmem>>, vector<16xi32>,
    %add3A_1139 = arith.constant 32 : i32
    %add3A_1140 = vector.broadcast %add3A_1139 : i32 to vector<16xi32>
    %add3A_1141 = arith.addi %add3A_1135, %add3A_1140 : vector<16xi32>
    %add3A_1142 = arith.constant 128 : i32
    %add3A_1143 = vector.broadcast %add3A_1142 : i32 to vector<16xi32>
    %add3A_1144 = arith.addi %add3A_1126, %add3A_1143 : vector<16xi32>
    %select_n3A_1145 = arith.select %ge3A_1129, %add3A_1141, %add3A_1144 : vector<16xi1>, vector<16xi32>
    %swap3A_1146 = arith.index_cast %multiple_of3A_1114 : i32 to index
    %swap3A_1147 = tpu.vector_load %arg14[%swap3A_1146] {strides = array<i32>} : memref<512xi32, #tpu.memory_space<vmem>>, vector<16xi32>,
    tpu.vector_store %arg14[%swap3A_1146], %select_n3A_1145 {strides = array<i32>} : memref<512xi32, #tpu.memory_space<vmem>>, vector<16xi32>,
    %add3A_1148 = arith.constant 64 : i32
    %add3A_1149 = vector.broadcast %add3A_1148 : i32 to vector<16xi32>
    %add3A_1150 = arith.addi %add3A_1135, %add3A_1149 : vector<16xi32>
    %add3A_1151 = arith.constant 256 : i32
    %add3A_1152 = vector.broadcast %add3A_1151 : i32 to vector<16xi32>
    %add3A_1153 = arith.addi %add3A_1126, %add3A_1152 : vector<16xi32>
    %select_n3A_1154 = arith.select %ge3A_1129, %add3A_1150, %add3A_1153 : vector<16xi1>, vector<16xi32>
    %swap3A_1155 = arith.index_cast %multiple_of3A_1114 : i32 to index
    %swap3A_1156 = tpu.vector_load %arg15[%swap3A_1155] {strides = array<i32>} : memref<512xi32, #tpu.memory_space<vmem>>, vector<16xi32>,
    tpu.vector_store %arg15[%swap3A_1155], %select_n3A_1154 {strides = array<i32>} : memref<512xi32, #tpu.memory_space<vmem>>, vector<16xi32>,
    %add3A_1157 = arith.constant 96 : i32
    %add3A_1158 = vector.broadcast %add3A_1157 : i32 to vector<16xi32>
    %add3A_1159 = arith.addi %add3A_1135, %add3A_1158 : vector<16xi32>
    %add3A_1160 = arith.constant 384 : i32
    %add3A_1161 = vector.broadcast %add3A_1160 : i32 to vector<16xi32>
    %add3A_1162 = arith.addi %add3A_1126, %add3A_1161 : vector<16xi32>
    %select_n3A_1163 = arith.select %ge3A_1129, %add3A_1159, %add3A_1162 : vector<16xi1>, vector<16xi32>
    %swap3A_1164 = arith.index_cast %multiple_of3A_1114 : i32 to index
    %swap3A_1165 = tpu.vector_load %arg16[%swap3A_1164] {strides = array<i32>} : memref<512xi32, #tpu.memory_space<vmem>>, vector<16xi32>,
    tpu.vector_store %arg16[%swap3A_1164], %select_n3A_1163 {strides = array<i32>} : memref<512xi32, #tpu.memory_space<vmem>>, vector<16xi32>,
    %multiple_of3A_1166 = arith.constant 352 : i32
    %multiple_of3A_1167 = tpu.assume_multiple %multiple_of3A_1166, 16 : i32
    %get3A_1168 = arith.index_cast %multiple_of3A_1167 : i32 to index
    %get3A_1169 = tpu.vector_load %arg12[%get3A_1168] {strides = array<i32>} : memref<512xi32, #tpu.memory_space<vmem>>, vector<16xi32>,
    %and3A_1170 = arith.constant 127 : i32
    %and3A_1171 = vector.broadcast %and3A_1170 : i32 to vector<16xi32>
    %and3A_1172 = arith.andi %get3A_1169, %and3A_1171 : vector<16xi32>
    %and3A_1173 = arith.constant -128 : i32
    %and3A_1174 = vector.broadcast %and3A_1173 : i32 to vector<16xi32>
    %and3A_1175 = arith.andi %get3A_1169, %and3A_1174 : vector<16xi32>
    %mul3A_1176 = arith.constant 4 : i32
    %mul3A_1177 = vector.broadcast %mul3A_1176 : i32 to vector<16xi32>
    %mul3A_1178 = arith.muli %and3A_1175, %mul3A_1177 : vector<16xi32>
    %add3A_1179 = arith.addi %mul3A_1178, %and3A_1172 : vector<16xi32>
    %ge3A_1180 = arith.constant 99968 : i32
    %ge3A_1181 = vector.broadcast %ge3A_1180 : i32 to vector<16xi32>
    %ge3A_1182 = arith.cmpi sge, %get3A_1169, %ge3A_1181 : vector<16xi32>
    %sub3A_1183 = arith.constant 99968 : i32
    %sub3A_1184 = vector.broadcast %sub3A_1183 : i32 to vector<16xi32>
    %sub3A_1185 = arith.subi %get3A_1169, %sub3A_1184 : vector<16xi32>
    %add3A_1186 = arith.constant 399872 : i32
    %add3A_1187 = vector.broadcast %add3A_1186 : i32 to vector<16xi32>
    %add3A_1188 = arith.addi %add3A_1187, %sub3A_1185 : vector<16xi32>
    %select_n3A_1189 = arith.select %ge3A_1182, %add3A_1188, %add3A_1179 : vector<16xi1>, vector<16xi32>
    %swap3A_1190 = arith.index_cast %multiple_of3A_1167 : i32 to index
    %swap3A_1191 = tpu.vector_load %arg13[%swap3A_1190] {strides = array<i32>} : memref<512xi32, #tpu.memory_space<vmem>>, vector<16xi32>,
    tpu.vector_store %arg13[%swap3A_1190], %select_n3A_1189 {strides = array<i32>} : memref<512xi32, #tpu.memory_space<vmem>>, vector<16xi32>,
    %add3A_1192 = arith.constant 32 : i32
    %add3A_1193 = vector.broadcast %add3A_1192 : i32 to vector<16xi32>
    %add3A_1194 = arith.addi %add3A_1188, %add3A_1193 : vector<16xi32>
    %add3A_1195 = arith.constant 128 : i32
    %add3A_1196 = vector.broadcast %add3A_1195 : i32 to vector<16xi32>
    %add3A_1197 = arith.addi %add3A_1179, %add3A_1196 : vector<16xi32>
    %select_n3A_1198 = arith.select %ge3A_1182, %add3A_1194, %add3A_1197 : vector<16xi1>, vector<16xi32>
    %swap3A_1199 = arith.index_cast %multiple_of3A_1167 : i32 to index
    %swap3A_1200 = tpu.vector_load %arg14[%swap3A_1199] {strides = array<i32>} : memref<512xi32, #tpu.memory_space<vmem>>, vector<16xi32>,
    tpu.vector_store %arg14[%swap3A_1199], %select_n3A_1198 {strides = array<i32>} : memref<512xi32, #tpu.memory_space<vmem>>, vector<16xi32>,
    %add3A_1201 = arith.constant 64 : i32
    %add3A_1202 = vector.broadcast %add3A_1201 : i32 to vector<16xi32>
    %add3A_1203 = arith.addi %add3A_1188, %add3A_1202 : vector<16xi32>
    %add3A_1204 = arith.constant 256 : i32
    %add3A_1205 = vector.broadcast %add3A_1204 : i32 to vector<16xi32>
    %add3A_1206 = arith.addi %add3A_1179, %add3A_1205 : vector<16xi32>
    %select_n3A_1207 = arith.select %ge3A_1182, %add3A_1203, %add3A_1206 : vector<16xi1>, vector<16xi32>
    %swap3A_1208 = arith.index_cast %multiple_of3A_1167 : i32 to index
    %swap3A_1209 = tpu.vector_load %arg15[%swap3A_1208] {strides = array<i32>} : memref<512xi32, #tpu.memory_space<vmem>>, vector<16xi32>,
    tpu.vector_store %arg15[%swap3A_1208], %select_n3A_1207 {strides = array<i32>} : memref<512xi32, #tpu.memory_space<vmem>>, vector<16xi32>,
    %add3A_1210 = arith.constant 96 : i32
    %add3A_1211 = vector.broadcast %add3A_1210 : i32 to vector<16xi32>
    %add3A_1212 = arith.addi %add3A_1188, %add3A_1211 : vector<16xi32>
    %add3A_1213 = arith.constant 384 : i32
    %add3A_1214 = vector.broadcast %add3A_1213 : i32 to vector<16xi32>
    %add3A_1215 = arith.addi %add3A_1179, %add3A_1214 : vector<16xi32>
    %select_n3A_1216 = arith.select %ge3A_1182, %add3A_1212, %add3A_1215 : vector<16xi1>, vector<16xi32>
    %swap3A_1217 = arith.index_cast %multiple_of3A_1167 : i32 to index
    %swap3A_1218 = tpu.vector_load %arg16[%swap3A_1217] {strides = array<i32>} : memref<512xi32, #tpu.memory_space<vmem>>, vector<16xi32>,
    tpu.vector_store %arg16[%swap3A_1217], %select_n3A_1216 {strides = array<i32>} : memref<512xi32, #tpu.memory_space<vmem>>, vector<16xi32>,
    %multiple_of3A_1219 = arith.constant 368 : i32
    %multiple_of3A_1220 = tpu.assume_multiple %multiple_of3A_1219, 16 : i32
    %get3A_1221 = arith.index_cast %multiple_of3A_1220 : i32 to index
    %get3A_1222 = tpu.vector_load %arg12[%get3A_1221] {strides = array<i32>} : memref<512xi32, #tpu.memory_space<vmem>>, vector<16xi32>,
    %and3A_1223 = arith.constant 127 : i32
    %and3A_1224 = vector.broadcast %and3A_1223 : i32 to vector<16xi32>
    %and3A_1225 = arith.andi %get3A_1222, %and3A_1224 : vector<16xi32>
    %and3A_1226 = arith.constant -128 : i32
    %and3A_1227 = vector.broadcast %and3A_1226 : i32 to vector<16xi32>
    %and3A_1228 = arith.andi %get3A_1222, %and3A_1227 : vector<16xi32>
    %mul3A_1229 = arith.constant 4 : i32
    %mul3A_1230 = vector.broadcast %mul3A_1229 : i32 to vector<16xi32>
    %mul3A_1231 = arith.muli %and3A_1228, %mul3A_1230 : vector<16xi32>
    %add3A_1232 = arith.addi %mul3A_1231, %and3A_1225 : vector<16xi32>
    %ge3A_1233 = arith.constant 99968 : i32
    %ge3A_1234 = vector.broadcast %ge3A_1233 : i32 to vector<16xi32>
    %ge3A_1235 = arith.cmpi sge, %get3A_1222, %ge3A_1234 : vector<16xi32>
    %sub3A_1236 = arith.constant 99968 : i32
    %sub3A_1237 = vector.broadcast %sub3A_1236 : i32 to vector<16xi32>
    %sub3A_1238 = arith.subi %get3A_1222, %sub3A_1237 : vector<16xi32>
    %add3A_1239 = arith.constant 399872 : i32
    %add3A_1240 = vector.broadcast %add3A_1239 : i32 to vector<16xi32>
    %add3A_1241 = arith.addi %add3A_1240, %sub3A_1238 : vector<16xi32>
    %select_n3A_1242 = arith.select %ge3A_1235, %add3A_1241, %add3A_1232 : vector<16xi1>, vector<16xi32>
    %swap3A_1243 = arith.index_cast %multiple_of3A_1220 : i32 to index
    %swap3A_1244 = tpu.vector_load %arg13[%swap3A_1243] {strides = array<i32>} : memref<512xi32, #tpu.memory_space<vmem>>, vector<16xi32>,
    tpu.vector_store %arg13[%swap3A_1243], %select_n3A_1242 {strides = array<i32>} : memref<512xi32, #tpu.memory_space<vmem>>, vector<16xi32>,
    %add3A_1245 = arith.constant 32 : i32
    %add3A_1246 = vector.broadcast %add3A_1245 : i32 to vector<16xi32>
    %add3A_1247 = arith.addi %add3A_1241, %add3A_1246 : vector<16xi32>
    %add3A_1248 = arith.constant 128 : i32
    %add3A_1249 = vector.broadcast %add3A_1248 : i32 to vector<16xi32>
    %add3A_1250 = arith.addi %add3A_1232, %add3A_1249 : vector<16xi32>
    %select_n3A_1251 = arith.select %ge3A_1235, %add3A_1247, %add3A_1250 : vector<16xi1>, vector<16xi32>
    %swap3A_1252 = arith.index_cast %multiple_of3A_1220 : i32 to index
    %swap3A_1253 = tpu.vector_load %arg14[%swap3A_1252] {strides = array<i32>} : memref<512xi32, #tpu.memory_space<vmem>>, vector<16xi32>,
    tpu.vector_store %arg14[%swap3A_1252], %select_n3A_1251 {strides = array<i32>} : memref<512xi32, #tpu.memory_space<vmem>>, vector<16xi32>,
    %add3A_1254 = arith.constant 64 : i32
    %add3A_1255 = vector.broadcast %add3A_1254 : i32 to vector<16xi32>
    %add3A_1256 = arith.addi %add3A_1241, %add3A_1255 : vector<16xi32>
    %add3A_1257 = arith.constant 256 : i32
    %add3A_1258 = vector.broadcast %add3A_1257 : i32 to vector<16xi32>
    %add3A_1259 = arith.addi %add3A_1232, %add3A_1258 : vector<16xi32>
    %select_n3A_1260 = arith.select %ge3A_1235, %add3A_1256, %add3A_1259 : vector<16xi1>, vector<16xi32>
    %swap3A_1261 = arith.index_cast %multiple_of3A_1220 : i32 to index
    %swap3A_1262 = tpu.vector_load %arg15[%swap3A_1261] {strides = array<i32>} : memref<512xi32, #tpu.memory_space<vmem>>, vector<16xi32>,
    tpu.vector_store %arg15[%swap3A_1261], %select_n3A_1260 {strides = array<i32>} : memref<512xi32, #tpu.memory_space<vmem>>, vector<16xi32>,
    %add3A_1263 = arith.constant 96 : i32
    %add3A_1264 = vector.broadcast %add3A_1263 : i32 to vector<16xi32>
    %add3A_1265 = arith.addi %add3A_1241, %add3A_1264 : vector<16xi32>
    %add3A_1266 = arith.constant 384 : i32
    %add3A_1267 = vector.broadcast %add3A_1266 : i32 to vector<16xi32>
    %add3A_1268 = arith.addi %add3A_1232, %add3A_1267 : vector<16xi32>
    %select_n3A_1269 = arith.select %ge3A_1235, %add3A_1265, %add3A_1268 : vector<16xi1>, vector<16xi32>
    %swap3A_1270 = arith.index_cast %multiple_of3A_1220 : i32 to index
    %swap3A_1271 = tpu.vector_load %arg16[%swap3A_1270] {strides = array<i32>} : memref<512xi32, #tpu.memory_space<vmem>>, vector<16xi32>,
    tpu.vector_store %arg16[%swap3A_1270], %select_n3A_1269 {strides = array<i32>} : memref<512xi32, #tpu.memory_space<vmem>>, vector<16xi32>,
    %multiple_of3A_1272 = arith.constant 384 : i32
    %multiple_of3A_1273 = tpu.assume_multiple %multiple_of3A_1272, 16 : i32
    %get3A_1274 = arith.index_cast %multiple_of3A_1273 : i32 to index
    %get3A_1275 = tpu.vector_load %arg12[%get3A_1274] {strides = array<i32>} : memref<512xi32, #tpu.memory_space<vmem>>, vector<16xi32>,
    %and3A_1276 = arith.constant 127 : i32
    %and3A_1277 = vector.broadcast %and3A_1276 : i32 to vector<16xi32>
    %and3A_1278 = arith.andi %get3A_1275, %and3A_1277 : vector<16xi32>
    %and3A_1279 = arith.constant -128 : i32
    %and3A_1280 = vector.broadcast %and3A_1279 : i32 to vector<16xi32>
    %and3A_1281 = arith.andi %get3A_1275, %and3A_1280 : vector<16xi32>
    %mul3A_1282 = arith.constant 4 : i32
    %mul3A_1283 = vector.broadcast %mul3A_1282 : i32 to vector<16xi32>
    %mul3A_1284 = arith.muli %and3A_1281, %mul3A_1283 : vector<16xi32>
    %add3A_1285 = arith.addi %mul3A_1284, %and3A_1278 : vector<16xi32>
    %ge3A_1286 = arith.constant 99968 : i32
    %ge3A_1287 = vector.broadcast %ge3A_1286 : i32 to vector<16xi32>
    %ge3A_1288 = arith.cmpi sge, %get3A_1275, %ge3A_1287 : vector<16xi32>
    %sub3A_1289 = arith.constant 99968 : i32
    %sub3A_1290 = vector.broadcast %sub3A_1289 : i32 to vector<16xi32>
    %sub3A_1291 = arith.subi %get3A_1275, %sub3A_1290 : vector<16xi32>
    %add3A_1292 = arith.constant 399872 : i32
    %add3A_1293 = vector.broadcast %add3A_1292 : i32 to vector<16xi32>
    %add3A_1294 = arith.addi %add3A_1293, %sub3A_1291 : vector<16xi32>
    %select_n3A_1295 = arith.select %ge3A_1288, %add3A_1294, %add3A_1285 : vector<16xi1>, vector<16xi32>
    %swap3A_1296 = arith.index_cast %multiple_of3A_1273 : i32 to index
    %swap3A_1297 = tpu.vector_load %arg13[%swap3A_1296] {strides = array<i32>} : memref<512xi32, #tpu.memory_space<vmem>>, vector<16xi32>,
    tpu.vector_store %arg13[%swap3A_1296], %select_n3A_1295 {strides = array<i32>} : memref<512xi32, #tpu.memory_space<vmem>>, vector<16xi32>,
    %add3A_1298 = arith.constant 32 : i32
    %add3A_1299 = vector.broadcast %add3A_1298 : i32 to vector<16xi32>
    %add3A_1300 = arith.addi %add3A_1294, %add3A_1299 : vector<16xi32>
    %add3A_1301 = arith.constant 128 : i32
    %add3A_1302 = vector.broadcast %add3A_1301 : i32 to vector<16xi32>
    %add3A_1303 = arith.addi %add3A_1285, %add3A_1302 : vector<16xi32>
    %select_n3A_1304 = arith.select %ge3A_1288, %add3A_1300, %add3A_1303 : vector<16xi1>, vector<16xi32>
    %swap3A_1305 = arith.index_cast %multiple_of3A_1273 : i32 to index
    %swap3A_1306 = tpu.vector_load %arg14[%swap3A_1305] {strides = array<i32>} : memref<512xi32, #tpu.memory_space<vmem>>, vector<16xi32>,
    tpu.vector_store %arg14[%swap3A_1305], %select_n3A_1304 {strides = array<i32>} : memref<512xi32, #tpu.memory_space<vmem>>, vector<16xi32>,
    %add3A_1307 = arith.constant 64 : i32
    %add3A_1308 = vector.broadcast %add3A_1307 : i32 to vector<16xi32>
    %add3A_1309 = arith.addi %add3A_1294, %add3A_1308 : vector<16xi32>
    %add3A_1310 = arith.constant 256 : i32
    %add3A_1311 = vector.broadcast %add3A_1310 : i32 to vector<16xi32>
    %add3A_1312 = arith.addi %add3A_1285, %add3A_1311 : vector<16xi32>
    %select_n3A_1313 = arith.select %ge3A_1288, %add3A_1309, %add3A_1312 : vector<16xi1>, vector<16xi32>
    %swap3A_1314 = arith.index_cast %multiple_of3A_1273 : i32 to index
    %swap3A_1315 = tpu.vector_load %arg15[%swap3A_1314] {strides = array<i32>} : memref<512xi32, #tpu.memory_space<vmem>>, vector<16xi32>,
    tpu.vector_store %arg15[%swap3A_1314], %select_n3A_1313 {strides = array<i32>} : memref<512xi32, #tpu.memory_space<vmem>>, vector<16xi32>,
    %add3A_1316 = arith.constant 96 : i32
    %add3A_1317 = vector.broadcast %add3A_1316 : i32 to vector<16xi32>
    %add3A_1318 = arith.addi %add3A_1294, %add3A_1317 : vector<16xi32>
    %add3A_1319 = arith.constant 384 : i32
    %add3A_1320 = vector.broadcast %add3A_1319 : i32 to vector<16xi32>
    %add3A_1321 = arith.addi %add3A_1285, %add3A_1320 : vector<16xi32>
    %select_n3A_1322 = arith.select %ge3A_1288, %add3A_1318, %add3A_1321 : vector<16xi1>, vector<16xi32>
    %swap3A_1323 = arith.index_cast %multiple_of3A_1273 : i32 to index
    %swap3A_1324 = tpu.vector_load %arg16[%swap3A_1323] {strides = array<i32>} : memref<512xi32, #tpu.memory_space<vmem>>, vector<16xi32>,
    tpu.vector_store %arg16[%swap3A_1323], %select_n3A_1322 {strides = array<i32>} : memref<512xi32, #tpu.memory_space<vmem>>, vector<16xi32>,
    %multiple_of3A_1325 = arith.constant 400 : i32
    %multiple_of3A_1326 = tpu.assume_multiple %multiple_of3A_1325, 16 : i32
    %get3A_1327 = arith.index_cast %multiple_of3A_1326 : i32 to index
    %get3A_1328 = tpu.vector_load %arg12[%get3A_1327] {strides = array<i32>} : memref<512xi32, #tpu.memory_space<vmem>>, vector<16xi32>,
    %and3A_1329 = arith.constant 127 : i32
    %and3A_1330 = vector.broadcast %and3A_1329 : i32 to vector<16xi32>
    %and3A_1331 = arith.andi %get3A_1328, %and3A_1330 : vector<16xi32>
    %and3A_1332 = arith.constant -128 : i32
    %and3A_1333 = vector.broadcast %and3A_1332 : i32 to vector<16xi32>
    %and3A_1334 = arith.andi %get3A_1328, %and3A_1333 : vector<16xi32>
    %mul3A_1335 = arith.constant 4 : i32
    %mul3A_1336 = vector.broadcast %mul3A_1335 : i32 to vector<16xi32>
    %mul3A_1337 = arith.muli %and3A_1334, %mul3A_1336 : vector<16xi32>
    %add3A_1338 = arith.addi %mul3A_1337, %and3A_1331 : vector<16xi32>
    %ge3A_1339 = arith.constant 99968 : i32
    %ge3A_1340 = vector.broadcast %ge3A_1339 : i32 to vector<16xi32>
    %ge3A_1341 = arith.cmpi sge, %get3A_1328, %ge3A_1340 : vector<16xi32>
    %sub3A_1342 = arith.constant 99968 : i32
    %sub3A_1343 = vector.broadcast %sub3A_1342 : i32 to vector<16xi32>
    %sub3A_1344 = arith.subi %get3A_1328, %sub3A_1343 : vector<16xi32>
    %add3A_1345 = arith.constant 399872 : i32
    %add3A_1346 = vector.broadcast %add3A_1345 : i32 to vector<16xi32>
    %add3A_1347 = arith.addi %add3A_1346, %sub3A_1344 : vector<16xi32>
    %select_n3A_1348 = arith.select %ge3A_1341, %add3A_1347, %add3A_1338 : vector<16xi1>, vector<16xi32>
    %swap3A_1349 = arith.index_cast %multiple_of3A_1326 : i32 to index
    %swap3A_1350 = tpu.vector_load %arg13[%swap3A_1349] {strides = array<i32>} : memref<512xi32, #tpu.memory_space<vmem>>, vector<16xi32>,
    tpu.vector_store %arg13[%swap3A_1349], %select_n3A_1348 {strides = array<i32>} : memref<512xi32, #tpu.memory_space<vmem>>, vector<16xi32>,
    %add3A_1351 = arith.constant 32 : i32
    %add3A_1352 = vector.broadcast %add3A_1351 : i32 to vector<16xi32>
    %add3A_1353 = arith.addi %add3A_1347, %add3A_1352 : vector<16xi32>
    %add3A_1354 = arith.constant 128 : i32
    %add3A_1355 = vector.broadcast %add3A_1354 : i32 to vector<16xi32>
    %add3A_1356 = arith.addi %add3A_1338, %add3A_1355 : vector<16xi32>
    %select_n3A_1357 = arith.select %ge3A_1341, %add3A_1353, %add3A_1356 : vector<16xi1>, vector<16xi32>
    %swap3A_1358 = arith.index_cast %multiple_of3A_1326 : i32 to index
    %swap3A_1359 = tpu.vector_load %arg14[%swap3A_1358] {strides = array<i32>} : memref<512xi32, #tpu.memory_space<vmem>>, vector<16xi32>,
    tpu.vector_store %arg14[%swap3A_1358], %select_n3A_1357 {strides = array<i32>} : memref<512xi32, #tpu.memory_space<vmem>>, vector<16xi32>,
    %add3A_1360 = arith.constant 64 : i32
    %add3A_1361 = vector.broadcast %add3A_1360 : i32 to vector<16xi32>
    %add3A_1362 = arith.addi %add3A_1347, %add3A_1361 : vector<16xi32>
    %add3A_1363 = arith.constant 256 : i32
    %add3A_1364 = vector.broadcast %add3A_1363 : i32 to vector<16xi32>
    %add3A_1365 = arith.addi %add3A_1338, %add3A_1364 : vector<16xi32>
    %select_n3A_1366 = arith.select %ge3A_1341, %add3A_1362, %add3A_1365 : vector<16xi1>, vector<16xi32>
    %swap3A_1367 = arith.index_cast %multiple_of3A_1326 : i32 to index
    %swap3A_1368 = tpu.vector_load %arg15[%swap3A_1367] {strides = array<i32>} : memref<512xi32, #tpu.memory_space<vmem>>, vector<16xi32>,
    tpu.vector_store %arg15[%swap3A_1367], %select_n3A_1366 {strides = array<i32>} : memref<512xi32, #tpu.memory_space<vmem>>, vector<16xi32>,
    %add3A_1369 = arith.constant 96 : i32
    %add3A_1370 = vector.broadcast %add3A_1369 : i32 to vector<16xi32>
    %add3A_1371 = arith.addi %add3A_1347, %add3A_1370 : vector<16xi32>
    %add3A_1372 = arith.constant 384 : i32
    %add3A_1373 = vector.broadcast %add3A_1372 : i32 to vector<16xi32>
    %add3A_1374 = arith.addi %add3A_1338, %add3A_1373 : vector<16xi32>
    %select_n3A_1375 = arith.select %ge3A_1341, %add3A_1371, %add3A_1374 : vector<16xi1>, vector<16xi32>
    %swap3A_1376 = arith.index_cast %multiple_of3A_1326 : i32 to index
    %swap3A_1377 = tpu.vector_load %arg16[%swap3A_1376] {strides = array<i32>} : memref<512xi32, #tpu.memory_space<vmem>>, vector<16xi32>,
    tpu.vector_store %arg16[%swap3A_1376], %select_n3A_1375 {strides = array<i32>} : memref<512xi32, #tpu.memory_space<vmem>>, vector<16xi32>,
    %multiple_of3A_1378 = arith.constant 416 : i32
    %multiple_of3A_1379 = tpu.assume_multiple %multiple_of3A_1378, 16 : i32
    %get3A_1380 = arith.index_cast %multiple_of3A_1379 : i32 to index
    %get3A_1381 = tpu.vector_load %arg12[%get3A_1380] {strides = array<i32>} : memref<512xi32, #tpu.memory_space<vmem>>, vector<16xi32>,
    %and3A_1382 = arith.constant 127 : i32
    %and3A_1383 = vector.broadcast %and3A_1382 : i32 to vector<16xi32>
    %and3A_1384 = arith.andi %get3A_1381, %and3A_1383 : vector<16xi32>
    %and3A_1385 = arith.constant -128 : i32
    %and3A_1386 = vector.broadcast %and3A_1385 : i32 to vector<16xi32>
    %and3A_1387 = arith.andi %get3A_1381, %and3A_1386 : vector<16xi32>
    %mul3A_1388 = arith.constant 4 : i32
    %mul3A_1389 = vector.broadcast %mul3A_1388 : i32 to vector<16xi32>
    %mul3A_1390 = arith.muli %and3A_1387, %mul3A_1389 : vector<16xi32>
    %add3A_1391 = arith.addi %mul3A_1390, %and3A_1384 : vector<16xi32>
    %ge3A_1392 = arith.constant 99968 : i32
    %ge3A_1393 = vector.broadcast %ge3A_1392 : i32 to vector<16xi32>
    %ge3A_1394 = arith.cmpi sge, %get3A_1381, %ge3A_1393 : vector<16xi32>
    %sub3A_1395 = arith.constant 99968 : i32
    %sub3A_1396 = vector.broadcast %sub3A_1395 : i32 to vector<16xi32>
    %sub3A_1397 = arith.subi %get3A_1381, %sub3A_1396 : vector<16xi32>
    %add3A_1398 = arith.constant 399872 : i32
    %add3A_1399 = vector.broadcast %add3A_1398 : i32 to vector<16xi32>
    %add3A_1400 = arith.addi %add3A_1399, %sub3A_1397 : vector<16xi32>
    %select_n3A_1401 = arith.select %ge3A_1394, %add3A_1400, %add3A_1391 : vector<16xi1>, vector<16xi32>
    %swap3A_1402 = arith.index_cast %multiple_of3A_1379 : i32 to index
    %swap3A_1403 = tpu.vector_load %arg13[%swap3A_1402] {strides = array<i32>} : memref<512xi32, #tpu.memory_space<vmem>>, vector<16xi32>,
    tpu.vector_store %arg13[%swap3A_1402], %select_n3A_1401 {strides = array<i32>} : memref<512xi32, #tpu.memory_space<vmem>>, vector<16xi32>,
    %add3A_1404 = arith.constant 32 : i32
    %add3A_1405 = vector.broadcast %add3A_1404 : i32 to vector<16xi32>
    %add3A_1406 = arith.addi %add3A_1400, %add3A_1405 : vector<16xi32>
    %add3A_1407 = arith.constant 128 : i32
    %add3A_1408 = vector.broadcast %add3A_1407 : i32 to vector<16xi32>
    %add3A_1409 = arith.addi %add3A_1391, %add3A_1408 : vector<16xi32>
    %select_n3A_1410 = arith.select %ge3A_1394, %add3A_1406, %add3A_1409 : vector<16xi1>, vector<16xi32>
    %swap3A_1411 = arith.index_cast %multiple_of3A_1379 : i32 to index
    %swap3A_1412 = tpu.vector_load %arg14[%swap3A_1411] {strides = array<i32>} : memref<512xi32, #tpu.memory_space<vmem>>, vector<16xi32>,
    tpu.vector_store %arg14[%swap3A_1411], %select_n3A_1410 {strides = array<i32>} : memref<512xi32, #tpu.memory_space<vmem>>, vector<16xi32>,
    %add3A_1413 = arith.constant 64 : i32
    %add3A_1414 = vector.broadcast %add3A_1413 : i32 to vector<16xi32>
    %add3A_1415 = arith.addi %add3A_1400, %add3A_1414 : vector<16xi32>
    %add3A_1416 = arith.constant 256 : i32
    %add3A_1417 = vector.broadcast %add3A_1416 : i32 to vector<16xi32>
    %add3A_1418 = arith.addi %add3A_1391, %add3A_1417 : vector<16xi32>
    %select_n3A_1419 = arith.select %ge3A_1394, %add3A_1415, %add3A_1418 : vector<16xi1>, vector<16xi32>
    %swap3A_1420 = arith.index_cast %multiple_of3A_1379 : i32 to index
    %swap3A_1421 = tpu.vector_load %arg15[%swap3A_1420] {strides = array<i32>} : memref<512xi32, #tpu.memory_space<vmem>>, vector<16xi32>,
    tpu.vector_store %arg15[%swap3A_1420], %select_n3A_1419 {strides = array<i32>} : memref<512xi32, #tpu.memory_space<vmem>>, vector<16xi32>,
    %add3A_1422 = arith.constant 96 : i32
    %add3A_1423 = vector.broadcast %add3A_1422 : i32 to vector<16xi32>
    %add3A_1424 = arith.addi %add3A_1400, %add3A_1423 : vector<16xi32>
    %add3A_1425 = arith.constant 384 : i32
    %add3A_1426 = vector.broadcast %add3A_1425 : i32 to vector<16xi32>
    %add3A_1427 = arith.addi %add3A_1391, %add3A_1426 : vector<16xi32>
    %select_n3A_1428 = arith.select %ge3A_1394, %add3A_1424, %add3A_1427 : vector<16xi1>, vector<16xi32>
    %swap3A_1429 = arith.index_cast %multiple_of3A_1379 : i32 to index
    %swap3A_1430 = tpu.vector_load %arg16[%swap3A_1429] {strides = array<i32>} : memref<512xi32, #tpu.memory_space<vmem>>, vector<16xi32>,
    tpu.vector_store %arg16[%swap3A_1429], %select_n3A_1428 {strides = array<i32>} : memref<512xi32, #tpu.memory_space<vmem>>, vector<16xi32>,
    %multiple_of3A_1431 = arith.constant 432 : i32
    %multiple_of3A_1432 = tpu.assume_multiple %multiple_of3A_1431, 16 : i32
    %get3A_1433 = arith.index_cast %multiple_of3A_1432 : i32 to index
    %get3A_1434 = tpu.vector_load %arg12[%get3A_1433] {strides = array<i32>} : memref<512xi32, #tpu.memory_space<vmem>>, vector<16xi32>,
    %and3A_1435 = arith.constant 127 : i32
    %and3A_1436 = vector.broadcast %and3A_1435 : i32 to vector<16xi32>
    %and3A_1437 = arith.andi %get3A_1434, %and3A_1436 : vector<16xi32>
    %and3A_1438 = arith.constant -128 : i32
    %and3A_1439 = vector.broadcast %and3A_1438 : i32 to vector<16xi32>
    %and3A_1440 = arith.andi %get3A_1434, %and3A_1439 : vector<16xi32>
    %mul3A_1441 = arith.constant 4 : i32
    %mul3A_1442 = vector.broadcast %mul3A_1441 : i32 to vector<16xi32>
    %mul3A_1443 = arith.muli %and3A_1440, %mul3A_1442 : vector<16xi32>
    %add3A_1444 = arith.addi %mul3A_1443, %and3A_1437 : vector<16xi32>
    %ge3A_1445 = arith.constant 99968 : i32
    %ge3A_1446 = vector.broadcast %ge3A_1445 : i32 to vector<16xi32>
    %ge3A_1447 = arith.cmpi sge, %get3A_1434, %ge3A_1446 : vector<16xi32>
    %sub3A_1448 = arith.constant 99968 : i32
    %sub3A_1449 = vector.broadcast %sub3A_1448 : i32 to vector<16xi32>
    %sub3A_1450 = arith.subi %get3A_1434, %sub3A_1449 : vector<16xi32>
    %add3A_1451 = arith.constant 399872 : i32
    %add3A_1452 = vector.broadcast %add3A_1451 : i32 to vector<16xi32>
    %add3A_1453 = arith.addi %add3A_1452, %sub3A_1450 : vector<16xi32>
    %select_n3A_1454 = arith.select %ge3A_1447, %add3A_1453, %add3A_1444 : vector<16xi1>, vector<16xi32>
    %swap3A_1455 = arith.index_cast %multiple_of3A_1432 : i32 to index
    %swap3A_1456 = tpu.vector_load %arg13[%swap3A_1455] {strides = array<i32>} : memref<512xi32, #tpu.memory_space<vmem>>, vector<16xi32>,
    tpu.vector_store %arg13[%swap3A_1455], %select_n3A_1454 {strides = array<i32>} : memref<512xi32, #tpu.memory_space<vmem>>, vector<16xi32>,
    %add3A_1457 = arith.constant 32 : i32
    %add3A_1458 = vector.broadcast %add3A_1457 : i32 to vector<16xi32>
    %add3A_1459 = arith.addi %add3A_1453, %add3A_1458 : vector<16xi32>
    %add3A_1460 = arith.constant 128 : i32
    %add3A_1461 = vector.broadcast %add3A_1460 : i32 to vector<16xi32>
    %add3A_1462 = arith.addi %add3A_1444, %add3A_1461 : vector<16xi32>
    %select_n3A_1463 = arith.select %ge3A_1447, %add3A_1459, %add3A_1462 : vector<16xi1>, vector<16xi32>
    %swap3A_1464 = arith.index_cast %multiple_of3A_1432 : i32 to index
    %swap3A_1465 = tpu.vector_load %arg14[%swap3A_1464] {strides = array<i32>} : memref<512xi32, #tpu.memory_space<vmem>>, vector<16xi32>,
    tpu.vector_store %arg14[%swap3A_1464], %select_n3A_1463 {strides = array<i32>} : memref<512xi32, #tpu.memory_space<vmem>>, vector<16xi32>,
    %add3A_1466 = arith.constant 64 : i32
    %add3A_1467 = vector.broadcast %add3A_1466 : i32 to vector<16xi32>
    %add3A_1468 = arith.addi %add3A_1453, %add3A_1467 : vector<16xi32>
    %add3A_1469 = arith.constant 256 : i32
    %add3A_1470 = vector.broadcast %add3A_1469 : i32 to vector<16xi32>
    %add3A_1471 = arith.addi %add3A_1444, %add3A_1470 : vector<16xi32>
    %select_n3A_1472 = arith.select %ge3A_1447, %add3A_1468, %add3A_1471 : vector<16xi1>, vector<16xi32>
    %swap3A_1473 = arith.index_cast %multiple_of3A_1432 : i32 to index
    %swap3A_1474 = tpu.vector_load %arg15[%swap3A_1473] {strides = array<i32>} : memref<512xi32, #tpu.memory_space<vmem>>, vector<16xi32>,
    tpu.vector_store %arg15[%swap3A_1473], %select_n3A_1472 {strides = array<i32>} : memref<512xi32, #tpu.memory_space<vmem>>, vector<16xi32>,
    %add3A_1475 = arith.constant 96 : i32
    %add3A_1476 = vector.broadcast %add3A_1475 : i32 to vector<16xi32>
    %add3A_1477 = arith.addi %add3A_1453, %add3A_1476 : vector<16xi32>
    %add3A_1478 = arith.constant 384 : i32
    %add3A_1479 = vector.broadcast %add3A_1478 : i32 to vector<16xi32>
    %add3A_1480 = arith.addi %add3A_1444, %add3A_1479 : vector<16xi32>
    %select_n3A_1481 = arith.select %ge3A_1447, %add3A_1477, %add3A_1480 : vector<16xi1>, vector<16xi32>
    %swap3A_1482 = arith.index_cast %multiple_of3A_1432 : i32 to index
    %swap3A_1483 = tpu.vector_load %arg16[%swap3A_1482] {strides = array<i32>} : memref<512xi32, #tpu.memory_space<vmem>>, vector<16xi32>,
    tpu.vector_store %arg16[%swap3A_1482], %select_n3A_1481 {strides = array<i32>} : memref<512xi32, #tpu.memory_space<vmem>>, vector<16xi32>,
    %multiple_of3A_1484 = arith.constant 448 : i32
    %multiple_of3A_1485 = tpu.assume_multiple %multiple_of3A_1484, 16 : i32
    %get3A_1486 = arith.index_cast %multiple_of3A_1485 : i32 to index
    %get3A_1487 = tpu.vector_load %arg12[%get3A_1486] {strides = array<i32>} : memref<512xi32, #tpu.memory_space<vmem>>, vector<16xi32>,
    %and3A_1488 = arith.constant 127 : i32
    %and3A_1489 = vector.broadcast %and3A_1488 : i32 to vector<16xi32>
    %and3A_1490 = arith.andi %get3A_1487, %and3A_1489 : vector<16xi32>
    %and3A_1491 = arith.constant -128 : i32
    %and3A_1492 = vector.broadcast %and3A_1491 : i32 to vector<16xi32>
    %and3A_1493 = arith.andi %get3A_1487, %and3A_1492 : vector<16xi32>
    %mul3A_1494 = arith.constant 4 : i32
    %mul3A_1495 = vector.broadcast %mul3A_1494 : i32 to vector<16xi32>
    %mul3A_1496 = arith.muli %and3A_1493, %mul3A_1495 : vector<16xi32>
    %add3A_1497 = arith.addi %mul3A_1496, %and3A_1490 : vector<16xi32>
    %ge3A_1498 = arith.constant 99968 : i32
    %ge3A_1499 = vector.broadcast %ge3A_1498 : i32 to vector<16xi32>
    %ge3A_1500 = arith.cmpi sge, %get3A_1487, %ge3A_1499 : vector<16xi32>
    %sub3A_1501 = arith.constant 99968 : i32
    %sub3A_1502 = vector.broadcast %sub3A_1501 : i32 to vector<16xi32>
    %sub3A_1503 = arith.subi %get3A_1487, %sub3A_1502 : vector<16xi32>
    %add3A_1504 = arith.constant 399872 : i32
    %add3A_1505 = vector.broadcast %add3A_1504 : i32 to vector<16xi32>
    %add3A_1506 = arith.addi %add3A_1505, %sub3A_1503 : vector<16xi32>
    %select_n3A_1507 = arith.select %ge3A_1500, %add3A_1506, %add3A_1497 : vector<16xi1>, vector<16xi32>
    %swap3A_1508 = arith.index_cast %multiple_of3A_1485 : i32 to index
    %swap3A_1509 = tpu.vector_load %arg13[%swap3A_1508] {strides = array<i32>} : memref<512xi32, #tpu.memory_space<vmem>>, vector<16xi32>,
    tpu.vector_store %arg13[%swap3A_1508], %select_n3A_1507 {strides = array<i32>} : memref<512xi32, #tpu.memory_space<vmem>>, vector<16xi32>,
    %add3A_1510 = arith.constant 32 : i32
    %add3A_1511 = vector.broadcast %add3A_1510 : i32 to vector<16xi32>
    %add3A_1512 = arith.addi %add3A_1506, %add3A_1511 : vector<16xi32>
    %add3A_1513 = arith.constant 128 : i32
    %add3A_1514 = vector.broadcast %add3A_1513 : i32 to vector<16xi32>
    %add3A_1515 = arith.addi %add3A_1497, %add3A_1514 : vector<16xi32>
    %select_n3A_1516 = arith.select %ge3A_1500, %add3A_1512, %add3A_1515 : vector<16xi1>, vector<16xi32>
    %swap3A_1517 = arith.index_cast %multiple_of3A_1485 : i32 to index
    %swap3A_1518 = tpu.vector_load %arg14[%swap3A_1517] {strides = array<i32>} : memref<512xi32, #tpu.memory_space<vmem>>, vector<16xi32>,
    tpu.vector_store %arg14[%swap3A_1517], %select_n3A_1516 {strides = array<i32>} : memref<512xi32, #tpu.memory_space<vmem>>, vector<16xi32>,
    %add3A_1519 = arith.constant 64 : i32
    %add3A_1520 = vector.broadcast %add3A_1519 : i32 to vector<16xi32>
    %add3A_1521 = arith.addi %add3A_1506, %add3A_1520 : vector<16xi32>
    %add3A_1522 = arith.constant 256 : i32
    %add3A_1523 = vector.broadcast %add3A_1522 : i32 to vector<16xi32>
    %add3A_1524 = arith.addi %add3A_1497, %add3A_1523 : vector<16xi32>
    %select_n3A_1525 = arith.select %ge3A_1500, %add3A_1521, %add3A_1524 : vector<16xi1>, vector<16xi32>
    %swap3A_1526 = arith.index_cast %multiple_of3A_1485 : i32 to index
    %swap3A_1527 = tpu.vector_load %arg15[%swap3A_1526] {strides = array<i32>} : memref<512xi32, #tpu.memory_space<vmem>>, vector<16xi32>,
    tpu.vector_store %arg15[%swap3A_1526], %select_n3A_1525 {strides = array<i32>} : memref<512xi32, #tpu.memory_space<vmem>>, vector<16xi32>,
    %add3A_1528 = arith.constant 96 : i32
    %add3A_1529 = vector.broadcast %add3A_1528 : i32 to vector<16xi32>
    %add3A_1530 = arith.addi %add3A_1506, %add3A_1529 : vector<16xi32>
    %add3A_1531 = arith.constant 384 : i32
    %add3A_1532 = vector.broadcast %add3A_1531 : i32 to vector<16xi32>
    %add3A_1533 = arith.addi %add3A_1497, %add3A_1532 : vector<16xi32>
    %select_n3A_1534 = arith.select %ge3A_1500, %add3A_1530, %add3A_1533 : vector<16xi1>, vector<16xi32>
    %swap3A_1535 = arith.index_cast %multiple_of3A_1485 : i32 to index
    %swap3A_1536 = tpu.vector_load %arg16[%swap3A_1535] {strides = array<i32>} : memref<512xi32, #tpu.memory_space<vmem>>, vector<16xi32>,
    tpu.vector_store %arg16[%swap3A_1535], %select_n3A_1534 {strides = array<i32>} : memref<512xi32, #tpu.memory_space<vmem>>, vector<16xi32>,
    %multiple_of3A_1537 = arith.constant 464 : i32
    %multiple_of3A_1538 = tpu.assume_multiple %multiple_of3A_1537, 16 : i32
    %get3A_1539 = arith.index_cast %multiple_of3A_1538 : i32 to index
    %get3A_1540 = tpu.vector_load %arg12[%get3A_1539] {strides = array<i32>} : memref<512xi32, #tpu.memory_space<vmem>>, vector<16xi32>,
    %and3A_1541 = arith.constant 127 : i32
    %and3A_1542 = vector.broadcast %and3A_1541 : i32 to vector<16xi32>
    %and3A_1543 = arith.andi %get3A_1540, %and3A_1542 : vector<16xi32>
    %and3A_1544 = arith.constant -128 : i32
    %and3A_1545 = vector.broadcast %and3A_1544 : i32 to vector<16xi32>
    %and3A_1546 = arith.andi %get3A_1540, %and3A_1545 : vector<16xi32>
    %mul3A_1547 = arith.constant 4 : i32
    %mul3A_1548 = vector.broadcast %mul3A_1547 : i32 to vector<16xi32>
    %mul3A_1549 = arith.muli %and3A_1546, %mul3A_1548 : vector<16xi32>
    %add3A_1550 = arith.addi %mul3A_1549, %and3A_1543 : vector<16xi32>
    %ge3A_1551 = arith.constant 99968 : i32
    %ge3A_1552 = vector.broadcast %ge3A_1551 : i32 to vector<16xi32>
    %ge3A_1553 = arith.cmpi sge, %get3A_1540, %ge3A_1552 : vector<16xi32>
    %sub3A_1554 = arith.constant 99968 : i32
    %sub3A_1555 = vector.broadcast %sub3A_1554 : i32 to vector<16xi32>
    %sub3A_1556 = arith.subi %get3A_1540, %sub3A_1555 : vector<16xi32>
    %add3A_1557 = arith.constant 399872 : i32
    %add3A_1558 = vector.broadcast %add3A_1557 : i32 to vector<16xi32>
    %add3A_1559 = arith.addi %add3A_1558, %sub3A_1556 : vector<16xi32>
    %select_n3A_1560 = arith.select %ge3A_1553, %add3A_1559, %add3A_1550 : vector<16xi1>, vector<16xi32>
    %swap3A_1561 = arith.index_cast %multiple_of3A_1538 : i32 to index
    %swap3A_1562 = tpu.vector_load %arg13[%swap3A_1561] {strides = array<i32>} : memref<512xi32, #tpu.memory_space<vmem>>, vector<16xi32>,
    tpu.vector_store %arg13[%swap3A_1561], %select_n3A_1560 {strides = array<i32>} : memref<512xi32, #tpu.memory_space<vmem>>, vector<16xi32>,
    %add3A_1563 = arith.constant 32 : i32
    %add3A_1564 = vector.broadcast %add3A_1563 : i32 to vector<16xi32>
    %add3A_1565 = arith.addi %add3A_1559, %add3A_1564 : vector<16xi32>
    %add3A_1566 = arith.constant 128 : i32
    %add3A_1567 = vector.broadcast %add3A_1566 : i32 to vector<16xi32>
    %add3A_1568 = arith.addi %add3A_1550, %add3A_1567 : vector<16xi32>
    %select_n3A_1569 = arith.select %ge3A_1553, %add3A_1565, %add3A_1568 : vector<16xi1>, vector<16xi32>
    %swap3A_1570 = arith.index_cast %multiple_of3A_1538 : i32 to index
    %swap3A_1571 = tpu.vector_load %arg14[%swap3A_1570] {strides = array<i32>} : memref<512xi32, #tpu.memory_space<vmem>>, vector<16xi32>,
    tpu.vector_store %arg14[%swap3A_1570], %select_n3A_1569 {strides = array<i32>} : memref<512xi32, #tpu.memory_space<vmem>>, vector<16xi32>,
    %add3A_1572 = arith.constant 64 : i32
    %add3A_1573 = vector.broadcast %add3A_1572 : i32 to vector<16xi32>
    %add3A_1574 = arith.addi %add3A_1559, %add3A_1573 : vector<16xi32>
    %add3A_1575 = arith.constant 256 : i32
    %add3A_1576 = vector.broadcast %add3A_1575 : i32 to vector<16xi32>
    %add3A_1577 = arith.addi %add3A_1550, %add3A_1576 : vector<16xi32>
    %select_n3A_1578 = arith.select %ge3A_1553, %add3A_1574, %add3A_1577 : vector<16xi1>, vector<16xi32>
    %swap3A_1579 = arith.index_cast %multiple_of3A_1538 : i32 to index
    %swap3A_1580 = tpu.vector_load %arg15[%swap3A_1579] {strides = array<i32>} : memref<512xi32, #tpu.memory_space<vmem>>, vector<16xi32>,
    tpu.vector_store %arg15[%swap3A_1579], %select_n3A_1578 {strides = array<i32>} : memref<512xi32, #tpu.memory_space<vmem>>, vector<16xi32>,
    %add3A_1581 = arith.constant 96 : i32
    %add3A_1582 = vector.broadcast %add3A_1581 : i32 to vector<16xi32>
    %add3A_1583 = arith.addi %add3A_1559, %add3A_1582 : vector<16xi32>
    %add3A_1584 = arith.constant 384 : i32
    %add3A_1585 = vector.broadcast %add3A_1584 : i32 to vector<16xi32>
    %add3A_1586 = arith.addi %add3A_1550, %add3A_1585 : vector<16xi32>
    %select_n3A_1587 = arith.select %ge3A_1553, %add3A_1583, %add3A_1586 : vector<16xi1>, vector<16xi32>
    %swap3A_1588 = arith.index_cast %multiple_of3A_1538 : i32 to index
    %swap3A_1589 = tpu.vector_load %arg16[%swap3A_1588] {strides = array<i32>} : memref<512xi32, #tpu.memory_space<vmem>>, vector<16xi32>,
    tpu.vector_store %arg16[%swap3A_1588], %select_n3A_1587 {strides = array<i32>} : memref<512xi32, #tpu.memory_space<vmem>>, vector<16xi32>,
    %multiple_of3A_1590 = arith.constant 480 : i32
    %multiple_of3A_1591 = tpu.assume_multiple %multiple_of3A_1590, 16 : i32
    %get3A_1592 = arith.index_cast %multiple_of3A_1591 : i32 to index
    %get3A_1593 = tpu.vector_load %arg12[%get3A_1592] {strides = array<i32>} : memref<512xi32, #tpu.memory_space<vmem>>, vector<16xi32>,
    %and3A_1594 = arith.constant 127 : i32
    %and3A_1595 = vector.broadcast %and3A_1594 : i32 to vector<16xi32>
    %and3A_1596 = arith.andi %get3A_1593, %and3A_1595 : vector<16xi32>
    %and3A_1597 = arith.constant -128 : i32
    %and3A_1598 = vector.broadcast %and3A_1597 : i32 to vector<16xi32>
    %and3A_1599 = arith.andi %get3A_1593, %and3A_1598 : vector<16xi32>
    %mul3A_1600 = arith.constant 4 : i32
    %mul3A_1601 = vector.broadcast %mul3A_1600 : i32 to vector<16xi32>
    %mul3A_1602 = arith.muli %and3A_1599, %mul3A_1601 : vector<16xi32>
    %add3A_1603 = arith.addi %mul3A_1602, %and3A_1596 : vector<16xi32>
    %ge3A_1604 = arith.constant 99968 : i32
    %ge3A_1605 = vector.broadcast %ge3A_1604 : i32 to vector<16xi32>
    %ge3A_1606 = arith.cmpi sge, %get3A_1593, %ge3A_1605 : vector<16xi32>
    %sub3A_1607 = arith.constant 99968 : i32
    %sub3A_1608 = vector.broadcast %sub3A_1607 : i32 to vector<16xi32>
    %sub3A_1609 = arith.subi %get3A_1593, %sub3A_1608 : vector<16xi32>
    %add3A_1610 = arith.constant 399872 : i32
    %add3A_1611 = vector.broadcast %add3A_1610 : i32 to vector<16xi32>
    %add3A_1612 = arith.addi %add3A_1611, %sub3A_1609 : vector<16xi32>
    %select_n3A_1613 = arith.select %ge3A_1606, %add3A_1612, %add3A_1603 : vector<16xi1>, vector<16xi32>
    %swap3A_1614 = arith.index_cast %multiple_of3A_1591 : i32 to index
    %swap3A_1615 = tpu.vector_load %arg13[%swap3A_1614] {strides = array<i32>} : memref<512xi32, #tpu.memory_space<vmem>>, vector<16xi32>,
    tpu.vector_store %arg13[%swap3A_1614], %select_n3A_1613 {strides = array<i32>} : memref<512xi32, #tpu.memory_space<vmem>>, vector<16xi32>,
    %add3A_1616 = arith.constant 32 : i32
    %add3A_1617 = vector.broadcast %add3A_1616 : i32 to vector<16xi32>
    %add3A_1618 = arith.addi %add3A_1612, %add3A_1617 : vector<16xi32>
    %add3A_1619 = arith.constant 128 : i32
    %add3A_1620 = vector.broadcast %add3A_1619 : i32 to vector<16xi32>
    %add3A_1621 = arith.addi %add3A_1603, %add3A_1620 : vector<16xi32>
    %select_n3A_1622 = arith.select %ge3A_1606, %add3A_1618, %add3A_1621 : vector<16xi1>, vector<16xi32>
    %swap3A_1623 = arith.index_cast %multiple_of3A_1591 : i32 to index
    %swap3A_1624 = tpu.vector_load %arg14[%swap3A_1623] {strides = array<i32>} : memref<512xi32, #tpu.memory_space<vmem>>, vector<16xi32>,
    tpu.vector_store %arg14[%swap3A_1623], %select_n3A_1622 {strides = array<i32>} : memref<512xi32, #tpu.memory_space<vmem>>, vector<16xi32>,
    %add3A_1625 = arith.constant 64 : i32
    %add3A_1626 = vector.broadcast %add3A_1625 : i32 to vector<16xi32>
    %add3A_1627 = arith.addi %add3A_1612, %add3A_1626 : vector<16xi32>
    %add3A_1628 = arith.constant 256 : i32
    %add3A_1629 = vector.broadcast %add3A_1628 : i32 to vector<16xi32>
    %add3A_1630 = arith.addi %add3A_1603, %add3A_1629 : vector<16xi32>
    %select_n3A_1631 = arith.select %ge3A_1606, %add3A_1627, %add3A_1630 : vector<16xi1>, vector<16xi32>
    %swap3A_1632 = arith.index_cast %multiple_of3A_1591 : i32 to index
    %swap3A_1633 = tpu.vector_load %arg15[%swap3A_1632] {strides = array<i32>} : memref<512xi32, #tpu.memory_space<vmem>>, vector<16xi32>,
    tpu.vector_store %arg15[%swap3A_1632], %select_n3A_1631 {strides = array<i32>} : memref<512xi32, #tpu.memory_space<vmem>>, vector<16xi32>,
    %add3A_1634 = arith.constant 96 : i32
    %add3A_1635 = vector.broadcast %add3A_1634 : i32 to vector<16xi32>
    %add3A_1636 = arith.addi %add3A_1612, %add3A_1635 : vector<16xi32>
    %add3A_1637 = arith.constant 384 : i32
    %add3A_1638 = vector.broadcast %add3A_1637 : i32 to vector<16xi32>
    %add3A_1639 = arith.addi %add3A_1603, %add3A_1638 : vector<16xi32>
    %select_n3A_1640 = arith.select %ge3A_1606, %add3A_1636, %add3A_1639 : vector<16xi1>, vector<16xi32>
    %swap3A_1641 = arith.index_cast %multiple_of3A_1591 : i32 to index
    %swap3A_1642 = tpu.vector_load %arg16[%swap3A_1641] {strides = array<i32>} : memref<512xi32, #tpu.memory_space<vmem>>, vector<16xi32>,
    tpu.vector_store %arg16[%swap3A_1641], %select_n3A_1640 {strides = array<i32>} : memref<512xi32, #tpu.memory_space<vmem>>, vector<16xi32>,
    %multiple_of3A_1643 = arith.constant 496 : i32
    %multiple_of3A_1644 = tpu.assume_multiple %multiple_of3A_1643, 16 : i32
    %get3A_1645 = arith.index_cast %multiple_of3A_1644 : i32 to index
    %get3A_1646 = tpu.vector_load %arg12[%get3A_1645] {strides = array<i32>} : memref<512xi32, #tpu.memory_space<vmem>>, vector<16xi32>,
    %and3A_1647 = arith.constant 127 : i32
    %and3A_1648 = vector.broadcast %and3A_1647 : i32 to vector<16xi32>
    %and3A_1649 = arith.andi %get3A_1646, %and3A_1648 : vector<16xi32>
    %and3A_1650 = arith.constant -128 : i32
    %and3A_1651 = vector.broadcast %and3A_1650 : i32 to vector<16xi32>
    %and3A_1652 = arith.andi %get3A_1646, %and3A_1651 : vector<16xi32>
    %mul3A_1653 = arith.constant 4 : i32
    %mul3A_1654 = vector.broadcast %mul3A_1653 : i32 to vector<16xi32>
    %mul3A_1655 = arith.muli %and3A_1652, %mul3A_1654 : vector<16xi32>
    %add3A_1656 = arith.addi %mul3A_1655, %and3A_1649 : vector<16xi32>
    %ge3A_1657 = arith.constant 99968 : i32
    %ge3A_1658 = vector.broadcast %ge3A_1657 : i32 to vector<16xi32>
    %ge3A_1659 = arith.cmpi sge, %get3A_1646, %ge3A_1658 : vector<16xi32>
    %sub3A_1660 = arith.constant 99968 : i32
    %sub3A_1661 = vector.broadcast %sub3A_1660 : i32 to vector<16xi32>
    %sub3A_1662 = arith.subi %get3A_1646, %sub3A_1661 : vector<16xi32>
    %add3A_1663 = arith.constant 399872 : i32
    %add3A_1664 = vector.broadcast %add3A_1663 : i32 to vector<16xi32>
    %add3A_1665 = arith.addi %add3A_1664, %sub3A_1662 : vector<16xi32>
    %select_n3A_1666 = arith.select %ge3A_1659, %add3A_1665, %add3A_1656 : vector<16xi1>, vector<16xi32>
    %swap3A_1667 = arith.index_cast %multiple_of3A_1644 : i32 to index
    %swap3A_1668 = tpu.vector_load %arg13[%swap3A_1667] {strides = array<i32>} : memref<512xi32, #tpu.memory_space<vmem>>, vector<16xi32>,
    tpu.vector_store %arg13[%swap3A_1667], %select_n3A_1666 {strides = array<i32>} : memref<512xi32, #tpu.memory_space<vmem>>, vector<16xi32>,
    %add3A_1669 = arith.constant 32 : i32
    %add3A_1670 = vector.broadcast %add3A_1669 : i32 to vector<16xi32>
    %add3A_1671 = arith.addi %add3A_1665, %add3A_1670 : vector<16xi32>
    %add3A_1672 = arith.constant 128 : i32
    %add3A_1673 = vector.broadcast %add3A_1672 : i32 to vector<16xi32>
    %add3A_1674 = arith.addi %add3A_1656, %add3A_1673 : vector<16xi32>
    %select_n3A_1675 = arith.select %ge3A_1659, %add3A_1671, %add3A_1674 : vector<16xi1>, vector<16xi32>
    %swap3A_1676 = arith.index_cast %multiple_of3A_1644 : i32 to index
    %swap3A_1677 = tpu.vector_load %arg14[%swap3A_1676] {strides = array<i32>} : memref<512xi32, #tpu.memory_space<vmem>>, vector<16xi32>,
    tpu.vector_store %arg14[%swap3A_1676], %select_n3A_1675 {strides = array<i32>} : memref<512xi32, #tpu.memory_space<vmem>>, vector<16xi32>,
    %add3A_1678 = arith.constant 64 : i32
    %add3A_1679 = vector.broadcast %add3A_1678 : i32 to vector<16xi32>
    %add3A_1680 = arith.addi %add3A_1665, %add3A_1679 : vector<16xi32>
    %add3A_1681 = arith.constant 256 : i32
    %add3A_1682 = vector.broadcast %add3A_1681 : i32 to vector<16xi32>
    %add3A_1683 = arith.addi %add3A_1656, %add3A_1682 : vector<16xi32>
    %select_n3A_1684 = arith.select %ge3A_1659, %add3A_1680, %add3A_1683 : vector<16xi1>, vector<16xi32>
    %swap3A_1685 = arith.index_cast %multiple_of3A_1644 : i32 to index
    %swap3A_1686 = tpu.vector_load %arg15[%swap3A_1685] {strides = array<i32>} : memref<512xi32, #tpu.memory_space<vmem>>, vector<16xi32>,
    tpu.vector_store %arg15[%swap3A_1685], %select_n3A_1684 {strides = array<i32>} : memref<512xi32, #tpu.memory_space<vmem>>, vector<16xi32>,
    %add3A_1687 = arith.constant 96 : i32
    %add3A_1688 = vector.broadcast %add3A_1687 : i32 to vector<16xi32>
    %add3A_1689 = arith.addi %add3A_1665, %add3A_1688 : vector<16xi32>
    %add3A_1690 = arith.constant 384 : i32
    %add3A_1691 = vector.broadcast %add3A_1690 : i32 to vector<16xi32>
    %add3A_1692 = arith.addi %add3A_1656, %add3A_1691 : vector<16xi32>
    %select_n3A_1693 = arith.select %ge3A_1659, %add3A_1689, %add3A_1692 : vector<16xi1>, vector<16xi32>
    %swap3A_1694 = arith.index_cast %multiple_of3A_1644 : i32 to index
    %swap3A_1695 = tpu.vector_load %arg16[%swap3A_1694] {strides = array<i32>} : memref<512xi32, #tpu.memory_space<vmem>>, vector<16xi32>,
    tpu.vector_store %arg16[%swap3A_1694], %select_n3A_1693 {strides = array<i32>} : memref<512xi32, #tpu.memory_space<vmem>>, vector<16xi32>,
    %dma_start3A_1696 = arith.constant 0 : i32
    %dma_start3A_1697 = arith.constant 0 : i32
    %dma_start3A_1698 = tpu.memref_slice %arg17[%dma_start3A_1697] : memref<512xf32, #tpu.memory_space<vmem>> -> memref<128xf32, #tpu.memory_space<vmem>>
    %dma_start3A_1699 = arith.constant 0 : i32
    %dma_start3A_1700 = tpu.memref_slice %arg13[%dma_start3A_1699] : memref<512xi32, #tpu.memory_space<vmem>> -> memref<128xi32, #tpu.memory_space<vmem>>
    %dma_start3A_1701 = arith.constant 0 : i32
    %dma_start3A_1702 = tpu.memref_slice %arg3[%dma_start3A_1701] : memref<400000xf32, #tpu.memory_space<hbm>> -> memref<400000xf32, #tpu.memory_space<hbm>>
    %dma_start3A_1703 = tpu.memref_slice %arg26[%dma_start3A_1696] : memref<4x!tpu.dma_semaphore, #tpu.memory_space<semaphore_mem>> -> memref<1x!tpu.dma_semaphore, #tpu.memory_space<semaphore_mem>>
    %dma_start3A_1704 = tpu.memref_squeeze %dma_start3A_1703 : memref<1x!tpu.dma_semaphore, #tpu.memory_space<semaphore_mem>> -> memref<!tpu.dma_semaphore, #tpu.memory_space<semaphore_mem>>
    tpu.enqueue_indirect_dma source(%dma_start3A_1702 : memref<400000xf32, #tpu.memory_space<hbm>>) target(%dma_start3A_1698 : memref<128xf32, #tpu.memory_space<vmem>>) offsets(%dma_start3A_1700 : memref<128xi32, #tpu.memory_space<vmem>>) semaphore(%dma_start3A_1704 : memref<!tpu.dma_semaphore, #tpu.memory_space<semaphore_mem>>)
    %dma_start3A_1705 = arith.constant 0 : i32
    %dma_start3A_1706 = arith.constant 0 : i32
    %dma_start3A_1707 = tpu.memref_slice %arg18[%dma_start3A_1706] : memref<512xf32, #tpu.memory_space<vmem>> -> memref<128xf32, #tpu.memory_space<vmem>>
    %dma_start3A_1708 = arith.constant 0 : i32
    %dma_start3A_1709 = tpu.memref_slice %arg14[%dma_start3A_1708] : memref<512xi32, #tpu.memory_space<vmem>> -> memref<128xi32, #tpu.memory_space<vmem>>
    %dma_start3A_1710 = arith.constant 0 : i32
    %dma_start3A_1711 = tpu.memref_slice %arg3[%dma_start3A_1710] : memref<400000xf32, #tpu.memory_space<hbm>> -> memref<400000xf32, #tpu.memory_space<hbm>>
    %dma_start3A_1712 = tpu.memref_slice %arg26[%dma_start3A_1705] : memref<4x!tpu.dma_semaphore, #tpu.memory_space<semaphore_mem>> -> memref<1x!tpu.dma_semaphore, #tpu.memory_space<semaphore_mem>>
    %dma_start3A_1713 = tpu.memref_squeeze %dma_start3A_1712 : memref<1x!tpu.dma_semaphore, #tpu.memory_space<semaphore_mem>> -> memref<!tpu.dma_semaphore, #tpu.memory_space<semaphore_mem>>
    tpu.enqueue_indirect_dma source(%dma_start3A_1711 : memref<400000xf32, #tpu.memory_space<hbm>>) target(%dma_start3A_1707 : memref<128xf32, #tpu.memory_space<vmem>>) offsets(%dma_start3A_1709 : memref<128xi32, #tpu.memory_space<vmem>>) semaphore(%dma_start3A_1713 : memref<!tpu.dma_semaphore, #tpu.memory_space<semaphore_mem>>)
    %dma_start3A_1714 = arith.constant 0 : i32
    %dma_start3A_1715 = arith.constant 0 : i32
    %dma_start3A_1716 = tpu.memref_slice %arg19[%dma_start3A_1715] : memref<512xf32, #tpu.memory_space<vmem>> -> memref<128xf32, #tpu.memory_space<vmem>>
    %dma_start3A_1717 = arith.constant 0 : i32
    %dma_start3A_1718 = tpu.memref_slice %arg15[%dma_start3A_1717] : memref<512xi32, #tpu.memory_space<vmem>> -> memref<128xi32, #tpu.memory_space<vmem>>
    %dma_start3A_1719 = arith.constant 0 : i32
    %dma_start3A_1720 = tpu.memref_slice %arg3[%dma_start3A_1719] : memref<400000xf32, #tpu.memory_space<hbm>> -> memref<400000xf32, #tpu.memory_space<hbm>>
    %dma_start3A_1721 = tpu.memref_slice %arg26[%dma_start3A_1714] : memref<4x!tpu.dma_semaphore, #tpu.memory_space<semaphore_mem>> -> memref<1x!tpu.dma_semaphore, #tpu.memory_space<semaphore_mem>>
    %dma_start3A_1722 = tpu.memref_squeeze %dma_start3A_1721 : memref<1x!tpu.dma_semaphore, #tpu.memory_space<semaphore_mem>> -> memref<!tpu.dma_semaphore, #tpu.memory_space<semaphore_mem>>
    tpu.enqueue_indirect_dma source(%dma_start3A_1720 : memref<400000xf32, #tpu.memory_space<hbm>>) target(%dma_start3A_1716 : memref<128xf32, #tpu.memory_space<vmem>>) offsets(%dma_start3A_1718 : memref<128xi32, #tpu.memory_space<vmem>>) semaphore(%dma_start3A_1722 : memref<!tpu.dma_semaphore, #tpu.memory_space<semaphore_mem>>)
    %dma_start3A_1723 = arith.constant 0 : i32
    %dma_start3A_1724 = arith.constant 0 : i32
    %dma_start3A_1725 = tpu.memref_slice %arg20[%dma_start3A_1724] : memref<512xf32, #tpu.memory_space<vmem>> -> memref<128xf32, #tpu.memory_space<vmem>>
    %dma_start3A_1726 = arith.constant 0 : i32
    %dma_start3A_1727 = tpu.memref_slice %arg16[%dma_start3A_1726] : memref<512xi32, #tpu.memory_space<vmem>> -> memref<128xi32, #tpu.memory_space<vmem>>
    %dma_start3A_1728 = arith.constant 0 : i32
    %dma_start3A_1729 = tpu.memref_slice %arg3[%dma_start3A_1728] : memref<400000xf32, #tpu.memory_space<hbm>> -> memref<400000xf32, #tpu.memory_space<hbm>>
    %dma_start3A_1730 = tpu.memref_slice %arg26[%dma_start3A_1723] : memref<4x!tpu.dma_semaphore, #tpu.memory_space<semaphore_mem>> -> memref<1x!tpu.dma_semaphore, #tpu.memory_space<semaphore_mem>>
    %dma_start3A_1731 = tpu.memref_squeeze %dma_start3A_1730 : memref<1x!tpu.dma_semaphore, #tpu.memory_space<semaphore_mem>> -> memref<!tpu.dma_semaphore, #tpu.memory_space<semaphore_mem>>
    tpu.enqueue_indirect_dma source(%dma_start3A_1729 : memref<400000xf32, #tpu.memory_space<hbm>>) target(%dma_start3A_1725 : memref<128xf32, #tpu.memory_space<vmem>>) offsets(%dma_start3A_1727 : memref<128xi32, #tpu.memory_space<vmem>>) semaphore(%dma_start3A_1731 : memref<!tpu.dma_semaphore, #tpu.memory_space<semaphore_mem>>)
    %dma_start3A_1732 = arith.constant 1 : i32
    %dma_start3A_1733 = arith.constant 128 : i32
    %dma_start3A_1734 = tpu.memref_slice %arg17[%dma_start3A_1733] : memref<512xf32, #tpu.memory_space<vmem>> -> memref<128xf32, #tpu.memory_space<vmem>>
    %dma_start3A_1735 = arith.constant 128 : i32
    %dma_start3A_1736 = tpu.memref_slice %arg13[%dma_start3A_1735] : memref<512xi32, #tpu.memory_space<vmem>> -> memref<128xi32, #tpu.memory_space<vmem>>
    %dma_start3A_1737 = arith.constant 0 : i32
    %dma_start3A_1738 = tpu.memref_slice %arg3[%dma_start3A_1737] : memref<400000xf32, #tpu.memory_space<hbm>> -> memref<400000xf32, #tpu.memory_space<hbm>>
    %dma_start3A_1739 = tpu.memref_slice %arg26[%dma_start3A_1732] : memref<4x!tpu.dma_semaphore, #tpu.memory_space<semaphore_mem>> -> memref<1x!tpu.dma_semaphore, #tpu.memory_space<semaphore_mem>>
    %dma_start3A_1740 = tpu.memref_squeeze %dma_start3A_1739 : memref<1x!tpu.dma_semaphore, #tpu.memory_space<semaphore_mem>> -> memref<!tpu.dma_semaphore, #tpu.memory_space<semaphore_mem>>
    tpu.enqueue_indirect_dma source(%dma_start3A_1738 : memref<400000xf32, #tpu.memory_space<hbm>>) target(%dma_start3A_1734 : memref<128xf32, #tpu.memory_space<vmem>>) offsets(%dma_start3A_1736 : memref<128xi32, #tpu.memory_space<vmem>>) semaphore(%dma_start3A_1740 : memref<!tpu.dma_semaphore, #tpu.memory_space<semaphore_mem>>)
    %dma_start3A_1741 = arith.constant 1 : i32
    %dma_start3A_1742 = arith.constant 128 : i32
    %dma_start3A_1743 = tpu.memref_slice %arg18[%dma_start3A_1742] : memref<512xf32, #tpu.memory_space<vmem>> -> memref<128xf32, #tpu.memory_space<vmem>>
    %dma_start3A_1744 = arith.constant 128 : i32
    %dma_start3A_1745 = tpu.memref_slice %arg14[%dma_start3A_1744] : memref<512xi32, #tpu.memory_space<vmem>> -> memref<128xi32, #tpu.memory_space<vmem>>
    %dma_start3A_1746 = arith.constant 0 : i32
    %dma_start3A_1747 = tpu.memref_slice %arg3[%dma_start3A_1746] : memref<400000xf32, #tpu.memory_space<hbm>> -> memref<400000xf32, #tpu.memory_space<hbm>>
    %dma_start3A_1748 = tpu.memref_slice %arg26[%dma_start3A_1741] : memref<4x!tpu.dma_semaphore, #tpu.memory_space<semaphore_mem>> -> memref<1x!tpu.dma_semaphore, #tpu.memory_space<semaphore_mem>>
    %dma_start3A_1749 = tpu.memref_squeeze %dma_start3A_1748 : memref<1x!tpu.dma_semaphore, #tpu.memory_space<semaphore_mem>> -> memref<!tpu.dma_semaphore, #tpu.memory_space<semaphore_mem>>
    tpu.enqueue_indirect_dma source(%dma_start3A_1747 : memref<400000xf32, #tpu.memory_space<hbm>>) target(%dma_start3A_1743 : memref<128xf32, #tpu.memory_space<vmem>>) offsets(%dma_start3A_1745 : memref<128xi32, #tpu.memory_space<vmem>>) semaphore(%dma_start3A_1749 : memref<!tpu.dma_semaphore, #tpu.memory_space<semaphore_mem>>)
    %dma_start3A_1750 = arith.constant 1 : i32
    %dma_start3A_1751 = arith.constant 128 : i32
    %dma_start3A_1752 = tpu.memref_slice %arg19[%dma_start3A_1751] : memref<512xf32, #tpu.memory_space<vmem>> -> memref<128xf32, #tpu.memory_space<vmem>>
    %dma_start3A_1753 = arith.constant 128 : i32
    %dma_start3A_1754 = tpu.memref_slice %arg15[%dma_start3A_1753] : memref<512xi32, #tpu.memory_space<vmem>> -> memref<128xi32, #tpu.memory_space<vmem>>
    %dma_start3A_1755 = arith.constant 0 : i32
    %dma_start3A_1756 = tpu.memref_slice %arg3[%dma_start3A_1755] : memref<400000xf32, #tpu.memory_space<hbm>> -> memref<400000xf32, #tpu.memory_space<hbm>>
    %dma_start3A_1757 = tpu.memref_slice %arg26[%dma_start3A_1750] : memref<4x!tpu.dma_semaphore, #tpu.memory_space<semaphore_mem>> -> memref<1x!tpu.dma_semaphore, #tpu.memory_space<semaphore_mem>>
    %dma_start3A_1758 = tpu.memref_squeeze %dma_start3A_1757 : memref<1x!tpu.dma_semaphore, #tpu.memory_space<semaphore_mem>> -> memref<!tpu.dma_semaphore, #tpu.memory_space<semaphore_mem>>
    tpu.enqueue_indirect_dma source(%dma_start3A_1756 : memref<400000xf32, #tpu.memory_space<hbm>>) target(%dma_start3A_1752 : memref<128xf32, #tpu.memory_space<vmem>>) offsets(%dma_start3A_1754 : memref<128xi32, #tpu.memory_space<vmem>>) semaphore(%dma_start3A_1758 : memref<!tpu.dma_semaphore, #tpu.memory_space<semaphore_mem>>)
    %dma_start3A_1759 = arith.constant 1 : i32
    %dma_start3A_1760 = arith.constant 128 : i32
    %dma_start3A_1761 = tpu.memref_slice %arg20[%dma_start3A_1760] : memref<512xf32, #tpu.memory_space<vmem>> -> memref<128xf32, #tpu.memory_space<vmem>>
    %dma_start3A_1762 = arith.constant 128 : i32
    %dma_start3A_1763 = tpu.memref_slice %arg16[%dma_start3A_1762] : memref<512xi32, #tpu.memory_space<vmem>> -> memref<128xi32, #tpu.memory_space<vmem>>
    %dma_start3A_1764 = arith.constant 0 : i32
    %dma_start3A_1765 = tpu.memref_slice %arg3[%dma_start3A_1764] : memref<400000xf32, #tpu.memory_space<hbm>> -> memref<400000xf32, #tpu.memory_space<hbm>>
    %dma_start3A_1766 = tpu.memref_slice %arg26[%dma_start3A_1759] : memref<4x!tpu.dma_semaphore, #tpu.memory_space<semaphore_mem>> -> memref<1x!tpu.dma_semaphore, #tpu.memory_space<semaphore_mem>>
    %dma_start3A_1767 = tpu.memref_squeeze %dma_start3A_1766 : memref<1x!tpu.dma_semaphore, #tpu.memory_space<semaphore_mem>> -> memref<!tpu.dma_semaphore, #tpu.memory_space<semaphore_mem>>
    tpu.enqueue_indirect_dma source(%dma_start3A_1765 : memref<400000xf32, #tpu.memory_space<hbm>>) target(%dma_start3A_1761 : memref<128xf32, #tpu.memory_space<vmem>>) offsets(%dma_start3A_1763 : memref<128xi32, #tpu.memory_space<vmem>>) semaphore(%dma_start3A_1767 : memref<!tpu.dma_semaphore, #tpu.memory_space<semaphore_mem>>)
    %dma_start3A_1768 = arith.constant 2 : i32
    %dma_start3A_1769 = arith.constant 256 : i32
    %dma_start3A_1770 = tpu.memref_slice %arg17[%dma_start3A_1769] : memref<512xf32, #tpu.memory_space<vmem>> -> memref<128xf32, #tpu.memory_space<vmem>>
    %dma_start3A_1771 = arith.constant 256 : i32
    %dma_start3A_1772 = tpu.memref_slice %arg13[%dma_start3A_1771] : memref<512xi32, #tpu.memory_space<vmem>> -> memref<128xi32, #tpu.memory_space<vmem>>
    %dma_start3A_1773 = arith.constant 0 : i32
    %dma_start3A_1774 = tpu.memref_slice %arg3[%dma_start3A_1773] : memref<400000xf32, #tpu.memory_space<hbm>> -> memref<400000xf32, #tpu.memory_space<hbm>>
    %dma_start3A_1775 = tpu.memref_slice %arg26[%dma_start3A_1768] : memref<4x!tpu.dma_semaphore, #tpu.memory_space<semaphore_mem>> -> memref<1x!tpu.dma_semaphore, #tpu.memory_space<semaphore_mem>>
    %dma_start3A_1776 = tpu.memref_squeeze %dma_start3A_1775 : memref<1x!tpu.dma_semaphore, #tpu.memory_space<semaphore_mem>> -> memref<!tpu.dma_semaphore, #tpu.memory_space<semaphore_mem>>
    tpu.enqueue_indirect_dma source(%dma_start3A_1774 : memref<400000xf32, #tpu.memory_space<hbm>>) target(%dma_start3A_1770 : memref<128xf32, #tpu.memory_space<vmem>>) offsets(%dma_start3A_1772 : memref<128xi32, #tpu.memory_space<vmem>>) semaphore(%dma_start3A_1776 : memref<!tpu.dma_semaphore, #tpu.memory_space<semaphore_mem>>)
    %dma_start3A_1777 = arith.constant 2 : i32
    %dma_start3A_1778 = arith.constant 256 : i32
    %dma_start3A_1779 = tpu.memref_slice %arg18[%dma_start3A_1778] : memref<512xf32, #tpu.memory_space<vmem>> -> memref<128xf32, #tpu.memory_space<vmem>>
    %dma_start3A_1780 = arith.constant 256 : i32
    %dma_start3A_1781 = tpu.memref_slice %arg14[%dma_start3A_1780] : memref<512xi32, #tpu.memory_space<vmem>> -> memref<128xi32, #tpu.memory_space<vmem>>
    %dma_start3A_1782 = arith.constant 0 : i32
    %dma_start3A_1783 = tpu.memref_slice %arg3[%dma_start3A_1782] : memref<400000xf32, #tpu.memory_space<hbm>> -> memref<400000xf32, #tpu.memory_space<hbm>>
    %dma_start3A_1784 = tpu.memref_slice %arg26[%dma_start3A_1777] : memref<4x!tpu.dma_semaphore, #tpu.memory_space<semaphore_mem>> -> memref<1x!tpu.dma_semaphore, #tpu.memory_space<semaphore_mem>>
    %dma_start3A_1785 = tpu.memref_squeeze %dma_start3A_1784 : memref<1x!tpu.dma_semaphore, #tpu.memory_space<semaphore_mem>> -> memref<!tpu.dma_semaphore, #tpu.memory_space<semaphore_mem>>
    tpu.enqueue_indirect_dma source(%dma_start3A_1783 : memref<400000xf32, #tpu.memory_space<hbm>>) target(%dma_start3A_1779 : memref<128xf32, #tpu.memory_space<vmem>>) offsets(%dma_start3A_1781 : memref<128xi32, #tpu.memory_space<vmem>>) semaphore(%dma_start3A_1785 : memref<!tpu.dma_semaphore, #tpu.memory_space<semaphore_mem>>)
    %dma_start3A_1786 = arith.constant 2 : i32
    %dma_start3A_1787 = arith.constant 256 : i32
    %dma_start3A_1788 = tpu.memref_slice %arg19[%dma_start3A_1787] : memref<512xf32, #tpu.memory_space<vmem>> -> memref<128xf32, #tpu.memory_space<vmem>>
    %dma_start3A_1789 = arith.constant 256 : i32
    %dma_start3A_1790 = tpu.memref_slice %arg15[%dma_start3A_1789] : memref<512xi32, #tpu.memory_space<vmem>> -> memref<128xi32, #tpu.memory_space<vmem>>
    %dma_start3A_1791 = arith.constant 0 : i32
    %dma_start3A_1792 = tpu.memref_slice %arg3[%dma_start3A_1791] : memref<400000xf32, #tpu.memory_space<hbm>> -> memref<400000xf32, #tpu.memory_space<hbm>>
    %dma_start3A_1793 = tpu.memref_slice %arg26[%dma_start3A_1786] : memref<4x!tpu.dma_semaphore, #tpu.memory_space<semaphore_mem>> -> memref<1x!tpu.dma_semaphore, #tpu.memory_space<semaphore_mem>>
    %dma_start3A_1794 = tpu.memref_squeeze %dma_start3A_1793 : memref<1x!tpu.dma_semaphore, #tpu.memory_space<semaphore_mem>> -> memref<!tpu.dma_semaphore, #tpu.memory_space<semaphore_mem>>
    tpu.enqueue_indirect_dma source(%dma_start3A_1792 : memref<400000xf32, #tpu.memory_space<hbm>>) target(%dma_start3A_1788 : memref<128xf32, #tpu.memory_space<vmem>>) offsets(%dma_start3A_1790 : memref<128xi32, #tpu.memory_space<vmem>>) semaphore(%dma_start3A_1794 : memref<!tpu.dma_semaphore, #tpu.memory_space<semaphore_mem>>)
    %dma_start3A_1795 = arith.constant 2 : i32
    %dma_start3A_1796 = arith.constant 256 : i32
    %dma_start3A_1797 = tpu.memref_slice %arg20[%dma_start3A_1796] : memref<512xf32, #tpu.memory_space<vmem>> -> memref<128xf32, #tpu.memory_space<vmem>>
    %dma_start3A_1798 = arith.constant 256 : i32
    %dma_start3A_1799 = tpu.memref_slice %arg16[%dma_start3A_1798] : memref<512xi32, #tpu.memory_space<vmem>> -> memref<128xi32, #tpu.memory_space<vmem>>
    %dma_start3A_1800 = arith.constant 0 : i32
    %dma_start3A_1801 = tpu.memref_slice %arg3[%dma_start3A_1800] : memref<400000xf32, #tpu.memory_space<hbm>> -> memref<400000xf32, #tpu.memory_space<hbm>>
    %dma_start3A_1802 = tpu.memref_slice %arg26[%dma_start3A_1795] : memref<4x!tpu.dma_semaphore, #tpu.memory_space<semaphore_mem>> -> memref<1x!tpu.dma_semaphore, #tpu.memory_space<semaphore_mem>>
    %dma_start3A_1803 = tpu.memref_squeeze %dma_start3A_1802 : memref<1x!tpu.dma_semaphore, #tpu.memory_space<semaphore_mem>> -> memref<!tpu.dma_semaphore, #tpu.memory_space<semaphore_mem>>
    tpu.enqueue_indirect_dma source(%dma_start3A_1801 : memref<400000xf32, #tpu.memory_space<hbm>>) target(%dma_start3A_1797 : memref<128xf32, #tpu.memory_space<vmem>>) offsets(%dma_start3A_1799 : memref<128xi32, #tpu.memory_space<vmem>>) semaphore(%dma_start3A_1803 : memref<!tpu.dma_semaphore, #tpu.memory_space<semaphore_mem>>)
    %dma_start3A_1804 = arith.constant 3 : i32
    %dma_start3A_1805 = arith.constant 384 : i32
    %dma_start3A_1806 = tpu.memref_slice %arg17[%dma_start3A_1805] : memref<512xf32, #tpu.memory_space<vmem>> -> memref<128xf32, #tpu.memory_space<vmem>>
    %dma_start3A_1807 = arith.constant 384 : i32
    %dma_start3A_1808 = tpu.memref_slice %arg13[%dma_start3A_1807] : memref<512xi32, #tpu.memory_space<vmem>> -> memref<128xi32, #tpu.memory_space<vmem>>
    %dma_start3A_1809 = arith.constant 0 : i32
    %dma_start3A_1810 = tpu.memref_slice %arg3[%dma_start3A_1809] : memref<400000xf32, #tpu.memory_space<hbm>> -> memref<400000xf32, #tpu.memory_space<hbm>>
    %dma_start3A_1811 = tpu.memref_slice %arg26[%dma_start3A_1804] : memref<4x!tpu.dma_semaphore, #tpu.memory_space<semaphore_mem>> -> memref<1x!tpu.dma_semaphore, #tpu.memory_space<semaphore_mem>>
    %dma_start3A_1812 = tpu.memref_squeeze %dma_start3A_1811 : memref<1x!tpu.dma_semaphore, #tpu.memory_space<semaphore_mem>> -> memref<!tpu.dma_semaphore, #tpu.memory_space<semaphore_mem>>
    tpu.enqueue_indirect_dma source(%dma_start3A_1810 : memref<400000xf32, #tpu.memory_space<hbm>>) target(%dma_start3A_1806 : memref<128xf32, #tpu.memory_space<vmem>>) offsets(%dma_start3A_1808 : memref<128xi32, #tpu.memory_space<vmem>>) semaphore(%dma_start3A_1812 : memref<!tpu.dma_semaphore, #tpu.memory_space<semaphore_mem>>)
    %dma_start3A_1813 = arith.constant 3 : i32
    %dma_start3A_1814 = arith.constant 384 : i32
    %dma_start3A_1815 = tpu.memref_slice %arg18[%dma_start3A_1814] : memref<512xf32, #tpu.memory_space<vmem>> -> memref<128xf32, #tpu.memory_space<vmem>>
    %dma_start3A_1816 = arith.constant 384 : i32
    %dma_start3A_1817 = tpu.memref_slice %arg14[%dma_start3A_1816] : memref<512xi32, #tpu.memory_space<vmem>> -> memref<128xi32, #tpu.memory_space<vmem>>
    %dma_start3A_1818 = arith.constant 0 : i32
    %dma_start3A_1819 = tpu.memref_slice %arg3[%dma_start3A_1818] : memref<400000xf32, #tpu.memory_space<hbm>> -> memref<400000xf32, #tpu.memory_space<hbm>>
    %dma_start3A_1820 = tpu.memref_slice %arg26[%dma_start3A_1813] : memref<4x!tpu.dma_semaphore, #tpu.memory_space<semaphore_mem>> -> memref<1x!tpu.dma_semaphore, #tpu.memory_space<semaphore_mem>>
    %dma_start3A_1821 = tpu.memref_squeeze %dma_start3A_1820 : memref<1x!tpu.dma_semaphore, #tpu.memory_space<semaphore_mem>> -> memref<!tpu.dma_semaphore, #tpu.memory_space<semaphore_mem>>
    tpu.enqueue_indirect_dma source(%dma_start3A_1819 : memref<400000xf32, #tpu.memory_space<hbm>>) target(%dma_start3A_1815 : memref<128xf32, #tpu.memory_space<vmem>>) offsets(%dma_start3A_1817 : memref<128xi32, #tpu.memory_space<vmem>>) semaphore(%dma_start3A_1821 : memref<!tpu.dma_semaphore, #tpu.memory_space<semaphore_mem>>)
    %dma_start3A_1822 = arith.constant 3 : i32
    %dma_start3A_1823 = arith.constant 384 : i32
    %dma_start3A_1824 = tpu.memref_slice %arg19[%dma_start3A_1823] : memref<512xf32, #tpu.memory_space<vmem>> -> memref<128xf32, #tpu.memory_space<vmem>>
    %dma_start3A_1825 = arith.constant 384 : i32
    %dma_start3A_1826 = tpu.memref_slice %arg15[%dma_start3A_1825] : memref<512xi32, #tpu.memory_space<vmem>> -> memref<128xi32, #tpu.memory_space<vmem>>
    %dma_start3A_1827 = arith.constant 0 : i32
    %dma_start3A_1828 = tpu.memref_slice %arg3[%dma_start3A_1827] : memref<400000xf32, #tpu.memory_space<hbm>> -> memref<400000xf32, #tpu.memory_space<hbm>>
    %dma_start3A_1829 = tpu.memref_slice %arg26[%dma_start3A_1822] : memref<4x!tpu.dma_semaphore, #tpu.memory_space<semaphore_mem>> -> memref<1x!tpu.dma_semaphore, #tpu.memory_space<semaphore_mem>>
    %dma_start3A_1830 = tpu.memref_squeeze %dma_start3A_1829 : memref<1x!tpu.dma_semaphore, #tpu.memory_space<semaphore_mem>> -> memref<!tpu.dma_semaphore, #tpu.memory_space<semaphore_mem>>
    tpu.enqueue_indirect_dma source(%dma_start3A_1828 : memref<400000xf32, #tpu.memory_space<hbm>>) target(%dma_start3A_1824 : memref<128xf32, #tpu.memory_space<vmem>>) offsets(%dma_start3A_1826 : memref<128xi32, #tpu.memory_space<vmem>>) semaphore(%dma_start3A_1830 : memref<!tpu.dma_semaphore, #tpu.memory_space<semaphore_mem>>)
    %dma_start3A_1831 = arith.constant 3 : i32
    %dma_start3A_1832 = arith.constant 384 : i32
    %dma_start3A_1833 = tpu.memref_slice %arg20[%dma_start3A_1832] : memref<512xf32, #tpu.memory_space<vmem>> -> memref<128xf32, #tpu.memory_space<vmem>>
    %dma_start3A_1834 = arith.constant 384 : i32
    %dma_start3A_1835 = tpu.memref_slice %arg16[%dma_start3A_1834] : memref<512xi32, #tpu.memory_space<vmem>> -> memref<128xi32, #tpu.memory_space<vmem>>
    %dma_start3A_1836 = arith.constant 0 : i32
    %dma_start3A_1837 = tpu.memref_slice %arg3[%dma_start3A_1836] : memref<400000xf32, #tpu.memory_space<hbm>> -> memref<400000xf32, #tpu.memory_space<hbm>>
    %dma_start3A_1838 = tpu.memref_slice %arg26[%dma_start3A_1831] : memref<4x!tpu.dma_semaphore, #tpu.memory_space<semaphore_mem>> -> memref<1x!tpu.dma_semaphore, #tpu.memory_space<semaphore_mem>>
    %dma_start3A_1839 = tpu.memref_squeeze %dma_start3A_1838 : memref<1x!tpu.dma_semaphore, #tpu.memory_space<semaphore_mem>> -> memref<!tpu.dma_semaphore, #tpu.memory_space<semaphore_mem>>
    tpu.enqueue_indirect_dma source(%dma_start3A_1837 : memref<400000xf32, #tpu.memory_space<hbm>>) target(%dma_start3A_1833 : memref<128xf32, #tpu.memory_space<vmem>>) offsets(%dma_start3A_1835 : memref<128xi32, #tpu.memory_space<vmem>>) semaphore(%dma_start3A_1839 : memref<!tpu.dma_semaphore, #tpu.memory_space<semaphore_mem>>)
    %dma_wait3A_1840 = tpu.memref_slice %arg4[%mul3A_2] : memref<16384xi32, #tpu.memory_space<hbm>> -> memref<512xi32, #tpu.memory_space<hbm>>
    %dma_wait3A_1841 = tpu.memref_slice %arg4[%mul3A_2] : memref<16384xi32, #tpu.memory_space<hbm>> -> memref<512xi32, #tpu.memory_space<hbm>>
    tpu.wait_dma2 semaphore(%arg25 : memref<!tpu.dma_semaphore, #tpu.memory_space<semaphore_mem>>) src(%dma_wait3A_1841 : memref<512xi32, #tpu.memory_space<hbm>>) dst(%arg11 : memref<512xi32, #tpu.memory_space<vmem>>)
    tpu.wait_dma2 semaphore(%arg25 : memref<!tpu.dma_semaphore, #tpu.memory_space<semaphore_mem>>) src(%arg2 : memref<4096xf32, #tpu.memory_space<hbm>>) dst(%arg10 : memref<4096xf32, #tpu.memory_space<vmem>>)
    %dma_wait3A_1842 = arith.constant 0 : i32
    %dma_wait3A_1843 = arith.constant 0 : i32
    %dma_wait3A_1844 = tpu.memref_slice %arg17[%dma_wait3A_1843] : memref<512xf32, #tpu.memory_space<vmem>> -> memref<128xf32, #tpu.memory_space<vmem>>
    %dma_wait3A_1845 = arith.constant 0 : i32
    %dma_wait3A_1846 = tpu.memref_slice %arg13[%dma_wait3A_1845] : memref<512xi32, #tpu.memory_space<vmem>> -> memref<128xi32, #tpu.memory_space<vmem>>
    %dma_wait3A_1847 = arith.constant 0 : i32
    %dma_wait3A_1848 = tpu.memref_slice %arg3[%dma_wait3A_1847] : memref<400000xf32, #tpu.memory_space<hbm>> -> memref<400000xf32, #tpu.memory_space<hbm>>
    %dma_wait3A_1849 = tpu.memref_slice %arg26[%dma_wait3A_1842] : memref<4x!tpu.dma_semaphore, #tpu.memory_space<semaphore_mem>> -> memref<1x!tpu.dma_semaphore, #tpu.memory_space<semaphore_mem>>
    %dma_wait3A_1850 = tpu.memref_squeeze %dma_wait3A_1849 : memref<1x!tpu.dma_semaphore, #tpu.memory_space<semaphore_mem>> -> memref<!tpu.dma_semaphore, #tpu.memory_space<semaphore_mem>>
    tpu.wait_indirect_dma semaphore(%dma_wait3A_1850 : memref<!tpu.dma_semaphore, #tpu.memory_space<semaphore_mem>>) src(%dma_wait3A_1848 : memref<400000xf32, #tpu.memory_space<hbm>>) dst(%dma_wait3A_1844 : memref<128xf32, #tpu.memory_space<vmem>>)
    %dma_wait3A_1851 = arith.constant 0 : i32
    %dma_wait3A_1852 = arith.constant 0 : i32
    %dma_wait3A_1853 = tpu.memref_slice %arg18[%dma_wait3A_1852] : memref<512xf32, #tpu.memory_space<vmem>> -> memref<128xf32, #tpu.memory_space<vmem>>
    %dma_wait3A_1854 = arith.constant 0 : i32
    %dma_wait3A_1855 = tpu.memref_slice %arg14[%dma_wait3A_1854] : memref<512xi32, #tpu.memory_space<vmem>> -> memref<128xi32, #tpu.memory_space<vmem>>
    %dma_wait3A_1856 = arith.constant 0 : i32
    %dma_wait3A_1857 = tpu.memref_slice %arg3[%dma_wait3A_1856] : memref<400000xf32, #tpu.memory_space<hbm>> -> memref<400000xf32, #tpu.memory_space<hbm>>
    %dma_wait3A_1858 = tpu.memref_slice %arg26[%dma_wait3A_1851] : memref<4x!tpu.dma_semaphore, #tpu.memory_space<semaphore_mem>> -> memref<1x!tpu.dma_semaphore, #tpu.memory_space<semaphore_mem>>
    %dma_wait3A_1859 = tpu.memref_squeeze %dma_wait3A_1858 : memref<1x!tpu.dma_semaphore, #tpu.memory_space<semaphore_mem>> -> memref<!tpu.dma_semaphore, #tpu.memory_space<semaphore_mem>>
    tpu.wait_indirect_dma semaphore(%dma_wait3A_1859 : memref<!tpu.dma_semaphore, #tpu.memory_space<semaphore_mem>>) src(%dma_wait3A_1857 : memref<400000xf32, #tpu.memory_space<hbm>>) dst(%dma_wait3A_1853 : memref<128xf32, #tpu.memory_space<vmem>>)
    %dma_wait3A_1860 = arith.constant 0 : i32
    %dma_wait3A_1861 = arith.constant 0 : i32
    %dma_wait3A_1862 = tpu.memref_slice %arg19[%dma_wait3A_1861] : memref<512xf32, #tpu.memory_space<vmem>> -> memref<128xf32, #tpu.memory_space<vmem>>
    %dma_wait3A_1863 = arith.constant 0 : i32
    %dma_wait3A_1864 = tpu.memref_slice %arg15[%dma_wait3A_1863] : memref<512xi32, #tpu.memory_space<vmem>> -> memref<128xi32, #tpu.memory_space<vmem>>
    %dma_wait3A_1865 = arith.constant 0 : i32
    %dma_wait3A_1866 = tpu.memref_slice %arg3[%dma_wait3A_1865] : memref<400000xf32, #tpu.memory_space<hbm>> -> memref<400000xf32, #tpu.memory_space<hbm>>
    %dma_wait3A_1867 = tpu.memref_slice %arg26[%dma_wait3A_1860] : memref<4x!tpu.dma_semaphore, #tpu.memory_space<semaphore_mem>> -> memref<1x!tpu.dma_semaphore, #tpu.memory_space<semaphore_mem>>
    %dma_wait3A_1868 = tpu.memref_squeeze %dma_wait3A_1867 : memref<1x!tpu.dma_semaphore, #tpu.memory_space<semaphore_mem>> -> memref<!tpu.dma_semaphore, #tpu.memory_space<semaphore_mem>>
    tpu.wait_indirect_dma semaphore(%dma_wait3A_1868 : memref<!tpu.dma_semaphore, #tpu.memory_space<semaphore_mem>>) src(%dma_wait3A_1866 : memref<400000xf32, #tpu.memory_space<hbm>>) dst(%dma_wait3A_1862 : memref<128xf32, #tpu.memory_space<vmem>>)
    %dma_wait3A_1869 = arith.constant 0 : i32
    %dma_wait3A_1870 = arith.constant 0 : i32
    %dma_wait3A_1871 = tpu.memref_slice %arg20[%dma_wait3A_1870] : memref<512xf32, #tpu.memory_space<vmem>> -> memref<128xf32, #tpu.memory_space<vmem>>
    %dma_wait3A_1872 = arith.constant 0 : i32
    %dma_wait3A_1873 = tpu.memref_slice %arg16[%dma_wait3A_1872] : memref<512xi32, #tpu.memory_space<vmem>> -> memref<128xi32, #tpu.memory_space<vmem>>
    %dma_wait3A_1874 = arith.constant 0 : i32
    %dma_wait3A_1875 = tpu.memref_slice %arg3[%dma_wait3A_1874] : memref<400000xf32, #tpu.memory_space<hbm>> -> memref<400000xf32, #tpu.memory_space<hbm>>
    %dma_wait3A_1876 = tpu.memref_slice %arg26[%dma_wait3A_1869] : memref<4x!tpu.dma_semaphore, #tpu.memory_space<semaphore_mem>> -> memref<1x!tpu.dma_semaphore, #tpu.memory_space<semaphore_mem>>
    %dma_wait3A_1877 = tpu.memref_squeeze %dma_wait3A_1876 : memref<1x!tpu.dma_semaphore, #tpu.memory_space<semaphore_mem>> -> memref<!tpu.dma_semaphore, #tpu.memory_space<semaphore_mem>>
    tpu.wait_indirect_dma semaphore(%dma_wait3A_1877 : memref<!tpu.dma_semaphore, #tpu.memory_space<semaphore_mem>>) src(%dma_wait3A_1875 : memref<400000xf32, #tpu.memory_space<hbm>>) dst(%dma_wait3A_1871 : memref<128xf32, #tpu.memory_space<vmem>>)
    %scan3A = arith.constant 0 : i32
    %scan3A_1878 = arith.constant 0 : i32
    %scan3A_1879 = arith.constant 8 : i32
    %scan3A_1880 = arith.addi %scan3A_1878, %scan3A_1879 : i32
    %scan3A_1881 = arith.constant 1 : i32
    scf.for %scan3A_2025 = %scan3A_1878 to %scan3A_1880 step %scan3A_1881  : i32 {
      %mul3A_2026 = arith.constant 16 : i32
      %mul3A_2027 = arith.muli %scan3A_2025, %mul3A_2026 : i32
      %multiple_of3A_2028 = tpu.assume_multiple %mul3A_2027, 16 : i32
      %get3A_2029 = arith.index_cast %multiple_of3A_2028 : i32 to index
      %get3A_2030 = tpu.vector_load %arg11[%get3A_2029] {strides = array<i32>} : memref<512xi32, #tpu.memory_space<vmem>>, vector<16xi32>,
      %gather3A = tpu.vector_load_idx %arg10[%get3A_2030] : memref<4096xf32, #tpu.memory_space<vmem>>[vector<16xi32>], vector<16xf32>,
      %add3A_2031 = arith.constant 1024 : i32
      %add3A_2032 = vector.broadcast %add3A_2031 : i32 to vector<16xi32>
      %add3A_2033 = arith.addi %get3A_2030, %add3A_2032 : vector<16xi32>
      %gather3A_2034 = tpu.vector_load_idx %arg10[%add3A_2033] : memref<4096xf32, #tpu.memory_space<vmem>>[vector<16xi32>], vector<16xf32>,
      %add3A_2035 = arith.constant 2048 : i32
      %add3A_2036 = vector.broadcast %add3A_2035 : i32 to vector<16xi32>
      %add3A_2037 = arith.addi %get3A_2030, %add3A_2036 : vector<16xi32>
      %gather3A_2038 = tpu.vector_load_idx %arg10[%add3A_2037] : memref<4096xf32, #tpu.memory_space<vmem>>[vector<16xi32>], vector<16xf32>,
      %add3A_2039 = arith.constant 3072 : i32
      %add3A_2040 = vector.broadcast %add3A_2039 : i32 to vector<16xi32>
      %add3A_2041 = arith.addi %get3A_2030, %add3A_2040 : vector<16xi32>
      %gather3A_2042 = tpu.vector_load_idx %arg10[%add3A_2041] : memref<4096xf32, #tpu.memory_space<vmem>>[vector<16xi32>], vector<16xf32>,
      %get3A_2043 = arith.index_cast %multiple_of3A_2028 : i32 to index
      %get3A_2044 = tpu.vector_load %arg17[%get3A_2043] {strides = array<i32>} : memref<512xf32, #tpu.memory_space<vmem>>, vector<16xf32>,
      %get3A_2045 = arith.index_cast %multiple_of3A_2028 : i32 to index
      %get3A_2046 = tpu.vector_load %arg18[%get3A_2045] {strides = array<i32>} : memref<512xf32, #tpu.memory_space<vmem>>, vector<16xf32>,
      %get3A_2047 = arith.index_cast %multiple_of3A_2028 : i32 to index
      %get3A_2048 = tpu.vector_load %arg19[%get3A_2047] {strides = array<i32>} : memref<512xf32, #tpu.memory_space<vmem>>, vector<16xf32>,
      %get3A_2049 = arith.index_cast %multiple_of3A_2028 : i32 to index
      %get3A_2050 = tpu.vector_load %arg20[%get3A_2049] {strides = array<i32>} : memref<512xf32, #tpu.memory_space<vmem>>, vector<16xf32>,
      %add3A_2051 = arith.addf %gather3A, %get3A_2044 : vector<16xf32>
      %neg3A = arith.constant 0.000000e+00 : f32
      %neg3A_2052 = vector.broadcast %neg3A : f32 to vector<16xf32>
      %neg3A_2053 = arith.subf %neg3A_2052, %add3A_2051 : vector<16xf32>
      %exp3A = math.exp %neg3A_2053 : vector<16xf32>
      %add3A_2054 = arith.constant 1.000000e+00 : f32
      %add3A_2055 = vector.broadcast %add3A_2054 : f32 to vector<16xf32>
      %add3A_2056 = arith.addf %add3A_2055, %exp3A : vector<16xf32>
      %div3A = arith.constant 1.000000e+00 : f32
      %div3A_2057 = vector.broadcast %div3A : f32 to vector<16xf32>
      %div3A_2058 = arith.divf %div3A_2057, %add3A_2056 : vector<16xf32>
      %swap3A_2059 = arith.index_cast %multiple_of3A_2028 : i32 to index
      %swap3A_2060 = tpu.vector_load %arg21[%swap3A_2059] {strides = array<i32>} : memref<512xf32, #tpu.memory_space<vmem>>, vector<16xf32>,
      tpu.vector_store %arg21[%swap3A_2059], %div3A_2058 {strides = array<i32>} : memref<512xf32, #tpu.memory_space<vmem>>, vector<16xf32>,
      %sub3A_2061 = arith.subf %gather3A_2034, %get3A_2046 : vector<16xf32>
      %neg3A_2062 = arith.constant 0.000000e+00 : f32
      %neg3A_2063 = vector.broadcast %neg3A_2062 : f32 to vector<16xf32>
      %neg3A_2064 = arith.subf %neg3A_2063, %sub3A_2061 : vector<16xf32>
      %exp3A_2065 = math.exp %neg3A_2064 : vector<16xf32>
      %add3A_2066 = arith.constant 1.000000e+00 : f32
      %add3A_2067 = vector.broadcast %add3A_2066 : f32 to vector<16xf32>
      %add3A_2068 = arith.addf %add3A_2067, %exp3A_2065 : vector<16xf32>
      %div3A_2069 = arith.constant 1.000000e+00 : f32
      %div3A_2070 = vector.broadcast %div3A_2069 : f32 to vector<16xf32>
      %div3A_2071 = arith.divf %div3A_2070, %add3A_2068 : vector<16xf32>
      %swap3A_2072 = arith.index_cast %multiple_of3A_2028 : i32 to index
      %swap3A_2073 = tpu.vector_load %arg22[%swap3A_2072] {strides = array<i32>} : memref<512xf32, #tpu.memory_space<vmem>>, vector<16xf32>,
      tpu.vector_store %arg22[%swap3A_2072], %div3A_2071 {strides = array<i32>} : memref<512xf32, #tpu.memory_space<vmem>>, vector<16xf32>,
      %add3A_2074 = arith.addf %gather3A_2038, %get3A_2048 : vector<16xf32>
      %swap3A_2075 = arith.index_cast %multiple_of3A_2028 : i32 to index
      %swap3A_2076 = tpu.vector_load %arg23[%swap3A_2075] {strides = array<i32>} : memref<512xf32, #tpu.memory_space<vmem>>, vector<16xf32>,
      tpu.vector_store %arg23[%swap3A_2075], %add3A_2074 {strides = array<i32>} : memref<512xf32, #tpu.memory_space<vmem>>, vector<16xf32>,
      %sub3A_2077 = arith.subf %gather3A_2042, %get3A_2050 : vector<16xf32>
      %swap3A_2078 = arith.index_cast %multiple_of3A_2028 : i32 to index
      %swap3A_2079 = tpu.vector_load %arg24[%swap3A_2078] {strides = array<i32>} : memref<512xf32, #tpu.memory_space<vmem>>, vector<16xf32>,
      tpu.vector_store %arg24[%swap3A_2078], %sub3A_2077 {strides = array<i32>} : memref<512xf32, #tpu.memory_space<vmem>>, vector<16xf32>,
    }
    %scan3A_1882 = arith.constant 8 : i32
    %dma_wait3A_1883 = arith.constant 1 : i32
    %dma_wait3A_1884 = arith.constant 128 : i32
    %dma_wait3A_1885 = tpu.memref_slice %arg17[%dma_wait3A_1884] : memref<512xf32, #tpu.memory_space<vmem>> -> memref<128xf32, #tpu.memory_space<vmem>>
    %dma_wait3A_1886 = arith.constant 128 : i32
    %dma_wait3A_1887 = tpu.memref_slice %arg13[%dma_wait3A_1886] : memref<512xi32, #tpu.memory_space<vmem>> -> memref<128xi32, #tpu.memory_space<vmem>>
    %dma_wait3A_1888 = arith.constant 0 : i32
    %dma_wait3A_1889 = tpu.memref_slice %arg3[%dma_wait3A_1888] : memref<400000xf32, #tpu.memory_space<hbm>> -> memref<400000xf32, #tpu.memory_space<hbm>>
    %dma_wait3A_1890 = tpu.memref_slice %arg26[%dma_wait3A_1883] : memref<4x!tpu.dma_semaphore, #tpu.memory_space<semaphore_mem>> -> memref<1x!tpu.dma_semaphore, #tpu.memory_space<semaphore_mem>>
    %dma_wait3A_1891 = tpu.memref_squeeze %dma_wait3A_1890 : memref<1x!tpu.dma_semaphore, #tpu.memory_space<semaphore_mem>> -> memref<!tpu.dma_semaphore, #tpu.memory_space<semaphore_mem>>
    tpu.wait_indirect_dma semaphore(%dma_wait3A_1891 : memref<!tpu.dma_semaphore, #tpu.memory_space<semaphore_mem>>) src(%dma_wait3A_1889 : memref<400000xf32, #tpu.memory_space<hbm>>) dst(%dma_wait3A_1885 : memref<128xf32, #tpu.memory_space<vmem>>)
    %dma_wait3A_1892 = arith.constant 1 : i32
    %dma_wait3A_1893 = arith.constant 128 : i32
    %dma_wait3A_1894 = tpu.memref_slice %arg18[%dma_wait3A_1893] : memref<512xf32, #tpu.memory_space<vmem>> -> memref<128xf32, #tpu.memory_space<vmem>>
    %dma_wait3A_1895 = arith.constant 128 : i32
    %dma_wait3A_1896 = tpu.memref_slice %arg14[%dma_wait3A_1895] : memref<512xi32, #tpu.memory_space<vmem>> -> memref<128xi32, #tpu.memory_space<vmem>>
    %dma_wait3A_1897 = arith.constant 0 : i32
    %dma_wait3A_1898 = tpu.memref_slice %arg3[%dma_wait3A_1897] : memref<400000xf32, #tpu.memory_space<hbm>> -> memref<400000xf32, #tpu.memory_space<hbm>>
    %dma_wait3A_1899 = tpu.memref_slice %arg26[%dma_wait3A_1892] : memref<4x!tpu.dma_semaphore, #tpu.memory_space<semaphore_mem>> -> memref<1x!tpu.dma_semaphore, #tpu.memory_space<semaphore_mem>>
    %dma_wait3A_1900 = tpu.memref_squeeze %dma_wait3A_1899 : memref<1x!tpu.dma_semaphore, #tpu.memory_space<semaphore_mem>> -> memref<!tpu.dma_semaphore, #tpu.memory_space<semaphore_mem>>
    tpu.wait_indirect_dma semaphore(%dma_wait3A_1900 : memref<!tpu.dma_semaphore, #tpu.memory_space<semaphore_mem>>) src(%dma_wait3A_1898 : memref<400000xf32, #tpu.memory_space<hbm>>) dst(%dma_wait3A_1894 : memref<128xf32, #tpu.memory_space<vmem>>)
    %dma_wait3A_1901 = arith.constant 1 : i32
    %dma_wait3A_1902 = arith.constant 128 : i32
    %dma_wait3A_1903 = tpu.memref_slice %arg19[%dma_wait3A_1902] : memref<512xf32, #tpu.memory_space<vmem>> -> memref<128xf32, #tpu.memory_space<vmem>>
    %dma_wait3A_1904 = arith.constant 128 : i32
    %dma_wait3A_1905 = tpu.memref_slice %arg15[%dma_wait3A_1904] : memref<512xi32, #tpu.memory_space<vmem>> -> memref<128xi32, #tpu.memory_space<vmem>>
    %dma_wait3A_1906 = arith.constant 0 : i32
    %dma_wait3A_1907 = tpu.memref_slice %arg3[%dma_wait3A_1906] : memref<400000xf32, #tpu.memory_space<hbm>> -> memref<400000xf32, #tpu.memory_space<hbm>>
    %dma_wait3A_1908 = tpu.memref_slice %arg26[%dma_wait3A_1901] : memref<4x!tpu.dma_semaphore, #tpu.memory_space<semaphore_mem>> -> memref<1x!tpu.dma_semaphore, #tpu.memory_space<semaphore_mem>>
    %dma_wait3A_1909 = tpu.memref_squeeze %dma_wait3A_1908 : memref<1x!tpu.dma_semaphore, #tpu.memory_space<semaphore_mem>> -> memref<!tpu.dma_semaphore, #tpu.memory_space<semaphore_mem>>
    tpu.wait_indirect_dma semaphore(%dma_wait3A_1909 : memref<!tpu.dma_semaphore, #tpu.memory_space<semaphore_mem>>) src(%dma_wait3A_1907 : memref<400000xf32, #tpu.memory_space<hbm>>) dst(%dma_wait3A_1903 : memref<128xf32, #tpu.memory_space<vmem>>)
    %dma_wait3A_1910 = arith.constant 1 : i32
    %dma_wait3A_1911 = arith.constant 128 : i32
    %dma_wait3A_1912 = tpu.memref_slice %arg20[%dma_wait3A_1911] : memref<512xf32, #tpu.memory_space<vmem>> -> memref<128xf32, #tpu.memory_space<vmem>>
    %dma_wait3A_1913 = arith.constant 128 : i32
    %dma_wait3A_1914 = tpu.memref_slice %arg16[%dma_wait3A_1913] : memref<512xi32, #tpu.memory_space<vmem>> -> memref<128xi32, #tpu.memory_space<vmem>>
    %dma_wait3A_1915 = arith.constant 0 : i32
    %dma_wait3A_1916 = tpu.memref_slice %arg3[%dma_wait3A_1915] : memref<400000xf32, #tpu.memory_space<hbm>> -> memref<400000xf32, #tpu.memory_space<hbm>>
    %dma_wait3A_1917 = tpu.memref_slice %arg26[%dma_wait3A_1910] : memref<4x!tpu.dma_semaphore, #tpu.memory_space<semaphore_mem>> -> memref<1x!tpu.dma_semaphore, #tpu.memory_space<semaphore_mem>>
    %dma_wait3A_1918 = tpu.memref_squeeze %dma_wait3A_1917 : memref<1x!tpu.dma_semaphore, #tpu.memory_space<semaphore_mem>> -> memref<!tpu.dma_semaphore, #tpu.memory_space<semaphore_mem>>
    tpu.wait_indirect_dma semaphore(%dma_wait3A_1918 : memref<!tpu.dma_semaphore, #tpu.memory_space<semaphore_mem>>) src(%dma_wait3A_1916 : memref<400000xf32, #tpu.memory_space<hbm>>) dst(%dma_wait3A_1912 : memref<128xf32, #tpu.memory_space<vmem>>)
    %scan3A_1919 = arith.constant 0 : i32
    %scan3A_1920 = arith.constant 8 : i32
    %scan3A_1921 = arith.constant 8 : i32
    %scan3A_1922 = arith.addi %scan3A_1920, %scan3A_1921 : i32
    %scan3A_1923 = arith.constant 1 : i32
    scf.for %scan3A_2025 = %scan3A_1920 to %scan3A_1922 step %scan3A_1923  : i32 {
      %mul3A_2026 = arith.constant 16 : i32
      %mul3A_2027 = arith.muli %scan3A_2025, %mul3A_2026 : i32
      %multiple_of3A_2028 = tpu.assume_multiple %mul3A_2027, 16 : i32
      %get3A_2029 = arith.index_cast %multiple_of3A_2028 : i32 to index
      %get3A_2030 = tpu.vector_load %arg11[%get3A_2029] {strides = array<i32>} : memref<512xi32, #tpu.memory_space<vmem>>, vector<16xi32>,
      %gather3A = tpu.vector_load_idx %arg10[%get3A_2030] : memref<4096xf32, #tpu.memory_space<vmem>>[vector<16xi32>], vector<16xf32>,
      %add3A_2031 = arith.constant 1024 : i32
      %add3A_2032 = vector.broadcast %add3A_2031 : i32 to vector<16xi32>
      %add3A_2033 = arith.addi %get3A_2030, %add3A_2032 : vector<16xi32>
      %gather3A_2034 = tpu.vector_load_idx %arg10[%add3A_2033] : memref<4096xf32, #tpu.memory_space<vmem>>[vector<16xi32>], vector<16xf32>,
      %add3A_2035 = arith.constant 2048 : i32
      %add3A_2036 = vector.broadcast %add3A_2035 : i32 to vector<16xi32>
      %add3A_2037 = arith.addi %get3A_2030, %add3A_2036 : vector<16xi32>
      %gather3A_2038 = tpu.vector_load_idx %arg10[%add3A_2037] : memref<4096xf32, #tpu.memory_space<vmem>>[vector<16xi32>], vector<16xf32>,
      %add3A_2039 = arith.constant 3072 : i32
      %add3A_2040 = vector.broadcast %add3A_2039 : i32 to vector<16xi32>
      %add3A_2041 = arith.addi %get3A_2030, %add3A_2040 : vector<16xi32>
      %gather3A_2042 = tpu.vector_load_idx %arg10[%add3A_2041] : memref<4096xf32, #tpu.memory_space<vmem>>[vector<16xi32>], vector<16xf32>,
      %get3A_2043 = arith.index_cast %multiple_of3A_2028 : i32 to index
      %get3A_2044 = tpu.vector_load %arg17[%get3A_2043] {strides = array<i32>} : memref<512xf32, #tpu.memory_space<vmem>>, vector<16xf32>,
      %get3A_2045 = arith.index_cast %multiple_of3A_2028 : i32 to index
      %get3A_2046 = tpu.vector_load %arg18[%get3A_2045] {strides = array<i32>} : memref<512xf32, #tpu.memory_space<vmem>>, vector<16xf32>,
      %get3A_2047 = arith.index_cast %multiple_of3A_2028 : i32 to index
      %get3A_2048 = tpu.vector_load %arg19[%get3A_2047] {strides = array<i32>} : memref<512xf32, #tpu.memory_space<vmem>>, vector<16xf32>,
      %get3A_2049 = arith.index_cast %multiple_of3A_2028 : i32 to index
      %get3A_2050 = tpu.vector_load %arg20[%get3A_2049] {strides = array<i32>} : memref<512xf32, #tpu.memory_space<vmem>>, vector<16xf32>,
      %add3A_2051 = arith.addf %gather3A, %get3A_2044 : vector<16xf32>
      %neg3A = arith.constant 0.000000e+00 : f32
      %neg3A_2052 = vector.broadcast %neg3A : f32 to vector<16xf32>
      %neg3A_2053 = arith.subf %neg3A_2052, %add3A_2051 : vector<16xf32>
      %exp3A = math.exp %neg3A_2053 : vector<16xf32>
      %add3A_2054 = arith.constant 1.000000e+00 : f32
      %add3A_2055 = vector.broadcast %add3A_2054 : f32 to vector<16xf32>
      %add3A_2056 = arith.addf %add3A_2055, %exp3A : vector<16xf32>
      %div3A = arith.constant 1.000000e+00 : f32
      %div3A_2057 = vector.broadcast %div3A : f32 to vector<16xf32>
      %div3A_2058 = arith.divf %div3A_2057, %add3A_2056 : vector<16xf32>
      %swap3A_2059 = arith.index_cast %multiple_of3A_2028 : i32 to index
      %swap3A_2060 = tpu.vector_load %arg21[%swap3A_2059] {strides = array<i32>} : memref<512xf32, #tpu.memory_space<vmem>>, vector<16xf32>,
      tpu.vector_store %arg21[%swap3A_2059], %div3A_2058 {strides = array<i32>} : memref<512xf32, #tpu.memory_space<vmem>>, vector<16xf32>,
      %sub3A_2061 = arith.subf %gather3A_2034, %get3A_2046 : vector<16xf32>
      %neg3A_2062 = arith.constant 0.000000e+00 : f32
      %neg3A_2063 = vector.broadcast %neg3A_2062 : f32 to vector<16xf32>
      %neg3A_2064 = arith.subf %neg3A_2063, %sub3A_2061 : vector<16xf32>
      %exp3A_2065 = math.exp %neg3A_2064 : vector<16xf32>
      %add3A_2066 = arith.constant 1.000000e+00 : f32
      %add3A_2067 = vector.broadcast %add3A_2066 : f32 to vector<16xf32>
      %add3A_2068 = arith.addf %add3A_2067, %exp3A_2065 : vector<16xf32>
      %div3A_2069 = arith.constant 1.000000e+00 : f32
      %div3A_2070 = vector.broadcast %div3A_2069 : f32 to vector<16xf32>
      %div3A_2071 = arith.divf %div3A_2070, %add3A_2068 : vector<16xf32>
      %swap3A_2072 = arith.index_cast %multiple_of3A_2028 : i32 to index
      %swap3A_2073 = tpu.vector_load %arg22[%swap3A_2072] {strides = array<i32>} : memref<512xf32, #tpu.memory_space<vmem>>, vector<16xf32>,
      tpu.vector_store %arg22[%swap3A_2072], %div3A_2071 {strides = array<i32>} : memref<512xf32, #tpu.memory_space<vmem>>, vector<16xf32>,
      %add3A_2074 = arith.addf %gather3A_2038, %get3A_2048 : vector<16xf32>
      %swap3A_2075 = arith.index_cast %multiple_of3A_2028 : i32 to index
      %swap3A_2076 = tpu.vector_load %arg23[%swap3A_2075] {strides = array<i32>} : memref<512xf32, #tpu.memory_space<vmem>>, vector<16xf32>,
      tpu.vector_store %arg23[%swap3A_2075], %add3A_2074 {strides = array<i32>} : memref<512xf32, #tpu.memory_space<vmem>>, vector<16xf32>,
      %sub3A_2077 = arith.subf %gather3A_2042, %get3A_2050 : vector<16xf32>
      %swap3A_2078 = arith.index_cast %multiple_of3A_2028 : i32 to index
      %swap3A_2079 = tpu.vector_load %arg24[%swap3A_2078] {strides = array<i32>} : memref<512xf32, #tpu.memory_space<vmem>>, vector<16xf32>,
      tpu.vector_store %arg24[%swap3A_2078], %sub3A_2077 {strides = array<i32>} : memref<512xf32, #tpu.memory_space<vmem>>, vector<16xf32>,
    }
    %scan3A_1924 = arith.constant 8 : i32
    %dma_wait3A_1925 = arith.constant 2 : i32
    %dma_wait3A_1926 = arith.constant 256 : i32
    %dma_wait3A_1927 = tpu.memref_slice %arg17[%dma_wait3A_1926] : memref<512xf32, #tpu.memory_space<vmem>> -> memref<128xf32, #tpu.memory_space<vmem>>
    %dma_wait3A_1928 = arith.constant 256 : i32
    %dma_wait3A_1929 = tpu.memref_slice %arg13[%dma_wait3A_1928] : memref<512xi32, #tpu.memory_space<vmem>> -> memref<128xi32, #tpu.memory_space<vmem>>
    %dma_wait3A_1930 = arith.constant 0 : i32
    %dma_wait3A_1931 = tpu.memref_slice %arg3[%dma_wait3A_1930] : memref<400000xf32, #tpu.memory_space<hbm>> -> memref<400000xf32, #tpu.memory_space<hbm>>
    %dma_wait3A_1932 = tpu.memref_slice %arg26[%dma_wait3A_1925] : memref<4x!tpu.dma_semaphore, #tpu.memory_space<semaphore_mem>> -> memref<1x!tpu.dma_semaphore, #tpu.memory_space<semaphore_mem>>
    %dma_wait3A_1933 = tpu.memref_squeeze %dma_wait3A_1932 : memref<1x!tpu.dma_semaphore, #tpu.memory_space<semaphore_mem>> -> memref<!tpu.dma_semaphore, #tpu.memory_space<semaphore_mem>>
    tpu.wait_indirect_dma semaphore(%dma_wait3A_1933 : memref<!tpu.dma_semaphore, #tpu.memory_space<semaphore_mem>>) src(%dma_wait3A_1931 : memref<400000xf32, #tpu.memory_space<hbm>>) dst(%dma_wait3A_1927 : memref<128xf32, #tpu.memory_space<vmem>>)
    %dma_wait3A_1934 = arith.constant 2 : i32
    %dma_wait3A_1935 = arith.constant 256 : i32
    %dma_wait3A_1936 = tpu.memref_slice %arg18[%dma_wait3A_1935] : memref<512xf32, #tpu.memory_space<vmem>> -> memref<128xf32, #tpu.memory_space<vmem>>
    %dma_wait3A_1937 = arith.constant 256 : i32
    %dma_wait3A_1938 = tpu.memref_slice %arg14[%dma_wait3A_1937] : memref<512xi32, #tpu.memory_space<vmem>> -> memref<128xi32, #tpu.memory_space<vmem>>
    %dma_wait3A_1939 = arith.constant 0 : i32
    %dma_wait3A_1940 = tpu.memref_slice %arg3[%dma_wait3A_1939] : memref<400000xf32, #tpu.memory_space<hbm>> -> memref<400000xf32, #tpu.memory_space<hbm>>
    %dma_wait3A_1941 = tpu.memref_slice %arg26[%dma_wait3A_1934] : memref<4x!tpu.dma_semaphore, #tpu.memory_space<semaphore_mem>> -> memref<1x!tpu.dma_semaphore, #tpu.memory_space<semaphore_mem>>
    %dma_wait3A_1942 = tpu.memref_squeeze %dma_wait3A_1941 : memref<1x!tpu.dma_semaphore, #tpu.memory_space<semaphore_mem>> -> memref<!tpu.dma_semaphore, #tpu.memory_space<semaphore_mem>>
    tpu.wait_indirect_dma semaphore(%dma_wait3A_1942 : memref<!tpu.dma_semaphore, #tpu.memory_space<semaphore_mem>>) src(%dma_wait3A_1940 : memref<400000xf32, #tpu.memory_space<hbm>>) dst(%dma_wait3A_1936 : memref<128xf32, #tpu.memory_space<vmem>>)
    %dma_wait3A_1943 = arith.constant 2 : i32
    %dma_wait3A_1944 = arith.constant 256 : i32
    %dma_wait3A_1945 = tpu.memref_slice %arg19[%dma_wait3A_1944] : memref<512xf32, #tpu.memory_space<vmem>> -> memref<128xf32, #tpu.memory_space<vmem>>
    %dma_wait3A_1946 = arith.constant 256 : i32
    %dma_wait3A_1947 = tpu.memref_slice %arg15[%dma_wait3A_1946] : memref<512xi32, #tpu.memory_space<vmem>> -> memref<128xi32, #tpu.memory_space<vmem>>
    %dma_wait3A_1948 = arith.constant 0 : i32
    %dma_wait3A_1949 = tpu.memref_slice %arg3[%dma_wait3A_1948] : memref<400000xf32, #tpu.memory_space<hbm>> -> memref<400000xf32, #tpu.memory_space<hbm>>
    %dma_wait3A_1950 = tpu.memref_slice %arg26[%dma_wait3A_1943] : memref<4x!tpu.dma_semaphore, #tpu.memory_space<semaphore_mem>> -> memref<1x!tpu.dma_semaphore, #tpu.memory_space<semaphore_mem>>
    %dma_wait3A_1951 = tpu.memref_squeeze %dma_wait3A_1950 : memref<1x!tpu.dma_semaphore, #tpu.memory_space<semaphore_mem>> -> memref<!tpu.dma_semaphore, #tpu.memory_space<semaphore_mem>>
    tpu.wait_indirect_dma semaphore(%dma_wait3A_1951 : memref<!tpu.dma_semaphore, #tpu.memory_space<semaphore_mem>>) src(%dma_wait3A_1949 : memref<400000xf32, #tpu.memory_space<hbm>>) dst(%dma_wait3A_1945 : memref<128xf32, #tpu.memory_space<vmem>>)
    %dma_wait3A_1952 = arith.constant 2 : i32
    %dma_wait3A_1953 = arith.constant 256 : i32
    %dma_wait3A_1954 = tpu.memref_slice %arg20[%dma_wait3A_1953] : memref<512xf32, #tpu.memory_space<vmem>> -> memref<128xf32, #tpu.memory_space<vmem>>
    %dma_wait3A_1955 = arith.constant 256 : i32
    %dma_wait3A_1956 = tpu.memref_slice %arg16[%dma_wait3A_1955] : memref<512xi32, #tpu.memory_space<vmem>> -> memref<128xi32, #tpu.memory_space<vmem>>
    %dma_wait3A_1957 = arith.constant 0 : i32
    %dma_wait3A_1958 = tpu.memref_slice %arg3[%dma_wait3A_1957] : memref<400000xf32, #tpu.memory_space<hbm>> -> memref<400000xf32, #tpu.memory_space<hbm>>
    %dma_wait3A_1959 = tpu.memref_slice %arg26[%dma_wait3A_1952] : memref<4x!tpu.dma_semaphore, #tpu.memory_space<semaphore_mem>> -> memref<1x!tpu.dma_semaphore, #tpu.memory_space<semaphore_mem>>
    %dma_wait3A_1960 = tpu.memref_squeeze %dma_wait3A_1959 : memref<1x!tpu.dma_semaphore, #tpu.memory_space<semaphore_mem>> -> memref<!tpu.dma_semaphore, #tpu.memory_space<semaphore_mem>>
    tpu.wait_indirect_dma semaphore(%dma_wait3A_1960 : memref<!tpu.dma_semaphore, #tpu.memory_space<semaphore_mem>>) src(%dma_wait3A_1958 : memref<400000xf32, #tpu.memory_space<hbm>>) dst(%dma_wait3A_1954 : memref<128xf32, #tpu.memory_space<vmem>>)
    %scan3A_1961 = arith.constant 0 : i32
    %scan3A_1962 = arith.constant 16 : i32
    %scan3A_1963 = arith.constant 8 : i32
    %scan3A_1964 = arith.addi %scan3A_1962, %scan3A_1963 : i32
    %scan3A_1965 = arith.constant 1 : i32
    scf.for %scan3A_2025 = %scan3A_1962 to %scan3A_1964 step %scan3A_1965  : i32 {
      %mul3A_2026 = arith.constant 16 : i32
      %mul3A_2027 = arith.muli %scan3A_2025, %mul3A_2026 : i32
      %multiple_of3A_2028 = tpu.assume_multiple %mul3A_2027, 16 : i32
      %get3A_2029 = arith.index_cast %multiple_of3A_2028 : i32 to index
      %get3A_2030 = tpu.vector_load %arg11[%get3A_2029] {strides = array<i32>} : memref<512xi32, #tpu.memory_space<vmem>>, vector<16xi32>,
      %gather3A = tpu.vector_load_idx %arg10[%get3A_2030] : memref<4096xf32, #tpu.memory_space<vmem>>[vector<16xi32>], vector<16xf32>,
      %add3A_2031 = arith.constant 1024 : i32
      %add3A_2032 = vector.broadcast %add3A_2031 : i32 to vector<16xi32>
      %add3A_2033 = arith.addi %get3A_2030, %add3A_2032 : vector<16xi32>
      %gather3A_2034 = tpu.vector_load_idx %arg10[%add3A_2033] : memref<4096xf32, #tpu.memory_space<vmem>>[vector<16xi32>], vector<16xf32>,
      %add3A_2035 = arith.constant 2048 : i32
      %add3A_2036 = vector.broadcast %add3A_2035 : i32 to vector<16xi32>
      %add3A_2037 = arith.addi %get3A_2030, %add3A_2036 : vector<16xi32>
      %gather3A_2038 = tpu.vector_load_idx %arg10[%add3A_2037] : memref<4096xf32, #tpu.memory_space<vmem>>[vector<16xi32>], vector<16xf32>,
      %add3A_2039 = arith.constant 3072 : i32
      %add3A_2040 = vector.broadcast %add3A_2039 : i32 to vector<16xi32>
      %add3A_2041 = arith.addi %get3A_2030, %add3A_2040 : vector<16xi32>
      %gather3A_2042 = tpu.vector_load_idx %arg10[%add3A_2041] : memref<4096xf32, #tpu.memory_space<vmem>>[vector<16xi32>], vector<16xf32>,
      %get3A_2043 = arith.index_cast %multiple_of3A_2028 : i32 to index
      %get3A_2044 = tpu.vector_load %arg17[%get3A_2043] {strides = array<i32>} : memref<512xf32, #tpu.memory_space<vmem>>, vector<16xf32>,
      %get3A_2045 = arith.index_cast %multiple_of3A_2028 : i32 to index
      %get3A_2046 = tpu.vector_load %arg18[%get3A_2045] {strides = array<i32>} : memref<512xf32, #tpu.memory_space<vmem>>, vector<16xf32>,
      %get3A_2047 = arith.index_cast %multiple_of3A_2028 : i32 to index
      %get3A_2048 = tpu.vector_load %arg19[%get3A_2047] {strides = array<i32>} : memref<512xf32, #tpu.memory_space<vmem>>, vector<16xf32>,
      %get3A_2049 = arith.index_cast %multiple_of3A_2028 : i32 to index
      %get3A_2050 = tpu.vector_load %arg20[%get3A_2049] {strides = array<i32>} : memref<512xf32, #tpu.memory_space<vmem>>, vector<16xf32>,
      %add3A_2051 = arith.addf %gather3A, %get3A_2044 : vector<16xf32>
      %neg3A = arith.constant 0.000000e+00 : f32
      %neg3A_2052 = vector.broadcast %neg3A : f32 to vector<16xf32>
      %neg3A_2053 = arith.subf %neg3A_2052, %add3A_2051 : vector<16xf32>
      %exp3A = math.exp %neg3A_2053 : vector<16xf32>
      %add3A_2054 = arith.constant 1.000000e+00 : f32
      %add3A_2055 = vector.broadcast %add3A_2054 : f32 to vector<16xf32>
      %add3A_2056 = arith.addf %add3A_2055, %exp3A : vector<16xf32>
      %div3A = arith.constant 1.000000e+00 : f32
      %div3A_2057 = vector.broadcast %div3A : f32 to vector<16xf32>
      %div3A_2058 = arith.divf %div3A_2057, %add3A_2056 : vector<16xf32>
      %swap3A_2059 = arith.index_cast %multiple_of3A_2028 : i32 to index
      %swap3A_2060 = tpu.vector_load %arg21[%swap3A_2059] {strides = array<i32>} : memref<512xf32, #tpu.memory_space<vmem>>, vector<16xf32>,
      tpu.vector_store %arg21[%swap3A_2059], %div3A_2058 {strides = array<i32>} : memref<512xf32, #tpu.memory_space<vmem>>, vector<16xf32>,
      %sub3A_2061 = arith.subf %gather3A_2034, %get3A_2046 : vector<16xf32>
      %neg3A_2062 = arith.constant 0.000000e+00 : f32
      %neg3A_2063 = vector.broadcast %neg3A_2062 : f32 to vector<16xf32>
      %neg3A_2064 = arith.subf %neg3A_2063, %sub3A_2061 : vector<16xf32>
      %exp3A_2065 = math.exp %neg3A_2064 : vector<16xf32>
      %add3A_2066 = arith.constant 1.000000e+00 : f32
      %add3A_2067 = vector.broadcast %add3A_2066 : f32 to vector<16xf32>
      %add3A_2068 = arith.addf %add3A_2067, %exp3A_2065 : vector<16xf32>
      %div3A_2069 = arith.constant 1.000000e+00 : f32
      %div3A_2070 = vector.broadcast %div3A_2069 : f32 to vector<16xf32>
      %div3A_2071 = arith.divf %div3A_2070, %add3A_2068 : vector<16xf32>
      %swap3A_2072 = arith.index_cast %multiple_of3A_2028 : i32 to index
      %swap3A_2073 = tpu.vector_load %arg22[%swap3A_2072] {strides = array<i32>} : memref<512xf32, #tpu.memory_space<vmem>>, vector<16xf32>,
      tpu.vector_store %arg22[%swap3A_2072], %div3A_2071 {strides = array<i32>} : memref<512xf32, #tpu.memory_space<vmem>>, vector<16xf32>,
      %add3A_2074 = arith.addf %gather3A_2038, %get3A_2048 : vector<16xf32>
      %swap3A_2075 = arith.index_cast %multiple_of3A_2028 : i32 to index
      %swap3A_2076 = tpu.vector_load %arg23[%swap3A_2075] {strides = array<i32>} : memref<512xf32, #tpu.memory_space<vmem>>, vector<16xf32>,
      tpu.vector_store %arg23[%swap3A_2075], %add3A_2074 {strides = array<i32>} : memref<512xf32, #tpu.memory_space<vmem>>, vector<16xf32>,
      %sub3A_2077 = arith.subf %gather3A_2042, %get3A_2050 : vector<16xf32>
      %swap3A_2078 = arith.index_cast %multiple_of3A_2028 : i32 to index
      %swap3A_2079 = tpu.vector_load %arg24[%swap3A_2078] {strides = array<i32>} : memref<512xf32, #tpu.memory_space<vmem>>, vector<16xf32>,
      tpu.vector_store %arg24[%swap3A_2078], %sub3A_2077 {strides = array<i32>} : memref<512xf32, #tpu.memory_space<vmem>>, vector<16xf32>,
    }
    %scan3A_1966 = arith.constant 8 : i32
    %dma_wait3A_1967 = arith.constant 3 : i32
    %dma_wait3A_1968 = arith.constant 384 : i32
    %dma_wait3A_1969 = tpu.memref_slice %arg17[%dma_wait3A_1968] : memref<512xf32, #tpu.memory_space<vmem>> -> memref<128xf32, #tpu.memory_space<vmem>>
    %dma_wait3A_1970 = arith.constant 384 : i32
    %dma_wait3A_1971 = tpu.memref_slice %arg13[%dma_wait3A_1970] : memref<512xi32, #tpu.memory_space<vmem>> -> memref<128xi32, #tpu.memory_space<vmem>>
    %dma_wait3A_1972 = arith.constant 0 : i32
    %dma_wait3A_1973 = tpu.memref_slice %arg3[%dma_wait3A_1972] : memref<400000xf32, #tpu.memory_space<hbm>> -> memref<400000xf32, #tpu.memory_space<hbm>>
    %dma_wait3A_1974 = tpu.memref_slice %arg26[%dma_wait3A_1967] : memref<4x!tpu.dma_semaphore, #tpu.memory_space<semaphore_mem>> -> memref<1x!tpu.dma_semaphore, #tpu.memory_space<semaphore_mem>>
    %dma_wait3A_1975 = tpu.memref_squeeze %dma_wait3A_1974 : memref<1x!tpu.dma_semaphore, #tpu.memory_space<semaphore_mem>> -> memref<!tpu.dma_semaphore, #tpu.memory_space<semaphore_mem>>
    tpu.wait_indirect_dma semaphore(%dma_wait3A_1975 : memref<!tpu.dma_semaphore, #tpu.memory_space<semaphore_mem>>) src(%dma_wait3A_1973 : memref<400000xf32, #tpu.memory_space<hbm>>) dst(%dma_wait3A_1969 : memref<128xf32, #tpu.memory_space<vmem>>)
    %dma_wait3A_1976 = arith.constant 3 : i32
    %dma_wait3A_1977 = arith.constant 384 : i32
    %dma_wait3A_1978 = tpu.memref_slice %arg18[%dma_wait3A_1977] : memref<512xf32, #tpu.memory_space<vmem>> -> memref<128xf32, #tpu.memory_space<vmem>>
    %dma_wait3A_1979 = arith.constant 384 : i32
    %dma_wait3A_1980 = tpu.memref_slice %arg14[%dma_wait3A_1979] : memref<512xi32, #tpu.memory_space<vmem>> -> memref<128xi32, #tpu.memory_space<vmem>>
    %dma_wait3A_1981 = arith.constant 0 : i32
    %dma_wait3A_1982 = tpu.memref_slice %arg3[%dma_wait3A_1981] : memref<400000xf32, #tpu.memory_space<hbm>> -> memref<400000xf32, #tpu.memory_space<hbm>>
    %dma_wait3A_1983 = tpu.memref_slice %arg26[%dma_wait3A_1976] : memref<4x!tpu.dma_semaphore, #tpu.memory_space<semaphore_mem>> -> memref<1x!tpu.dma_semaphore, #tpu.memory_space<semaphore_mem>>
    %dma_wait3A_1984 = tpu.memref_squeeze %dma_wait3A_1983 : memref<1x!tpu.dma_semaphore, #tpu.memory_space<semaphore_mem>> -> memref<!tpu.dma_semaphore, #tpu.memory_space<semaphore_mem>>
    tpu.wait_indirect_dma semaphore(%dma_wait3A_1984 : memref<!tpu.dma_semaphore, #tpu.memory_space<semaphore_mem>>) src(%dma_wait3A_1982 : memref<400000xf32, #tpu.memory_space<hbm>>) dst(%dma_wait3A_1978 : memref<128xf32, #tpu.memory_space<vmem>>)
    %dma_wait3A_1985 = arith.constant 3 : i32
    %dma_wait3A_1986 = arith.constant 384 : i32
    %dma_wait3A_1987 = tpu.memref_slice %arg19[%dma_wait3A_1986] : memref<512xf32, #tpu.memory_space<vmem>> -> memref<128xf32, #tpu.memory_space<vmem>>
    %dma_wait3A_1988 = arith.constant 384 : i32
    %dma_wait3A_1989 = tpu.memref_slice %arg15[%dma_wait3A_1988] : memref<512xi32, #tpu.memory_space<vmem>> -> memref<128xi32, #tpu.memory_space<vmem>>
    %dma_wait3A_1990 = arith.constant 0 : i32
    %dma_wait3A_1991 = tpu.memref_slice %arg3[%dma_wait3A_1990] : memref<400000xf32, #tpu.memory_space<hbm>> -> memref<400000xf32, #tpu.memory_space<hbm>>
    %dma_wait3A_1992 = tpu.memref_slice %arg26[%dma_wait3A_1985] : memref<4x!tpu.dma_semaphore, #tpu.memory_space<semaphore_mem>> -> memref<1x!tpu.dma_semaphore, #tpu.memory_space<semaphore_mem>>
    %dma_wait3A_1993 = tpu.memref_squeeze %dma_wait3A_1992 : memref<1x!tpu.dma_semaphore, #tpu.memory_space<semaphore_mem>> -> memref<!tpu.dma_semaphore, #tpu.memory_space<semaphore_mem>>
    tpu.wait_indirect_dma semaphore(%dma_wait3A_1993 : memref<!tpu.dma_semaphore, #tpu.memory_space<semaphore_mem>>) src(%dma_wait3A_1991 : memref<400000xf32, #tpu.memory_space<hbm>>) dst(%dma_wait3A_1987 : memref<128xf32, #tpu.memory_space<vmem>>)
    %dma_wait3A_1994 = arith.constant 3 : i32
    %dma_wait3A_1995 = arith.constant 384 : i32
    %dma_wait3A_1996 = tpu.memref_slice %arg20[%dma_wait3A_1995] : memref<512xf32, #tpu.memory_space<vmem>> -> memref<128xf32, #tpu.memory_space<vmem>>
    %dma_wait3A_1997 = arith.constant 384 : i32
    %dma_wait3A_1998 = tpu.memref_slice %arg16[%dma_wait3A_1997] : memref<512xi32, #tpu.memory_space<vmem>> -> memref<128xi32, #tpu.memory_space<vmem>>
    %dma_wait3A_1999 = arith.constant 0 : i32
    %dma_wait3A_2000 = tpu.memref_slice %arg3[%dma_wait3A_1999] : memref<400000xf32, #tpu.memory_space<hbm>> -> memref<400000xf32, #tpu.memory_space<hbm>>
    %dma_wait3A_2001 = tpu.memref_slice %arg26[%dma_wait3A_1994] : memref<4x!tpu.dma_semaphore, #tpu.memory_space<semaphore_mem>> -> memref<1x!tpu.dma_semaphore, #tpu.memory_space<semaphore_mem>>
    %dma_wait3A_2002 = tpu.memref_squeeze %dma_wait3A_2001 : memref<1x!tpu.dma_semaphore, #tpu.memory_space<semaphore_mem>> -> memref<!tpu.dma_semaphore, #tpu.memory_space<semaphore_mem>>
    tpu.wait_indirect_dma semaphore(%dma_wait3A_2002 : memref<!tpu.dma_semaphore, #tpu.memory_space<semaphore_mem>>) src(%dma_wait3A_2000 : memref<400000xf32, #tpu.memory_space<hbm>>) dst(%dma_wait3A_1996 : memref<128xf32, #tpu.memory_space<vmem>>)
    %scan3A_2003 = arith.constant 0 : i32
    %scan3A_2004 = arith.constant 24 : i32
    %scan3A_2005 = arith.constant 8 : i32
    %scan3A_2006 = arith.addi %scan3A_2004, %scan3A_2005 : i32
    %scan3A_2007 = arith.constant 1 : i32
    scf.for %scan3A_2025 = %scan3A_2004 to %scan3A_2006 step %scan3A_2007  : i32 {
      %mul3A_2026 = arith.constant 16 : i32
      %mul3A_2027 = arith.muli %scan3A_2025, %mul3A_2026 : i32
      %multiple_of3A_2028 = tpu.assume_multiple %mul3A_2027, 16 : i32
      %get3A_2029 = arith.index_cast %multiple_of3A_2028 : i32 to index
      %get3A_2030 = tpu.vector_load %arg11[%get3A_2029] {strides = array<i32>} : memref<512xi32, #tpu.memory_space<vmem>>, vector<16xi32>,
      %gather3A = tpu.vector_load_idx %arg10[%get3A_2030] : memref<4096xf32, #tpu.memory_space<vmem>>[vector<16xi32>], vector<16xf32>,
      %add3A_2031 = arith.constant 1024 : i32
      %add3A_2032 = vector.broadcast %add3A_2031 : i32 to vector<16xi32>
      %add3A_2033 = arith.addi %get3A_2030, %add3A_2032 : vector<16xi32>
      %gather3A_2034 = tpu.vector_load_idx %arg10[%add3A_2033] : memref<4096xf32, #tpu.memory_space<vmem>>[vector<16xi32>], vector<16xf32>,
      %add3A_2035 = arith.constant 2048 : i32
      %add3A_2036 = vector.broadcast %add3A_2035 : i32 to vector<16xi32>
      %add3A_2037 = arith.addi %get3A_2030, %add3A_2036 : vector<16xi32>
      %gather3A_2038 = tpu.vector_load_idx %arg10[%add3A_2037] : memref<4096xf32, #tpu.memory_space<vmem>>[vector<16xi32>], vector<16xf32>,
      %add3A_2039 = arith.constant 3072 : i32
      %add3A_2040 = vector.broadcast %add3A_2039 : i32 to vector<16xi32>
      %add3A_2041 = arith.addi %get3A_2030, %add3A_2040 : vector<16xi32>
      %gather3A_2042 = tpu.vector_load_idx %arg10[%add3A_2041] : memref<4096xf32, #tpu.memory_space<vmem>>[vector<16xi32>], vector<16xf32>,
      %get3A_2043 = arith.index_cast %multiple_of3A_2028 : i32 to index
      %get3A_2044 = tpu.vector_load %arg17[%get3A_2043] {strides = array<i32>} : memref<512xf32, #tpu.memory_space<vmem>>, vector<16xf32>,
      %get3A_2045 = arith.index_cast %multiple_of3A_2028 : i32 to index
      %get3A_2046 = tpu.vector_load %arg18[%get3A_2045] {strides = array<i32>} : memref<512xf32, #tpu.memory_space<vmem>>, vector<16xf32>,
      %get3A_2047 = arith.index_cast %multiple_of3A_2028 : i32 to index
      %get3A_2048 = tpu.vector_load %arg19[%get3A_2047] {strides = array<i32>} : memref<512xf32, #tpu.memory_space<vmem>>, vector<16xf32>,
      %get3A_2049 = arith.index_cast %multiple_of3A_2028 : i32 to index
      %get3A_2050 = tpu.vector_load %arg20[%get3A_2049] {strides = array<i32>} : memref<512xf32, #tpu.memory_space<vmem>>, vector<16xf32>,
      %add3A_2051 = arith.addf %gather3A, %get3A_2044 : vector<16xf32>
      %neg3A = arith.constant 0.000000e+00 : f32
      %neg3A_2052 = vector.broadcast %neg3A : f32 to vector<16xf32>
      %neg3A_2053 = arith.subf %neg3A_2052, %add3A_2051 : vector<16xf32>
      %exp3A = math.exp %neg3A_2053 : vector<16xf32>
      %add3A_2054 = arith.constant 1.000000e+00 : f32
      %add3A_2055 = vector.broadcast %add3A_2054 : f32 to vector<16xf32>
      %add3A_2056 = arith.addf %add3A_2055, %exp3A : vector<16xf32>
      %div3A = arith.constant 1.000000e+00 : f32
      %div3A_2057 = vector.broadcast %div3A : f32 to vector<16xf32>
      %div3A_2058 = arith.divf %div3A_2057, %add3A_2056 : vector<16xf32>
      %swap3A_2059 = arith.index_cast %multiple_of3A_2028 : i32 to index
      %swap3A_2060 = tpu.vector_load %arg21[%swap3A_2059] {strides = array<i32>} : memref<512xf32, #tpu.memory_space<vmem>>, vector<16xf32>,
      tpu.vector_store %arg21[%swap3A_2059], %div3A_2058 {strides = array<i32>} : memref<512xf32, #tpu.memory_space<vmem>>, vector<16xf32>,
      %sub3A_2061 = arith.subf %gather3A_2034, %get3A_2046 : vector<16xf32>
      %neg3A_2062 = arith.constant 0.000000e+00 : f32
      %neg3A_2063 = vector.broadcast %neg3A_2062 : f32 to vector<16xf32>
      %neg3A_2064 = arith.subf %neg3A_2063, %sub3A_2061 : vector<16xf32>
      %exp3A_2065 = math.exp %neg3A_2064 : vector<16xf32>
      %add3A_2066 = arith.constant 1.000000e+00 : f32
      %add3A_2067 = vector.broadcast %add3A_2066 : f32 to vector<16xf32>
      %add3A_2068 = arith.addf %add3A_2067, %exp3A_2065 : vector<16xf32>
      %div3A_2069 = arith.constant 1.000000e+00 : f32
      %div3A_2070 = vector.broadcast %div3A_2069 : f32 to vector<16xf32>
      %div3A_2071 = arith.divf %div3A_2070, %add3A_2068 : vector<16xf32>
      %swap3A_2072 = arith.index_cast %multiple_of3A_2028 : i32 to index
      %swap3A_2073 = tpu.vector_load %arg22[%swap3A_2072] {strides = array<i32>} : memref<512xf32, #tpu.memory_space<vmem>>, vector<16xf32>,
      tpu.vector_store %arg22[%swap3A_2072], %div3A_2071 {strides = array<i32>} : memref<512xf32, #tpu.memory_space<vmem>>, vector<16xf32>,
      %add3A_2074 = arith.addf %gather3A_2038, %get3A_2048 : vector<16xf32>
      %swap3A_2075 = arith.index_cast %multiple_of3A_2028 : i32 to index
      %swap3A_2076 = tpu.vector_load %arg23[%swap3A_2075] {strides = array<i32>} : memref<512xf32, #tpu.memory_space<vmem>>, vector<16xf32>,
      tpu.vector_store %arg23[%swap3A_2075], %add3A_2074 {strides = array<i32>} : memref<512xf32, #tpu.memory_space<vmem>>, vector<16xf32>,
      %sub3A_2077 = arith.subf %gather3A_2042, %get3A_2050 : vector<16xf32>
      %swap3A_2078 = arith.index_cast %multiple_of3A_2028 : i32 to index
      %swap3A_2079 = tpu.vector_load %arg24[%swap3A_2078] {strides = array<i32>} : memref<512xf32, #tpu.memory_space<vmem>>, vector<16xf32>,
      tpu.vector_store %arg24[%swap3A_2078], %sub3A_2077 {strides = array<i32>} : memref<512xf32, #tpu.memory_space<vmem>>, vector<16xf32>,
    }
    %scan3A_2008 = arith.constant 8 : i32
    %dma_start3A_2009 = tpu.memref_slice %arg6[%mul3A_2] : memref<16384xf32, #tpu.memory_space<hbm>> -> memref<512xf32, #tpu.memory_space<hbm>>
    %dma_start3A_2010 = tpu.memref_slice %arg6[%mul3A_2] : memref<16384xf32, #tpu.memory_space<hbm>> -> memref<512xf32, #tpu.memory_space<hbm>>
    tpu.enqueue_dma source(%arg21 : memref<512xf32, #tpu.memory_space<vmem>>) target(%dma_start3A_2010 : memref<512xf32, #tpu.memory_space<hbm>>) target_semaphore(%arg25 : memref<!tpu.dma_semaphore, #tpu.memory_space<semaphore_mem>>)
    %dma_start3A_2011 = tpu.memref_slice %arg7[%mul3A_2] : memref<16384xf32, #tpu.memory_space<hbm>> -> memref<512xf32, #tpu.memory_space<hbm>>
    %dma_start3A_2012 = tpu.memref_slice %arg7[%mul3A_2] : memref<16384xf32, #tpu.memory_space<hbm>> -> memref<512xf32, #tpu.memory_space<hbm>>
    tpu.enqueue_dma source(%arg22 : memref<512xf32, #tpu.memory_space<vmem>>) target(%dma_start3A_2012 : memref<512xf32, #tpu.memory_space<hbm>>) target_semaphore(%arg25 : memref<!tpu.dma_semaphore, #tpu.memory_space<semaphore_mem>>)
    %dma_start3A_2013 = tpu.memref_slice %arg8[%mul3A_2] : memref<16384xf32, #tpu.memory_space<hbm>> -> memref<512xf32, #tpu.memory_space<hbm>>
    %dma_start3A_2014 = tpu.memref_slice %arg8[%mul3A_2] : memref<16384xf32, #tpu.memory_space<hbm>> -> memref<512xf32, #tpu.memory_space<hbm>>
    tpu.enqueue_dma source(%arg23 : memref<512xf32, #tpu.memory_space<vmem>>) target(%dma_start3A_2014 : memref<512xf32, #tpu.memory_space<hbm>>) target_semaphore(%arg25 : memref<!tpu.dma_semaphore, #tpu.memory_space<semaphore_mem>>)
    %dma_start3A_2015 = tpu.memref_slice %arg9[%mul3A_2] : memref<16384xf32, #tpu.memory_space<hbm>> -> memref<512xf32, #tpu.memory_space<hbm>>
    %dma_start3A_2016 = tpu.memref_slice %arg9[%mul3A_2] : memref<16384xf32, #tpu.memory_space<hbm>> -> memref<512xf32, #tpu.memory_space<hbm>>
    tpu.enqueue_dma source(%arg24 : memref<512xf32, #tpu.memory_space<vmem>>) target(%dma_start3A_2016 : memref<512xf32, #tpu.memory_space<hbm>>) target_semaphore(%arg25 : memref<!tpu.dma_semaphore, #tpu.memory_space<semaphore_mem>>)
    %dma_wait3A_2017 = tpu.memref_slice %arg6[%mul3A_2] : memref<16384xf32, #tpu.memory_space<hbm>> -> memref<512xf32, #tpu.memory_space<hbm>>
    %dma_wait3A_2018 = tpu.memref_slice %arg6[%mul3A_2] : memref<16384xf32, #tpu.memory_space<hbm>> -> memref<512xf32, #tpu.memory_space<hbm>>
    tpu.wait_dma2 semaphore(%arg25 : memref<!tpu.dma_semaphore, #tpu.memory_space<semaphore_mem>>) src(%arg21 : memref<512xf32, #tpu.memory_space<vmem>>) dst(%dma_wait3A_2018 : memref<512xf32, #tpu.memory_space<hbm>>)
    %dma_wait3A_2019 = tpu.memref_slice %arg7[%mul3A_2] : memref<16384xf32, #tpu.memory_space<hbm>> -> memref<512xf32, #tpu.memory_space<hbm>>
    %dma_wait3A_2020 = tpu.memref_slice %arg7[%mul3A_2] : memref<16384xf32, #tpu.memory_space<hbm>> -> memref<512xf32, #tpu.memory_space<hbm>>
    tpu.wait_dma2 semaphore(%arg25 : memref<!tpu.dma_semaphore, #tpu.memory_space<semaphore_mem>>) src(%arg22 : memref<512xf32, #tpu.memory_space<vmem>>) dst(%dma_wait3A_2020 : memref<512xf32, #tpu.memory_space<hbm>>)
    %dma_wait3A_2021 = tpu.memref_slice %arg8[%mul3A_2] : memref<16384xf32, #tpu.memory_space<hbm>> -> memref<512xf32, #tpu.memory_space<hbm>>
    %dma_wait3A_2022 = tpu.memref_slice %arg8[%mul3A_2] : memref<16384xf32, #tpu.memory_space<hbm>> -> memref<512xf32, #tpu.memory_space<hbm>>
    tpu.wait_dma2 semaphore(%arg25 : memref<!tpu.dma_semaphore, #tpu.memory_space<semaphore_mem>>) src(%arg23 : memref<512xf32, #tpu.memory_space<vmem>>) dst(%dma_wait3A_2022 : memref<512xf32, #tpu.memory_space<hbm>>)
    %dma_wait3A_2023 = tpu.memref_slice %arg9[%mul3A_2] : memref<16384xf32, #tpu.memory_space<hbm>> -> memref<512xf32, #tpu.memory_space<hbm>>
    %dma_wait3A_2024 = tpu.memref_slice %arg9[%mul3A_2] : memref<16384xf32, #tpu.memory_space<hbm>> -> memref<512xf32, #tpu.memory_space<hbm>>
    tpu.wait_dma2 semaphore(%arg25 : memref<!tpu.dma_semaphore, #tpu.memory_space<semaphore_mem>>) src(%arg24 : memref<512xf32, #tpu.memory_space<vmem>>) dst(%dma_wait3A_2024 : memref<512xf32, #tpu.memory_space<hbm>>)
    return
  }
}

#map = affine_map<(d0, d1) -> (0)>
module attributes {stable_mosaic.version = 14 : i64} {
  func.func @bkt_update(%arg0: i32, %arg1: i32, %arg2: memref<1000000xf32, #tpu.memory_space<hbm>>, %arg3: memref<1000000xf32, #tpu.memory_space<hbm>>, %arg4: memref<32768xf32, #tpu.memory_space<hbm>>, %arg5: memref<16384xi32, #tpu.memory_space<hbm>>, %arg6: memref<16384xf32, #tpu.memory_space<hbm>>, %arg7: memref<16384xf32, #tpu.memory_space<hbm>>, %arg8: memref<16384xf32, #tpu.memory_space<hbm>>, %arg9: memref<16384xf32, #tpu.memory_space<hbm>>, %arg10: memref<16384xi32, #tpu.memory_space<hbm>>, %arg11: memref<32768xf32, #tpu.memory_space<hbm>>, %arg12: memref<16384xf32, #tpu.memory_space<hbm>>, %arg13: memref<1024xf32, #tpu.memory_space<vmem>>, %arg14: memref<512xi32, #tpu.memory_space<vmem>>, %arg15: memref<512xi32, #tpu.memory_space<vmem>>, %arg16: memref<512xf32, #tpu.memory_space<vmem>>, %arg17: memref<512xf32, #tpu.memory_space<vmem>>, %arg18: memref<512xf32, #tpu.memory_space<vmem>>, %arg19: memref<512xf32, #tpu.memory_space<vmem>>, %arg20: memref<512xf32, #tpu.memory_space<vmem>>, %arg21: memref<512xf32, #tpu.memory_space<vmem>>, %arg22: memref<1024xf32, #tpu.memory_space<vmem>>, %arg23: memref<512xf32, #tpu.memory_space<vmem>>, %arg24: memref<!tpu.dma_semaphore, #tpu.memory_space<semaphore_mem>>, %arg25: memref<4x!tpu.dma_semaphore, #tpu.memory_space<semaphore_mem>>) attributes {dimension_semantics = [#tpu.dimension_semantics<core_parallel>, #tpu.dimension_semantics<subcore_parallel>], iteration_bounds = array<i64: 2, 16>, scalar_prefetch = 0 : i64, scratch_operands = 13 : i64, tpu.core_type = #tpu.core_type<sc_vector_subcore>, window_params = [{transform_indices = #map}, {transform_indices = #map}, {transform_indices = #map}, {transform_indices = #map}, {transform_indices = #map}, {transform_indices = #map}, {transform_indices = #map}, {transform_indices = #map}, {transform_indices = #map}, {transform_indices = #map}, {transform_indices = #map}]} {
    %mul3A = arith.constant 2 : i32
    %mul3A_0 = arith.muli %arg1, %mul3A : i32
    %add3A = arith.addi %mul3A_0, %arg0 : i32
    %mul3A_1 = arith.constant 512 : i32
    %mul3A_2 = arith.muli %add3A, %mul3A_1 : i32
    %mul3A_3 = arith.constant 1024 : i32
    %mul3A_4 = arith.muli %add3A, %mul3A_3 : i32
    %dma_start3A = tpu.memref_slice %arg10[%mul3A_2] : memref<16384xi32, #tpu.memory_space<hbm>> -> memref<512xi32, #tpu.memory_space<hbm>>
    %dma_start3A_5 = tpu.memref_slice %arg10[%mul3A_2] : memref<16384xi32, #tpu.memory_space<hbm>> -> memref<512xi32, #tpu.memory_space<hbm>>
    tpu.enqueue_dma source(%dma_start3A_5 : memref<512xi32, #tpu.memory_space<hbm>>) target(%arg15 : memref<512xi32, #tpu.memory_space<vmem>>) target_semaphore(%arg24 : memref<!tpu.dma_semaphore, #tpu.memory_space<semaphore_mem>>)
    %dma_start3A_6 = tpu.memref_slice %arg4[%mul3A_4] : memref<32768xf32, #tpu.memory_space<hbm>> -> memref<1024xf32, #tpu.memory_space<hbm>>
    %dma_start3A_7 = tpu.memref_slice %arg4[%mul3A_4] : memref<32768xf32, #tpu.memory_space<hbm>> -> memref<1024xf32, #tpu.memory_space<hbm>>
    tpu.enqueue_dma source(%dma_start3A_7 : memref<1024xf32, #tpu.memory_space<hbm>>) target(%arg13 : memref<1024xf32, #tpu.memory_space<vmem>>) target_semaphore(%arg24 : memref<!tpu.dma_semaphore, #tpu.memory_space<semaphore_mem>>)
    %dma_start3A_8 = tpu.memref_slice %arg5[%mul3A_2] : memref<16384xi32, #tpu.memory_space<hbm>> -> memref<512xi32, #tpu.memory_space<hbm>>
    %dma_start3A_9 = tpu.memref_slice %arg5[%mul3A_2] : memref<16384xi32, #tpu.memory_space<hbm>> -> memref<512xi32, #tpu.memory_space<hbm>>
    tpu.enqueue_dma source(%dma_start3A_9 : memref<512xi32, #tpu.memory_space<hbm>>) target(%arg14 : memref<512xi32, #tpu.memory_space<vmem>>) target_semaphore(%arg24 : memref<!tpu.dma_semaphore, #tpu.memory_space<semaphore_mem>>)
    %dma_start3A_10 = tpu.memref_slice %arg6[%mul3A_2] : memref<16384xf32, #tpu.memory_space<hbm>> -> memref<512xf32, #tpu.memory_space<hbm>>
    %dma_start3A_11 = tpu.memref_slice %arg6[%mul3A_2] : memref<16384xf32, #tpu.memory_space<hbm>> -> memref<512xf32, #tpu.memory_space<hbm>>
    tpu.enqueue_dma source(%dma_start3A_11 : memref<512xf32, #tpu.memory_space<hbm>>) target(%arg16 : memref<512xf32, #tpu.memory_space<vmem>>) target_semaphore(%arg24 : memref<!tpu.dma_semaphore, #tpu.memory_space<semaphore_mem>>)
    %dma_start3A_12 = tpu.memref_slice %arg7[%mul3A_2] : memref<16384xf32, #tpu.memory_space<hbm>> -> memref<512xf32, #tpu.memory_space<hbm>>
    %dma_start3A_13 = tpu.memref_slice %arg7[%mul3A_2] : memref<16384xf32, #tpu.memory_space<hbm>> -> memref<512xf32, #tpu.memory_space<hbm>>
    tpu.enqueue_dma source(%dma_start3A_13 : memref<512xf32, #tpu.memory_space<hbm>>) target(%arg17 : memref<512xf32, #tpu.memory_space<vmem>>) target_semaphore(%arg24 : memref<!tpu.dma_semaphore, #tpu.memory_space<semaphore_mem>>)
    %dma_start3A_14 = tpu.memref_slice %arg8[%mul3A_2] : memref<16384xf32, #tpu.memory_space<hbm>> -> memref<512xf32, #tpu.memory_space<hbm>>
    %dma_start3A_15 = tpu.memref_slice %arg8[%mul3A_2] : memref<16384xf32, #tpu.memory_space<hbm>> -> memref<512xf32, #tpu.memory_space<hbm>>
    tpu.enqueue_dma source(%dma_start3A_15 : memref<512xf32, #tpu.memory_space<hbm>>) target(%arg18 : memref<512xf32, #tpu.memory_space<vmem>>) target_semaphore(%arg24 : memref<!tpu.dma_semaphore, #tpu.memory_space<semaphore_mem>>)
    %dma_start3A_16 = tpu.memref_slice %arg9[%mul3A_2] : memref<16384xf32, #tpu.memory_space<hbm>> -> memref<512xf32, #tpu.memory_space<hbm>>
    %dma_start3A_17 = tpu.memref_slice %arg9[%mul3A_2] : memref<16384xf32, #tpu.memory_space<hbm>> -> memref<512xf32, #tpu.memory_space<hbm>>
    tpu.enqueue_dma source(%dma_start3A_17 : memref<512xf32, #tpu.memory_space<hbm>>) target(%arg19 : memref<512xf32, #tpu.memory_space<vmem>>) target_semaphore(%arg24 : memref<!tpu.dma_semaphore, #tpu.memory_space<semaphore_mem>>)
    %dma_wait3A = tpu.memref_slice %arg10[%mul3A_2] : memref<16384xi32, #tpu.memory_space<hbm>> -> memref<512xi32, #tpu.memory_space<hbm>>
    %dma_wait3A_18 = tpu.memref_slice %arg10[%mul3A_2] : memref<16384xi32, #tpu.memory_space<hbm>> -> memref<512xi32, #tpu.memory_space<hbm>>
    tpu.wait_dma2 semaphore(%arg24 : memref<!tpu.dma_semaphore, #tpu.memory_space<semaphore_mem>>) src(%dma_wait3A_18 : memref<512xi32, #tpu.memory_space<hbm>>) dst(%arg15 : memref<512xi32, #tpu.memory_space<vmem>>)
    %dma_start3A_19 = arith.constant 0 : i32
    %dma_start3A_20 = arith.constant 0 : i32
    %dma_start3A_21 = tpu.memref_slice %arg20[%dma_start3A_20] : memref<512xf32, #tpu.memory_space<vmem>> -> memref<128xf32, #tpu.memory_space<vmem>>
    %dma_start3A_22 = arith.constant 0 : i32
    %dma_start3A_23 = tpu.memref_slice %arg15[%dma_start3A_22] : memref<512xi32, #tpu.memory_space<vmem>> -> memref<128xi32, #tpu.memory_space<vmem>>
    %dma_start3A_24 = arith.constant 0 : i32
    %dma_start3A_25 = tpu.memref_slice %arg2[%dma_start3A_24] : memref<1000000xf32, #tpu.memory_space<hbm>> -> memref<1000000xf32, #tpu.memory_space<hbm>>
    %dma_start3A_26 = tpu.memref_slice %arg25[%dma_start3A_19] : memref<4x!tpu.dma_semaphore, #tpu.memory_space<semaphore_mem>> -> memref<1x!tpu.dma_semaphore, #tpu.memory_space<semaphore_mem>>
    %dma_start3A_27 = tpu.memref_squeeze %dma_start3A_26 : memref<1x!tpu.dma_semaphore, #tpu.memory_space<semaphore_mem>> -> memref<!tpu.dma_semaphore, #tpu.memory_space<semaphore_mem>>
    tpu.enqueue_indirect_dma source(%dma_start3A_25 : memref<1000000xf32, #tpu.memory_space<hbm>>) target(%dma_start3A_21 : memref<128xf32, #tpu.memory_space<vmem>>) offsets(%dma_start3A_23 : memref<128xi32, #tpu.memory_space<vmem>>) semaphore(%dma_start3A_27 : memref<!tpu.dma_semaphore, #tpu.memory_space<semaphore_mem>>)
    %dma_start3A_28 = arith.constant 0 : i32
    %dma_start3A_29 = arith.constant 0 : i32
    %dma_start3A_30 = tpu.memref_slice %arg21[%dma_start3A_29] : memref<512xf32, #tpu.memory_space<vmem>> -> memref<128xf32, #tpu.memory_space<vmem>>
    %dma_start3A_31 = arith.constant 0 : i32
    %dma_start3A_32 = tpu.memref_slice %arg15[%dma_start3A_31] : memref<512xi32, #tpu.memory_space<vmem>> -> memref<128xi32, #tpu.memory_space<vmem>>
    %dma_start3A_33 = arith.constant 0 : i32
    %dma_start3A_34 = tpu.memref_slice %arg3[%dma_start3A_33] : memref<1000000xf32, #tpu.memory_space<hbm>> -> memref<1000000xf32, #tpu.memory_space<hbm>>
    %dma_start3A_35 = tpu.memref_slice %arg25[%dma_start3A_28] : memref<4x!tpu.dma_semaphore, #tpu.memory_space<semaphore_mem>> -> memref<1x!tpu.dma_semaphore, #tpu.memory_space<semaphore_mem>>
    %dma_start3A_36 = tpu.memref_squeeze %dma_start3A_35 : memref<1x!tpu.dma_semaphore, #tpu.memory_space<semaphore_mem>> -> memref<!tpu.dma_semaphore, #tpu.memory_space<semaphore_mem>>
    tpu.enqueue_indirect_dma source(%dma_start3A_34 : memref<1000000xf32, #tpu.memory_space<hbm>>) target(%dma_start3A_30 : memref<128xf32, #tpu.memory_space<vmem>>) offsets(%dma_start3A_32 : memref<128xi32, #tpu.memory_space<vmem>>) semaphore(%dma_start3A_36 : memref<!tpu.dma_semaphore, #tpu.memory_space<semaphore_mem>>)
    %dma_start3A_37 = arith.constant 1 : i32
    %dma_start3A_38 = arith.constant 128 : i32
    %dma_start3A_39 = tpu.memref_slice %arg20[%dma_start3A_38] : memref<512xf32, #tpu.memory_space<vmem>> -> memref<128xf32, #tpu.memory_space<vmem>>
    %dma_start3A_40 = arith.constant 128 : i32
    %dma_start3A_41 = tpu.memref_slice %arg15[%dma_start3A_40] : memref<512xi32, #tpu.memory_space<vmem>> -> memref<128xi32, #tpu.memory_space<vmem>>
    %dma_start3A_42 = arith.constant 0 : i32
    %dma_start3A_43 = tpu.memref_slice %arg2[%dma_start3A_42] : memref<1000000xf32, #tpu.memory_space<hbm>> -> memref<1000000xf32, #tpu.memory_space<hbm>>
    %dma_start3A_44 = tpu.memref_slice %arg25[%dma_start3A_37] : memref<4x!tpu.dma_semaphore, #tpu.memory_space<semaphore_mem>> -> memref<1x!tpu.dma_semaphore, #tpu.memory_space<semaphore_mem>>
    %dma_start3A_45 = tpu.memref_squeeze %dma_start3A_44 : memref<1x!tpu.dma_semaphore, #tpu.memory_space<semaphore_mem>> -> memref<!tpu.dma_semaphore, #tpu.memory_space<semaphore_mem>>
    tpu.enqueue_indirect_dma source(%dma_start3A_43 : memref<1000000xf32, #tpu.memory_space<hbm>>) target(%dma_start3A_39 : memref<128xf32, #tpu.memory_space<vmem>>) offsets(%dma_start3A_41 : memref<128xi32, #tpu.memory_space<vmem>>) semaphore(%dma_start3A_45 : memref<!tpu.dma_semaphore, #tpu.memory_space<semaphore_mem>>)
    %dma_start3A_46 = arith.constant 1 : i32
    %dma_start3A_47 = arith.constant 128 : i32
    %dma_start3A_48 = tpu.memref_slice %arg21[%dma_start3A_47] : memref<512xf32, #tpu.memory_space<vmem>> -> memref<128xf32, #tpu.memory_space<vmem>>
    %dma_start3A_49 = arith.constant 128 : i32
    %dma_start3A_50 = tpu.memref_slice %arg15[%dma_start3A_49] : memref<512xi32, #tpu.memory_space<vmem>> -> memref<128xi32, #tpu.memory_space<vmem>>
    %dma_start3A_51 = arith.constant 0 : i32
    %dma_start3A_52 = tpu.memref_slice %arg3[%dma_start3A_51] : memref<1000000xf32, #tpu.memory_space<hbm>> -> memref<1000000xf32, #tpu.memory_space<hbm>>
    %dma_start3A_53 = tpu.memref_slice %arg25[%dma_start3A_46] : memref<4x!tpu.dma_semaphore, #tpu.memory_space<semaphore_mem>> -> memref<1x!tpu.dma_semaphore, #tpu.memory_space<semaphore_mem>>
    %dma_start3A_54 = tpu.memref_squeeze %dma_start3A_53 : memref<1x!tpu.dma_semaphore, #tpu.memory_space<semaphore_mem>> -> memref<!tpu.dma_semaphore, #tpu.memory_space<semaphore_mem>>
    tpu.enqueue_indirect_dma source(%dma_start3A_52 : memref<1000000xf32, #tpu.memory_space<hbm>>) target(%dma_start3A_48 : memref<128xf32, #tpu.memory_space<vmem>>) offsets(%dma_start3A_50 : memref<128xi32, #tpu.memory_space<vmem>>) semaphore(%dma_start3A_54 : memref<!tpu.dma_semaphore, #tpu.memory_space<semaphore_mem>>)
    %dma_start3A_55 = arith.constant 2 : i32
    %dma_start3A_56 = arith.constant 256 : i32
    %dma_start3A_57 = tpu.memref_slice %arg20[%dma_start3A_56] : memref<512xf32, #tpu.memory_space<vmem>> -> memref<128xf32, #tpu.memory_space<vmem>>
    %dma_start3A_58 = arith.constant 256 : i32
    %dma_start3A_59 = tpu.memref_slice %arg15[%dma_start3A_58] : memref<512xi32, #tpu.memory_space<vmem>> -> memref<128xi32, #tpu.memory_space<vmem>>
    %dma_start3A_60 = arith.constant 0 : i32
    %dma_start3A_61 = tpu.memref_slice %arg2[%dma_start3A_60] : memref<1000000xf32, #tpu.memory_space<hbm>> -> memref<1000000xf32, #tpu.memory_space<hbm>>
    %dma_start3A_62 = tpu.memref_slice %arg25[%dma_start3A_55] : memref<4x!tpu.dma_semaphore, #tpu.memory_space<semaphore_mem>> -> memref<1x!tpu.dma_semaphore, #tpu.memory_space<semaphore_mem>>
    %dma_start3A_63 = tpu.memref_squeeze %dma_start3A_62 : memref<1x!tpu.dma_semaphore, #tpu.memory_space<semaphore_mem>> -> memref<!tpu.dma_semaphore, #tpu.memory_space<semaphore_mem>>
    tpu.enqueue_indirect_dma source(%dma_start3A_61 : memref<1000000xf32, #tpu.memory_space<hbm>>) target(%dma_start3A_57 : memref<128xf32, #tpu.memory_space<vmem>>) offsets(%dma_start3A_59 : memref<128xi32, #tpu.memory_space<vmem>>) semaphore(%dma_start3A_63 : memref<!tpu.dma_semaphore, #tpu.memory_space<semaphore_mem>>)
    %dma_start3A_64 = arith.constant 2 : i32
    %dma_start3A_65 = arith.constant 256 : i32
    %dma_start3A_66 = tpu.memref_slice %arg21[%dma_start3A_65] : memref<512xf32, #tpu.memory_space<vmem>> -> memref<128xf32, #tpu.memory_space<vmem>>
    %dma_start3A_67 = arith.constant 256 : i32
    %dma_start3A_68 = tpu.memref_slice %arg15[%dma_start3A_67] : memref<512xi32, #tpu.memory_space<vmem>> -> memref<128xi32, #tpu.memory_space<vmem>>
    %dma_start3A_69 = arith.constant 0 : i32
    %dma_start3A_70 = tpu.memref_slice %arg3[%dma_start3A_69] : memref<1000000xf32, #tpu.memory_space<hbm>> -> memref<1000000xf32, #tpu.memory_space<hbm>>
    %dma_start3A_71 = tpu.memref_slice %arg25[%dma_start3A_64] : memref<4x!tpu.dma_semaphore, #tpu.memory_space<semaphore_mem>> -> memref<1x!tpu.dma_semaphore, #tpu.memory_space<semaphore_mem>>
    %dma_start3A_72 = tpu.memref_squeeze %dma_start3A_71 : memref<1x!tpu.dma_semaphore, #tpu.memory_space<semaphore_mem>> -> memref<!tpu.dma_semaphore, #tpu.memory_space<semaphore_mem>>
    tpu.enqueue_indirect_dma source(%dma_start3A_70 : memref<1000000xf32, #tpu.memory_space<hbm>>) target(%dma_start3A_66 : memref<128xf32, #tpu.memory_space<vmem>>) offsets(%dma_start3A_68 : memref<128xi32, #tpu.memory_space<vmem>>) semaphore(%dma_start3A_72 : memref<!tpu.dma_semaphore, #tpu.memory_space<semaphore_mem>>)
    %dma_start3A_73 = arith.constant 3 : i32
    %dma_start3A_74 = arith.constant 384 : i32
    %dma_start3A_75 = tpu.memref_slice %arg20[%dma_start3A_74] : memref<512xf32, #tpu.memory_space<vmem>> -> memref<128xf32, #tpu.memory_space<vmem>>
    %dma_start3A_76 = arith.constant 384 : i32
    %dma_start3A_77 = tpu.memref_slice %arg15[%dma_start3A_76] : memref<512xi32, #tpu.memory_space<vmem>> -> memref<128xi32, #tpu.memory_space<vmem>>
    %dma_start3A_78 = arith.constant 0 : i32
    %dma_start3A_79 = tpu.memref_slice %arg2[%dma_start3A_78] : memref<1000000xf32, #tpu.memory_space<hbm>> -> memref<1000000xf32, #tpu.memory_space<hbm>>
    %dma_start3A_80 = tpu.memref_slice %arg25[%dma_start3A_73] : memref<4x!tpu.dma_semaphore, #tpu.memory_space<semaphore_mem>> -> memref<1x!tpu.dma_semaphore, #tpu.memory_space<semaphore_mem>>
    %dma_start3A_81 = tpu.memref_squeeze %dma_start3A_80 : memref<1x!tpu.dma_semaphore, #tpu.memory_space<semaphore_mem>> -> memref<!tpu.dma_semaphore, #tpu.memory_space<semaphore_mem>>
    tpu.enqueue_indirect_dma source(%dma_start3A_79 : memref<1000000xf32, #tpu.memory_space<hbm>>) target(%dma_start3A_75 : memref<128xf32, #tpu.memory_space<vmem>>) offsets(%dma_start3A_77 : memref<128xi32, #tpu.memory_space<vmem>>) semaphore(%dma_start3A_81 : memref<!tpu.dma_semaphore, #tpu.memory_space<semaphore_mem>>)
    %dma_start3A_82 = arith.constant 3 : i32
    %dma_start3A_83 = arith.constant 384 : i32
    %dma_start3A_84 = tpu.memref_slice %arg21[%dma_start3A_83] : memref<512xf32, #tpu.memory_space<vmem>> -> memref<128xf32, #tpu.memory_space<vmem>>
    %dma_start3A_85 = arith.constant 384 : i32
    %dma_start3A_86 = tpu.memref_slice %arg15[%dma_start3A_85] : memref<512xi32, #tpu.memory_space<vmem>> -> memref<128xi32, #tpu.memory_space<vmem>>
    %dma_start3A_87 = arith.constant 0 : i32
    %dma_start3A_88 = tpu.memref_slice %arg3[%dma_start3A_87] : memref<1000000xf32, #tpu.memory_space<hbm>> -> memref<1000000xf32, #tpu.memory_space<hbm>>
    %dma_start3A_89 = tpu.memref_slice %arg25[%dma_start3A_82] : memref<4x!tpu.dma_semaphore, #tpu.memory_space<semaphore_mem>> -> memref<1x!tpu.dma_semaphore, #tpu.memory_space<semaphore_mem>>
    %dma_start3A_90 = tpu.memref_squeeze %dma_start3A_89 : memref<1x!tpu.dma_semaphore, #tpu.memory_space<semaphore_mem>> -> memref<!tpu.dma_semaphore, #tpu.memory_space<semaphore_mem>>
    tpu.enqueue_indirect_dma source(%dma_start3A_88 : memref<1000000xf32, #tpu.memory_space<hbm>>) target(%dma_start3A_84 : memref<128xf32, #tpu.memory_space<vmem>>) offsets(%dma_start3A_86 : memref<128xi32, #tpu.memory_space<vmem>>) semaphore(%dma_start3A_90 : memref<!tpu.dma_semaphore, #tpu.memory_space<semaphore_mem>>)
    %dma_wait3A_91 = tpu.memref_slice %arg4[%mul3A_4] : memref<32768xf32, #tpu.memory_space<hbm>> -> memref<1024xf32, #tpu.memory_space<hbm>>
    %dma_wait3A_92 = tpu.memref_slice %arg4[%mul3A_4] : memref<32768xf32, #tpu.memory_space<hbm>> -> memref<1024xf32, #tpu.memory_space<hbm>>
    tpu.wait_dma2 semaphore(%arg24 : memref<!tpu.dma_semaphore, #tpu.memory_space<semaphore_mem>>) src(%dma_wait3A_92 : memref<1024xf32, #tpu.memory_space<hbm>>) dst(%arg13 : memref<1024xf32, #tpu.memory_space<vmem>>)
    %dma_wait3A_93 = tpu.memref_slice %arg5[%mul3A_2] : memref<16384xi32, #tpu.memory_space<hbm>> -> memref<512xi32, #tpu.memory_space<hbm>>
    %dma_wait3A_94 = tpu.memref_slice %arg5[%mul3A_2] : memref<16384xi32, #tpu.memory_space<hbm>> -> memref<512xi32, #tpu.memory_space<hbm>>
    tpu.wait_dma2 semaphore(%arg24 : memref<!tpu.dma_semaphore, #tpu.memory_space<semaphore_mem>>) src(%dma_wait3A_94 : memref<512xi32, #tpu.memory_space<hbm>>) dst(%arg14 : memref<512xi32, #tpu.memory_space<vmem>>)
    %dma_wait3A_95 = tpu.memref_slice %arg6[%mul3A_2] : memref<16384xf32, #tpu.memory_space<hbm>> -> memref<512xf32, #tpu.memory_space<hbm>>
    %dma_wait3A_96 = tpu.memref_slice %arg6[%mul3A_2] : memref<16384xf32, #tpu.memory_space<hbm>> -> memref<512xf32, #tpu.memory_space<hbm>>
    tpu.wait_dma2 semaphore(%arg24 : memref<!tpu.dma_semaphore, #tpu.memory_space<semaphore_mem>>) src(%dma_wait3A_96 : memref<512xf32, #tpu.memory_space<hbm>>) dst(%arg16 : memref<512xf32, #tpu.memory_space<vmem>>)
    %dma_wait3A_97 = tpu.memref_slice %arg7[%mul3A_2] : memref<16384xf32, #tpu.memory_space<hbm>> -> memref<512xf32, #tpu.memory_space<hbm>>
    %dma_wait3A_98 = tpu.memref_slice %arg7[%mul3A_2] : memref<16384xf32, #tpu.memory_space<hbm>> -> memref<512xf32, #tpu.memory_space<hbm>>
    tpu.wait_dma2 semaphore(%arg24 : memref<!tpu.dma_semaphore, #tpu.memory_space<semaphore_mem>>) src(%dma_wait3A_98 : memref<512xf32, #tpu.memory_space<hbm>>) dst(%arg17 : memref<512xf32, #tpu.memory_space<vmem>>)
    %dma_wait3A_99 = tpu.memref_slice %arg8[%mul3A_2] : memref<16384xf32, #tpu.memory_space<hbm>> -> memref<512xf32, #tpu.memory_space<hbm>>
    %dma_wait3A_100 = tpu.memref_slice %arg8[%mul3A_2] : memref<16384xf32, #tpu.memory_space<hbm>> -> memref<512xf32, #tpu.memory_space<hbm>>
    tpu.wait_dma2 semaphore(%arg24 : memref<!tpu.dma_semaphore, #tpu.memory_space<semaphore_mem>>) src(%dma_wait3A_100 : memref<512xf32, #tpu.memory_space<hbm>>) dst(%arg18 : memref<512xf32, #tpu.memory_space<vmem>>)
    %dma_wait3A_101 = tpu.memref_slice %arg9[%mul3A_2] : memref<16384xf32, #tpu.memory_space<hbm>> -> memref<512xf32, #tpu.memory_space<hbm>>
    %dma_wait3A_102 = tpu.memref_slice %arg9[%mul3A_2] : memref<16384xf32, #tpu.memory_space<hbm>> -> memref<512xf32, #tpu.memory_space<hbm>>
    tpu.wait_dma2 semaphore(%arg24 : memref<!tpu.dma_semaphore, #tpu.memory_space<semaphore_mem>>) src(%dma_wait3A_102 : memref<512xf32, #tpu.memory_space<hbm>>) dst(%arg19 : memref<512xf32, #tpu.memory_space<vmem>>)
    %dma_wait3A_103 = arith.constant 0 : i32
    %dma_wait3A_104 = arith.constant 0 : i32
    %dma_wait3A_105 = tpu.memref_slice %arg20[%dma_wait3A_104] : memref<512xf32, #tpu.memory_space<vmem>> -> memref<128xf32, #tpu.memory_space<vmem>>
    %dma_wait3A_106 = arith.constant 0 : i32
    %dma_wait3A_107 = tpu.memref_slice %arg15[%dma_wait3A_106] : memref<512xi32, #tpu.memory_space<vmem>> -> memref<128xi32, #tpu.memory_space<vmem>>
    %dma_wait3A_108 = arith.constant 0 : i32
    %dma_wait3A_109 = tpu.memref_slice %arg2[%dma_wait3A_108] : memref<1000000xf32, #tpu.memory_space<hbm>> -> memref<1000000xf32, #tpu.memory_space<hbm>>
    %dma_wait3A_110 = tpu.memref_slice %arg25[%dma_wait3A_103] : memref<4x!tpu.dma_semaphore, #tpu.memory_space<semaphore_mem>> -> memref<1x!tpu.dma_semaphore, #tpu.memory_space<semaphore_mem>>
    %dma_wait3A_111 = tpu.memref_squeeze %dma_wait3A_110 : memref<1x!tpu.dma_semaphore, #tpu.memory_space<semaphore_mem>> -> memref<!tpu.dma_semaphore, #tpu.memory_space<semaphore_mem>>
    tpu.wait_indirect_dma semaphore(%dma_wait3A_111 : memref<!tpu.dma_semaphore, #tpu.memory_space<semaphore_mem>>) src(%dma_wait3A_109 : memref<1000000xf32, #tpu.memory_space<hbm>>) dst(%dma_wait3A_105 : memref<128xf32, #tpu.memory_space<vmem>>)
    %dma_wait3A_112 = arith.constant 0 : i32
    %dma_wait3A_113 = arith.constant 0 : i32
    %dma_wait3A_114 = tpu.memref_slice %arg21[%dma_wait3A_113] : memref<512xf32, #tpu.memory_space<vmem>> -> memref<128xf32, #tpu.memory_space<vmem>>
    %dma_wait3A_115 = arith.constant 0 : i32
    %dma_wait3A_116 = tpu.memref_slice %arg15[%dma_wait3A_115] : memref<512xi32, #tpu.memory_space<vmem>> -> memref<128xi32, #tpu.memory_space<vmem>>
    %dma_wait3A_117 = arith.constant 0 : i32
    %dma_wait3A_118 = tpu.memref_slice %arg3[%dma_wait3A_117] : memref<1000000xf32, #tpu.memory_space<hbm>> -> memref<1000000xf32, #tpu.memory_space<hbm>>
    %dma_wait3A_119 = tpu.memref_slice %arg25[%dma_wait3A_112] : memref<4x!tpu.dma_semaphore, #tpu.memory_space<semaphore_mem>> -> memref<1x!tpu.dma_semaphore, #tpu.memory_space<semaphore_mem>>
    %dma_wait3A_120 = tpu.memref_squeeze %dma_wait3A_119 : memref<1x!tpu.dma_semaphore, #tpu.memory_space<semaphore_mem>> -> memref<!tpu.dma_semaphore, #tpu.memory_space<semaphore_mem>>
    tpu.wait_indirect_dma semaphore(%dma_wait3A_120 : memref<!tpu.dma_semaphore, #tpu.memory_space<semaphore_mem>>) src(%dma_wait3A_118 : memref<1000000xf32, #tpu.memory_space<hbm>>) dst(%dma_wait3A_114 : memref<128xf32, #tpu.memory_space<vmem>>)
    %scan3A = arith.constant 0 : i32
    %scan3A_121 = arith.constant 0 : i32
    %scan3A_122 = arith.constant 8 : i32
    %scan3A_123 = arith.addi %scan3A_121, %scan3A_122 : i32
    %scan3A_124 = arith.constant 1 : i32
    scf.for %scan3A_206 = %scan3A_121 to %scan3A_123 step %scan3A_124  : i32 {
      %mul3A_207 = arith.constant 16 : i32
      %mul3A_208 = arith.muli %scan3A_206, %mul3A_207 : i32
      %multiple_of3A = tpu.assume_multiple %mul3A_208, 16 : i32
      %jit3A = arith.constant 8 : i32
      %div3A = arith.divsi %scan3A_206, %jit3A : i32
      %sign3A = arith.constant 0 : i32
      %sign3A_209 = arith.cmpi sgt, %scan3A_206, %sign3A : i32
      %sign3A_210 = arith.extui %sign3A_209 : i1 to i32
      %sign3A_211 = arith.constant 0 : i32
      %sign3A_212 = arith.cmpi slt, %scan3A_206, %sign3A_211 : i32
      %sign3A_213 = arith.extui %sign3A_212 : i1 to i32
      %sign3A_214 = arith.subi %sign3A_210, %sign3A_213 : i32
      %sign3A_215 = arith.constant 0 : i32
      %sign3A_216 = arith.cmpi sgt, %jit3A, %sign3A_215 : i32
      %sign3A_217 = arith.extui %sign3A_216 : i1 to i32
      %sign3A_218 = arith.constant 0 : i32
      %sign3A_219 = arith.cmpi slt, %jit3A, %sign3A_218 : i32
      %sign3A_220 = arith.extui %sign3A_219 : i1 to i32
      %sign3A_221 = arith.subi %sign3A_217, %sign3A_220 : i32
      %ne3A = arith.cmpi ne, %sign3A_214, %sign3A_221 : i32
      %rem3A = arith.remsi %scan3A_206, %jit3A : i32
      %ne3A_222 = arith.constant 0 : i32
      %ne3A_223 = arith.cmpi ne, %rem3A, %ne3A_222 : i32
      %and3A = arith.andi %ne3A, %ne3A_223 : i1
      %sub3A = arith.constant 1 : i32
      %sub3A_224 = arith.subi %div3A, %sub3A : i32
      %select_n3A = arith.select %and3A, %sub3A_224, %div3A : i32
      %mul3A_225 = arith.constant 256 : i32
      %mul3A_226 = arith.muli %select_n3A, %mul3A_225 : i32
      %jit3A_227 = arith.constant 8 : i32
      %eq3A = arith.constant 0 : i32
      %eq3A_228 = arith.cmpi eq, %jit3A_227, %eq3A : i32
      %jit3A_229 = arith.constant 1 : i32
      %select_n3A_230 = arith.select %eq3A_228, %jit3A_229, %jit3A_227 : i32
      %rem3A_231 = arith.remsi %scan3A_206, %select_n3A_230 : i32
      %ne3A_232 = arith.constant 0 : i32
      %ne3A_233 = arith.cmpi ne, %rem3A_231, %ne3A_232 : i32
      %lt3A = arith.constant 0 : i32
      %lt3A_234 = arith.cmpi slt, %rem3A_231, %lt3A : i32
      %lt3A_235 = arith.constant 0 : i32
      %lt3A_236 = arith.cmpi slt, %select_n3A_230, %lt3A_235 : i32
      %ne3A_237 = arith.xori %lt3A_234, %lt3A_236 : i1
      %and3A_238 = arith.andi %ne3A_237, %ne3A_233 : i1
      %add3A_239 = arith.addi %rem3A_231, %select_n3A_230 : i32
      %select_n3A_240 = arith.select %and3A_238, %add3A_239, %rem3A_231 : i32
      %mul3A_241 = arith.constant 16 : i32
      %mul3A_242 = arith.muli %select_n3A_240, %mul3A_241 : i32
      %add3A_243 = arith.addi %mul3A_226, %mul3A_242 : i32
      %multiple_of3A_244 = tpu.assume_multiple %add3A_243, 16 : i32
      %get3A = arith.index_cast %multiple_of3A : i32 to index
      %get3A_245 = tpu.vector_load %arg20[%get3A] {strides = array<i32>} : memref<512xf32, #tpu.memory_space<vmem>>, vector<16xf32>,
      %get3A_246 = arith.index_cast %multiple_of3A : i32 to index
      %get3A_247 = tpu.vector_load %arg21[%get3A_246] {strides = array<i32>} : memref<512xf32, #tpu.memory_space<vmem>>, vector<16xf32>,
      %get3A_248 = arith.index_cast %multiple_of3A : i32 to index
      %get3A_249 = tpu.vector_load %arg16[%get3A_248] {strides = array<i32>} : memref<512xf32, #tpu.memory_space<vmem>>, vector<16xf32>,
      %get3A_250 = arith.index_cast %multiple_of3A : i32 to index
      %get3A_251 = tpu.vector_load %arg17[%get3A_250] {strides = array<i32>} : memref<512xf32, #tpu.memory_space<vmem>>, vector<16xf32>,
      %get3A_252 = arith.index_cast %multiple_of3A : i32 to index
      %get3A_253 = tpu.vector_load %arg18[%get3A_252] {strides = array<i32>} : memref<512xf32, #tpu.memory_space<vmem>>, vector<16xf32>,
      %add3A_254 = arith.addf %get3A_253, %get3A_245 : vector<16xf32>
      %neg3A = arith.constant 0.000000e+00 : f32
      %neg3A_255 = vector.broadcast %neg3A : f32 to vector<16xf32>
      %neg3A_256 = arith.subf %neg3A_255, %add3A_254 : vector<16xf32>
      %exp3A = math.exp %neg3A_256 : vector<16xf32>
      %add3A_257 = arith.constant 1.000000e+00 : f32
      %add3A_258 = vector.broadcast %add3A_257 : f32 to vector<16xf32>
      %add3A_259 = arith.addf %add3A_258, %exp3A : vector<16xf32>
      %div3A_260 = arith.constant 1.000000e+00 : f32
      %div3A_261 = vector.broadcast %div3A_260 : f32 to vector<16xf32>
      %div3A_262 = arith.divf %div3A_261, %add3A_259 : vector<16xf32>
      %get3A_263 = arith.index_cast %multiple_of3A : i32 to index
      %get3A_264 = tpu.vector_load %arg19[%get3A_263] {strides = array<i32>} : memref<512xf32, #tpu.memory_space<vmem>>, vector<16xf32>,
      %add3A_265 = arith.addf %get3A_264, %get3A_247 : vector<16xf32>
      %neg3A_266 = arith.constant 0.000000e+00 : f32
      %neg3A_267 = vector.broadcast %neg3A_266 : f32 to vector<16xf32>
      %neg3A_268 = arith.subf %neg3A_267, %add3A_265 : vector<16xf32>
      %exp3A_269 = math.exp %neg3A_268 : vector<16xf32>
      %add3A_270 = arith.constant 1.000000e+00 : f32
      %add3A_271 = vector.broadcast %add3A_270 : f32 to vector<16xf32>
      %add3A_272 = arith.addf %add3A_271, %exp3A_269 : vector<16xf32>
      %div3A_273 = arith.constant 1.000000e+00 : f32
      %div3A_274 = vector.broadcast %div3A_273 : f32 to vector<16xf32>
      %div3A_275 = arith.divf %div3A_274, %add3A_272 : vector<16xf32>
      %get3A_276 = arith.index_cast %multiple_of3A_244 : i32 to index
      %get3A_277 = tpu.vector_load %arg13[%get3A_276] {strides = array<i32>} : memref<1024xf32, #tpu.memory_space<vmem>>, vector<16xf32>,
      %add3A_278 = arith.constant 128 : i32
      %add3A_279 = arith.addi %multiple_of3A_244, %add3A_278 : i32
      %get3A_280 = arith.index_cast %add3A_279 : i32 to index
      %get3A_281 = tpu.vector_load %arg13[%get3A_280] {strides = array<i32>} : memref<1024xf32, #tpu.memory_space<vmem>>, vector<16xf32>,
      %get3A_282 = arith.index_cast %multiple_of3A : i32 to index
      %get3A_283 = tpu.vector_load %arg14[%get3A_282] {strides = array<i32>} : memref<512xi32, #tpu.memory_space<vmem>>, vector<16xi32>,
      %ne3A_284 = arith.constant 0 : i32
      %ne3A_285 = vector.broadcast %ne3A_284 : i32 to vector<16xi32>
      %ne3A_286 = arith.cmpi ne, %get3A_283, %ne3A_285 : vector<16xi32>
      %sub3A_287 = arith.constant 1.000000e+00 : f32
      %sub3A_288 = vector.broadcast %sub3A_287 : f32 to vector<16xf32>
      %sub3A_289 = arith.subf %sub3A_288, %div3A_275 : vector<16xf32>
      %select_n3A_290 = arith.select %ne3A_286, %sub3A_289, %div3A_275 : vector<16xi1>, vector<16xf32>
      %sub3A_291 = arith.constant 1.000000e+00 : f32
      %sub3A_292 = vector.broadcast %sub3A_291 : f32 to vector<16xf32>
      %sub3A_293 = arith.subf %sub3A_292, %div3A_262 : vector<16xf32>
      %select_n3A_294 = arith.select %ne3A_286, %div3A_262, %sub3A_293 : vector<16xi1>, vector<16xf32>
      %mul3A_295 = arith.mulf %select_n3A_294, %get3A_277 : vector<16xf32>
      %mul3A_296 = arith.mulf %select_n3A_290, %get3A_281 : vector<16xf32>
      %sub3A_297 = arith.constant 1.000000e+00 : f32
      %sub3A_298 = vector.broadcast %sub3A_297 : f32 to vector<16xf32>
      %sub3A_299 = arith.subf %sub3A_298, %get3A_251 : vector<16xf32>
      %mul3A_300 = arith.mulf %sub3A_299, %mul3A_296 : vector<16xf32>
      %mul3A_301 = arith.mulf %get3A_249, %mul3A_295 : vector<16xf32>
      %add3A_302 = arith.addf %mul3A_300, %mul3A_301 : vector<16xf32>
      %mul3A_303 = arith.mulf %get3A_251, %mul3A_296 : vector<16xf32>
      %sub3A_304 = arith.constant 1.000000e+00 : f32
      %sub3A_305 = vector.broadcast %sub3A_304 : f32 to vector<16xf32>
      %sub3A_306 = arith.subf %sub3A_305, %get3A_249 : vector<16xf32>
      %mul3A_307 = arith.mulf %sub3A_306, %mul3A_295 : vector<16xf32>
      %add3A_308 = arith.addf %mul3A_303, %mul3A_307 : vector<16xf32>
      %add3A_309 = arith.addf %add3A_302, %add3A_308 : vector<16xf32>
      %add3A_310 = arith.constant 9.99999993E-9 : f32
      %add3A_311 = vector.broadcast %add3A_310 : f32 to vector<16xf32>
      %add3A_312 = arith.addf %add3A_309, %add3A_311 : vector<16xf32>
      %div3A_313 = arith.constant 1.000000e+00 : f32
      %div3A_314 = vector.broadcast %div3A_313 : f32 to vector<16xf32>
      %div3A_315 = arith.divf %div3A_314, %add3A_312 : vector<16xf32>
      %mul3A_316 = arith.mulf %add3A_302, %div3A_315 : vector<16xf32>
      %mul3A_317 = arith.mulf %add3A_308, %div3A_315 : vector<16xf32>
      %sub3A_318 = arith.constant 1.000000e+00 : f32
      %sub3A_319 = vector.broadcast %sub3A_318 : f32 to vector<16xf32>
      %sub3A_320 = arith.subf %sub3A_319, %div3A_275 : vector<16xf32>
      %mul3A_321 = arith.mulf %sub3A_320, %mul3A_316 : vector<16xf32>
      %mul3A_322 = arith.mulf %div3A_262, %mul3A_317 : vector<16xf32>
      %add3A_323 = arith.addf %mul3A_321, %mul3A_322 : vector<16xf32>
      %swap3A = arith.index_cast %multiple_of3A_244 : i32 to index
      %swap3A_324 = tpu.vector_load %arg22[%swap3A] {strides = array<i32>} : memref<1024xf32, #tpu.memory_space<vmem>>, vector<16xf32>,
      tpu.vector_store %arg22[%swap3A], %mul3A_317 {strides = array<i32>} : memref<1024xf32, #tpu.memory_space<vmem>>, vector<16xf32>,
      %add3A_325 = arith.constant 128 : i32
      %add3A_326 = arith.addi %multiple_of3A_244, %add3A_325 : i32
      %swap3A_327 = arith.index_cast %add3A_326 : i32 to index
      %swap3A_328 = tpu.vector_load %arg22[%swap3A_327] {strides = array<i32>} : memref<1024xf32, #tpu.memory_space<vmem>>, vector<16xf32>,
      tpu.vector_store %arg22[%swap3A_327], %mul3A_316 {strides = array<i32>} : memref<1024xf32, #tpu.memory_space<vmem>>, vector<16xf32>,
      %swap3A_329 = arith.index_cast %multiple_of3A : i32 to index
      %swap3A_330 = tpu.vector_load %arg23[%swap3A_329] {strides = array<i32>} : memref<512xf32, #tpu.memory_space<vmem>>, vector<16xf32>,
      tpu.vector_store %arg23[%swap3A_329], %add3A_323 {strides = array<i32>} : memref<512xf32, #tpu.memory_space<vmem>>, vector<16xf32>,
    }
    %scan3A_125 = arith.constant 8 : i32
    %dma_wait3A_126 = arith.constant 1 : i32
    %dma_wait3A_127 = arith.constant 128 : i32
    %dma_wait3A_128 = tpu.memref_slice %arg20[%dma_wait3A_127] : memref<512xf32, #tpu.memory_space<vmem>> -> memref<128xf32, #tpu.memory_space<vmem>>
    %dma_wait3A_129 = arith.constant 128 : i32
    %dma_wait3A_130 = tpu.memref_slice %arg15[%dma_wait3A_129] : memref<512xi32, #tpu.memory_space<vmem>> -> memref<128xi32, #tpu.memory_space<vmem>>
    %dma_wait3A_131 = arith.constant 0 : i32
    %dma_wait3A_132 = tpu.memref_slice %arg2[%dma_wait3A_131] : memref<1000000xf32, #tpu.memory_space<hbm>> -> memref<1000000xf32, #tpu.memory_space<hbm>>
    %dma_wait3A_133 = tpu.memref_slice %arg25[%dma_wait3A_126] : memref<4x!tpu.dma_semaphore, #tpu.memory_space<semaphore_mem>> -> memref<1x!tpu.dma_semaphore, #tpu.memory_space<semaphore_mem>>
    %dma_wait3A_134 = tpu.memref_squeeze %dma_wait3A_133 : memref<1x!tpu.dma_semaphore, #tpu.memory_space<semaphore_mem>> -> memref<!tpu.dma_semaphore, #tpu.memory_space<semaphore_mem>>
    tpu.wait_indirect_dma semaphore(%dma_wait3A_134 : memref<!tpu.dma_semaphore, #tpu.memory_space<semaphore_mem>>) src(%dma_wait3A_132 : memref<1000000xf32, #tpu.memory_space<hbm>>) dst(%dma_wait3A_128 : memref<128xf32, #tpu.memory_space<vmem>>)
    %dma_wait3A_135 = arith.constant 1 : i32
    %dma_wait3A_136 = arith.constant 128 : i32
    %dma_wait3A_137 = tpu.memref_slice %arg21[%dma_wait3A_136] : memref<512xf32, #tpu.memory_space<vmem>> -> memref<128xf32, #tpu.memory_space<vmem>>
    %dma_wait3A_138 = arith.constant 128 : i32
    %dma_wait3A_139 = tpu.memref_slice %arg15[%dma_wait3A_138] : memref<512xi32, #tpu.memory_space<vmem>> -> memref<128xi32, #tpu.memory_space<vmem>>
    %dma_wait3A_140 = arith.constant 0 : i32
    %dma_wait3A_141 = tpu.memref_slice %arg3[%dma_wait3A_140] : memref<1000000xf32, #tpu.memory_space<hbm>> -> memref<1000000xf32, #tpu.memory_space<hbm>>
    %dma_wait3A_142 = tpu.memref_slice %arg25[%dma_wait3A_135] : memref<4x!tpu.dma_semaphore, #tpu.memory_space<semaphore_mem>> -> memref<1x!tpu.dma_semaphore, #tpu.memory_space<semaphore_mem>>
    %dma_wait3A_143 = tpu.memref_squeeze %dma_wait3A_142 : memref<1x!tpu.dma_semaphore, #tpu.memory_space<semaphore_mem>> -> memref<!tpu.dma_semaphore, #tpu.memory_space<semaphore_mem>>
    tpu.wait_indirect_dma semaphore(%dma_wait3A_143 : memref<!tpu.dma_semaphore, #tpu.memory_space<semaphore_mem>>) src(%dma_wait3A_141 : memref<1000000xf32, #tpu.memory_space<hbm>>) dst(%dma_wait3A_137 : memref<128xf32, #tpu.memory_space<vmem>>)
    %scan3A_144 = arith.constant 0 : i32
    %scan3A_145 = arith.constant 8 : i32
    %scan3A_146 = arith.constant 8 : i32
    %scan3A_147 = arith.addi %scan3A_145, %scan3A_146 : i32
    %scan3A_148 = arith.constant 1 : i32
    scf.for %scan3A_206 = %scan3A_145 to %scan3A_147 step %scan3A_148  : i32 {
      %mul3A_207 = arith.constant 16 : i32
      %mul3A_208 = arith.muli %scan3A_206, %mul3A_207 : i32
      %multiple_of3A = tpu.assume_multiple %mul3A_208, 16 : i32
      %jit3A = arith.constant 8 : i32
      %div3A = arith.divsi %scan3A_206, %jit3A : i32
      %sign3A = arith.constant 0 : i32
      %sign3A_209 = arith.cmpi sgt, %scan3A_206, %sign3A : i32
      %sign3A_210 = arith.extui %sign3A_209 : i1 to i32
      %sign3A_211 = arith.constant 0 : i32
      %sign3A_212 = arith.cmpi slt, %scan3A_206, %sign3A_211 : i32
      %sign3A_213 = arith.extui %sign3A_212 : i1 to i32
      %sign3A_214 = arith.subi %sign3A_210, %sign3A_213 : i32
      %sign3A_215 = arith.constant 0 : i32
      %sign3A_216 = arith.cmpi sgt, %jit3A, %sign3A_215 : i32
      %sign3A_217 = arith.extui %sign3A_216 : i1 to i32
      %sign3A_218 = arith.constant 0 : i32
      %sign3A_219 = arith.cmpi slt, %jit3A, %sign3A_218 : i32
      %sign3A_220 = arith.extui %sign3A_219 : i1 to i32
      %sign3A_221 = arith.subi %sign3A_217, %sign3A_220 : i32
      %ne3A = arith.cmpi ne, %sign3A_214, %sign3A_221 : i32
      %rem3A = arith.remsi %scan3A_206, %jit3A : i32
      %ne3A_222 = arith.constant 0 : i32
      %ne3A_223 = arith.cmpi ne, %rem3A, %ne3A_222 : i32
      %and3A = arith.andi %ne3A, %ne3A_223 : i1
      %sub3A = arith.constant 1 : i32
      %sub3A_224 = arith.subi %div3A, %sub3A : i32
      %select_n3A = arith.select %and3A, %sub3A_224, %div3A : i32
      %mul3A_225 = arith.constant 256 : i32
      %mul3A_226 = arith.muli %select_n3A, %mul3A_225 : i32
      %jit3A_227 = arith.constant 8 : i32
      %eq3A = arith.constant 0 : i32
      %eq3A_228 = arith.cmpi eq, %jit3A_227, %eq3A : i32
      %jit3A_229 = arith.constant 1 : i32
      %select_n3A_230 = arith.select %eq3A_228, %jit3A_229, %jit3A_227 : i32
      %rem3A_231 = arith.remsi %scan3A_206, %select_n3A_230 : i32
      %ne3A_232 = arith.constant 0 : i32
      %ne3A_233 = arith.cmpi ne, %rem3A_231, %ne3A_232 : i32
      %lt3A = arith.constant 0 : i32
      %lt3A_234 = arith.cmpi slt, %rem3A_231, %lt3A : i32
      %lt3A_235 = arith.constant 0 : i32
      %lt3A_236 = arith.cmpi slt, %select_n3A_230, %lt3A_235 : i32
      %ne3A_237 = arith.xori %lt3A_234, %lt3A_236 : i1
      %and3A_238 = arith.andi %ne3A_237, %ne3A_233 : i1
      %add3A_239 = arith.addi %rem3A_231, %select_n3A_230 : i32
      %select_n3A_240 = arith.select %and3A_238, %add3A_239, %rem3A_231 : i32
      %mul3A_241 = arith.constant 16 : i32
      %mul3A_242 = arith.muli %select_n3A_240, %mul3A_241 : i32
      %add3A_243 = arith.addi %mul3A_226, %mul3A_242 : i32
      %multiple_of3A_244 = tpu.assume_multiple %add3A_243, 16 : i32
      %get3A = arith.index_cast %multiple_of3A : i32 to index
      %get3A_245 = tpu.vector_load %arg20[%get3A] {strides = array<i32>} : memref<512xf32, #tpu.memory_space<vmem>>, vector<16xf32>,
      %get3A_246 = arith.index_cast %multiple_of3A : i32 to index
      %get3A_247 = tpu.vector_load %arg21[%get3A_246] {strides = array<i32>} : memref<512xf32, #tpu.memory_space<vmem>>, vector<16xf32>,
      %get3A_248 = arith.index_cast %multiple_of3A : i32 to index
      %get3A_249 = tpu.vector_load %arg16[%get3A_248] {strides = array<i32>} : memref<512xf32, #tpu.memory_space<vmem>>, vector<16xf32>,
      %get3A_250 = arith.index_cast %multiple_of3A : i32 to index
      %get3A_251 = tpu.vector_load %arg17[%get3A_250] {strides = array<i32>} : memref<512xf32, #tpu.memory_space<vmem>>, vector<16xf32>,
      %get3A_252 = arith.index_cast %multiple_of3A : i32 to index
      %get3A_253 = tpu.vector_load %arg18[%get3A_252] {strides = array<i32>} : memref<512xf32, #tpu.memory_space<vmem>>, vector<16xf32>,
      %add3A_254 = arith.addf %get3A_253, %get3A_245 : vector<16xf32>
      %neg3A = arith.constant 0.000000e+00 : f32
      %neg3A_255 = vector.broadcast %neg3A : f32 to vector<16xf32>
      %neg3A_256 = arith.subf %neg3A_255, %add3A_254 : vector<16xf32>
      %exp3A = math.exp %neg3A_256 : vector<16xf32>
      %add3A_257 = arith.constant 1.000000e+00 : f32
      %add3A_258 = vector.broadcast %add3A_257 : f32 to vector<16xf32>
      %add3A_259 = arith.addf %add3A_258, %exp3A : vector<16xf32>
      %div3A_260 = arith.constant 1.000000e+00 : f32
      %div3A_261 = vector.broadcast %div3A_260 : f32 to vector<16xf32>
      %div3A_262 = arith.divf %div3A_261, %add3A_259 : vector<16xf32>
      %get3A_263 = arith.index_cast %multiple_of3A : i32 to index
      %get3A_264 = tpu.vector_load %arg19[%get3A_263] {strides = array<i32>} : memref<512xf32, #tpu.memory_space<vmem>>, vector<16xf32>,
      %add3A_265 = arith.addf %get3A_264, %get3A_247 : vector<16xf32>
      %neg3A_266 = arith.constant 0.000000e+00 : f32
      %neg3A_267 = vector.broadcast %neg3A_266 : f32 to vector<16xf32>
      %neg3A_268 = arith.subf %neg3A_267, %add3A_265 : vector<16xf32>
      %exp3A_269 = math.exp %neg3A_268 : vector<16xf32>
      %add3A_270 = arith.constant 1.000000e+00 : f32
      %add3A_271 = vector.broadcast %add3A_270 : f32 to vector<16xf32>
      %add3A_272 = arith.addf %add3A_271, %exp3A_269 : vector<16xf32>
      %div3A_273 = arith.constant 1.000000e+00 : f32
      %div3A_274 = vector.broadcast %div3A_273 : f32 to vector<16xf32>
      %div3A_275 = arith.divf %div3A_274, %add3A_272 : vector<16xf32>
      %get3A_276 = arith.index_cast %multiple_of3A_244 : i32 to index
      %get3A_277 = tpu.vector_load %arg13[%get3A_276] {strides = array<i32>} : memref<1024xf32, #tpu.memory_space<vmem>>, vector<16xf32>,
      %add3A_278 = arith.constant 128 : i32
      %add3A_279 = arith.addi %multiple_of3A_244, %add3A_278 : i32
      %get3A_280 = arith.index_cast %add3A_279 : i32 to index
      %get3A_281 = tpu.vector_load %arg13[%get3A_280] {strides = array<i32>} : memref<1024xf32, #tpu.memory_space<vmem>>, vector<16xf32>,
      %get3A_282 = arith.index_cast %multiple_of3A : i32 to index
      %get3A_283 = tpu.vector_load %arg14[%get3A_282] {strides = array<i32>} : memref<512xi32, #tpu.memory_space<vmem>>, vector<16xi32>,
      %ne3A_284 = arith.constant 0 : i32
      %ne3A_285 = vector.broadcast %ne3A_284 : i32 to vector<16xi32>
      %ne3A_286 = arith.cmpi ne, %get3A_283, %ne3A_285 : vector<16xi32>
      %sub3A_287 = arith.constant 1.000000e+00 : f32
      %sub3A_288 = vector.broadcast %sub3A_287 : f32 to vector<16xf32>
      %sub3A_289 = arith.subf %sub3A_288, %div3A_275 : vector<16xf32>
      %select_n3A_290 = arith.select %ne3A_286, %sub3A_289, %div3A_275 : vector<16xi1>, vector<16xf32>
      %sub3A_291 = arith.constant 1.000000e+00 : f32
      %sub3A_292 = vector.broadcast %sub3A_291 : f32 to vector<16xf32>
      %sub3A_293 = arith.subf %sub3A_292, %div3A_262 : vector<16xf32>
      %select_n3A_294 = arith.select %ne3A_286, %div3A_262, %sub3A_293 : vector<16xi1>, vector<16xf32>
      %mul3A_295 = arith.mulf %select_n3A_294, %get3A_277 : vector<16xf32>
      %mul3A_296 = arith.mulf %select_n3A_290, %get3A_281 : vector<16xf32>
      %sub3A_297 = arith.constant 1.000000e+00 : f32
      %sub3A_298 = vector.broadcast %sub3A_297 : f32 to vector<16xf32>
      %sub3A_299 = arith.subf %sub3A_298, %get3A_251 : vector<16xf32>
      %mul3A_300 = arith.mulf %sub3A_299, %mul3A_296 : vector<16xf32>
      %mul3A_301 = arith.mulf %get3A_249, %mul3A_295 : vector<16xf32>
      %add3A_302 = arith.addf %mul3A_300, %mul3A_301 : vector<16xf32>
      %mul3A_303 = arith.mulf %get3A_251, %mul3A_296 : vector<16xf32>
      %sub3A_304 = arith.constant 1.000000e+00 : f32
      %sub3A_305 = vector.broadcast %sub3A_304 : f32 to vector<16xf32>
      %sub3A_306 = arith.subf %sub3A_305, %get3A_249 : vector<16xf32>
      %mul3A_307 = arith.mulf %sub3A_306, %mul3A_295 : vector<16xf32>
      %add3A_308 = arith.addf %mul3A_303, %mul3A_307 : vector<16xf32>
      %add3A_309 = arith.addf %add3A_302, %add3A_308 : vector<16xf32>
      %add3A_310 = arith.constant 9.99999993E-9 : f32
      %add3A_311 = vector.broadcast %add3A_310 : f32 to vector<16xf32>
      %add3A_312 = arith.addf %add3A_309, %add3A_311 : vector<16xf32>
      %div3A_313 = arith.constant 1.000000e+00 : f32
      %div3A_314 = vector.broadcast %div3A_313 : f32 to vector<16xf32>
      %div3A_315 = arith.divf %div3A_314, %add3A_312 : vector<16xf32>
      %mul3A_316 = arith.mulf %add3A_302, %div3A_315 : vector<16xf32>
      %mul3A_317 = arith.mulf %add3A_308, %div3A_315 : vector<16xf32>
      %sub3A_318 = arith.constant 1.000000e+00 : f32
      %sub3A_319 = vector.broadcast %sub3A_318 : f32 to vector<16xf32>
      %sub3A_320 = arith.subf %sub3A_319, %div3A_275 : vector<16xf32>
      %mul3A_321 = arith.mulf %sub3A_320, %mul3A_316 : vector<16xf32>
      %mul3A_322 = arith.mulf %div3A_262, %mul3A_317 : vector<16xf32>
      %add3A_323 = arith.addf %mul3A_321, %mul3A_322 : vector<16xf32>
      %swap3A = arith.index_cast %multiple_of3A_244 : i32 to index
      %swap3A_324 = tpu.vector_load %arg22[%swap3A] {strides = array<i32>} : memref<1024xf32, #tpu.memory_space<vmem>>, vector<16xf32>,
      tpu.vector_store %arg22[%swap3A], %mul3A_317 {strides = array<i32>} : memref<1024xf32, #tpu.memory_space<vmem>>, vector<16xf32>,
      %add3A_325 = arith.constant 128 : i32
      %add3A_326 = arith.addi %multiple_of3A_244, %add3A_325 : i32
      %swap3A_327 = arith.index_cast %add3A_326 : i32 to index
      %swap3A_328 = tpu.vector_load %arg22[%swap3A_327] {strides = array<i32>} : memref<1024xf32, #tpu.memory_space<vmem>>, vector<16xf32>,
      tpu.vector_store %arg22[%swap3A_327], %mul3A_316 {strides = array<i32>} : memref<1024xf32, #tpu.memory_space<vmem>>, vector<16xf32>,
      %swap3A_329 = arith.index_cast %multiple_of3A : i32 to index
      %swap3A_330 = tpu.vector_load %arg23[%swap3A_329] {strides = array<i32>} : memref<512xf32, #tpu.memory_space<vmem>>, vector<16xf32>,
      tpu.vector_store %arg23[%swap3A_329], %add3A_323 {strides = array<i32>} : memref<512xf32, #tpu.memory_space<vmem>>, vector<16xf32>,
    }
    %scan3A_149 = arith.constant 8 : i32
    %dma_wait3A_150 = arith.constant 2 : i32
    %dma_wait3A_151 = arith.constant 256 : i32
    %dma_wait3A_152 = tpu.memref_slice %arg20[%dma_wait3A_151] : memref<512xf32, #tpu.memory_space<vmem>> -> memref<128xf32, #tpu.memory_space<vmem>>
    %dma_wait3A_153 = arith.constant 256 : i32
    %dma_wait3A_154 = tpu.memref_slice %arg15[%dma_wait3A_153] : memref<512xi32, #tpu.memory_space<vmem>> -> memref<128xi32, #tpu.memory_space<vmem>>
    %dma_wait3A_155 = arith.constant 0 : i32
    %dma_wait3A_156 = tpu.memref_slice %arg2[%dma_wait3A_155] : memref<1000000xf32, #tpu.memory_space<hbm>> -> memref<1000000xf32, #tpu.memory_space<hbm>>
    %dma_wait3A_157 = tpu.memref_slice %arg25[%dma_wait3A_150] : memref<4x!tpu.dma_semaphore, #tpu.memory_space<semaphore_mem>> -> memref<1x!tpu.dma_semaphore, #tpu.memory_space<semaphore_mem>>
    %dma_wait3A_158 = tpu.memref_squeeze %dma_wait3A_157 : memref<1x!tpu.dma_semaphore, #tpu.memory_space<semaphore_mem>> -> memref<!tpu.dma_semaphore, #tpu.memory_space<semaphore_mem>>
    tpu.wait_indirect_dma semaphore(%dma_wait3A_158 : memref<!tpu.dma_semaphore, #tpu.memory_space<semaphore_mem>>) src(%dma_wait3A_156 : memref<1000000xf32, #tpu.memory_space<hbm>>) dst(%dma_wait3A_152 : memref<128xf32, #tpu.memory_space<vmem>>)
    %dma_wait3A_159 = arith.constant 2 : i32
    %dma_wait3A_160 = arith.constant 256 : i32
    %dma_wait3A_161 = tpu.memref_slice %arg21[%dma_wait3A_160] : memref<512xf32, #tpu.memory_space<vmem>> -> memref<128xf32, #tpu.memory_space<vmem>>
    %dma_wait3A_162 = arith.constant 256 : i32
    %dma_wait3A_163 = tpu.memref_slice %arg15[%dma_wait3A_162] : memref<512xi32, #tpu.memory_space<vmem>> -> memref<128xi32, #tpu.memory_space<vmem>>
    %dma_wait3A_164 = arith.constant 0 : i32
    %dma_wait3A_165 = tpu.memref_slice %arg3[%dma_wait3A_164] : memref<1000000xf32, #tpu.memory_space<hbm>> -> memref<1000000xf32, #tpu.memory_space<hbm>>
    %dma_wait3A_166 = tpu.memref_slice %arg25[%dma_wait3A_159] : memref<4x!tpu.dma_semaphore, #tpu.memory_space<semaphore_mem>> -> memref<1x!tpu.dma_semaphore, #tpu.memory_space<semaphore_mem>>
    %dma_wait3A_167 = tpu.memref_squeeze %dma_wait3A_166 : memref<1x!tpu.dma_semaphore, #tpu.memory_space<semaphore_mem>> -> memref<!tpu.dma_semaphore, #tpu.memory_space<semaphore_mem>>
    tpu.wait_indirect_dma semaphore(%dma_wait3A_167 : memref<!tpu.dma_semaphore, #tpu.memory_space<semaphore_mem>>) src(%dma_wait3A_165 : memref<1000000xf32, #tpu.memory_space<hbm>>) dst(%dma_wait3A_161 : memref<128xf32, #tpu.memory_space<vmem>>)
    %scan3A_168 = arith.constant 0 : i32
    %scan3A_169 = arith.constant 16 : i32
    %scan3A_170 = arith.constant 8 : i32
    %scan3A_171 = arith.addi %scan3A_169, %scan3A_170 : i32
    %scan3A_172 = arith.constant 1 : i32
    scf.for %scan3A_206 = %scan3A_169 to %scan3A_171 step %scan3A_172  : i32 {
      %mul3A_207 = arith.constant 16 : i32
      %mul3A_208 = arith.muli %scan3A_206, %mul3A_207 : i32
      %multiple_of3A = tpu.assume_multiple %mul3A_208, 16 : i32
      %jit3A = arith.constant 8 : i32
      %div3A = arith.divsi %scan3A_206, %jit3A : i32
      %sign3A = arith.constant 0 : i32
      %sign3A_209 = arith.cmpi sgt, %scan3A_206, %sign3A : i32
      %sign3A_210 = arith.extui %sign3A_209 : i1 to i32
      %sign3A_211 = arith.constant 0 : i32
      %sign3A_212 = arith.cmpi slt, %scan3A_206, %sign3A_211 : i32
      %sign3A_213 = arith.extui %sign3A_212 : i1 to i32
      %sign3A_214 = arith.subi %sign3A_210, %sign3A_213 : i32
      %sign3A_215 = arith.constant 0 : i32
      %sign3A_216 = arith.cmpi sgt, %jit3A, %sign3A_215 : i32
      %sign3A_217 = arith.extui %sign3A_216 : i1 to i32
      %sign3A_218 = arith.constant 0 : i32
      %sign3A_219 = arith.cmpi slt, %jit3A, %sign3A_218 : i32
      %sign3A_220 = arith.extui %sign3A_219 : i1 to i32
      %sign3A_221 = arith.subi %sign3A_217, %sign3A_220 : i32
      %ne3A = arith.cmpi ne, %sign3A_214, %sign3A_221 : i32
      %rem3A = arith.remsi %scan3A_206, %jit3A : i32
      %ne3A_222 = arith.constant 0 : i32
      %ne3A_223 = arith.cmpi ne, %rem3A, %ne3A_222 : i32
      %and3A = arith.andi %ne3A, %ne3A_223 : i1
      %sub3A = arith.constant 1 : i32
      %sub3A_224 = arith.subi %div3A, %sub3A : i32
      %select_n3A = arith.select %and3A, %sub3A_224, %div3A : i32
      %mul3A_225 = arith.constant 256 : i32
      %mul3A_226 = arith.muli %select_n3A, %mul3A_225 : i32
      %jit3A_227 = arith.constant 8 : i32
      %eq3A = arith.constant 0 : i32
      %eq3A_228 = arith.cmpi eq, %jit3A_227, %eq3A : i32
      %jit3A_229 = arith.constant 1 : i32
      %select_n3A_230 = arith.select %eq3A_228, %jit3A_229, %jit3A_227 : i32
      %rem3A_231 = arith.remsi %scan3A_206, %select_n3A_230 : i32
      %ne3A_232 = arith.constant 0 : i32
      %ne3A_233 = arith.cmpi ne, %rem3A_231, %ne3A_232 : i32
      %lt3A = arith.constant 0 : i32
      %lt3A_234 = arith.cmpi slt, %rem3A_231, %lt3A : i32
      %lt3A_235 = arith.constant 0 : i32
      %lt3A_236 = arith.cmpi slt, %select_n3A_230, %lt3A_235 : i32
      %ne3A_237 = arith.xori %lt3A_234, %lt3A_236 : i1
      %and3A_238 = arith.andi %ne3A_237, %ne3A_233 : i1
      %add3A_239 = arith.addi %rem3A_231, %select_n3A_230 : i32
      %select_n3A_240 = arith.select %and3A_238, %add3A_239, %rem3A_231 : i32
      %mul3A_241 = arith.constant 16 : i32
      %mul3A_242 = arith.muli %select_n3A_240, %mul3A_241 : i32
      %add3A_243 = arith.addi %mul3A_226, %mul3A_242 : i32
      %multiple_of3A_244 = tpu.assume_multiple %add3A_243, 16 : i32
      %get3A = arith.index_cast %multiple_of3A : i32 to index
      %get3A_245 = tpu.vector_load %arg20[%get3A] {strides = array<i32>} : memref<512xf32, #tpu.memory_space<vmem>>, vector<16xf32>,
      %get3A_246 = arith.index_cast %multiple_of3A : i32 to index
      %get3A_247 = tpu.vector_load %arg21[%get3A_246] {strides = array<i32>} : memref<512xf32, #tpu.memory_space<vmem>>, vector<16xf32>,
      %get3A_248 = arith.index_cast %multiple_of3A : i32 to index
      %get3A_249 = tpu.vector_load %arg16[%get3A_248] {strides = array<i32>} : memref<512xf32, #tpu.memory_space<vmem>>, vector<16xf32>,
      %get3A_250 = arith.index_cast %multiple_of3A : i32 to index
      %get3A_251 = tpu.vector_load %arg17[%get3A_250] {strides = array<i32>} : memref<512xf32, #tpu.memory_space<vmem>>, vector<16xf32>,
      %get3A_252 = arith.index_cast %multiple_of3A : i32 to index
      %get3A_253 = tpu.vector_load %arg18[%get3A_252] {strides = array<i32>} : memref<512xf32, #tpu.memory_space<vmem>>, vector<16xf32>,
      %add3A_254 = arith.addf %get3A_253, %get3A_245 : vector<16xf32>
      %neg3A = arith.constant 0.000000e+00 : f32
      %neg3A_255 = vector.broadcast %neg3A : f32 to vector<16xf32>
      %neg3A_256 = arith.subf %neg3A_255, %add3A_254 : vector<16xf32>
      %exp3A = math.exp %neg3A_256 : vector<16xf32>
      %add3A_257 = arith.constant 1.000000e+00 : f32
      %add3A_258 = vector.broadcast %add3A_257 : f32 to vector<16xf32>
      %add3A_259 = arith.addf %add3A_258, %exp3A : vector<16xf32>
      %div3A_260 = arith.constant 1.000000e+00 : f32
      %div3A_261 = vector.broadcast %div3A_260 : f32 to vector<16xf32>
      %div3A_262 = arith.divf %div3A_261, %add3A_259 : vector<16xf32>
      %get3A_263 = arith.index_cast %multiple_of3A : i32 to index
      %get3A_264 = tpu.vector_load %arg19[%get3A_263] {strides = array<i32>} : memref<512xf32, #tpu.memory_space<vmem>>, vector<16xf32>,
      %add3A_265 = arith.addf %get3A_264, %get3A_247 : vector<16xf32>
      %neg3A_266 = arith.constant 0.000000e+00 : f32
      %neg3A_267 = vector.broadcast %neg3A_266 : f32 to vector<16xf32>
      %neg3A_268 = arith.subf %neg3A_267, %add3A_265 : vector<16xf32>
      %exp3A_269 = math.exp %neg3A_268 : vector<16xf32>
      %add3A_270 = arith.constant 1.000000e+00 : f32
      %add3A_271 = vector.broadcast %add3A_270 : f32 to vector<16xf32>
      %add3A_272 = arith.addf %add3A_271, %exp3A_269 : vector<16xf32>
      %div3A_273 = arith.constant 1.000000e+00 : f32
      %div3A_274 = vector.broadcast %div3A_273 : f32 to vector<16xf32>
      %div3A_275 = arith.divf %div3A_274, %add3A_272 : vector<16xf32>
      %get3A_276 = arith.index_cast %multiple_of3A_244 : i32 to index
      %get3A_277 = tpu.vector_load %arg13[%get3A_276] {strides = array<i32>} : memref<1024xf32, #tpu.memory_space<vmem>>, vector<16xf32>,
      %add3A_278 = arith.constant 128 : i32
      %add3A_279 = arith.addi %multiple_of3A_244, %add3A_278 : i32
      %get3A_280 = arith.index_cast %add3A_279 : i32 to index
      %get3A_281 = tpu.vector_load %arg13[%get3A_280] {strides = array<i32>} : memref<1024xf32, #tpu.memory_space<vmem>>, vector<16xf32>,
      %get3A_282 = arith.index_cast %multiple_of3A : i32 to index
      %get3A_283 = tpu.vector_load %arg14[%get3A_282] {strides = array<i32>} : memref<512xi32, #tpu.memory_space<vmem>>, vector<16xi32>,
      %ne3A_284 = arith.constant 0 : i32
      %ne3A_285 = vector.broadcast %ne3A_284 : i32 to vector<16xi32>
      %ne3A_286 = arith.cmpi ne, %get3A_283, %ne3A_285 : vector<16xi32>
      %sub3A_287 = arith.constant 1.000000e+00 : f32
      %sub3A_288 = vector.broadcast %sub3A_287 : f32 to vector<16xf32>
      %sub3A_289 = arith.subf %sub3A_288, %div3A_275 : vector<16xf32>
      %select_n3A_290 = arith.select %ne3A_286, %sub3A_289, %div3A_275 : vector<16xi1>, vector<16xf32>
      %sub3A_291 = arith.constant 1.000000e+00 : f32
      %sub3A_292 = vector.broadcast %sub3A_291 : f32 to vector<16xf32>
      %sub3A_293 = arith.subf %sub3A_292, %div3A_262 : vector<16xf32>
      %select_n3A_294 = arith.select %ne3A_286, %div3A_262, %sub3A_293 : vector<16xi1>, vector<16xf32>
      %mul3A_295 = arith.mulf %select_n3A_294, %get3A_277 : vector<16xf32>
      %mul3A_296 = arith.mulf %select_n3A_290, %get3A_281 : vector<16xf32>
      %sub3A_297 = arith.constant 1.000000e+00 : f32
      %sub3A_298 = vector.broadcast %sub3A_297 : f32 to vector<16xf32>
      %sub3A_299 = arith.subf %sub3A_298, %get3A_251 : vector<16xf32>
      %mul3A_300 = arith.mulf %sub3A_299, %mul3A_296 : vector<16xf32>
      %mul3A_301 = arith.mulf %get3A_249, %mul3A_295 : vector<16xf32>
      %add3A_302 = arith.addf %mul3A_300, %mul3A_301 : vector<16xf32>
      %mul3A_303 = arith.mulf %get3A_251, %mul3A_296 : vector<16xf32>
      %sub3A_304 = arith.constant 1.000000e+00 : f32
      %sub3A_305 = vector.broadcast %sub3A_304 : f32 to vector<16xf32>
      %sub3A_306 = arith.subf %sub3A_305, %get3A_249 : vector<16xf32>
      %mul3A_307 = arith.mulf %sub3A_306, %mul3A_295 : vector<16xf32>
      %add3A_308 = arith.addf %mul3A_303, %mul3A_307 : vector<16xf32>
      %add3A_309 = arith.addf %add3A_302, %add3A_308 : vector<16xf32>
      %add3A_310 = arith.constant 9.99999993E-9 : f32
      %add3A_311 = vector.broadcast %add3A_310 : f32 to vector<16xf32>
      %add3A_312 = arith.addf %add3A_309, %add3A_311 : vector<16xf32>
      %div3A_313 = arith.constant 1.000000e+00 : f32
      %div3A_314 = vector.broadcast %div3A_313 : f32 to vector<16xf32>
      %div3A_315 = arith.divf %div3A_314, %add3A_312 : vector<16xf32>
      %mul3A_316 = arith.mulf %add3A_302, %div3A_315 : vector<16xf32>
      %mul3A_317 = arith.mulf %add3A_308, %div3A_315 : vector<16xf32>
      %sub3A_318 = arith.constant 1.000000e+00 : f32
      %sub3A_319 = vector.broadcast %sub3A_318 : f32 to vector<16xf32>
      %sub3A_320 = arith.subf %sub3A_319, %div3A_275 : vector<16xf32>
      %mul3A_321 = arith.mulf %sub3A_320, %mul3A_316 : vector<16xf32>
      %mul3A_322 = arith.mulf %div3A_262, %mul3A_317 : vector<16xf32>
      %add3A_323 = arith.addf %mul3A_321, %mul3A_322 : vector<16xf32>
      %swap3A = arith.index_cast %multiple_of3A_244 : i32 to index
      %swap3A_324 = tpu.vector_load %arg22[%swap3A] {strides = array<i32>} : memref<1024xf32, #tpu.memory_space<vmem>>, vector<16xf32>,
      tpu.vector_store %arg22[%swap3A], %mul3A_317 {strides = array<i32>} : memref<1024xf32, #tpu.memory_space<vmem>>, vector<16xf32>,
      %add3A_325 = arith.constant 128 : i32
      %add3A_326 = arith.addi %multiple_of3A_244, %add3A_325 : i32
      %swap3A_327 = arith.index_cast %add3A_326 : i32 to index
      %swap3A_328 = tpu.vector_load %arg22[%swap3A_327] {strides = array<i32>} : memref<1024xf32, #tpu.memory_space<vmem>>, vector<16xf32>,
      tpu.vector_store %arg22[%swap3A_327], %mul3A_316 {strides = array<i32>} : memref<1024xf32, #tpu.memory_space<vmem>>, vector<16xf32>,
      %swap3A_329 = arith.index_cast %multiple_of3A : i32 to index
      %swap3A_330 = tpu.vector_load %arg23[%swap3A_329] {strides = array<i32>} : memref<512xf32, #tpu.memory_space<vmem>>, vector<16xf32>,
      tpu.vector_store %arg23[%swap3A_329], %add3A_323 {strides = array<i32>} : memref<512xf32, #tpu.memory_space<vmem>>, vector<16xf32>,
    }
    %scan3A_173 = arith.constant 8 : i32
    %dma_wait3A_174 = arith.constant 3 : i32
    %dma_wait3A_175 = arith.constant 384 : i32
    %dma_wait3A_176 = tpu.memref_slice %arg20[%dma_wait3A_175] : memref<512xf32, #tpu.memory_space<vmem>> -> memref<128xf32, #tpu.memory_space<vmem>>
    %dma_wait3A_177 = arith.constant 384 : i32
    %dma_wait3A_178 = tpu.memref_slice %arg15[%dma_wait3A_177] : memref<512xi32, #tpu.memory_space<vmem>> -> memref<128xi32, #tpu.memory_space<vmem>>
    %dma_wait3A_179 = arith.constant 0 : i32
    %dma_wait3A_180 = tpu.memref_slice %arg2[%dma_wait3A_179] : memref<1000000xf32, #tpu.memory_space<hbm>> -> memref<1000000xf32, #tpu.memory_space<hbm>>
    %dma_wait3A_181 = tpu.memref_slice %arg25[%dma_wait3A_174] : memref<4x!tpu.dma_semaphore, #tpu.memory_space<semaphore_mem>> -> memref<1x!tpu.dma_semaphore, #tpu.memory_space<semaphore_mem>>
    %dma_wait3A_182 = tpu.memref_squeeze %dma_wait3A_181 : memref<1x!tpu.dma_semaphore, #tpu.memory_space<semaphore_mem>> -> memref<!tpu.dma_semaphore, #tpu.memory_space<semaphore_mem>>
    tpu.wait_indirect_dma semaphore(%dma_wait3A_182 : memref<!tpu.dma_semaphore, #tpu.memory_space<semaphore_mem>>) src(%dma_wait3A_180 : memref<1000000xf32, #tpu.memory_space<hbm>>) dst(%dma_wait3A_176 : memref<128xf32, #tpu.memory_space<vmem>>)
    %dma_wait3A_183 = arith.constant 3 : i32
    %dma_wait3A_184 = arith.constant 384 : i32
    %dma_wait3A_185 = tpu.memref_slice %arg21[%dma_wait3A_184] : memref<512xf32, #tpu.memory_space<vmem>> -> memref<128xf32, #tpu.memory_space<vmem>>
    %dma_wait3A_186 = arith.constant 384 : i32
    %dma_wait3A_187 = tpu.memref_slice %arg15[%dma_wait3A_186] : memref<512xi32, #tpu.memory_space<vmem>> -> memref<128xi32, #tpu.memory_space<vmem>>
    %dma_wait3A_188 = arith.constant 0 : i32
    %dma_wait3A_189 = tpu.memref_slice %arg3[%dma_wait3A_188] : memref<1000000xf32, #tpu.memory_space<hbm>> -> memref<1000000xf32, #tpu.memory_space<hbm>>
    %dma_wait3A_190 = tpu.memref_slice %arg25[%dma_wait3A_183] : memref<4x!tpu.dma_semaphore, #tpu.memory_space<semaphore_mem>> -> memref<1x!tpu.dma_semaphore, #tpu.memory_space<semaphore_mem>>
    %dma_wait3A_191 = tpu.memref_squeeze %dma_wait3A_190 : memref<1x!tpu.dma_semaphore, #tpu.memory_space<semaphore_mem>> -> memref<!tpu.dma_semaphore, #tpu.memory_space<semaphore_mem>>
    tpu.wait_indirect_dma semaphore(%dma_wait3A_191 : memref<!tpu.dma_semaphore, #tpu.memory_space<semaphore_mem>>) src(%dma_wait3A_189 : memref<1000000xf32, #tpu.memory_space<hbm>>) dst(%dma_wait3A_185 : memref<128xf32, #tpu.memory_space<vmem>>)
    %scan3A_192 = arith.constant 0 : i32
    %scan3A_193 = arith.constant 24 : i32
    %scan3A_194 = arith.constant 8 : i32
    %scan3A_195 = arith.addi %scan3A_193, %scan3A_194 : i32
    %scan3A_196 = arith.constant 1 : i32
    scf.for %scan3A_206 = %scan3A_193 to %scan3A_195 step %scan3A_196  : i32 {
      %mul3A_207 = arith.constant 16 : i32
      %mul3A_208 = arith.muli %scan3A_206, %mul3A_207 : i32
      %multiple_of3A = tpu.assume_multiple %mul3A_208, 16 : i32
      %jit3A = arith.constant 8 : i32
      %div3A = arith.divsi %scan3A_206, %jit3A : i32
      %sign3A = arith.constant 0 : i32
      %sign3A_209 = arith.cmpi sgt, %scan3A_206, %sign3A : i32
      %sign3A_210 = arith.extui %sign3A_209 : i1 to i32
      %sign3A_211 = arith.constant 0 : i32
      %sign3A_212 = arith.cmpi slt, %scan3A_206, %sign3A_211 : i32
      %sign3A_213 = arith.extui %sign3A_212 : i1 to i32
      %sign3A_214 = arith.subi %sign3A_210, %sign3A_213 : i32
      %sign3A_215 = arith.constant 0 : i32
      %sign3A_216 = arith.cmpi sgt, %jit3A, %sign3A_215 : i32
      %sign3A_217 = arith.extui %sign3A_216 : i1 to i32
      %sign3A_218 = arith.constant 0 : i32
      %sign3A_219 = arith.cmpi slt, %jit3A, %sign3A_218 : i32
      %sign3A_220 = arith.extui %sign3A_219 : i1 to i32
      %sign3A_221 = arith.subi %sign3A_217, %sign3A_220 : i32
      %ne3A = arith.cmpi ne, %sign3A_214, %sign3A_221 : i32
      %rem3A = arith.remsi %scan3A_206, %jit3A : i32
      %ne3A_222 = arith.constant 0 : i32
      %ne3A_223 = arith.cmpi ne, %rem3A, %ne3A_222 : i32
      %and3A = arith.andi %ne3A, %ne3A_223 : i1
      %sub3A = arith.constant 1 : i32
      %sub3A_224 = arith.subi %div3A, %sub3A : i32
      %select_n3A = arith.select %and3A, %sub3A_224, %div3A : i32
      %mul3A_225 = arith.constant 256 : i32
      %mul3A_226 = arith.muli %select_n3A, %mul3A_225 : i32
      %jit3A_227 = arith.constant 8 : i32
      %eq3A = arith.constant 0 : i32
      %eq3A_228 = arith.cmpi eq, %jit3A_227, %eq3A : i32
      %jit3A_229 = arith.constant 1 : i32
      %select_n3A_230 = arith.select %eq3A_228, %jit3A_229, %jit3A_227 : i32
      %rem3A_231 = arith.remsi %scan3A_206, %select_n3A_230 : i32
      %ne3A_232 = arith.constant 0 : i32
      %ne3A_233 = arith.cmpi ne, %rem3A_231, %ne3A_232 : i32
      %lt3A = arith.constant 0 : i32
      %lt3A_234 = arith.cmpi slt, %rem3A_231, %lt3A : i32
      %lt3A_235 = arith.constant 0 : i32
      %lt3A_236 = arith.cmpi slt, %select_n3A_230, %lt3A_235 : i32
      %ne3A_237 = arith.xori %lt3A_234, %lt3A_236 : i1
      %and3A_238 = arith.andi %ne3A_237, %ne3A_233 : i1
      %add3A_239 = arith.addi %rem3A_231, %select_n3A_230 : i32
      %select_n3A_240 = arith.select %and3A_238, %add3A_239, %rem3A_231 : i32
      %mul3A_241 = arith.constant 16 : i32
      %mul3A_242 = arith.muli %select_n3A_240, %mul3A_241 : i32
      %add3A_243 = arith.addi %mul3A_226, %mul3A_242 : i32
      %multiple_of3A_244 = tpu.assume_multiple %add3A_243, 16 : i32
      %get3A = arith.index_cast %multiple_of3A : i32 to index
      %get3A_245 = tpu.vector_load %arg20[%get3A] {strides = array<i32>} : memref<512xf32, #tpu.memory_space<vmem>>, vector<16xf32>,
      %get3A_246 = arith.index_cast %multiple_of3A : i32 to index
      %get3A_247 = tpu.vector_load %arg21[%get3A_246] {strides = array<i32>} : memref<512xf32, #tpu.memory_space<vmem>>, vector<16xf32>,
      %get3A_248 = arith.index_cast %multiple_of3A : i32 to index
      %get3A_249 = tpu.vector_load %arg16[%get3A_248] {strides = array<i32>} : memref<512xf32, #tpu.memory_space<vmem>>, vector<16xf32>,
      %get3A_250 = arith.index_cast %multiple_of3A : i32 to index
      %get3A_251 = tpu.vector_load %arg17[%get3A_250] {strides = array<i32>} : memref<512xf32, #tpu.memory_space<vmem>>, vector<16xf32>,
      %get3A_252 = arith.index_cast %multiple_of3A : i32 to index
      %get3A_253 = tpu.vector_load %arg18[%get3A_252] {strides = array<i32>} : memref<512xf32, #tpu.memory_space<vmem>>, vector<16xf32>,
      %add3A_254 = arith.addf %get3A_253, %get3A_245 : vector<16xf32>
      %neg3A = arith.constant 0.000000e+00 : f32
      %neg3A_255 = vector.broadcast %neg3A : f32 to vector<16xf32>
      %neg3A_256 = arith.subf %neg3A_255, %add3A_254 : vector<16xf32>
      %exp3A = math.exp %neg3A_256 : vector<16xf32>
      %add3A_257 = arith.constant 1.000000e+00 : f32
      %add3A_258 = vector.broadcast %add3A_257 : f32 to vector<16xf32>
      %add3A_259 = arith.addf %add3A_258, %exp3A : vector<16xf32>
      %div3A_260 = arith.constant 1.000000e+00 : f32
      %div3A_261 = vector.broadcast %div3A_260 : f32 to vector<16xf32>
      %div3A_262 = arith.divf %div3A_261, %add3A_259 : vector<16xf32>
      %get3A_263 = arith.index_cast %multiple_of3A : i32 to index
      %get3A_264 = tpu.vector_load %arg19[%get3A_263] {strides = array<i32>} : memref<512xf32, #tpu.memory_space<vmem>>, vector<16xf32>,
      %add3A_265 = arith.addf %get3A_264, %get3A_247 : vector<16xf32>
      %neg3A_266 = arith.constant 0.000000e+00 : f32
      %neg3A_267 = vector.broadcast %neg3A_266 : f32 to vector<16xf32>
      %neg3A_268 = arith.subf %neg3A_267, %add3A_265 : vector<16xf32>
      %exp3A_269 = math.exp %neg3A_268 : vector<16xf32>
      %add3A_270 = arith.constant 1.000000e+00 : f32
      %add3A_271 = vector.broadcast %add3A_270 : f32 to vector<16xf32>
      %add3A_272 = arith.addf %add3A_271, %exp3A_269 : vector<16xf32>
      %div3A_273 = arith.constant 1.000000e+00 : f32
      %div3A_274 = vector.broadcast %div3A_273 : f32 to vector<16xf32>
      %div3A_275 = arith.divf %div3A_274, %add3A_272 : vector<16xf32>
      %get3A_276 = arith.index_cast %multiple_of3A_244 : i32 to index
      %get3A_277 = tpu.vector_load %arg13[%get3A_276] {strides = array<i32>} : memref<1024xf32, #tpu.memory_space<vmem>>, vector<16xf32>,
      %add3A_278 = arith.constant 128 : i32
      %add3A_279 = arith.addi %multiple_of3A_244, %add3A_278 : i32
      %get3A_280 = arith.index_cast %add3A_279 : i32 to index
      %get3A_281 = tpu.vector_load %arg13[%get3A_280] {strides = array<i32>} : memref<1024xf32, #tpu.memory_space<vmem>>, vector<16xf32>,
      %get3A_282 = arith.index_cast %multiple_of3A : i32 to index
      %get3A_283 = tpu.vector_load %arg14[%get3A_282] {strides = array<i32>} : memref<512xi32, #tpu.memory_space<vmem>>, vector<16xi32>,
      %ne3A_284 = arith.constant 0 : i32
      %ne3A_285 = vector.broadcast %ne3A_284 : i32 to vector<16xi32>
      %ne3A_286 = arith.cmpi ne, %get3A_283, %ne3A_285 : vector<16xi32>
      %sub3A_287 = arith.constant 1.000000e+00 : f32
      %sub3A_288 = vector.broadcast %sub3A_287 : f32 to vector<16xf32>
      %sub3A_289 = arith.subf %sub3A_288, %div3A_275 : vector<16xf32>
      %select_n3A_290 = arith.select %ne3A_286, %sub3A_289, %div3A_275 : vector<16xi1>, vector<16xf32>
      %sub3A_291 = arith.constant 1.000000e+00 : f32
      %sub3A_292 = vector.broadcast %sub3A_291 : f32 to vector<16xf32>
      %sub3A_293 = arith.subf %sub3A_292, %div3A_262 : vector<16xf32>
      %select_n3A_294 = arith.select %ne3A_286, %div3A_262, %sub3A_293 : vector<16xi1>, vector<16xf32>
      %mul3A_295 = arith.mulf %select_n3A_294, %get3A_277 : vector<16xf32>
      %mul3A_296 = arith.mulf %select_n3A_290, %get3A_281 : vector<16xf32>
      %sub3A_297 = arith.constant 1.000000e+00 : f32
      %sub3A_298 = vector.broadcast %sub3A_297 : f32 to vector<16xf32>
      %sub3A_299 = arith.subf %sub3A_298, %get3A_251 : vector<16xf32>
      %mul3A_300 = arith.mulf %sub3A_299, %mul3A_296 : vector<16xf32>
      %mul3A_301 = arith.mulf %get3A_249, %mul3A_295 : vector<16xf32>
      %add3A_302 = arith.addf %mul3A_300, %mul3A_301 : vector<16xf32>
      %mul3A_303 = arith.mulf %get3A_251, %mul3A_296 : vector<16xf32>
      %sub3A_304 = arith.constant 1.000000e+00 : f32
      %sub3A_305 = vector.broadcast %sub3A_304 : f32 to vector<16xf32>
      %sub3A_306 = arith.subf %sub3A_305, %get3A_249 : vector<16xf32>
      %mul3A_307 = arith.mulf %sub3A_306, %mul3A_295 : vector<16xf32>
      %add3A_308 = arith.addf %mul3A_303, %mul3A_307 : vector<16xf32>
      %add3A_309 = arith.addf %add3A_302, %add3A_308 : vector<16xf32>
      %add3A_310 = arith.constant 9.99999993E-9 : f32
      %add3A_311 = vector.broadcast %add3A_310 : f32 to vector<16xf32>
      %add3A_312 = arith.addf %add3A_309, %add3A_311 : vector<16xf32>
      %div3A_313 = arith.constant 1.000000e+00 : f32
      %div3A_314 = vector.broadcast %div3A_313 : f32 to vector<16xf32>
      %div3A_315 = arith.divf %div3A_314, %add3A_312 : vector<16xf32>
      %mul3A_316 = arith.mulf %add3A_302, %div3A_315 : vector<16xf32>
      %mul3A_317 = arith.mulf %add3A_308, %div3A_315 : vector<16xf32>
      %sub3A_318 = arith.constant 1.000000e+00 : f32
      %sub3A_319 = vector.broadcast %sub3A_318 : f32 to vector<16xf32>
      %sub3A_320 = arith.subf %sub3A_319, %div3A_275 : vector<16xf32>
      %mul3A_321 = arith.mulf %sub3A_320, %mul3A_316 : vector<16xf32>
      %mul3A_322 = arith.mulf %div3A_262, %mul3A_317 : vector<16xf32>
      %add3A_323 = arith.addf %mul3A_321, %mul3A_322 : vector<16xf32>
      %swap3A = arith.index_cast %multiple_of3A_244 : i32 to index
      %swap3A_324 = tpu.vector_load %arg22[%swap3A] {strides = array<i32>} : memref<1024xf32, #tpu.memory_space<vmem>>, vector<16xf32>,
      tpu.vector_store %arg22[%swap3A], %mul3A_317 {strides = array<i32>} : memref<1024xf32, #tpu.memory_space<vmem>>, vector<16xf32>,
      %add3A_325 = arith.constant 128 : i32
      %add3A_326 = arith.addi %multiple_of3A_244, %add3A_325 : i32
      %swap3A_327 = arith.index_cast %add3A_326 : i32 to index
      %swap3A_328 = tpu.vector_load %arg22[%swap3A_327] {strides = array<i32>} : memref<1024xf32, #tpu.memory_space<vmem>>, vector<16xf32>,
      tpu.vector_store %arg22[%swap3A_327], %mul3A_316 {strides = array<i32>} : memref<1024xf32, #tpu.memory_space<vmem>>, vector<16xf32>,
      %swap3A_329 = arith.index_cast %multiple_of3A : i32 to index
      %swap3A_330 = tpu.vector_load %arg23[%swap3A_329] {strides = array<i32>} : memref<512xf32, #tpu.memory_space<vmem>>, vector<16xf32>,
      tpu.vector_store %arg23[%swap3A_329], %add3A_323 {strides = array<i32>} : memref<512xf32, #tpu.memory_space<vmem>>, vector<16xf32>,
    }
    %scan3A_197 = arith.constant 8 : i32
    %dma_start3A_198 = tpu.memref_slice %arg11[%mul3A_4] : memref<32768xf32, #tpu.memory_space<hbm>> -> memref<1024xf32, #tpu.memory_space<hbm>>
    %dma_start3A_199 = tpu.memref_slice %arg11[%mul3A_4] : memref<32768xf32, #tpu.memory_space<hbm>> -> memref<1024xf32, #tpu.memory_space<hbm>>
    tpu.enqueue_dma source(%arg22 : memref<1024xf32, #tpu.memory_space<vmem>>) target(%dma_start3A_199 : memref<1024xf32, #tpu.memory_space<hbm>>) target_semaphore(%arg24 : memref<!tpu.dma_semaphore, #tpu.memory_space<semaphore_mem>>)
    %dma_wait3A_200 = tpu.memref_slice %arg11[%mul3A_4] : memref<32768xf32, #tpu.memory_space<hbm>> -> memref<1024xf32, #tpu.memory_space<hbm>>
    %dma_wait3A_201 = tpu.memref_slice %arg11[%mul3A_4] : memref<32768xf32, #tpu.memory_space<hbm>> -> memref<1024xf32, #tpu.memory_space<hbm>>
    tpu.wait_dma2 semaphore(%arg24 : memref<!tpu.dma_semaphore, #tpu.memory_space<semaphore_mem>>) src(%arg22 : memref<1024xf32, #tpu.memory_space<vmem>>) dst(%dma_wait3A_201 : memref<1024xf32, #tpu.memory_space<hbm>>)
    %dma_start3A_202 = tpu.memref_slice %arg12[%mul3A_2] : memref<16384xf32, #tpu.memory_space<hbm>> -> memref<512xf32, #tpu.memory_space<hbm>>
    %dma_start3A_203 = tpu.memref_slice %arg12[%mul3A_2] : memref<16384xf32, #tpu.memory_space<hbm>> -> memref<512xf32, #tpu.memory_space<hbm>>
    tpu.enqueue_dma source(%arg23 : memref<512xf32, #tpu.memory_space<vmem>>) target(%dma_start3A_203 : memref<512xf32, #tpu.memory_space<hbm>>) target_semaphore(%arg24 : memref<!tpu.dma_semaphore, #tpu.memory_space<semaphore_mem>>)
    %dma_wait3A_204 = tpu.memref_slice %arg12[%mul3A_2] : memref<16384xf32, #tpu.memory_space<hbm>> -> memref<512xf32, #tpu.memory_space<hbm>>
    %dma_wait3A_205 = tpu.memref_slice %arg12[%mul3A_2] : memref<16384xf32, #tpu.memory_space<hbm>> -> memref<512xf32, #tpu.memory_space<hbm>>
    tpu.wait_dma2 semaphore(%arg24 : memref<!tpu.dma_semaphore, #tpu.memory_space<semaphore_mem>>) src(%arg23 : memref<512xf32, #tpu.memory_space<vmem>>) dst(%dma_wait3A_205 : memref<512xf32, #tpu.memory_space<hbm>>)
    return
  }
}

</mosaic_0001>

<sc_bundles>
// kernel: bkt_logits.3.cloned.1.call-start
scs
__scs_entry_jumppad:
0x0: {  	(pc) =	sbr.rel $0x88, $3  }
0x1: {  	(tag) =	ssettag $0x0;
	lr =	simm.s32 $0x1  }
0x2: {  	[smem:$0x3F98] =	sst lr;
	_ =	strace $0xD0000000  }
0x3: {  	_ = 	snop  }
0x4: {  	_ = 	snop  }
0x5: {  	_ = 	snop  }
0x6: {  	_ = 	snop  }
0x7: {  	_ = 	snop  }
__scs_overlays_trampoline_lowered:
0x8: {  	[smem:$0x3FA7] =	sst s0  }
0x9: {  	[smem:$0x3FA8] =	sst s1  }
0xa: {  	[smem:$0x3FA9] =	sst s2  }
0xb: {  	[smem:$0x3FAA] =	sst s3  }
0xc: {  	[smem:$0x3FAB] =	sst s4  }
0xd: {  	[smem:$0x3FAC] =	sst s5  }
0xe: {  	[smem:$0x3FAD] =	sst s6  }
0xf: {  	[smem:$0x3FAE] =	sst s7  }
0x10: {  	[smem:$0x3FAF] =	sst s8  }
0x11: {  	[smem:$0x3FB0] =	sst s9;
	s0 =	simm.s32 @!p0 $0x0  }
0x12: {  	s1 =	sld [smem:$0x3F96];
	s0 =	simm.s32 @p0 $0x1  }
0x13: {  	[smem:$0x3FB1] =	sst s0;
	s0 =	simm.s32 @!p1 $0x0  }
0x14: {  	s2 =	sld [smem:$0x3F95];
	s0 =	simm.s32 @p1 $0x1  }
0x15: {  	[smem:$0x3FB2] =	sst s0;
	s0 =	simm.s32 @!p2 $0x0  }
0x16: {  	s3 =	sld [smem:$0x3FDB];
	s0 =	simm.s32 @p2 $0x1  }
0x17: {  	s4 =	simm.s32 $0x1BF5;
	[smem:$0x3FB4] =	sst s0  }
0x18: {  	s0 =	sld [smem:$0x3F97];
	_ =	swait.ge [sflag:s4], $0x0  }
0x19: {  	s7 =	sld [smem:$0x3F98]  }
0x1a: {  	s8 =	sadd.s32 $0xFFFFE003, lr  }
0x1b: {  	s9 =	sadd.s32 $0xFFFFFEF7, lr;
	s5 =	simm.s32 $0xFFFFFFFF;
	p2 =	slt.u32 s8, $0xFFFFF086  }
0x1c: {  	p1 =	slt.u32 s9, $0xF7A;
	s5 =	simm.s32 @!p2 $0x0  }
0x1d: {  	s5 =	simm.s32 @p1 $0x1;
	p0 =	seq.s32 s7, s2  }
0x1e: {  	s7 =	smul.u32 @!p0 $0xF7A, s2;
	p2 =	seq.s32 @!p0 s5, $0x0  }
0x1f: {  	s9 =	smul.u32 $0xF7A, s1;
	s8 =	simm.s32 @!p0 $0x1BF5;
	p2 =	por !p2, p0  }
0x20: {  	[sflag:s8] =	ssyncset.s32 @!p0 $0xFFFFF086;
	s6 =	sadd.s32 @!p0 s3, s7;
	s7 =	simm.s32 @!p0 $0x108  }
0x21: {  	s3 =	sadd.s32 s3, s9;
	s6 =	sadd.s32 @!p0 $0x88, s6;
	s7 =	simm.s32 @p2 $0x1082  }
0x22: {  	[simem:s7], [sflag:s8] =	dma.local @!p0 [hbm:s6], $0xF7A  }
0x23: {  	s9 =	sor.u32 $0xD0000000, s2;
	s6 =	simm.s32 $0x108;
	_ =	swait.ge @!p0 [sflag:s8], $0x0  }
0x24: {  	s3 =	sadd.s32 $0x88, s3;
	s6 =	simm.s32 @!p1 $0x1082;
	[sflag:s4] =	ssyncset.s32 $0xFFFFF086  }
0x25: {  	[simem:s6], [sflag:s4] =	dma.local [hbm:s3], $0xF7A  }
0x26: {  	[smem:$0x3F98] =	sst s1;
	(tag) =	ssettag s2;
	_ =	strace s9  }
0x27: {  	s1 =	sld [smem:$0x3FA8]  }
0x28: {  	s2 =	sld [smem:$0x3FA9]  }
0x29: {  	s4 =	sld [smem:$0x3FAB]  }
0x2a: {  	p0 =	seq.s32 s5, $0x0;
	s5 =	sld [smem:$0x3FAC]  }
0x2b: {  	s6 =	sld [smem:$0x3FAD]  }
0x2c: {  	s7 =	sld [smem:$0x3FAE]  }
0x2d: {  	s3 =	simm.s32 $0x108;
	s8 =	sld [smem:$0x3FAF]  }
0x2e: {  	s3 =	simm.s32 @!p0 $0x1082;
	s9 =	sld [smem:$0x3FB0]  }
0x2f: {  	lr =	sadd.s32 s0, s3;
	s0 =	sld [smem:$0x3FA7]  }
0x30: {  	s3 =	sld [smem:$0x3FAA]  }
0x31: {  	[smem:$0x3FB3] =	sst s10  }
0x32: {  	s10 =	sld [smem:$0x3FB1];
	_ =	sdelay $0x3  }
0x33: {  	p0 =	seq.s32 s10, $0x1;
	s10 =	sld [smem:$0x3FB3];
	_ =	sdelay $0x3  }
0x34: {  	[smem:$0x3FB3] =	sst s10  }
0x35: {  	s10 =	sld [smem:$0x3FB2];
	_ =	sdelay $0x3  }
0x36: {  	p1 =	seq.s32 s10, $0x1;
	s10 =	sld [smem:$0x3FB3];
	_ =	sdelay $0x3  }
0x37: {  	[smem:$0x3FB3] =	sst s10  }
0x38: {  	s10 =	sld [smem:$0x3FB4]  }
0x39: {  	_ = 	snop;
	(pc) =	sbr.ind lr, $3  }
0x3a: {  	_ = 	snop  }
0x3b: {  	_ = 	snop  }
0x3c: {  	p2 =	seq.s32 s10, $0x1;
	s10 =	sld [smem:$0x3FB3]  }
0x3d: {  	_ =	shalt  }
0x3e: {  	_ =	shalt  }
0x3f: {  	_ =	shalt  }
0x40: {  	_ =	shalt  }
0x41: {  	_ =	shalt  }
0x42: {  	_ =	shalt  }
0x43: {  	_ =	shalt  }
0x44: {  	_ =	shalt  }
0x45: {  	_ =	shalt  }
0x46: {  	_ =	shalt  }
0x47: {  	_ =	shalt  }
0x48: {  	_ =	shalt  }
0x49: {  	_ =	shalt  }
0x4a: {  	_ =	shalt  }
0x4b: {  	_ =	shalt  }
0x4c: {  	_ =	shalt  }
0x4d: {  	_ =	shalt  }
0x4e: {  	_ =	shalt  }
0x4f: {  	_ =	shalt  }
0x50: {  	_ =	shalt  }
0x51: {  	_ =	shalt  }
0x52: {  	_ =	shalt  }
0x53: {  	_ =	shalt  }
0x54: {  	_ =	shalt  }
0x55: {  	_ =	shalt  }
0x56: {  	_ =	shalt  }
0x57: {  	_ =	shalt  }
0x58: {  	_ =	shalt  }
0x59: {  	_ =	shalt  }
0x5a: {  	_ =	shalt  }
0x5b: {  	_ =	shalt  }
0x5c: {  	_ =	shalt  }
0x5d: {  	_ =	shalt  }
0x5e: {  	_ =	shalt  }
0x5f: {  	_ =	shalt  }
0x60: {  	_ =	shalt  }
0x61: {  	_ =	shalt  }
0x62: {  	_ =	shalt  }
0x63: {  	_ =	shalt  }
0x64: {  	_ =	shalt  }
0x65: {  	_ =	shalt  }
0x66: {  	_ =	shalt  }
0x67: {  	_ =	shalt  }
0x68: {  	_ =	shalt  }
0x69: {  	_ =	shalt  }
0x6a: {  	_ =	shalt  }
0x6b: {  	_ =	shalt  }
0x6c: {  	_ =	shalt  }
0x6d: {  	_ =	shalt  }
0x6e: {  	_ =	shalt  }
0x6f: {  	_ =	shalt  }
0x70: {  	_ =	shalt  }
0x71: {  	_ =	shalt  }
0x72: {  	_ =	shalt  }
0x73: {  	_ =	shalt  }
0x74: {  	_ =	shalt  }
0x75: {  	_ =	shalt  }
0x76: {  	_ =	shalt  }
0x77: {  	_ =	shalt  }
0x78: {  	_ =	shalt  }
0x79: {  	_ =	shalt  }
0x7a: {  	_ =	shalt  }
0x7b: {  	_ =	shalt  }
0x7c: {  	_ =	shalt  }
0x7d: {  	_ =	shalt  }
0x7e: {  	_ =	shalt  }
0x7f: {  	_ =	shalt  }
0x80: {  	_ =	shalt  }
0x81: {  	_ =	shalt  }
0x82: {  	_ =	shalt  }
0x83: {  	_ =	shalt  }
0x84: {  	_ =	shalt  }
0x85: {  	_ =	shalt  }
0x86: {  	_ =	shalt  }
0x87: {  	_ =	shalt  }
.Lfunc_end0:
.L_simem_size_0:
called_computation_lowered:
.L_overlay_start_0:
0x88: {  	s2 =	sld [smem:$0x3FD9]  }
0x89: {  	s3 =	sld [smem:$0x3FFE];
	_ =	sdelay $0x1  }
0x8a: {  	s1 =	srdreg.scid  }
0x8b: {  	s0 =	sand.u32 $0x1, s1  }
0x8c: {  	s17 =	sshll.u32 s0, $0xA;
	s2 =	sadd.s32 s3, s2  }
0x8d: {  	s2 =	sadd.s32 s2, s17  }
0x8e: {  	[smem:$0x3FBF] =	sst s2  }
0x8f: {  	_ = 	snop  }
0x90: {  	s2 =	sld [smem:$0x3FC9]  }
0x91: {  	s18 =	sld [smem:$0x3FC6]  }
0x92: {  	s4 =	sld [smem:$0x3FC3]  }
0x93: {  	s5 =	sld [smem:$0x3FC1];
	(tm) =	ssettm $0x1  }
0x94: {  	s6 =	sld [smem:$0x3FFB];
	_ =	sdelay $0x3  }
0x95: {  	_ =	strace s6  }
0x96: {  	s6 =	sld [smem:$0x3FFC];
	_ =	sdelay $0x3  }
0x97: {  	_ =	strace s6  }
0x98: {  	s6 =	sld [smem:$0x3FFD];
	_ =	sdelay $0x3  }
0x99: {  	_ =	strace s6  }
0x9a: {  	_ =	strace $0x8FFFFFFF  }
0x9b: {  	s19 =	sld [smem:$0x3FDB];
	_ =	sdelay $0x1  }
0x9c: {  	s7 =	simm.s32 $_scs_section_size  }
0x9d: {  	s8 =	simm.s32 $_size__tile_overlayer_lowered;
	s9 =	simm.s32 $_tile_overlayer_lowered  }
0x9e: {  	s22 =	simm.s32 $0x1BFF;
	s21 =	sshll.u32 s9, $0x1;
	s6 =	sadd.s32 s7, s19  }
0x9f: {  	s10 =	simm.s32 $0x0;
	s20 =	sshll.u32 s8, $0x1;
	s8 =	sadd.s32 s21, s6  }
0xa0: {  	[timem:s10], [sflag:s22] =	dma.local [hbm:s8], s20  }
0xa1: {  	_ =	swait.ge [sflag:s22], s20  }
0xa2: {  	s7 =	ssub.s32 $0x0, s20;
	[sflag:s22] =	ssyncset.done $0x0  }
0xa3: {  	[sflag:s22] =	ssyncadd.s32 s7;
	_ =	sdelay $0x1  }
0xa4: {  	s23 =	simm.s32 $0x1B8B  }
0xa5: {  	_ =	swait.ge [sflag:s23], $0x1  }
0xa6: {  	[sflag:s23] =	ssyncset.done $0x0  }
0xa7: {  	s25 =	simm.s32 $0x1B8E;
	s24 =	sld [smem:$0x3FFE];
	[sflag:s23] =	ssyncadd.s32 $0xFFFFFFFF  }
0xa8: {  	s26 =	simm.s32 $execute0_lowered;
	[smem:$0x3FD2] =	sst s25  }
0xa9: {  	s8 =	sshll.u32 s26, $0x1;
	_ =	strace $0x80000046;
	[dreg:$0x1] =	wrdreg $0xFFFFFFFF  }
0xaa: {  	s28 =	simm.s32 $_size_execute0_lowered;
	s6 =	sadd.s32 s6, s8;
	[dreg:$0x0] =	wrdreg $0x0  }
0xab: {  	s8 =	sshll.u32 s28, $0x1;
	[dreg:$0x2] =	wrdreg s6  }
0xac: {  	[dreg:$0x3] =	wrdreg s8  }
0xad: {  	[dreg:$0x4] =	wrdreg $0xC0  }
0xae: {  	_ =	task [dreg:s10], $0x5FFFF  }
0xaf: {  	[dreg:$0x1] =	wrdreg $0xFFFFFFFF  }
0xb0: {  	[dreg:$0x0] =	wrdreg $0x60  }
0xb1: {  	[dreg:$0x2] =	wrdreg s2  }
0xb2: {  	[dreg:$0x3] =	wrdreg s18  }
0xb3: {  	[dreg:$0x4] =	wrdreg s4  }
0xb4: {  	[dreg:$0x5] =	wrdreg s5  }
0xb5: {  	[dreg:$0x6] =	wrdreg s24  }
0xb6: {  	[dreg:$0x7] =	wrdreg $0x9  }
0xb7: {  	_ =	task.clear_ibuf [dreg:s10], $0x8FFFF;
	_ =	strace $0x90000046  }
0xb8: {  	s29 =	simm.s32 $0x9;
	_ =	strace $0x80000048  }
0xb9: {  	_ =	swait.ge [sflag:s29], $0x1  }
0xba: {  	[sflag:s29] =	ssyncadd.s32 $0xFFFFFFFF  }
0xbb: {  	_ =	strace $0x90000048  }
0xbc: {  	_ =	sfence  }
0xbd: {  	s30 =	sld [smem:$0x0];
	_ =	sdelay $0x2  }
0xbe: {  	s31 =	sshll.u32 s1, $0xD;
	s1 =	sshrl.u32 s1, $0x2  }
0xbf: {  	s3 =	sand.u32 $0x4000, s31;
	s1 =	sadd.s32 s1, s30  }
0xc0: {  	s0 =	sor.u32 s3, s0;
	s1 =	sshll.u32 s1, $0x11  }
0xc1: {  	s0 =	sor.u32 s1, s0  }
0xc2: {  	s0 =	sadd.s32 $0x8F2B, s0  }
0xc3: {  	[sflag:s0] =	ssyncadd.remote.s32 $0x1  }
0xc4: {  	_ =	sfence.sel $0xFFFF  }
0xc5: {  	[dreg:$0x0] =	wrdreg $0xFFFFFFFF;
	(pc) =	sbr.abs _section_cstart, $3  }
0xc6: {  	[dreg:$0x1] =	wrdreg $0xFFFFFFFF  }
0xc7: {  	_ =	task.clear_ibuf [dreg:s10], $0x2FFFF;
	_ =	strace $0x9FFFFFFF  }
0xc8: {  	(tm) =	ssettm $0x7FFFFFFF  }
0xc9: {  	_ =	shalt  }
tec
execute0_lowered:
.L_overlay_start_1:
0x0: {  	(tag) =	ssettag $0x1  }
0x1: {  	s2 =	rddreg [dreg:$0x1]  }
0x2: {  	s0 =	rddreg [dreg:$0x2]  }
0x3: {  	s1 =	rddreg [dreg:$0x3]  }
0x4: {  	s3 =	rddreg [dreg:$0x4];
	s4 =	simm.s32 $0x0;
	s5 =	srdreg.scid  }
0x5: {  	s6 =	stileid.u32;
	s14 =	simm.s32 $0x1;
	s15 =	simm.s32 $0x80  }
0x6: {  	s21 =	simm.s32 $0x1D80;
	s22 =	simm.s32 $0x1780;
	s23 =	simm.s32 $0x1F80  }
0x7: {  	s24 =	simm.s32 $0x1980;
	s25 =	simm.s32 $0x2180;
	s28 =	simm.s32 $0x2380  }
0x8: {  	s29 =	simm.s32 $0x2;
	s30 =	simm.s32 $0x3;
	s31 =	simm.s32 $0x4  }
0x9: {  	s12 =	simm.s32 $0x2800;
	s13 =	simm.s32 $0x2A00;
	s5 =	sand.u32 $0x1, s5  }
0xa: {  	s16 =	simm.s32 $0x0;
	s6 =	sshll.u32 s6, $0x7;
	s7 =	sshll.u32 s5, $0x6  }
0xb: {  	[smem:$0x7FF] =	sst s4;
	s5 =	ssub.s32 $0x2, s5;
	s6 =	sor.u32 s7, s6  }
0xc: {  	_ =	strace $0x80000047;
	s26 =	sshrl.u32 s5, $0x1;
	s3 =	sadd.s32 s6, s3  }
0xd: {  	s11 =	ssub.s32 s5, s26;
	s5 =	sadd.s32 s1, s6;
	s6 =	sadd.s32 s0, s6  }
0xe: {  	s26 =	simm.s32 $0x1B80;
	s0 =	simm.s32 $0x5;
	s1 =	simm.s32 $0x2600  }
0xf: {  	s7 =	sadd.s32 $0xE00, s3;
	s8 =	sadd.s32 $0x1600, s3;
	s9 =	sadd.s32 $0x1E00, s3  }
0x10: {  	s10 =	sadd.s32 $0x2600, s3;
	s11 =	smax.u32 s11, $0x1;
	s3 =	simm.s32 $0x2400  }
.LBB2_1:
0x11: {  	s17 =	simm.s32 $0x1200  }
0x12: {  	[tilespmem:s17], [sflag:$0x1] =	stream.linear.gather [hbm4b:s5+s4], $0x200, $0x38;
	[tilespmem:$0x2C00] =	vst v63  }
0x13: {  	s18 =	simm.s32 $0x1000  }
0x14: {  	[tilespmem:s18], [sflag:$0x1] =	stream.linear.gather [hbm4b:s6+s4], $0x200, $0x38;
	[tilespmem:$0x2C00] =	vst v63  }
0x15: {  	s19 =	rddreg [dreg:$0x0]  }
0x16: {  	[tilespmem:s4], [sflag:$0x1] =	stream.linear.gather [hbm4b:s19+s4], $0x1000, $0x38;
	[tilespmem:$0x2C00] =	vst v63  }
0x17: {  	_ =	swait.ge [sflag:s14], $0x200  }
0x18: {  	[sflag:s14] =	ssyncset.done $0x0  }
0x19: {  	[sflag:s14] =	ssyncadd.s32 $0xFFFFFE00  }
0x1a: {  	v1 =	vld [tilespmem:$0x1200]  }
0x1b: {  	v5 =	vld [tilespmem:$0x1210]  }
0x1c: {  	v8 =	vld [tilespmem:$0x1230];
	_ =	sdelay $0x1  }
0x1d: {  	v13 =	vld [tilespmem:$0x1240]  }
0x1e: {  	v47 =	vld [tilespmem:$0x1250];
	v0 =	vshll.u32 v1, $0x2  }
0x1f: {  	v2 =	vand.u32 $0x7F, v1;
	vm0 =	vgt.s32 v1, $0x1867F;
	v3 =	vadd.s32 $0x493A0, v1  }
0x20: {  	v18 =	vld [tilespmem:$0x1260];
	v6 =	vadd.s32 $0x493C0, v1;
	vm9 =	vgt.s32 v5, $0x1867F;
	v11 =	vshll.u32 v8, $0x2  }
0x21: {  	v12 =	vand.u32 $0x7F, v8;
	vm11 =	vgt.s32 v8, $0x1867F;
	v45 =	vadd.s32 $0x493C0, v8  }
0x22: {  	v24 =	vld [tilespmem:$0x1270];
	v46 =	vshll.u32 v13, $0x2;
	vm12 =	vgt.s32 v13, $0x1867F;
	v50 =	vadd.s32 $0x493E0, v13  }
0x23: {  	v51 =	vshll.u32 v47, $0x2;
	v21 =	vand.u32 $0x7F, v47;
	vm13 =	vgt.s32 v47, $0x1867F  }
0x24: {  	v63 =	vld [tilespmem:$0x1280];
	v53 =	vadd.s32 $0x49380, v47;
	v54 =	vadd.s32 $0x493A0, v47;
	v55 =	vadd.s32 $0x493C0, v47  }
0x25: {  	v35 =	vld [tilespmem:$0x1290];
	v22 =	vshll.u32 v18, $0x2;
	v23 =	vand.u32 $0x7F, v18;
	vm14 =	vgt.s32 v18, $0x1867F  }
0x26: {  	v58 =	vadd.s32 $0x49380, v18;
	v59 =	vadd.s32 $0x493A0, v18;
	v60 =	vadd.s32 $0x493C0, v18  }
0x27: {  	v61 =	vadd.s32 $0x493E0, v18;
	v62 =	vshll.u32 v24, $0x2;
	v37 =	vand.u32 $0x7F, v24  }
0x28: {  	vm15 =	vgt.s32 v24, $0x1867F;
	v38 =	vadd.s32 $0x49380, v24;
	v39 =	vadd.s32 $0x493A0, v24  }
0x29: {  	v40 =	vadd.s32 $0x493C0, v24;
	v24 =	vadd.s32 $0x493E0, v24;
	v41 =	vshll.u32 v63, $0x2  }
0x2a: {  	v36 =	vand.u32 $0x7F, v63;
	vm4 =	vgt.s32 v63, $0x1867F;
	vm5 =	vgt.s32 v35, $0x1867F  }
0x2b: {  	v0 =	vand.u32 $0xFFFFFE00, v0;
	v11 =	vand.u32 $0xFFFFFE00, v11;
	v22 =	vand.u32 $0xFFFFFE00, v22  }
0x2c: {  	v18 =	vand.u32 $0xFFFFFE00, v62;
	v2 =	vor.u32 v2, v0;
	v0 =	vadd.s32 $0x49380, v1  }
0x2d: {  	v1 =	vadd.s32 $0x493E0, v1;
	v57 =	vor.u32 v23, v22;
	v33 =	vor.u32 v37, v18  }
0x2e: {  	v4 =	vor.u32 $0x80, v2;
	v7 =	vor.u32 $0x100, v2;
	v27 =	vsel vm0, v0, v2  }
0x2f: {  	v2 =	vor.u32 $0x180, v2;
	v22 =	vor.u32 $0x80, v57;
	v32 =	vor.u32 $0x100, v57  }
0x30: {  	v31 =	vsel vm14, v58, v57;
	v23 =	vsel vm15, v38, v33;
	v18 =	vor.u32 $0x80, v33  }
0x31: {  	v34 =	vor.u32 $0x100, v33;
	v33 =	vor.u32 $0x180, v33;
	v14 =	vsel vm0, v3, v4  }
0x32: {  	v37 =	vld [tilespmem:$0x12A0];
	v0 =	vsel vm0, v6, v7;
	v4 =	vshll.u32 v5, $0x2;
	v3 =	vsel vm0, v1, v2  }
0x33: {  	v1 =	vand.u32 $0x7F, v5;
	v22 =	vsel vm14, v59, v22;
	v2 =	vand.u32 $0xFFFFFE00, v4  }
0x34: {  	v6 =	vld [tilespmem:$0x1220];
	v18 =	vsel vm15, v39, v18;
	v2 =	vor.u32 v1, v2;
	v1 =	vadd.s32 $0x49380, v5  }
0x35: {  	v24 =	vsel vm15, v24, v33;
	v10 =	vsel vm9, v1, v2;
	v1 =	vadd.s32 $0x493A0, v5  }
0x36: {  	v4 =	vor.u32 $0x80, v2;
	v7 =	vor.u32 $0x100, v2;
	v2 =	vor.u32 $0x180, v2  }
0x37: {  	vm6 =	vgt.s32 v37, $0x1867F;
	v58 =	vadd.s32 $0x493A0, v37;
	v62 =	vadd.s32 $0x493E0, v37  }
0x38: {  	v4 =	vsel vm9, v1, v4;
	v1 =	vadd.s32 $0x493C0, v5;
	v5 =	vadd.s32 $0x493E0, v5  }
0x39: {  	v1 =	vsel vm9, v1, v7;
	v7 =	vshll.u32 v6, $0x2;
	v9 =	vand.u32 $0x7F, v6  }
0x3a: {  	v15 =	vsel vm9, v5, v2;
	vm10 =	vgt.s32 v6, $0x1867F;
	v7 =	vand.u32 $0xFFFFFE00, v7  }
0x3b: {  	v5 =	vadd.s32 $0x49380, v6;
	[tilespmem:$0x1610] =	vst v4;
	v4 =	vadd.s32 $0x49380, v35;
	v2 =	vor.u32 v9, v7  }
0x3c: {  	v7 =	vadd.s32 $0x493A0, v6;
	v9 =	vor.u32 $0x80, v2;
	v25 =	vsel vm10, v5, v2  }
0x3d: {  	v43 =	vor.u32 $0x100, v2;
	v2 =	vor.u32 $0x180, v2;
	v5 =	vsel vm10, v7, v9  }
0x3e: {  	v7 =	vadd.s32 $0x493C0, v6;
	v6 =	vadd.s32 $0x493E0, v6;
	v9 =	vadd.s32 $0x493E0, v47  }
0x3f: {  	v47 =	vand.u32 $0x7F, v35;
	v28 =	vsel vm10, v7, v43;
	v16 =	vsel vm10, v6, v2  }
0x40: {  	v6 =	vor.u32 v12, v11;
	v2 =	vadd.s32 $0x49380, v8;
	v7 =	vadd.s32 $0x493A0, v8  }
0x41: {  	v43 =	vadd.s32 $0x49380, v63;
	v44 =	vor.u32 $0x80, v6;
	v12 =	vor.u32 $0x100, v6  }
0x42: {  	v29 =	vsel vm11, v2, v6;
	v6 =	vor.u32 $0x180, v6;
	v19 =	vsel vm11, v7, v44  }
0x43: {  	v2 =	vsel vm11, v45, v12;
	v7 =	vadd.s32 $0x493E0, v8;
	v8 =	vand.u32 $0xFFFFFE00, v46  }
0x44: {  	v44 =	vadd.s32 $0x493A0, v63;
	v6 =	vsel vm11, v7, v6;
	v7 =	vand.u32 $0x7F, v13  }
0x45: {  	v45 =	vadd.s32 $0x493C0, v63;
	v8 =	vor.u32 v7, v8;
	v7 =	vadd.s32 $0x49380, v13  }
0x46: {  	v46 =	vshll.u32 v35, $0x2;
	v17 =	vsel vm12, v7, v8;
	v7 =	vadd.s32 $0x493A0, v13  }
0x47: {  	v48 =	vor.u32 $0x80, v8;
	v49 =	vor.u32 $0x100, v8;
	v8 =	vor.u32 $0x180, v8  }
0x48: {  	v11 =	vsel vm12, v7, v48;
	v7 =	vadd.s32 $0x493C0, v13;
	v13 =	vand.u32 $0xFFFFFE00, v51  }
0x49: {  	v20 =	vsel vm12, v50, v8;
	v50 =	vadd.s32 $0x493C0, v35;
	v52 =	vor.u32 v21, v13  }
0x4a: {  	v7 =	vsel vm12, v7, v49;
	v49 =	vadd.s32 $0x493A0, v35;
	v21 =	vor.u32 $0x80, v52  }
0x4b: {  	v26 =	vsel vm13, v53, v52;
	v56 =	vor.u32 $0x100, v52;
	v8 =	vor.u32 $0x180, v52  }
0x4c: {  	[tilespmem:$0x1400] =	vst v27;
	v52 =	vadd.s32 $0x493E0, v35;
	v53 =	vshll.u32 v37, $0x2;
	v12 =	vsel vm13, v54, v21  }
0x4d: {  	[tilespmem:$0x1460] =	vst v31;
	v30 =	vsel vm13, v55, v56;
	v21 =	vsel vm13, v9, v8;
	v8 =	vsel vm14, v60, v32  }
0x4e: {  	[tilespmem:$0x1470] =	vst v23;
	v9 =	vor.u32 $0x180, v57;
	v32 =	vadd.s32 $0x493E0, v63;
	v55 =	vand.u32 $0x7F, v37  }
0x4f: {  	[tilespmem:$0x1600] =	vst v14;
	v54 =	vld [tilespmem:$0x12B0];
	v13 =	vsel vm14, v61, v9;
	v9 =	vsel vm15, v40, v34;
	v34 =	vand.u32 $0xFFFFFE00, v41  }
0x50: {  	[tilespmem:$0x1800] =	vst v0;
	v56 =	vand.u32 $0xFFFFFE00, v53;
	v57 =	vadd.s32 $0x49380, v37;
	v42 =	vor.u32 v36, v34  }
0x51: {  	[tilespmem:$0x1A00] =	vst v3;
	v60 =	vadd.s32 $0x493C0, v37;
	v53 =	vld [tilespmem:$0x12E0];
	v36 =	vor.u32 $0x80, v42;
	v27 =	vsel vm4, v43, v42  }
0x52: {  	[tilespmem:$0x1660] =	vst v22;
	v0 =	vor.u32 $0x100, v42;
	v3 =	vor.u32 $0x180, v42;
	v14 =	vsel vm4, v44, v36  }
0x53: {  	[tilespmem:$0x1410] =	vst v10;
	v36 =	vand.u32 $0xFFFFFE00, v46;
	v0 =	vsel vm4, v45, v0;
	v3 =	vsel vm4, v32, v3  }
0x54: {  	[tilespmem:$0x1810] =	vst v1;
	v48 =	vor.u32 v47, v36;
	v63 =	vshll.u32 v54, $0x2;
	v37 =	vand.u32 $0x7F, v54  }
0x55: {  	[tilespmem:$0x1A10] =	vst v15;
	vm7 =	vgt.s32 v54, $0x1867F;
	v38 =	vadd.s32 $0x49380, v54;
	v39 =	vadd.s32 $0x493A0, v54  }
0x56: {  	[tilespmem:$0x1850] =	vst v30;
	v41 =	vadd.s32 $0x493C0, v54;
	v42 =	vadd.s32 $0x493E0, v54;
	v30 =	vand.u32 $0x7F, v53  }
0x57: {  	[tilespmem:$0x1420] =	vst v25;
	vm10 =	vgt.s32 v53, $0x1867F;
	v31 =	vadd.s32 $0x49380, v53;
	v32 =	vadd.s32 $0x493A0, v53  }
0x58: {  	[tilespmem:$0x1620] =	vst v5;
	v33 =	vadd.s32 $0x493C0, v53;
	v34 =	vadd.s32 $0x493E0, v53;
	v1 =	vor.u32 $0x80, v48  }
0x59: {  	[tilespmem:$0x1A20] =	vst v16;
	v51 =	vor.u32 $0x100, v48;
	v4 =	vsel vm5, v4, v48;
	v10 =	vor.u32 $0x180, v48  }
0x5a: {  	[tilespmem:$0x1430] =	vst v29;
	v29 =	vand.u32 $0xFFFFFE00, v63;
	v1 =	vsel vm5, v49, v1;
	v15 =	vsel vm5, v50, v51  }
0x5b: {  	[tilespmem:$0x1A30] =	vst v6;
	v45 =	vld [tilespmem:$0x12D0];
	v5 =	vsel vm5, v52, v10;
	v10 =	vor.u32 v55, v56;
	v6 =	vor.u32 v37, v29  }
0x5c: {  	[tilespmem:$0x1630] =	vst v19;
	v16 =	vsel vm6, v57, v10;
	v59 =	vor.u32 $0x80, v10;
	v61 =	vor.u32 $0x100, v10  }
0x5d: {  	[tilespmem:$0x1830] =	vst v2;
	v2 =	vor.u32 $0x180, v10;
	v40 =	vor.u32 $0x80, v6;
	v10 =	vsel vm7, v38, v6  }
0x5e: {  	[tilespmem:$0x1840] =	vst v7;
	v36 =	vld [tilespmem:$0x12C0];
	v7 =	vor.u32 $0x100, v6;
	v6 =	vor.u32 $0x180, v6;
	v25 =	vsel vm6, v58, v59  }
0x5f: {  	[tilespmem:$0x1640] =	vst v11;
	v19 =	vsel vm6, v60, v61;
	v2 =	vsel vm6, v62, v2;
	v11 =	vsel vm7, v39, v40  }
0x60: {  	[tilespmem:$0x1670] =	vst v18;
	v7 =	vsel vm7, v41, v7;
	v6 =	vsel vm7, v42, v6;
	v52 =	vshll.u32 v45, $0x2  }
0x61: {  	[tilespmem:$0x1A70] =	vst v24;
	v63 =	vld [tilespmem:$0x12F0];
	v54 =	vand.u32 $0x7F, v45;
	vm9 =	vgt.s32 v45, $0x1867F;
	v57 =	vadd.s32 $0x49380, v45  }
0x62: {  	[tilespmem:$0x1820] =	vst v28;
	v58 =	vadd.s32 $0x493A0, v45;
	v59 =	vadd.s32 $0x493C0, v45;
	v61 =	vadd.s32 $0x493E0, v45  }
0x63: {  	[tilespmem:$0x1440] =	vst v17;
	v62 =	vshll.u32 v53, $0x2;
	v43 =	vshll.u32 v36, $0x2;
	v44 =	vand.u32 $0x7F, v36  }
0x64: {  	[tilespmem:$0x1A40] =	vst v20;
	vm8 =	vgt.s32 v36, $0x1867F;
	v47 =	vadd.s32 $0x49380, v36;
	v48 =	vadd.s32 $0x493A0, v36  }
0x65: {  	[tilespmem:$0x1450] =	vst v26;
	v50 =	vadd.s32 $0x493C0, v36;
	v51 =	vadd.s32 $0x493E0, v36;
	v55 =	vand.u32 $0xFFFFFE00, v52  }
0x66: {  	[tilespmem:$0x1650] =	vst v12;
	v37 =	vld [tilespmem:$0x1300];
	v29 =	vand.u32 $0xFFFFFE00, v43;
	v56 =	vor.u32 v54, v55;
	v35 =	vshll.u32 v63, $0x2  }
0x67: {  	[tilespmem:$0x1690] =	vst v1;
	v36 =	vand.u32 $0x7F, v63;
	vm11 =	vgt.s32 v63, $0x1867F;
	v1 =	vadd.s32 $0x49380, v63  }
0x68: {  	[tilespmem:$0x1860] =	vst v8;
	v38 =	vadd.s32 $0x493A0, v63;
	v40 =	vadd.s32 $0x493C0, v63;
	v42 =	vadd.s32 $0x493E0, v63  }
0x69: {  	[tilespmem:$0x1A60] =	vst v13;
	v46 =	vor.u32 v44, v29;
	v13 =	vsel vm9, v57, v56;
	v26 =	vor.u32 $0x80, v56  }
0x6a: {  	[tilespmem:$0x1480] =	vst v27;
	v60 =	vor.u32 $0x100, v56;
	v8 =	vor.u32 $0x180, v56;
	v27 =	vand.u32 $0xFFFFFE00, v35  }
0x6b: {  	[tilespmem:$0x1A50] =	vst v21;
	v43 =	vshll.u32 v37, $0x2;
	v45 =	vand.u32 $0x7F, v37;
	vm12 =	vgt.s32 v37, $0x1867F  }
0x6c: {  	[tilespmem:$0x1870] =	vst v9;
	v52 =	vadd.s32 $0x493E0, v37;
	v49 =	vor.u32 $0x80, v46;
	v29 =	vor.u32 $0x100, v46  }
0x6d: {  	[tilespmem:$0x1680] =	vst v14;
	v12 =	vsel vm8, v47, v46;
	v17 =	vor.u32 $0x180, v46;
	v22 =	vsel vm9, v58, v26  }
0x6e: {  	[tilespmem:$0x1490] =	vst v4;
	v18 =	vsel vm9, v59, v60;
	v26 =	vand.u32 $0xFFFFFE00, v62;
	v8 =	vsel vm9, v61, v8  }
0x6f: {  	[tilespmem:$0x14A0] =	vst v16;
	v4 =	vor.u32 v36, v27;
	v16 =	vand.u32 $0xFFFFFE00, v43;
	v46 =	vadd.s32 $0x49380, v37  }
0x70: {  	[tilespmem:$0x1880] =	vst v0;
	v47 =	vadd.s32 $0x493A0, v37;
	v20 =	vsel vm8, v48, v49;
	v21 =	vsel vm8, v50, v29  }
0x71: {  	[tilespmem:$0x1A80] =	vst v3;
	v17 =	vsel vm8, v51, v17;
	v9 =	vor.u32 v30, v26;
	v39 =	vor.u32 $0x80, v4  }
0x72: {  	[tilespmem:$0x1890] =	vst v15;
	v41 =	vor.u32 $0x100, v4;
	v1 =	vsel vm11, v1, v4;
	v4 =	vor.u32 $0x180, v4  }
0x73: {  	[tilespmem:$0x1A90] =	vst v5;
	v15 =	vor.u32 v45, v16;
	v49 =	vadd.s32 $0x493C0, v37;
	v26 =	vor.u32 $0x80, v9  }
0x74: {  	[tilespmem:$0x14B0] =	vst v10;
	v54 =	vld [tilespmem:$0x1320];
	v14 =	vsel vm10, v31, v9;
	v0 =	vor.u32 $0x100, v9;
	v3 =	vor.u32 $0x180, v9  }
0x75: {  	[tilespmem:$0x16A0] =	vst v25;
	v5 =	vsel vm11, v38, v39;
	v9 =	vsel vm11, v40, v41;
	v4 =	vsel vm11, v42, v4  }
0x76: {  	[tilespmem:$0x1AA0] =	vst v2;
	v63 =	vld [tilespmem:$0x1330];
	v2 =	vsel vm12, v46, v15;
	v48 =	vor.u32 $0x80, v15;
	v50 =	vor.u32 $0x100, v15  }
0x77: {  	[tilespmem:$0x18B0] =	vst v7;
	v7 =	vor.u32 $0x180, v15;
	v23 =	vsel vm10, v32, v26;
	v0 =	vsel vm10, v33, v0  }
0x78: {  	[tilespmem:$0x18A0] =	vst v19;
	v44 =	vld [tilespmem:$0x1310];
	v3 =	vsel vm10, v34, v3;
	v10 =	vsel vm12, v47, v48;
	v51 =	vsel vm12, v49, v50  }
0x79: {  	[tilespmem:$0x1AB0] =	vst v6;
	v6 =	vsel vm12, v52, v7;
	v61 =	vshll.u32 v54, $0x2;
	v62 =	vand.u32 $0x7F, v54  }
0x7a: {  	[tilespmem:$0x16B0] =	vst v11;
	vm14 =	vgt.s32 v54, $0x1867F;
	v30 =	vadd.s32 $0x49380, v54;
	v31 =	vadd.s32 $0x493A0, v54  }
0x7b: {  	[tilespmem:$0x14D0] =	vst v13;
	v33 =	vadd.s32 $0x493C0, v54;
	v36 =	vadd.s32 $0x493E0, v54;
	v37 =	vshll.u32 v63, $0x2  }
0x7c: {  	[tilespmem:$0x14C0] =	vst v12;
	v39 =	vand.u32 $0x7F, v63;
	vm15 =	vgt.s32 v63, $0x1867F;
	v40 =	vadd.s32 $0x49380, v63  }
0x7d: {  	[tilespmem:$0x16D0] =	vst v22;
	v41 =	vadd.s32 $0x493A0, v63;
	v42 =	vadd.s32 $0x493C0, v63;
	v53 =	vshll.u32 v44, $0x2  }
0x7e: {  	[tilespmem:$0x18D0] =	vst v18;
	v55 =	vand.u32 $0x7F, v44;
	vm13 =	vgt.s32 v44, $0x1867F;
	v56 =	vadd.s32 $0x49380, v44  }
0x7f: {  	[tilespmem:$0x18C0] =	vst v21;
	v57 =	vadd.s32 $0x493A0, v44;
	v59 =	vadd.s32 $0x493C0, v44;
	v21 =	vand.u32 $0xFFFFFE00, v61  }
0x80: {  	[tilespmem:$0x1AD0] =	vst v8;
	v38 =	vld [tilespmem:$0x1340];
	v60 =	vadd.s32 $0x493E0, v44;
	v19 =	vand.u32 $0xFFFFFE00, v53;
	v29 =	vor.u32 v62, v21  }
0x81: {  	[tilespmem:$0x16C0] =	vst v20;
	v44 =	vadd.s32 $0x493E0, v63;
	v7 =	vor.u32 v55, v19;
	v32 =	vor.u32 $0x80, v29  }
0x82: {  	[tilespmem:$0x1AC0] =	vst v17;
	v46 =	vld [tilespmem:$0x1350];
	v21 =	vor.u32 $0x100, v29;
	v17 =	vsel vm14, v30, v29;
	v16 =	vor.u32 $0x180, v29  }
0x83: {  	[tilespmem:$0x14F0] =	vst v1;
	v58 =	vor.u32 $0x80, v7;
	v12 =	vsel vm13, v56, v7;
	v19 =	vor.u32 $0x100, v7  }
0x84: {  	[tilespmem:$0x14E0] =	vst v14;
	v7 =	vor.u32 $0x180, v7;
	v34 =	vsel vm14, v31, v32;
	v35 =	vsel vm14, v33, v21  }
0x85: {  	[tilespmem:$0x16F0] =	vst v5;
	v14 =	vsel vm14, v36, v16;
	v45 =	vshll.u32 v38, $0x2;
	v47 =	vand.u32 $0x7F, v38  }
0x86: {  	[tilespmem:$0x1500] =	vst v2;
	v54 =	vld [tilespmem:$0x1360];
	vm4 =	vgt.s32 v38, $0x1867F;
	v2 =	vadd.s32 $0x49380, v38;
	v48 =	vadd.s32 $0x493A0, v38  }
0x87: {  	[tilespmem:$0x18F0] =	vst v9;
	v50 =	vadd.s32 $0x493C0, v38;
	v52 =	vadd.s32 $0x493E0, v38;
	v53 =	vshll.u32 v46, $0x2  }
0x88: {  	[tilespmem:$0x1B00] =	vst v6;
	v6 =	vand.u32 $0x7F, v46;
	vm5 =	vgt.s32 v46, $0x1867F;
	v55 =	vadd.s32 $0x49380, v46  }
0x89: {  	[tilespmem:$0x1AF0] =	vst v4;
	v63 =	vld [tilespmem:$0x1370];
	v56 =	vadd.s32 $0x493A0, v46;
	v61 =	vadd.s32 $0x493E0, v46;
	v15 =	vsel vm13, v57, v58  }
0x8a: {  	[tilespmem:$0x16E0] =	vst v23;
	v28 =	vsel vm13, v59, v19;
	v7 =	vsel vm13, v60, v7;
	v19 =	vand.u32 $0xFFFFFE00, v37  }
0x8b: {  	[tilespmem:$0x1520] =	vst v17;
	v58 =	vadd.s32 $0x493C0, v46;
	v62 =	vshll.u32 v54, $0x2;
	v17 =	vand.u32 $0x7F, v54  }
0x8c: {  	[tilespmem:$0x18E0] =	vst v0;
	vm6 =	vgt.s32 v54, $0x1867F;
	v21 =	vadd.s32 $0x49380, v54;
	v22 =	vadd.s32 $0x493A0, v54  }
0x8d: {  	[tilespmem:$0x1AE0] =	vst v3;
	v24 =	vadd.s32 $0x493C0, v54;
	v26 =	vadd.s32 $0x493E0, v54;
	v0 =	vor.u32 v39, v19  }
0x8e: {  	[tilespmem:$0x1700] =	vst v10;
	v36 =	vld [tilespmem:$0x1390];
	v27 =	vshll.u32 v63, $0x2;
	v29 =	vand.u32 $0x7F, v63;
	vm7 =	vgt.s32 v63, $0x1867F  }
0x8f: {  	[tilespmem:$0x1720] =	vst v34;
	v30 =	vadd.s32 $0x493A0, v63;
	v32 =	vadd.s32 $0x493C0, v63;
	v34 =	vadd.s32 $0x493E0, v63  }
0x90: {  	[tilespmem:$0x1900] =	vst v51;
	v3 =	vsel vm15, v40, v0;
	v19 =	vor.u32 $0x80, v0;
	v43 =	vor.u32 $0x100, v0  }
0x91: {  	[tilespmem:$0x1710] =	vst v15;
	v0 =	vor.u32 $0x180, v0;
	v15 =	vand.u32 $0xFFFFFE00, v27;
	v1 =	vsel vm15, v41, v19  }
0x92: {  	[tilespmem:$0x1510] =	vst v12;
	v5 =	vsel vm15, v42, v43;
	v19 =	vand.u32 $0xFFFFFE00, v45;
	v0 =	vsel vm15, v44, v0  }
0x93: {  	[tilespmem:$0x1920] =	vst v35;
	v4 =	vor.u32 v47, v19;
	v19 =	vand.u32 $0xFFFFFE00, v53;
	v43 =	vshll.u32 v36, $0x2  }
0x94: {  	[tilespmem:$0x1B20] =	vst v14;
	vm9 =	vgt.s32 v36, $0x1867F;
	v47 =	vadd.s32 $0x493E0, v36;
	v49 =	vor.u32 $0x80, v4  }
0x95: {  	[tilespmem:$0x1910] =	vst v28;
	v28 =	vld [tilespmem:$0x1380];
	v2 =	vsel vm4, v2, v4;
	v51 =	vor.u32 $0x100, v4;
	v4 =	vor.u32 $0x180, v4  }
0x96: {  	[tilespmem:$0x1B10] =	vst v7;
	v6 =	vor.u32 v6, v19;
	v19 =	vand.u32 $0xFFFFFE00, v62;
	v45 =	vand.u32 $0xFFFFFE00, v43  }
0x97: {  	[tilespmem:$0x1530] =	vst v3;
	v9 =	vsel vm4, v48, v49;
	v10 =	vsel vm4, v50, v51;
	v4 =	vsel vm4, v52, v4  }
0x98: {  	[tilespmem:$0x1730] =	vst v1;
	v57 =	vor.u32 $0x80, v6;
	v59 =	vor.u32 $0x100, v6;
	v11 =	vsel vm5, v55, v6  }
0x99: {  	v6 =	vor.u32 $0x180, v6;
	v8 =	vor.u32 v17, v19;
	[tilespmem:$0x1540] =	vst v2;
	v2 =	vadd.s32 $0x49380, v63  }
0x9a: {  	[tilespmem:$0x1930] =	vst v5;
	v35 =	vshll.u32 v28, $0x2;
	vm8 =	vgt.s32 v28, $0x1867F;
	v37 =	vadd.s32 $0x493A0, v28  }
0x9b: {  	v44 =	vld [tilespmem:$0x13A0];
	[tilespmem:$0x1B30] =	vst v0;
	v39 =	vadd.s32 $0x493C0, v28;
	v42 =	vadd.s32 $0x493E0, v28;
	v7 =	vsel vm5, v56, v57  }
0x9c: {  	v60 =	vsel vm5, v58, v59;
	v6 =	vsel vm5, v61, v6;
	v13 =	vsel vm6, v21, v8;
	[tilespmem:$0x1740] =	vst v9  }
0x9d: {  	v23 =	vor.u32 $0x80, v8;
	v25 =	vor.u32 $0x100, v8;
	v5 =	vor.u32 $0x180, v8;
	[tilespmem:$0x1940] =	vst v10  }
0x9e: {  	[tilespmem:$0x1B40] =	vst v4;
	v3 =	vsel vm6, v22, v23;
	v1 =	vsel vm6, v24, v25;
	v0 =	vsel vm6, v26, v5  }
0x9f: {  	v5 =	vor.u32 v29, v15;
	v15 =	vand.u32 $0xFFFFFE00, v35;
	[tilespmem:$0x1750] =	vst v7;
	v7 =	vadd.s32 $0x49380, v28  }
0xa0: {  	v62 =	vld [tilespmem:$0x13E0];
	[tilespmem:$0x1550] =	vst v11;
	v48 =	vshll.u32 v44, $0x2;
	v50 =	vand.u32 $0x7F, v44;
	vm10 =	vgt.s32 v44, $0x1867F  }
0xa1: {  	v49 =	vld [tilespmem:$0x13B0];
	[tilespmem:$0x1950] =	vst v60;
	v51 =	vadd.s32 $0x493A0, v44;
	v52 =	vadd.s32 $0x493C0, v44;
	v54 =	vadd.s32 $0x493E0, v44  }
0xa2: {  	[tilespmem:$0x1B50] =	vst v6;
	v31 =	vor.u32 $0x80, v5;
	v2 =	vsel vm7, v2, v5;
	v33 =	vor.u32 $0x100, v5  }
0xa3: {  	[tilespmem:$0x1560] =	vst v13;
	v4 =	vor.u32 $0x180, v5;
	v5 =	vand.u32 $0x7F, v28;
	v8 =	vsel vm7, v30, v31  }
0xa4: {  	v56 =	vld [tilespmem:$0x13C0];
	[tilespmem:$0x1760] =	vst v3;
	v9 =	vsel vm7, v32, v33;
	v4 =	vsel vm7, v34, v4;
	v5 =	vor.u32 v5, v15  }
0xa5: {  	[tilespmem:$0x1960] =	vst v1;
	vm14 =	vgt.s32 v62, $0x1867F;
	v38 =	vor.u32 $0x80, v5;
	v40 =	vor.u32 $0x100, v5  }
0xa6: {  	v61 =	vld [tilespmem:$0x13D0];
	[tilespmem:$0x1B60] =	vst v0;
	v7 =	vsel vm8, v7, v5;
	v5 =	vor.u32 $0x180, v5;
	v55 =	vshll.u32 v49, $0x2  }
0xa7: {  	[tilespmem:$0x1570] =	vst v2;
	vm11 =	vgt.s32 v49, $0x1867F;
	v57 =	vadd.s32 $0x493A0, v49;
	v58 =	vadd.s32 $0x493C0, v49  }
0xa8: {  	[tilespmem:$0x1770] =	vst v8;
	v6 =	vsel vm8, v37, v38;
	v41 =	vsel vm8, v39, v40;
	v3 =	vsel vm8, v42, v5  }
0xa9: {  	v5 =	vand.u32 $0x7F, v36;
	[tilespmem:$0x1580] =	vst v7;
	v7 =	vadd.s32 $0x49380, v44;
	v60 =	vshll.u32 v56, $0x2  }
0xaa: {  	[tilespmem:$0x1970] =	vst v9;
	vm12 =	vgt.s32 v56, $0x1867F;
	v1 =	vor.u32 v5, v45;
	v5 =	vadd.s32 $0x49380, v36  }
0xab: {  	[tilespmem:$0x1B70] =	vst v4;
	vm13 =	vgt.s32 v61, $0x1867F;
	v0 =	vsel vm9, v5, v1;
	v5 =	vadd.s32 $0x493A0, v36  }
0xac: {  	[tilespmem:$0x1780] =	vst v6;
	v11 =	vor.u32 $0x80, v1;
	v46 =	vor.u32 $0x100, v1;
	v1 =	vor.u32 $0x180, v1  }
0xad: {  	[tilespmem:$0x1B80] =	vst v3;
	v2 =	vsel vm9, v5, v11;
	v5 =	vadd.s32 $0x493C0, v36;
	v11 =	vand.u32 $0xFFFFFE00, v48  }
0xae: {  	v1 =	vsel vm9, v47, v1;
	[tilespmem:$0x1590] =	vst v0;
	v5 =	vsel vm9, v5, v46;
	v4 =	vor.u32 v50, v11  }
0xaf: {  	v11 =	vand.u32 $0xFFFFFE00, v55;
	[tilespmem:$0x1790] =	vst v2;
	v2 =	vadd.s32 $0x49380, v49;
	v9 =	vor.u32 $0x80, v4  }
0xb0: {  	[tilespmem:$0x1B90] =	vst v1;
	v6 =	vsel vm10, v7, v4;
	v53 =	vor.u32 $0x100, v4;
	v3 =	vor.u32 $0x180, v4  }
0xb1: {  	v4 =	vand.u32 $0x7F, v49;
	[tilespmem:$0x1990] =	vst v5;
	v7 =	vsel vm10, v51, v9;
	v0 =	vsel vm10, v52, v53  }
0xb2: {  	v3 =	vsel vm10, v54, v3;
	v4 =	vor.u32 v4, v11;
	[tilespmem:$0x15A0] =	vst v6;
	v6 =	vadd.s32 $0x493E0, v49  }
0xb3: {  	v5 =	vor.u32 $0x80, v4;
	v59 =	vor.u32 $0x100, v4;
	v2 =	vsel vm11, v2, v4;
	[tilespmem:$0x17A0] =	vst v7  }
0xb4: {  	v4 =	vor.u32 $0x180, v4;
	v7 =	vand.u32 $0xFFFFFE00, v60;
	[tilespmem:$0x19A0] =	vst v0;
	v1 =	vsel vm11, v57, v5  }
0xb5: {  	[tilespmem:$0x1BA0] =	vst v3;
	v5 =	vsel vm11, v58, v59;
	v4 =	vsel vm11, v6, v4;
	v6 =	vand.u32 $0x7F, v56  }
0xb6: {  	v0 =	vor.u32 v6, v7;
	v6 =	vadd.s32 $0x49380, v56;
	[tilespmem:$0x19B0] =	vst v5;
	v5 =	vand.u32 $0x7F, v61  }
0xb7: {  	[tilespmem:$0x15B0] =	vst v2;
	v3 =	vsel vm12, v6, v0;
	v6 =	vadd.s32 $0x493A0, v56;
	v7 =	vor.u32 $0x80, v0  }
0xb8: {  	[tilespmem:$0x17B0] =	vst v1;
	v2 =	vsel vm12, v6, v7;
	v6 =	vadd.s32 $0x493C0, v56;
	v7 =	vor.u32 $0x100, v0  }
0xb9: {  	[tilespmem:$0x1BB0] =	vst v4;
	v0 =	vor.u32 $0x180, v0;
	v1 =	vsel vm12, v6, v7;
	v7 =	vshll.u32 v61, $0x2  }
0xba: {  	[tilespmem:$0x15C0] =	vst v3;
	v3 =	vadd.s32 $0x49380, v61;
	v6 =	vadd.s32 $0x493E0, v56;
	v7 =	vand.u32 $0xFFFFFE00, v7  }
0xbb: {  	[tilespmem:$0x17C0] =	vst v2;
	v0 =	vsel vm12, v6, v0;
	v4 =	vor.u32 v5, v7;
	v5 =	vadd.s32 $0x493A0, v61  }
0xbc: {  	[tilespmem:$0x19C0] =	vst v1;
	v7 =	vshll.u32 v62, $0x2;
	v6 =	vor.u32 $0x80, v4;
	v2 =	vsel vm13, v3, v4  }
0xbd: {  	[tilespmem:$0x1BC0] =	vst v0;
	v1 =	vor.u32 $0x100, v4;
	v0 =	vor.u32 $0x180, v4;
	v4 =	vand.u32 $0x7F, v62  }
0xbe: {  	v63 =	vld [tilespmem:$0x13F0];
	[tilespmem:$0x1980] =	vst v41;
	v7 =	vand.u32 $0xFFFFFE00, v7;
	v3 =	vsel vm13, v5, v6;
	v5 =	vadd.s32 $0x493C0, v61  }
0xbf: {  	v6 =	vadd.s32 $0x493E0, v61;
	[tilespmem:$0x15D0] =	vst v2;
	v2 =	vor.u32 v4, v7;
	v4 =	vadd.s32 $0x493A0, v62  }
0xc0: {  	v1 =	vsel vm13, v5, v1;
	v0 =	vsel vm13, v6, v0;
	[tilespmem:$0x17D0] =	vst v3;
	v3 =	vadd.s32 $0x49380, v62  }
0xc1: {  	v5 =	vadd.s32 $0x493C0, v62;
	v6 =	vor.u32 $0x100, v2;
	[tilespmem:$0x19D0] =	vst v1;
	v1 =	vor.u32 $0x80, v2  }
0xc2: {  	[tilespmem:$0x1BD0] =	vst v0;
	v3 =	vsel vm14, v3, v2;
	v2 =	vor.u32 $0x180, v2;
	v0 =	vsel vm14, v4, v1  }
0xc3: {  	v1 =	vsel vm14, v5, v6;
	[tilespmem:$0x15E0] =	vst v3;
	v3 =	vadd.s32 $0x493E0, v62;
	v4 =	vshll.u32 v63, $0x2  }
0xc4: {  	[tilespmem:$0x17E0] =	vst v0;
	v0 =	vsel vm14, v3, v2;
	v2 =	vand.u32 $0x7F, v63;
	v3 =	vand.u32 $0xFFFFFE00, v4  }
0xc5: {  	vm15 =	vgt.s32 v63, $0x1867F;
	[tilespmem:$0x19E0] =	vst v1;
	v1 =	vor.u32 v2, v3;
	v2 =	vadd.s32 $0x49380, v63  }
0xc6: {  	[tilespmem:$0x1BE0] =	vst v0;
	v0 =	vsel vm15, v2, v1;
	v2 =	vadd.s32 $0x493A0, v63;
	v3 =	vor.u32 $0x80, v1  }
0xc7: {  	[tilespmem:$0x15F0] =	vst v0;
	v0 =	vsel vm15, v2, v3;
	v2 =	vadd.s32 $0x493C0, v63;
	v3 =	vor.u32 $0x100, v1  }
0xc8: {  	v1 =	vor.u32 $0x180, v1;
	[tilespmem:$0x17F0] =	vst v0;
	v0 =	vsel vm15, v2, v3;
	v2 =	vadd.s32 $0x493E0, v63  }
0xc9: {  	[tilespmem:$0x19F0] =	vst v0;
	v0 =	vsel vm15, v2, v1  }
0xca: {  	s20 =	simm.s32 $0x1400;
	s18 =	simm.s32 $0x1C00;
	[tilespmem:$0x1BF0] =	vst v0  }
0xcb: {  	[tilespmem:s18], [sflag:$0x2] =	stream.indirect.gather [hbm4b:s2+s15], $0x1, s20, s15, $0xb8;
	[tilespmem:$0x2C00] =	vst v63  }
0xcc: {  	s19 =	simm.s32 $0x1600;
	s20 =	simm.s32 $0x1E00  }
0xcd: {  	[tilespmem:s20], [sflag:$0x2] =	stream.indirect.gather [hbm4b:s2+s15], $0x1, s19, s15, $0xb8;
	[tilespmem:$0x2C00] =	vst v63  }
0xce: {  	s19 =	simm.s32 $0x1800;
	s20 =	simm.s32 $0x2000  }
0xcf: {  	[tilespmem:s20], [sflag:$0x2] =	stream.indirect.gather [hbm4b:s2+s15], $0x1, s19, s15, $0xb8;
	[tilespmem:$0x2C00] =	vst v63  }
0xd0: {  	s19 =	simm.s32 $0x1A00;
	s20 =	simm.s32 $0x2200  }
0xd1: {  	[tilespmem:s20], [sflag:$0x2] =	stream.indirect.gather [hbm4b:s2+s15], $0x1, s19, s15, $0xb8;
	[tilespmem:$0x2C00] =	vst v63  }
0xd2: {  	s19 =	simm.s32 $0x1480;
	s20 =	simm.s32 $0x1C80  }
0xd3: {  	[tilespmem:s20], [sflag:$0x3] =	stream.indirect.gather [hbm4b:s2+s15], $0x1, s19, s15, $0xb8;
	[tilespmem:$0x2C00] =	vst v63  }
0xd4: {  	s19 =	simm.s32 $0x1680;
	s20 =	simm.s32 $0x1E80  }
0xd5: {  	[tilespmem:s20], [sflag:$0x3] =	stream.indirect.gather [hbm4b:s2+s15], $0x1, s19, s15, $0xb8;
	[tilespmem:$0x2C00] =	vst v63  }
0xd6: {  	s19 =	simm.s32 $0x1880;
	s20 =	simm.s32 $0x2080  }
0xd7: {  	[tilespmem:s20], [sflag:$0x3] =	stream.indirect.gather [hbm4b:s2+s15], $0x1, s19, s15, $0xb8;
	[tilespmem:$0x2C00] =	vst v63  }
0xd8: {  	s19 =	simm.s32 $0x1A80;
	s20 =	simm.s32 $0x2280  }
0xd9: {  	[tilespmem:s20], [sflag:$0x3] =	stream.indirect.gather [hbm4b:s2+s15], $0x1, s19, s15, $0xb8;
	[tilespmem:$0x2C00] =	vst v63  }
0xda: {  	s19 =	simm.s32 $0x1500;
	s20 =	simm.s32 $0x1D00  }
0xdb: {  	[tilespmem:s20], [sflag:$0x4] =	stream.indirect.gather [hbm4b:s2+s15], $0x1, s19, s15, $0xb8;
	[tilespmem:$0x2C00] =	vst v63  }
0xdc: {  	s19 =	simm.s32 $0x1700;
	s20 =	simm.s32 $0x1F00  }
0xdd: {  	[tilespmem:s20], [sflag:$0x4] =	stream.indirect.gather [hbm4b:s2+s15], $0x1, s19, s15, $0xb8;
	[tilespmem:$0x2C00] =	vst v63  }
0xde: {  	s19 =	simm.s32 $0x1900;
	s20 =	simm.s32 $0x2100  }
0xdf: {  	[tilespmem:s20], [sflag:$0x4] =	stream.indirect.gather [hbm4b:s2+s15], $0x1, s19, s15, $0xb8;
	[tilespmem:$0x2C00] =	vst v63  }
0xe0: {  	s18 =	simm.s32 $0x1B00;
	s19 =	simm.s32 $0x2300  }
0xe1: {  	[tilespmem:s19], [sflag:$0x4] =	stream.indirect.gather [hbm4b:s2+s15], $0x1, s18, s15, $0xb8;
	[tilespmem:$0x2C00] =	vst v63  }
0xe2: {  	s20 =	simm.s32 $0x1580  }
0xe3: {  	[tilespmem:s21], [sflag:$0x5] =	stream.indirect.gather [hbm4b:s2+s15], $0x1, s20, s15, $0xb8;
	[tilespmem:$0x2C00] =	vst v63  }
0xe4: {  	_ = 	snop  }
0xe5: {  	[tilespmem:s23], [sflag:$0x5] =	stream.indirect.gather [hbm4b:s2+s15], $0x1, s22, s15, $0xb8;
	[tilespmem:$0x2C00] =	vst v63  }
0xe6: {  	_ = 	snop  }
0xe7: {  	[tilespmem:s25], [sflag:$0x5] =	stream.indirect.gather [hbm4b:s2+s15], $0x1, s24, s15, $0xb8;
	[tilespmem:$0x2C00] =	vst v63  }
0xe8: {  	_ = 	snop  }
0xe9: {  	[tilespmem:s28], [sflag:$0x5] =	stream.indirect.gather [hbm4b:s2+s15], $0x1, s26, s15, $0xb8;
	[tilespmem:$0x2C00] =	vst v63  }
0xea: {  	_ =	swait.ge [sflag:s14], $0x200  }
0xeb: {  	[sflag:s14] =	ssyncset.done $0x0  }
0xec: {  	[sflag:s14] =	ssyncadd.s32 $0xFFFFFE00  }
0xed: {  	_ =	swait.ge [sflag:s14], $0x1000  }
0xee: {  	[sflag:s14] =	ssyncset.done $0x0  }
0xef: {  	[sflag:s14] =	ssyncadd.s32 $0xFFFFF000  }
0xf0: {  	_ =	swait.ge [sflag:s29], $0x80  }
0xf1: {  	[sflag:s29] =	ssyncset.done $0x0  }
0xf2: {  	[sflag:s29] =	ssyncadd.s32 $0xFFFFFF80  }
0xf3: {  	_ =	swait.ge [sflag:s29], $0x80  }
0xf4: {  	[sflag:s29] =	ssyncset.done $0x0  }
0xf5: {  	[sflag:s29] =	ssyncadd.s32 $0xFFFFFF80  }
0xf6: {  	_ =	swait.ge [sflag:s29], $0x80  }
0xf7: {  	[sflag:s29] =	ssyncset.done $0x0  }
0xf8: {  	[sflag:s29] =	ssyncadd.s32 $0xFFFFFF80  }
0xf9: {  	_ =	swait.ge [sflag:s29], $0x80  }
0xfa: {  	[sflag:s29] =	ssyncset.done $0x0  }
0xfb: {  	s17 =	simm.s32 $0x0;
	[sflag:s29] =	ssyncadd.s32 $0xFFFFFF80  }
0xfc: {  	v0 =	vld [tilespmem:s17+$0x1000];
	_ =	sdelay $0x4  }
0xfd: {  	v1 =	vadd.s32 $0x400, v0;
	_ =	sdelay $0x1  }
0xfe: {  	v2 =	vld [tilespmem:s17+$0x1C00]  }
0xff: {  	v4 =	vld [tilespmem:s17+$0x1E00]  }
0x100: {  	v3 =	vld.idx.msk [tilespmem:v0+s4+$0x0], $0xffff  }
0x101: {  	v1 =	vld.idx.msk [tilespmem:v1+s4+$0x0], $0xffff;
	_ =	sdelay $0x3  }
0x102: {  	v2 =	vadd.f32 v2, v3  }
0x103: {  	v3 =	vadd.s32 $0xC00, v0;
	v1 =	vsub.f32 v4, v1  }
0x104: {  	v2 =	vsub.f32 $0.0e+00, v2  }
0x105: {  	v1 =	vadd.f32 $0.0e+00, v1  }
0x106: {  	v2 =	vmul.f32 $1.442695020e+00, v2  }
0x107: {  	v1 =	vmul.f32 $1.442695020e+00, v1  }
0x108: {  	(erf) = vpow2.f32 v2;
	v2 =	vld.idx.msk [tilespmem:v3+s4+$0x0], $0xffff  }
0x109: {  	(erf) = vpow2.f32 v1;
	v1 =	vld [tilespmem:s17+$0x2200];
	_ =	sdelay $0x2  }
0x10a: {  	v0 =	vadd.s32 $0x800, v0;
	_ =	sdelay $0x1  }
0x10b: {  	v1 =	vsub.f32 v2, v1;
	_ =	sdelay $0x2  }
0x10c: {  	s18 =	simm.s32 $0x10;
	v4 =	vld.idx.msk [tilespmem:v0+s4+$0x0], $0xffff;
	v0 =	vpop (erf)  }
0x10d: {  	v2 =	vld [tilespmem:s18+$0x1000];
	[tilespmem:s17+$0x2A00] =	vst v1;
	v0 =	vadd.f32 $1.000000000e+00, v0;
	v1 =	vpop (erf)  }
0x10e: {  	v1 =	vadd.f32 $1.000000000e+00, v1  }
0x10f: {  	(erf) = vrcp.f32 v0  }
0x110: {  	v5 =	vld [tilespmem:s17+$0x2000];
	(erf) = vrcp.f32 v1;
	_ =	sdelay $0x4  }
0x111: {  	v4 =	vadd.f32 v5, v4  }
0x112: {  	s19 =	simm.s32 $0x80;
	v3 =	vadd.s32 $0x400, v2;
	v0 =	vadd.s32 $0x800, v2;
	v1 =	vadd.s32 $0xC00, v2  }
.LBB2_2:
0x113: {  	_ = 	snop  }
0x114: {  	p0 =	sne.s32 s19, $0x1C0;
	v5 =	vld [tilespmem:s18+$0x1C00];
	s20 =	smov.u32 s19;
	s19 =	sadd.s32 $0x40, s19;
	[tilespmem:s17+$0x2800] =	vst v4;
	v4 =	vpop (erf)  }
0x115: {  	[tilespmem:s17+$0x2400] =	vst v4;
	v4 =	vpop (erf)  }
0x116: {  	[tilespmem:s17+$0x2600] =	vst v4;
	s17 =	smov.u32 s18  }
0x117: {  	v2 =	vld.idx.msk [tilespmem:v2+s4+$0x0], $0xffff  }
0x118: {  	v3 =	vld.idx.msk [tilespmem:v3+s4+$0x0], $0xffff  }
0x119: {  	v4 =	vld [tilespmem:s17+$0x1E00];
	_ =	sdelay $0x3  }
0x11a: {  	v2 =	vadd.f32 v5, v2  }
0x11b: {  	v3 =	vsub.f32 v4, v3  }
0x11c: {  	v2 =	vsub.f32 $0.0e+00, v2  }
0x11d: {  	v3 =	vadd.f32 $0.0e+00, v3  }
0x11e: {  	v2 =	vmul.f32 $1.442695020e+00, v2  }
0x11f: {  	v3 =	vmul.f32 $1.442695020e+00, v3  }
0x120: {  	(erf) = vpow2.f32 v2  }
0x121: {  	(erf) = vpow2.f32 v3;
	_ =	sdelay $0x3  }
0x122: {  	v1 =	vld.idx.msk [tilespmem:v1+s4+$0x0], $0xffff  }
0x123: {  	v2 =	vld [tilespmem:s17+$0x2200];
	_ =	sdelay $0x2  }
0x124: {  	v3 =	vpop (erf)  }
0x125: {  	v3 =	vadd.f32 $1.000000000e+00, v3;
	v4 =	vpop (erf)  }
0x126: {  	v4 =	vadd.f32 $1.000000000e+00, v4;
	v1 =	vsub.f32 v1, v2  }
0x127: {  	s18 =	sshra.s32 s20, $0x2;
	v5 =	vld.idx.msk [tilespmem:v0+s4+$0x0], $0xffff;
	(erf) = vrcp.f32 v3  }
0x128: {  	v2 =	vld [tilespmem:s18+$0x1000];
	[tilespmem:s17+$0x2A00] =	vst v1;
	(erf) = vrcp.f32 v4  }
0x129: {  	v4 =	vld [tilespmem:s17+$0x2000]  }
.Ltmp0:
0x12a: {  	(pc) =	sbr.rel @p0 .LBB2_2-.Ltmp0, $3  }
0x12b: {  	_ =	sdelay $0x1  }
0x12c: {  	v3 =	vadd.s32 $0x400, v2;
	v0 =	vadd.s32 $0x800, v2;
	v1 =	vadd.s32 $0xC00, v2  }
0x12d: {  	v4 =	vadd.f32 v4, v5  }
0x12e: {  	_ = 	snop  }
0x12f: {  	v5 =	vld [tilespmem:s18+$0x1C00];
	[tilespmem:s17+$0x2800] =	vst v4;
	v4 =	vpop (erf)  }
0x130: {  	[tilespmem:s17+$0x2400] =	vst v4;
	v4 =	vpop (erf)  }
0x131: {  	[tilespmem:s17+$0x2600] =	vst v4  }
0x132: {  	v2 =	vld.idx.msk [tilespmem:v2+s4+$0x0], $0xffff  }
0x133: {  	v3 =	vld.idx.msk [tilespmem:v3+s4+$0x0], $0xffff  }
0x134: {  	v4 =	vld [tilespmem:s18+$0x1E00];
	_ =	sdelay $0x3  }
0x135: {  	v2 =	vadd.f32 v5, v2  }
0x136: {  	v3 =	vsub.f32 v4, v3  }
0x137: {  	v2 =	vsub.f32 $0.0e+00, v2  }
0x138: {  	v3 =	vadd.f32 $0.0e+00, v3  }
0x139: {  	v2 =	vmul.f32 $1.442695020e+00, v2  }
0x13a: {  	v3 =	vmul.f32 $1.442695020e+00, v3  }
0x13b: {  	(erf) = vpow2.f32 v2  }
0x13c: {  	(erf) = vpow2.f32 v3;
	_ =	sdelay $0x2  }
0x13d: {  	v1 =	vld.idx.msk [tilespmem:v1+s4+$0x0], $0xffff  }
0x13e: {  	v2 =	vld [tilespmem:s18+$0x2200];
	_ =	sdelay $0x3  }
0x13f: {  	v3 =	vpop (erf)  }
0x140: {  	v1 =	vsub.f32 v1, v2;
	v3 =	vadd.f32 $1.000000000e+00, v3;
	v4 =	vpop (erf)  }
0x141: {  	v0 =	vld.idx.msk [tilespmem:v0+s4+$0x0], $0xffff;
	v4 =	vadd.f32 $1.000000000e+00, v4  }
0x142: {  	[tilespmem:s18+$0x2A00] =	vst v1;
	v1 =	vld [tilespmem:s18+$0x2000];
	(erf) = vrcp.f32 v3  }
0x143: {  	(erf) = vrcp.f32 v4;
	_ =	sdelay $0x3  }
0x144: {  	v0 =	vadd.f32 v1, v0;
	_ =	sdelay $0x3  }
0x145: {  	[tilespmem:s18+$0x2800] =	vst v0;
	v0 =	vpop (erf)  }
0x146: {  	[tilespmem:s18+$0x2400] =	vst v0;
	v0 =	vpop (erf)  }
0x147: {  	[tilespmem:s18+$0x2600] =	vst v0  }
0x148: {  	_ =	swait.ge [sflag:s30], $0x80  }
0x149: {  	[sflag:s30] =	ssyncset.done $0x0  }
0x14a: {  	[sflag:s30] =	ssyncadd.s32 $0xFFFFFF80  }
0x14b: {  	_ =	swait.ge [sflag:s30], $0x80  }
0x14c: {  	[sflag:s30] =	ssyncset.done $0x0  }
0x14d: {  	[sflag:s30] =	ssyncadd.s32 $0xFFFFFF80  }
0x14e: {  	_ =	swait.ge [sflag:s30], $0x80  }
0x14f: {  	[sflag:s30] =	ssyncset.done $0x0  }
0x150: {  	[sflag:s30] =	ssyncadd.s32 $0xFFFFFF80  }
0x151: {  	_ =	swait.ge [sflag:s30], $0x80  }
0x152: {  	[sflag:s30] =	ssyncset.done $0x0  }
0x153: {  	s17 =	simm.s32 $0x80;
	[sflag:s30] =	ssyncadd.s32 $0xFFFFFF80  }
0x154: {  	v0 =	vld [tilespmem:s17+$0x1000];
	_ =	sdelay $0x4  }
0x155: {  	v1 =	vadd.s32 $0x400, v0;
	_ =	sdelay $0x1  }
0x156: {  	v2 =	vld [tilespmem:s17+$0x1C00]  }
0x157: {  	v4 =	vld [tilespmem:s17+$0x1E00]  }
0x158: {  	v3 =	vld.idx.msk [tilespmem:v0+s4+$0x0], $0xffff  }
0x159: {  	v1 =	vld.idx.msk [tilespmem:v1+s4+$0x0], $0xffff;
	_ =	sdelay $0x3  }
0x15a: {  	v2 =	vadd.f32 v2, v3  }
0x15b: {  	v3 =	vadd.s32 $0xC00, v0;
	v1 =	vsub.f32 v4, v1  }
0x15c: {  	v2 =	vsub.f32 $0.0e+00, v2  }
0x15d: {  	v1 =	vadd.f32 $0.0e+00, v1  }
0x15e: {  	v2 =	vmul.f32 $1.442695020e+00, v2  }
0x15f: {  	v1 =	vmul.f32 $1.442695020e+00, v1  }
0x160: {  	(erf) = vpow2.f32 v2;
	v2 =	vld.idx.msk [tilespmem:v3+s4+$0x0], $0xffff  }
0x161: {  	(erf) = vpow2.f32 v1;
	v1 =	vld [tilespmem:s17+$0x2200];
	_ =	sdelay $0x2  }
0x162: {  	v0 =	vadd.s32 $0x800, v0;
	_ =	sdelay $0x1  }
0x163: {  	v1 =	vsub.f32 v2, v1;
	_ =	sdelay $0x2  }
0x164: {  	s18 =	simm.s32 $0x90;
	v4 =	vld.idx.msk [tilespmem:v0+s4+$0x0], $0xffff;
	v0 =	vpop (erf)  }
0x165: {  	v2 =	vld [tilespmem:s18+$0x1000];
	[tilespmem:s17+$0x2A00] =	vst v1;
	v0 =	vadd.f32 $1.000000000e+00, v0;
	v1 =	vpop (erf)  }
0x166: {  	v1 =	vadd.f32 $1.000000000e+00, v1  }
0x167: {  	(erf) = vrcp.f32 v0  }
0x168: {  	v5 =	vld [tilespmem:s17+$0x2000];
	(erf) = vrcp.f32 v1;
	_ =	sdelay $0x4  }
0x169: {  	v4 =	vadd.f32 v5, v4  }
0x16a: {  	s19 =	simm.s32 $0x280;
	v3 =	vadd.s32 $0x400, v2;
	v0 =	vadd.s32 $0x800, v2;
	v1 =	vadd.s32 $0xC00, v2  }
.LBB2_4:
0x16b: {  	_ = 	snop  }
0x16c: {  	p0 =	sne.s32 s19, $0x3C0;
	v5 =	vld [tilespmem:s18+$0x1C00];
	s20 =	smov.u32 s19;
	s19 =	sadd.s32 $0x40, s19;
	[tilespmem:s17+$0x2800] =	vst v4;
	v4 =	vpop (erf)  }
0x16d: {  	[tilespmem:s17+$0x2400] =	vst v4;
	v4 =	vpop (erf)  }
0x16e: {  	[tilespmem:s17+$0x2600] =	vst v4;
	s17 =	smov.u32 s18  }
0x16f: {  	v2 =	vld.idx.msk [tilespmem:v2+s4+$0x0], $0xffff  }
0x170: {  	v3 =	vld.idx.msk [tilespmem:v3+s4+$0x0], $0xffff  }
0x171: {  	v4 =	vld [tilespmem:s17+$0x1E00];
	_ =	sdelay $0x3  }
0x172: {  	v2 =	vadd.f32 v5, v2  }
0x173: {  	v3 =	vsub.f32 v4, v3  }
0x174: {  	v2 =	vsub.f32 $0.0e+00, v2  }
0x175: {  	v3 =	vadd.f32 $0.0e+00, v3  }
0x176: {  	v2 =	vmul.f32 $1.442695020e+00, v2  }
0x177: {  	v3 =	vmul.f32 $1.442695020e+00, v3  }
0x178: {  	(erf) = vpow2.f32 v2  }
0x179: {  	(erf) = vpow2.f32 v3;
	_ =	sdelay $0x3  }
0x17a: {  	v1 =	vld.idx.msk [tilespmem:v1+s4+$0x0], $0xffff  }
0x17b: {  	v2 =	vld [tilespmem:s17+$0x2200];
	_ =	sdelay $0x2  }
0x17c: {  	v3 =	vpop (erf)  }
0x17d: {  	v3 =	vadd.f32 $1.000000000e+00, v3;
	v4 =	vpop (erf)  }
0x17e: {  	v4 =	vadd.f32 $1.000000000e+00, v4;
	v1 =	vsub.f32 v1, v2  }
0x17f: {  	s18 =	sshra.s32 s20, $0x2;
	v5 =	vld.idx.msk [tilespmem:v0+s4+$0x0], $0xffff;
	(erf) = vrcp.f32 v3  }
0x180: {  	v2 =	vld [tilespmem:s18+$0x1000];
	[tilespmem:s17+$0x2A00] =	vst v1;
	(erf) = vrcp.f32 v4  }
0x181: {  	v4 =	vld [tilespmem:s17+$0x2000]  }
.Ltmp1:
0x182: {  	(pc) =	sbr.rel @p0 .LBB2_4-.Ltmp1, $3  }
0x183: {  	_ =	sdelay $0x1  }
0x184: {  	v3 =	vadd.s32 $0x400, v2;
	v0 =	vadd.s32 $0x800, v2;
	v1 =	vadd.s32 $0xC00, v2  }
0x185: {  	v4 =	vadd.f32 v4, v5  }
0x186: {  	_ = 	snop  }
0x187: {  	v5 =	vld [tilespmem:s18+$0x1C00];
	[tilespmem:s17+$0x2800] =	vst v4;
	v4 =	vpop (erf)  }
0x188: {  	[tilespmem:s17+$0x2400] =	vst v4;
	v4 =	vpop (erf)  }
0x189: {  	[tilespmem:s17+$0x2600] =	vst v4  }
0x18a: {  	v2 =	vld.idx.msk [tilespmem:v2+s4+$0x0], $0xffff  }
0x18b: {  	v3 =	vld.idx.msk [tilespmem:v3+s4+$0x0], $0xffff  }
0x18c: {  	v4 =	vld [tilespmem:s18+$0x1E00];
	_ =	sdelay $0x3  }
0x18d: {  	v2 =	vadd.f32 v5, v2  }
0x18e: {  	v3 =	vsub.f32 v4, v3  }
0x18f: {  	v2 =	vsub.f32 $0.0e+00, v2  }
0x190: {  	v3 =	vadd.f32 $0.0e+00, v3  }
0x191: {  	v2 =	vmul.f32 $1.442695020e+00, v2  }
0x192: {  	v3 =	vmul.f32 $1.442695020e+00, v3  }
0x193: {  	(erf) = vpow2.f32 v2  }
0x194: {  	(erf) = vpow2.f32 v3;
	_ =	sdelay $0x2  }
0x195: {  	v1 =	vld.idx.msk [tilespmem:v1+s4+$0x0], $0xffff  }
0x196: {  	v2 =	vld [tilespmem:s18+$0x2200];
	_ =	sdelay $0x3  }
0x197: {  	v3 =	vpop (erf)  }
0x198: {  	v1 =	vsub.f32 v1, v2;
	v3 =	vadd.f32 $1.000000000e+00, v3;
	v4 =	vpop (erf)  }
0x199: {  	v0 =	vld.idx.msk [tilespmem:v0+s4+$0x0], $0xffff;
	v4 =	vadd.f32 $1.000000000e+00, v4  }
0x19a: {  	[tilespmem:s18+$0x2A00] =	vst v1;
	v1 =	vld [tilespmem:s18+$0x2000];
	(erf) = vrcp.f32 v3  }
0x19b: {  	(erf) = vrcp.f32 v4;
	_ =	sdelay $0x3  }
0x19c: {  	v0 =	vadd.f32 v1, v0;
	_ =	sdelay $0x3  }
0x19d: {  	[tilespmem:s18+$0x2800] =	vst v0;
	v0 =	vpop (erf)  }
0x19e: {  	[tilespmem:s18+$0x2400] =	vst v0;
	v0 =	vpop (erf)  }
0x19f: {  	[tilespmem:s18+$0x2600] =	vst v0  }
0x1a0: {  	_ =	swait.ge [sflag:s31], $0x80  }
0x1a1: {  	[sflag:s31] =	ssyncset.done $0x0  }
0x1a2: {  	[sflag:s31] =	ssyncadd.s32 $0xFFFFFF80  }
0x1a3: {  	_ =	swait.ge [sflag:s31], $0x80  }
0x1a4: {  	[sflag:s31] =	ssyncset.done $0x0  }
0x1a5: {  	[sflag:s31] =	ssyncadd.s32 $0xFFFFFF80  }
0x1a6: {  	_ =	swait.ge [sflag:s31], $0x80  }
0x1a7: {  	[sflag:s31] =	ssyncset.done $0x0  }
0x1a8: {  	[sflag:s31] =	ssyncadd.s32 $0xFFFFFF80  }
0x1a9: {  	_ =	swait.ge [sflag:s31], $0x80  }
0x1aa: {  	[sflag:s31] =	ssyncset.done $0x0  }
0x1ab: {  	s17 =	simm.s32 $0x100;
	[sflag:s31] =	ssyncadd.s32 $0xFFFFFF80  }
0x1ac: {  	v0 =	vld [tilespmem:s17+$0x1000];
	_ =	sdelay $0x4  }
0x1ad: {  	v1 =	vadd.s32 $0x400, v0;
	_ =	sdelay $0x1  }
0x1ae: {  	v2 =	vld [tilespmem:s17+$0x1C00]  }
0x1af: {  	v4 =	vld [tilespmem:s17+$0x1E00]  }
0x1b0: {  	v3 =	vld.idx.msk [tilespmem:v0+s4+$0x0], $0xffff  }
0x1b1: {  	v1 =	vld.idx.msk [tilespmem:v1+s4+$0x0], $0xffff;
	_ =	sdelay $0x3  }
0x1b2: {  	v2 =	vadd.f32 v2, v3  }
0x1b3: {  	v3 =	vadd.s32 $0xC00, v0;
	v1 =	vsub.f32 v4, v1  }
0x1b4: {  	v2 =	vsub.f32 $0.0e+00, v2  }
0x1b5: {  	v1 =	vadd.f32 $0.0e+00, v1  }
0x1b6: {  	v2 =	vmul.f32 $1.442695020e+00, v2  }
0x1b7: {  	v1 =	vmul.f32 $1.442695020e+00, v1  }
0x1b8: {  	(erf) = vpow2.f32 v2;
	v2 =	vld.idx.msk [tilespmem:v3+s4+$0x0], $0xffff  }
0x1b9: {  	(erf) = vpow2.f32 v1;
	v1 =	vld [tilespmem:s17+$0x2200];
	_ =	sdelay $0x2  }
0x1ba: {  	v0 =	vadd.s32 $0x800, v0;
	_ =	sdelay $0x1  }
0x1bb: {  	v1 =	vsub.f32 v2, v1;
	_ =	sdelay $0x2  }
0x1bc: {  	s18 =	simm.s32 $0x110;
	v4 =	vld.idx.msk [tilespmem:v0+s4+$0x0], $0xffff;
	v0 =	vpop (erf)  }
0x1bd: {  	v2 =	vld [tilespmem:s18+$0x1000];
	[tilespmem:s17+$0x2A00] =	vst v1;
	v0 =	vadd.f32 $1.000000000e+00, v0;
	v1 =	vpop (erf)  }
0x1be: {  	v1 =	vadd.f32 $1.000000000e+00, v1  }
0x1bf: {  	(erf) = vrcp.f32 v0  }
0x1c0: {  	v5 =	vld [tilespmem:s17+$0x2000];
	(erf) = vrcp.f32 v1;
	_ =	sdelay $0x4  }
0x1c1: {  	v4 =	vadd.f32 v5, v4  }
0x1c2: {  	s19 =	simm.s32 $0x480;
	v3 =	vadd.s32 $0x400, v2;
	v0 =	vadd.s32 $0x800, v2;
	v1 =	vadd.s32 $0xC00, v2  }
.LBB2_6:
0x1c3: {  	_ = 	snop  }
0x1c4: {  	p0 =	sne.s32 s19, $0x5C0;
	v5 =	vld [tilespmem:s18+$0x1C00];
	s20 =	smov.u32 s19;
	s19 =	sadd.s32 $0x40, s19;
	[tilespmem:s17+$0x2800] =	vst v4;
	v4 =	vpop (erf)  }
0x1c5: {  	[tilespmem:s17+$0x2400] =	vst v4;
	v4 =	vpop (erf)  }
0x1c6: {  	[tilespmem:s17+$0x2600] =	vst v4;
	s17 =	smov.u32 s18  }
0x1c7: {  	v2 =	vld.idx.msk [tilespmem:v2+s4+$0x0], $0xffff  }
0x1c8: {  	v3 =	vld.idx.msk [tilespmem:v3+s4+$0x0], $0xffff  }
0x1c9: {  	v4 =	vld [tilespmem:s17+$0x1E00];
	_ =	sdelay $0x3  }
0x1ca: {  	v2 =	vadd.f32 v5, v2  }
0x1cb: {  	v3 =	vsub.f32 v4, v3  }
0x1cc: {  	v2 =	vsub.f32 $0.0e+00, v2  }
0x1cd: {  	v3 =	vadd.f32 $0.0e+00, v3  }
0x1ce: {  	v2 =	vmul.f32 $1.442695020e+00, v2  }
0x1cf: {  	v3 =	vmul.f32 $1.442695020e+00, v3  }
0x1d0: {  	(erf) = vpow2.f32 v2  }
0x1d1: {  	(erf) = vpow2.f32 v3;
	_ =	sdelay $0x3  }
0x1d2: {  	v1 =	vld.idx.msk [tilespmem:v1+s4+$0x0], $0xffff  }
0x1d3: {  	v2 =	vld [tilespmem:s17+$0x2200];
	_ =	sdelay $0x2  }
0x1d4: {  	v3 =	vpop (erf)  }
0x1d5: {  	v3 =	vadd.f32 $1.000000000e+00, v3;
	v4 =	vpop (erf)  }
0x1d6: {  	v4 =	vadd.f32 $1.000000000e+00, v4;
	v1 =	vsub.f32 v1, v2  }
0x1d7: {  	s18 =	sshra.s32 s20, $0x2;
	v5 =	vld.idx.msk [tilespmem:v0+s4+$0x0], $0xffff;
	(erf) = vrcp.f32 v3  }
0x1d8: {  	v2 =	vld [tilespmem:s18+$0x1000];
	[tilespmem:s17+$0x2A00] =	vst v1;
	(erf) = vrcp.f32 v4  }
0x1d9: {  	v4 =	vld [tilespmem:s17+$0x2000]  }
.Ltmp2:
0x1da: {  	(pc) =	sbr.rel @p0 .LBB2_6-.Ltmp2, $3  }
0x1db: {  	_ =	sdelay $0x1  }
0x1dc: {  	v3 =	vadd.s32 $0x400, v2;
	v0 =	vadd.s32 $0x800, v2;
	v1 =	vadd.s32 $0xC00, v2  }
0x1dd: {  	v4 =	vadd.f32 v4, v5  }
0x1de: {  	_ = 	snop  }
0x1df: {  	v5 =	vld [tilespmem:s18+$0x1C00];
	[tilespmem:s17+$0x2800] =	vst v4;
	v4 =	vpop (erf)  }
0x1e0: {  	[tilespmem:s17+$0x2400] =	vst v4;
	v4 =	vpop (erf)  }
0x1e1: {  	[tilespmem:s17+$0x2600] =	vst v4  }
0x1e2: {  	v2 =	vld.idx.msk [tilespmem:v2+s4+$0x0], $0xffff  }
0x1e3: {  	v3 =	vld.idx.msk [tilespmem:v3+s4+$0x0], $0xffff  }
0x1e4: {  	v4 =	vld [tilespmem:s18+$0x1E00];
	_ =	sdelay $0x3  }
0x1e5: {  	v2 =	vadd.f32 v5, v2  }
0x1e6: {  	v3 =	vsub.f32 v4, v3  }
0x1e7: {  	v2 =	vsub.f32 $0.0e+00, v2  }
0x1e8: {  	v3 =	vadd.f32 $0.0e+00, v3  }
0x1e9: {  	v2 =	vmul.f32 $1.442695020e+00, v2  }
0x1ea: {  	v3 =	vmul.f32 $1.442695020e+00, v3  }
0x1eb: {  	(erf) = vpow2.f32 v2  }
0x1ec: {  	(erf) = vpow2.f32 v3;
	_ =	sdelay $0x2  }
0x1ed: {  	v1 =	vld.idx.msk [tilespmem:v1+s4+$0x0], $0xffff  }
0x1ee: {  	v2 =	vld [tilespmem:s18+$0x2200];
	_ =	sdelay $0x3  }
0x1ef: {  	v3 =	vpop (erf)  }
0x1f0: {  	v1 =	vsub.f32 v1, v2;
	v3 =	vadd.f32 $1.000000000e+00, v3;
	v4 =	vpop (erf)  }
0x1f1: {  	v0 =	vld.idx.msk [tilespmem:v0+s4+$0x0], $0xffff;
	v4 =	vadd.f32 $1.000000000e+00, v4  }
0x1f2: {  	[tilespmem:s18+$0x2A00] =	vst v1;
	v1 =	vld [tilespmem:s18+$0x2000];
	(erf) = vrcp.f32 v3  }
0x1f3: {  	(erf) = vrcp.f32 v4;
	_ =	sdelay $0x3  }
0x1f4: {  	v0 =	vadd.f32 v1, v0;
	_ =	sdelay $0x3  }
0x1f5: {  	[tilespmem:s18+$0x2800] =	vst v0;
	v0 =	vpop (erf)  }
0x1f6: {  	[tilespmem:s18+$0x2400] =	vst v0;
	v0 =	vpop (erf)  }
0x1f7: {  	[tilespmem:s18+$0x2600] =	vst v0  }
0x1f8: {  	_ =	swait.ge [sflag:s0], $0x80  }
0x1f9: {  	[sflag:s0] =	ssyncset.done $0x0  }
0x1fa: {  	[sflag:s0] =	ssyncadd.s32 $0xFFFFFF80  }
0x1fb: {  	_ =	swait.ge [sflag:s0], $0x80  }
0x1fc: {  	[sflag:s0] =	ssyncset.done $0x0  }
0x1fd: {  	[sflag:s0] =	ssyncadd.s32 $0xFFFFFF80  }
0x1fe: {  	_ =	swait.ge [sflag:s0], $0x80  }
0x1ff: {  	[sflag:s0] =	ssyncset.done $0x0  }
0x200: {  	[sflag:s0] =	ssyncadd.s32 $0xFFFFFF80  }
0x201: {  	_ =	swait.ge [sflag:s0], $0x80  }
0x202: {  	[sflag:s0] =	ssyncset.done $0x0  }
0x203: {  	s17 =	simm.s32 $0x180;
	[sflag:s0] =	ssyncadd.s32 $0xFFFFFF80  }
0x204: {  	v0 =	vld [tilespmem:s17+$0x1000];
	_ =	sdelay $0x4  }
0x205: {  	v1 =	vadd.s32 $0x400, v0;
	_ =	sdelay $0x1  }
0x206: {  	v2 =	vld [tilespmem:s17+$0x1C00]  }
0x207: {  	v4 =	vld [tilespmem:s17+$0x1E00]  }
0x208: {  	v3 =	vld.idx.msk [tilespmem:v0+s4+$0x0], $0xffff  }
0x209: {  	v1 =	vld.idx.msk [tilespmem:v1+s4+$0x0], $0xffff;
	_ =	sdelay $0x3  }
0x20a: {  	v2 =	vadd.f32 v2, v3  }
0x20b: {  	v3 =	vadd.s32 $0xC00, v0;
	v1 =	vsub.f32 v4, v1  }
0x20c: {  	v2 =	vsub.f32 $0.0e+00, v2  }
0x20d: {  	v1 =	vadd.f32 $0.0e+00, v1  }
0x20e: {  	v2 =	vmul.f32 $1.442695020e+00, v2  }
0x20f: {  	v1 =	vmul.f32 $1.442695020e+00, v1  }
0x210: {  	(erf) = vpow2.f32 v2;
	v2 =	vld.idx.msk [tilespmem:v3+s4+$0x0], $0xffff  }
0x211: {  	(erf) = vpow2.f32 v1;
	v1 =	vld [tilespmem:s17+$0x2200];
	_ =	sdelay $0x2  }
0x212: {  	v0 =	vadd.s32 $0x800, v0;
	_ =	sdelay $0x1  }
0x213: {  	v1 =	vsub.f32 v2, v1;
	_ =	sdelay $0x2  }
0x214: {  	s18 =	simm.s32 $0x190;
	v4 =	vld.idx.msk [tilespmem:v0+s4+$0x0], $0xffff;
	v0 =	vpop (erf)  }
0x215: {  	v2 =	vld [tilespmem:s18+$0x1000];
	[tilespmem:s17+$0x2A00] =	vst v1;
	v0 =	vadd.f32 $1.000000000e+00, v0;
	v1 =	vpop (erf)  }
0x216: {  	v1 =	vadd.f32 $1.000000000e+00, v1  }
0x217: {  	(erf) = vrcp.f32 v0  }
0x218: {  	v5 =	vld [tilespmem:s17+$0x2000];
	(erf) = vrcp.f32 v1;
	_ =	sdelay $0x4  }
0x219: {  	v4 =	vadd.f32 v5, v4  }
0x21a: {  	s19 =	simm.s32 $0x680;
	v3 =	vadd.s32 $0x400, v2;
	v0 =	vadd.s32 $0x800, v2;
	v1 =	vadd.s32 $0xC00, v2  }
.LBB2_8:
0x21b: {  	_ = 	snop  }
0x21c: {  	p0 =	sne.s32 s19, $0x7C0;
	v5 =	vld [tilespmem:s18+$0x1C00];
	s20 =	smov.u32 s19;
	s19 =	sadd.s32 $0x40, s19;
	[tilespmem:s17+$0x2800] =	vst v4;
	v4 =	vpop (erf)  }
0x21d: {  	[tilespmem:s17+$0x2400] =	vst v4;
	v4 =	vpop (erf)  }
0x21e: {  	[tilespmem:s17+$0x2600] =	vst v4;
	s17 =	smov.u32 s18  }
0x21f: {  	v2 =	vld.idx.msk [tilespmem:v2+s4+$0x0], $0xffff  }
0x220: {  	v3 =	vld.idx.msk [tilespmem:v3+s4+$0x0], $0xffff  }
0x221: {  	v4 =	vld [tilespmem:s17+$0x1E00];
	_ =	sdelay $0x3  }
0x222: {  	v2 =	vadd.f32 v5, v2  }
0x223: {  	v3 =	vsub.f32 v4, v3  }
0x224: {  	v2 =	vsub.f32 $0.0e+00, v2  }
0x225: {  	v3 =	vadd.f32 $0.0e+00, v3  }
0x226: {  	v2 =	vmul.f32 $1.442695020e+00, v2  }
0x227: {  	v3 =	vmul.f32 $1.442695020e+00, v3  }
0x228: {  	(erf) = vpow2.f32 v2  }
0x229: {  	(erf) = vpow2.f32 v3;
	_ =	sdelay $0x3  }
0x22a: {  	v1 =	vld.idx.msk [tilespmem:v1+s4+$0x0], $0xffff  }
0x22b: {  	v2 =	vld [tilespmem:s17+$0x2200];
	_ =	sdelay $0x2  }
0x22c: {  	v3 =	vpop (erf)  }
0x22d: {  	v3 =	vadd.f32 $1.000000000e+00, v3;
	v4 =	vpop (erf)  }
0x22e: {  	v4 =	vadd.f32 $1.000000000e+00, v4;
	v1 =	vsub.f32 v1, v2  }
0x22f: {  	s18 =	sshra.s32 s20, $0x2;
	v5 =	vld.idx.msk [tilespmem:v0+s4+$0x0], $0xffff;
	(erf) = vrcp.f32 v3  }
0x230: {  	v2 =	vld [tilespmem:s18+$0x1000];
	[tilespmem:s17+$0x2A00] =	vst v1;
	(erf) = vrcp.f32 v4  }
0x231: {  	v4 =	vld [tilespmem:s17+$0x2000]  }
.Ltmp3:
0x232: {  	(pc) =	sbr.rel @p0 .LBB2_8-.Ltmp3, $3  }
0x233: {  	_ =	sdelay $0x1  }
0x234: {  	v3 =	vadd.s32 $0x400, v2;
	v0 =	vadd.s32 $0x800, v2;
	v1 =	vadd.s32 $0xC00, v2  }
0x235: {  	v4 =	vadd.f32 v4, v5  }
0x236: {  	_ = 	snop  }
0x237: {  	v5 =	vld [tilespmem:s18+$0x1C00];
	[tilespmem:s17+$0x2800] =	vst v4;
	v56 =	vpop (erf)  }
0x238: {  	[tilespmem:s17+$0x2400] =	vst v56;
	v57 =	vpop (erf)  }
0x239: {  	[tilespmem:s17+$0x2600] =	vst v57  }
0x23a: {  	v2 =	vld.idx.msk [tilespmem:v2+s4+$0x0], $0xffff  }
0x23b: {  	v3 =	vld.idx.msk [tilespmem:v3+s4+$0x0], $0xffff  }
0x23c: {  	v4 =	vld [tilespmem:s18+$0x1E00];
	_ =	sdelay $0x3  }
0x23d: {  	v2 =	vadd.f32 v5, v2  }
0x23e: {  	v3 =	vsub.f32 v4, v3  }
0x23f: {  	v2 =	vsub.f32 $0.0e+00, v2  }
0x240: {  	v3 =	vadd.f32 $0.0e+00, v3  }
0x241: {  	v2 =	vmul.f32 $1.442695020e+00, v2  }
0x242: {  	v3 =	vmul.f32 $1.442695020e+00, v3  }
0x243: {  	(erf) = vpow2.f32 v2  }
0x244: {  	(erf) = vpow2.f32 v3;
	_ =	sdelay $0x7  }
0x245: {  	v59 =	vpop (erf)  }
0x246: {  	v3 =	vadd.f32 $1.000000000e+00, v59;
	v60 =	vpop (erf)  }
0x247: {  	v1 =	vld.idx.msk [tilespmem:v1+s4+$0x0], $0xffff;
	v4 =	vadd.f32 $1.000000000e+00, v60  }
0x248: {  	v58 =	vld [tilespmem:s18+$0x2200];
	(erf) = vrcp.f32 v3  }
0x249: {  	v0 =	vld.idx.msk [tilespmem:v0+s4+$0x0], $0xffff;
	(erf) = vrcp.f32 v4  }
0x24a: {  	v61 =	vld [tilespmem:s18+$0x2000];
	_ =	sdelay $0x3  }
0x24b: {  	v1 =	vsub.f32 v1, v58  }
0x24c: {  	v0 =	vadd.f32 v61, v0  }
0x24d: {  	[tilespmem:s18+$0x2A00] =	vst v1  }
0x24e: {  	[tilespmem:s18+$0x2800] =	vst v0;
	v62 =	vpop (erf)  }
0x24f: {  	[tilespmem:s18+$0x2400] =	vst v62;
	v63 =	vpop (erf)  }
0x250: {  	[tilespmem:s18+$0x2600] =	vst v63  }
0x251: {  	[hbm4b:s7+s4] =	stream.linear.scatter [tilespmem:s3], [sflag:$0x1], $0x200, $0x38;
	[tilespmem:$0x2C00] =	vst v63  }
0x252: {  	_ = 	snop  }
0x253: {  	[hbm4b:s8+s4] =	stream.linear.scatter [tilespmem:s1], [sflag:$0x1], $0x200, $0x38;
	[tilespmem:$0x2C00] =	vst v63  }
0x254: {  	_ = 	snop  }
0x255: {  	[hbm4b:s9+s4] =	stream.linear.scatter [tilespmem:s12], [sflag:$0x1], $0x200, $0x38;
	[tilespmem:$0x2C00] =	vst v63  }
0x256: {  	_ = 	snop  }
0x257: {  	[hbm4b:s10+s4] =	stream.linear.scatter [tilespmem:s13], [sflag:$0x1], $0x200, $0x38;
	[tilespmem:$0x2C00] =	vst v63  }
0x258: {  	_ =	swait.ge [sflag:s14], $0x200  }
0x259: {  	[sflag:s14] =	ssyncset.done $0x0  }
0x25a: {  	[sflag:s14] =	ssyncadd.s32 $0xFFFFFE00  }
0x25b: {  	_ =	swait.ge [sflag:s14], $0x200  }
0x25c: {  	[sflag:s14] =	ssyncset.done $0x0  }
0x25d: {  	s16 =	sadd.s32 $0x1, s16;
	[sflag:s14] =	ssyncadd.s32 $0xFFFFFE00  }
0x25e: {  	p0 =	sne.s32 s16, s11;
	_ =	swait.ge [sflag:s14], $0x200  }
.Ltmp4:
0x25f: {  	[sflag:s14] =	ssyncset.done $0x0;
	(pc) =	sbr.rel @p0 .LBB2_1-.Ltmp4, $4  }
0x260: {  	[sflag:s14] =	ssyncadd.s32 $0xFFFFFE00  }
0x261: {  	_ =	swait.ge [sflag:s14], $0x200  }
0x262: {  	[sflag:s14] =	ssyncset.done $0x0  }
0x263: {  	[sflag:s14] =	ssyncadd.s32 $0xFFFFFE00  }
0x264: {  	_ =	sfence.sel $0x180000  }
0x265: {  	[bflag:$0x0] =	sbarrier.arrive $0xFFFF  }
0x266: {  	_ =	strace $0x90000047  }
0x267: {  	s0 =	stileid.u32;
	[bflag:$0x2] =	sbarrier.arrive $0xFFFF  }
0x268: {  	p0 =	sne.s32 s0, $0x0;
	s0 =	rddreg [dreg:$0x5]  }
0x269: {  	s0 =	sadd.s32 @!p0 $0x100000, s0  }
0x26a: {  	[sflag:s0] =	ssyncadd.tile.s32 @!p0 $0x1;
	_ =	shalt  }
.Lfunc_end2:
_tile_overlayer_lowered:
.L_overlay_start_2:
0x26b: {  	(tag) =	ssettag $0x2  }
0x26c: {  	s0 =	rddreg [dreg:$0x0];
	s2 =	stileid.u32  }
0x26d: {  	s1 =	rddreg [dreg:$0x1];
	p0 =	sne.s32 s2, $0x0  }
0x26e: {  	s3 =	rddreg [dreg:$0x2];
	[bflag:$0x3] =	sbarrier.arrive $0xFFFF;
	s2 =	simm.s32 @!p0 $0x1C06  }
0x26f: {  	[timem:s3], [sflag:s2] =	dma.local @!p0 [hbm:s0], s1  }
0x270: {  	s0 =	simm.s32 @!p0 $0x6  }
0x271: {  	_ =	swait.ge @!p0 [sflag:s0], s1  }
0x272: {  	s1 =	ssub.s32 @!p0 $0x0, s1;
	[sflag:s0] =	ssyncset.done @!p0 $0x0  }
0x273: {  	[sflag:s0] =	ssyncadd.s32 @!p0 s1  }
0x274: {  	[bflag:$0x3] =	sbarrier.arrive $0xFFFF  }
0x275: {  	_ =	shalt  }

// kernel: bkt_update.3.cloned.1.call-start
scs
__scs_entry_jumppad:
0x0: {  	(pc) =	sbr.rel $0x88, $3  }
0x1: {  	(tag) =	ssettag $0x0;
	lr =	simm.s32 $0x1  }
0x2: {  	[smem:$0x3F98] =	sst lr;
	_ =	strace $0xD0000000  }
0x3: {  	_ = 	snop  }
0x4: {  	_ = 	snop  }
0x5: {  	_ = 	snop  }
0x6: {  	_ = 	snop  }
0x7: {  	_ = 	snop  }
__scs_overlays_trampoline_lowered:
0x8: {  	[smem:$0x3FA7] =	sst s0  }
0x9: {  	[smem:$0x3FA8] =	sst s1  }
0xa: {  	[smem:$0x3FA9] =	sst s2  }
0xb: {  	[smem:$0x3FAA] =	sst s3  }
0xc: {  	[smem:$0x3FAB] =	sst s4  }
0xd: {  	[smem:$0x3FAC] =	sst s5  }
0xe: {  	[smem:$0x3FAD] =	sst s6  }
0xf: {  	[smem:$0x3FAE] =	sst s7  }
0x10: {  	[smem:$0x3FAF] =	sst s8  }
0x11: {  	[smem:$0x3FB0] =	sst s9;
	s0 =	simm.s32 @!p0 $0x0  }
0x12: {  	s1 =	sld [smem:$0x3F96];
	s0 =	simm.s32 @p0 $0x1  }
0x13: {  	[smem:$0x3FB1] =	sst s0;
	s0 =	simm.s32 @!p1 $0x0  }
0x14: {  	s2 =	sld [smem:$0x3F95];
	s0 =	simm.s32 @p1 $0x1  }
0x15: {  	[smem:$0x3FB2] =	sst s0;
	s0 =	simm.s32 @!p2 $0x0  }
0x16: {  	s3 =	sld [smem:$0x3FDB];
	s0 =	simm.s32 @p2 $0x1  }
0x17: {  	s4 =	simm.s32 $0x1BF5;
	[smem:$0x3FB4] =	sst s0  }
0x18: {  	s0 =	sld [smem:$0x3F97];
	_ =	swait.ge [sflag:s4], $0x0  }
0x19: {  	s7 =	sld [smem:$0x3F98]  }
0x1a: {  	s8 =	sadd.s32 $0xFFFFE003, lr  }
0x1b: {  	s9 =	sadd.s32 $0xFFFFFEF7, lr;
	s5 =	simm.s32 $0xFFFFFFFF;
	p2 =	slt.u32 s8, $0xFFFFF086  }
0x1c: {  	p1 =	slt.u32 s9, $0xF7A;
	s5 =	simm.s32 @!p2 $0x0  }
0x1d: {  	s5 =	simm.s32 @p1 $0x1;
	p0 =	seq.s32 s7, s2  }
0x1e: {  	s7 =	smul.u32 @!p0 $0xF7A, s2;
	p2 =	seq.s32 @!p0 s5, $0x0  }
0x1f: {  	s9 =	smul.u32 $0xF7A, s1;
	s8 =	simm.s32 @!p0 $0x1BF5;
	p2 =	por !p2, p0  }
0x20: {  	[sflag:s8] =	ssyncset.s32 @!p0 $0xFFFFF086;
	s6 =	sadd.s32 @!p0 s3, s7;
	s7 =	simm.s32 @!p0 $0x108  }
0x21: {  	s3 =	sadd.s32 s3, s9;
	s6 =	sadd.s32 @!p0 $0x88, s6;
	s7 =	simm.s32 @p2 $0x1082  }
0x22: {  	[simem:s7], [sflag:s8] =	dma.local @!p0 [hbm:s6], $0xF7A  }
0x23: {  	s9 =	sor.u32 $0xD0000000, s2;
	s6 =	simm.s32 $0x108;
	_ =	swait.ge @!p0 [sflag:s8], $0x0  }
0x24: {  	s3 =	sadd.s32 $0x88, s3;
	s6 =	simm.s32 @!p1 $0x1082;
	[sflag:s4] =	ssyncset.s32 $0xFFFFF086  }
0x25: {  	[simem:s6], [sflag:s4] =	dma.local [hbm:s3], $0xF7A  }
0x26: {  	[smem:$0x3F98] =	sst s1;
	(tag) =	ssettag s2;
	_ =	strace s9  }
0x27: {  	s1 =	sld [smem:$0x3FA8]  }
0x28: {  	s2 =	sld [smem:$0x3FA9]  }
0x29: {  	s4 =	sld [smem:$0x3FAB]  }
0x2a: {  	p0 =	seq.s32 s5, $0x0;
	s5 =	sld [smem:$0x3FAC]  }
0x2b: {  	s6 =	sld [smem:$0x3FAD]  }
0x2c: {  	s7 =	sld [smem:$0x3FAE]  }
0x2d: {  	s3 =	simm.s32 $0x108;
	s8 =	sld [smem:$0x3FAF]  }
0x2e: {  	s3 =	simm.s32 @!p0 $0x1082;
	s9 =	sld [smem:$0x3FB0]  }
0x2f: {  	lr =	sadd.s32 s0, s3;
	s0 =	sld [smem:$0x3FA7]  }
0x30: {  	s3 =	sld [smem:$0x3FAA]  }
0x31: {  	[smem:$0x3FB3] =	sst s10  }
0x32: {  	s10 =	sld [smem:$0x3FB1];
	_ =	sdelay $0x3  }
0x33: {  	p0 =	seq.s32 s10, $0x1;
	s10 =	sld [smem:$0x3FB3];
	_ =	sdelay $0x3  }
0x34: {  	[smem:$0x3FB3] =	sst s10  }
0x35: {  	s10 =	sld [smem:$0x3FB2];
	_ =	sdelay $0x3  }
0x36: {  	p1 =	seq.s32 s10, $0x1;
	s10 =	sld [smem:$0x3FB3];
	_ =	sdelay $0x3  }
0x37: {  	[smem:$0x3FB3] =	sst s10  }
0x38: {  	s10 =	sld [smem:$0x3FB4]  }
0x39: {  	_ = 	snop;
	(pc) =	sbr.ind lr, $3  }
0x3a: {  	_ = 	snop  }
0x3b: {  	_ = 	snop  }
0x3c: {  	p2 =	seq.s32 s10, $0x1;
	s10 =	sld [smem:$0x3FB3]  }
0x3d: {  	_ =	shalt  }
0x3e: {  	_ =	shalt  }
0x3f: {  	_ =	shalt  }
0x40: {  	_ =	shalt  }
0x41: {  	_ =	shalt  }
0x42: {  	_ =	shalt  }
0x43: {  	_ =	shalt  }
0x44: {  	_ =	shalt  }
0x45: {  	_ =	shalt  }
0x46: {  	_ =	shalt  }
0x47: {  	_ =	shalt  }
0x48: {  	_ =	shalt  }
0x49: {  	_ =	shalt  }
0x4a: {  	_ =	shalt  }
0x4b: {  	_ =	shalt  }
0x4c: {  	_ =	shalt  }
0x4d: {  	_ =	shalt  }
0x4e: {  	_ =	shalt  }
0x4f: {  	_ =	shalt  }
0x50: {  	_ =	shalt  }
0x51: {  	_ =	shalt  }
0x52: {  	_ =	shalt  }
0x53: {  	_ =	shalt  }
0x54: {  	_ =	shalt  }
0x55: {  	_ =	shalt  }
0x56: {  	_ =	shalt  }
0x57: {  	_ =	shalt  }
0x58: {  	_ =	shalt  }
0x59: {  	_ =	shalt  }
0x5a: {  	_ =	shalt  }
0x5b: {  	_ =	shalt  }
0x5c: {  	_ =	shalt  }
0x5d: {  	_ =	shalt  }
0x5e: {  	_ =	shalt  }
0x5f: {  	_ =	shalt  }
0x60: {  	_ =	shalt  }
0x61: {  	_ =	shalt  }
0x62: {  	_ =	shalt  }
0x63: {  	_ =	shalt  }
0x64: {  	_ =	shalt  }
0x65: {  	_ =	shalt  }
0x66: {  	_ =	shalt  }
0x67: {  	_ =	shalt  }
0x68: {  	_ =	shalt  }
0x69: {  	_ =	shalt  }
0x6a: {  	_ =	shalt  }
0x6b: {  	_ =	shalt  }
0x6c: {  	_ =	shalt  }
0x6d: {  	_ =	shalt  }
0x6e: {  	_ =	shalt  }
0x6f: {  	_ =	shalt  }
0x70: {  	_ =	shalt  }
0x71: {  	_ =	shalt  }
0x72: {  	_ =	shalt  }
0x73: {  	_ =	shalt  }
0x74: {  	_ =	shalt  }
0x75: {  	_ =	shalt  }
0x76: {  	_ =	shalt  }
0x77: {  	_ =	shalt  }
0x78: {  	_ =	shalt  }
0x79: {  	_ =	shalt  }
0x7a: {  	_ =	shalt  }
0x7b: {  	_ =	shalt  }
0x7c: {  	_ =	shalt  }
0x7d: {  	_ =	shalt  }
0x7e: {  	_ =	shalt  }
0x7f: {  	_ =	shalt  }
0x80: {  	_ =	shalt  }
0x81: {  	_ =	shalt  }
0x82: {  	_ =	shalt  }
0x83: {  	_ =	shalt  }
0x84: {  	_ =	shalt  }
0x85: {  	_ =	shalt  }
0x86: {  	_ =	shalt  }
0x87: {  	_ =	shalt  }
.Lfunc_end0:
.L_simem_size_0:
called_computation.1_lowered:
.L_overlay_start_0:
0x88: {  	s2 =	sld [smem:$0x3FD9]  }
0x89: {  	s3 =	sld [smem:$0x3FFE];
	_ =	sdelay $0x1  }
0x8a: {  	s1 =	srdreg.scid  }
0x8b: {  	s0 =	sand.u32 $0x1, s1  }
0x8c: {  	s14 =	sshll.u32 s0, $0xA;
	s2 =	sadd.s32 s3, s2  }
0x8d: {  	s2 =	sadd.s32 s2, s14  }
0x8e: {  	[smem:$0x3FBF] =	sst s2  }
0x8f: {  	_ = 	snop  }
0x90: {  	s2 =	sld [smem:$0x3FC8]  }
0x91: {  	s15 =	sld [smem:$0x3FC7]  }
0x92: {  	s4 =	sld [smem:$0x3FD0]  }
0x93: {  	s5 =	sld [smem:$0x3FC5]  }
0x94: {  	s6 =	sld [smem:$0x3FC4]  }
0x95: {  	s8 =	simm.s32 $0xA;
	s9 =	simm.s32 $0x10;
	s7 =	sld [smem:$0x3FC2]  }
0x96: {  	[smem:s9], [sflag:s8] =	dma.local [hbm:s4], $0x1  }
0x97: {  	_ =	swait.eq [sflag:s8], $0x1  }
0x98: {  	[sflag:s8] =	ssyncset.done $0x0  }
0x99: {  	s16 =	sld [smem:$0x10];
	[sflag:s8] =	ssyncadd.s32 $0xFFFFFFFF  }
0x9a: {  	s17 =	sld [smem:$0x11];
	(tm) =	ssettm $0x1  }
0x9b: {  	s18 =	sld [smem:$0x3FFB];
	_ =	sdelay $0x3  }
0x9c: {  	_ =	strace s18  }
0x9d: {  	s9 =	sld [smem:$0x3FFC];
	_ =	sdelay $0x3  }
0x9e: {  	_ =	strace s9  }
0x9f: {  	s9 =	sld [smem:$0x3FFD];
	_ =	sdelay $0x3  }
0xa0: {  	_ =	strace s9  }
0xa1: {  	_ =	strace $0x8FFFFFFF  }
0xa2: {  	s19 =	sld [smem:$0x3FDB];
	_ =	sdelay $0x1  }
0xa3: {  	s10 =	simm.s32 $_scs_section_size  }
0xa4: {  	s11 =	simm.s32 $_size__tile_overlayer_lowered;
	s12 =	simm.s32 $_tile_overlayer_lowered  }
0xa5: {  	s22 =	simm.s32 $0x1BFF;
	s21 =	sshll.u32 s12, $0x1;
	s9 =	sadd.s32 s10, s19  }
0xa6: {  	s13 =	simm.s32 $0x0;
	s20 =	sshll.u32 s11, $0x1;
	s11 =	sadd.s32 s21, s9  }
0xa7: {  	[timem:s13], [sflag:s22] =	dma.local [hbm:s11], s20  }
0xa8: {  	_ =	swait.ge [sflag:s22], s20  }
0xa9: {  	s10 =	ssub.s32 $0x0, s20;
	[sflag:s22] =	ssyncset.done $0x0  }
0xaa: {  	[sflag:s22] =	ssyncadd.s32 s10;
	_ =	sdelay $0x1  }
0xab: {  	s23 =	simm.s32 $0x1B8B  }
0xac: {  	_ =	swait.ge [sflag:s23], $0x1  }
0xad: {  	[sflag:s23] =	ssyncset.done $0x0  }
0xae: {  	s25 =	simm.s32 $0x1B8E;
	s24 =	sld [smem:$0x3FFE];
	[sflag:s23] =	ssyncadd.s32 $0xFFFFFFFF  }
0xaf: {  	s26 =	simm.s32 $execute0_lowered;
	[smem:$0x3FD2] =	sst s25  }
0xb0: {  	s11 =	sshll.u32 s26, $0x1;
	_ =	strace $0x80000049;
	[dreg:$0x1] =	wrdreg $0xFFFFFFFF  }
0xb1: {  	s28 =	simm.s32 $_size_execute0_lowered;
	s9 =	sadd.s32 s9, s11;
	[dreg:$0x0] =	wrdreg $0x0  }
0xb2: {  	s11 =	sshll.u32 s28, $0x1;
	[dreg:$0x2] =	wrdreg s9  }
0xb3: {  	[dreg:$0x3] =	wrdreg s11  }
0xb4: {  	[dreg:$0x4] =	wrdreg $0xC0  }
0xb5: {  	_ =	task [dreg:s13], $0x5FFFF  }
0xb6: {  	[dreg:$0x1] =	wrdreg $0xFFFFFFFF  }
0xb7: {  	[dreg:$0x0] =	wrdreg $0x60  }
0xb8: {  	[dreg:$0x2] =	wrdreg s2  }
0xb9: {  	[dreg:$0x3] =	wrdreg s15  }
0xba: {  	[dreg:$0x4] =	wrdreg s5  }
0xbb: {  	[dreg:$0x5] =	wrdreg s6  }
0xbc: {  	[dreg:$0x6] =	wrdreg s24  }
0xbd: {  	[dreg:$0x7] =	wrdreg s7  }
0xbe: {  	[dreg:$0x8] =	wrdreg s16  }
0xbf: {  	[dreg:$0x9] =	wrdreg s17  }
0xc0: {  	[dreg:$0xa] =	wrdreg $0x9  }
0xc1: {  	_ =	task.clear_ibuf [dreg:s13], $0xBFFFF;
	_ =	strace $0x90000049  }
0xc2: {  	s29 =	simm.s32 $0x9;
	_ =	strace $0x8000004B  }
0xc3: {  	_ =	swait.ge [sflag:s29], $0x1  }
0xc4: {  	[sflag:s29] =	ssyncadd.s32 $0xFFFFFFFF  }
0xc5: {  	_ =	strace $0x9000004B  }
0xc6: {  	_ =	sfence  }
0xc7: {  	s30 =	sld [smem:$0x0];
	_ =	sdelay $0x2  }
0xc8: {  	s31 =	sshll.u32 s1, $0xD;
	s1 =	sshrl.u32 s1, $0x2  }
0xc9: {  	s3 =	sand.u32 $0x4000, s31;
	s1 =	sadd.s32 s1, s30  }
0xca: {  	s0 =	sor.u32 s3, s0;
	s1 =	sshll.u32 s1, $0x11  }
0xcb: {  	s0 =	sor.u32 s1, s0  }
0xcc: {  	s0 =	sadd.s32 $0x8F2B, s0  }
0xcd: {  	[sflag:s0] =	ssyncadd.remote.s32 $0x1  }
0xce: {  	_ =	sfence.sel $0xFFFF  }
0xcf: {  	[dreg:$0x0] =	wrdreg $0xFFFFFFFF;
	(pc) =	sbr.abs _section_cstart, $3  }
0xd0: {  	[dreg:$0x1] =	wrdreg $0xFFFFFFFF  }
0xd1: {  	_ =	task.clear_ibuf [dreg:s13], $0x2FFFF;
	_ =	strace $0x9FFFFFFF  }
0xd2: {  	(tm) =	ssettm $0x7FFFFFFF  }
0xd3: {  	_ =	shalt  }
tec
execute0_lowered:
.L_overlay_start_1:
0x0: {  	(tag) =	ssettag $0x1  }
0x1: {  	s0 =	rddreg [dreg:$0x0]  }
0x2: {  	s1 =	rddreg [dreg:$0x1]  }
0x3: {  	s2 =	rddreg [dreg:$0x2]  }
0x4: {  	s3 =	rddreg [dreg:$0x3]  }
0x5: {  	s5 =	rddreg [dreg:$0x4]  }
0x6: {  	s6 =	rddreg [dreg:$0x5]  }
0x7: {  	s12 =	rddreg [dreg:$0x6]  }
0x8: {  	s13 =	rddreg [dreg:$0x7]  }
0x9: {  	s7 =	srdreg.scid;
	s8 =	stileid.u32;
	s4 =	simm.s32 $0x0  }
0xa: {  	s21 =	simm.s32 $0x1;
	s22 =	simm.s32 $0x80;
	s25 =	simm.s32 $0x680  }
0xb: {  	s29 =	simm.s32 $0x700;
	s17 =	simm.s32 $0x2;
	s18 =	simm.s32 $0x3  }
0xc: {  	s19 =	simm.s32 $0x4;
	s20 =	simm.s32 $0x5;
	s26 =	simm.s32 $0x0  }
0xd: {  	s7 =	sand.u32 $0x1, s7;
	s8 =	sshll.u32 s8, $0x1;
	[smem:$0x7FF] =	sst s4  }
0xe: {  	s8 =	sor.u32 s7, s8;
	s7 =	ssub.s32 $0x2, s7;
	_ =	strace $0x8000004A  }
0xf: {  	s14 =	sshll.u32 s8, $0x6;
	s9 =	sshrl.u32 s7, $0x1;
	s16 =	sshll.u32 s8, $0x7  }
0x10: {  	s11 =	sadd.s32 s14, s5;
	s15 =	ssub.s32 s7, s9;
	s31 =	sadd.s32 s6, s14  }
0x11: {  	s6 =	sadd.s32 s2, s16;
	s7 =	sadd.s32 s3, s14;
	s12 =	sadd.s32 s12, s16  }
0x12: {  	s13 =	sadd.s32 s13, s14;
	s2 =	simm.s32 $0x780;
	[dreg:$0x9] =	wrdreg s31  }
0x13: {  	s8 =	sadd.s32 $0xE00, s11;
	s9 =	sadd.s32 $0x1600, s11;
	s10 =	sadd.s32 $0x1E00, s11  }
0x14: {  	s11 =	sadd.s32 $0x2600, s11;
	s14 =	smax.u32 s15, $0x1;
	s15 =	simm.s32 $0x600  }
.LBB2_1:
0x15: {  	s3 =	rddreg [dreg:$0x9]  }
0x16: {  	[tilespmem:s15], [sflag:$0x1] =	stream.linear.gather [hbm4b:s3+s4], $0x200, $0x38;
	[tilespmem:$0x1A00] =	vst v63  }
0x17: {  	_ = 	snop  }
0x18: {  	[tilespmem:s4], [sflag:$0x1] =	stream.linear.gather [hbm4b:s6+s4], $0x400, $0x38;
	[tilespmem:$0x1A00] =	vst v63  }
0x19: {  	s24 =	simm.s32 $0x400  }
0x1a: {  	[tilespmem:s24], [sflag:$0x1] =	stream.linear.gather [hbm4b:s7+s4], $0x200, $0x38;
	[tilespmem:$0x1A00] =	vst v63  }
0x1b: {  	s5 =	simm.s32 $0x800  }
0x1c: {  	[tilespmem:s5], [sflag:$0x1] =	stream.linear.gather [hbm4b:s8+s4], $0x200, $0x38;
	[tilespmem:$0x1A00] =	vst v63  }
0x1d: {  	s16 =	simm.s32 $0xA00  }
0x1e: {  	[tilespmem:s16], [sflag:$0x1] =	stream.linear.gather [hbm4b:s9+s4], $0x200, $0x38;
	[tilespmem:$0x1A00] =	vst v63  }
0x1f: {  	s23 =	simm.s32 $0xC00  }
0x20: {  	[tilespmem:s23], [sflag:$0x1] =	stream.linear.gather [hbm4b:s10+s4], $0x200, $0x38;
	[tilespmem:$0x1A00] =	vst v63  }
0x21: {  	s24 =	simm.s32 $0xE00  }
0x22: {  	[tilespmem:s24], [sflag:$0x1] =	stream.linear.gather [hbm4b:s11+s4], $0x200, $0x38;
	[tilespmem:$0x1A00] =	vst v63  }
0x23: {  	_ =	swait.ge [sflag:s21], $0x200  }
0x24: {  	[sflag:s21] =	ssyncset.done $0x0  }
0x25: {  	s5 =	simm.s32 $0x1000;
	[sflag:s21] =	ssyncadd.s32 $0xFFFFFE00  }
0x26: {  	[tilespmem:s5], [sflag:$0x2] =	stream.indirect.gather [hbm4b:s0+s22], $0x1, s15, s22, $0xb8;
	[tilespmem:$0x1A00] =	vst v63  }
0x27: {  	s16 =	simm.s32 $0x1200  }
0x28: {  	[tilespmem:s16], [sflag:$0x2] =	stream.indirect.gather [hbm4b:s1+s22], $0x1, s15, s22, $0xb8;
	[tilespmem:$0x1A00] =	vst v63  }
0x29: {  	s23 =	simm.s32 $0x1080  }
0x2a: {  	[tilespmem:s23], [sflag:$0x3] =	stream.indirect.gather [hbm4b:s0+s22], $0x1, s25, s22, $0xb8;
	[tilespmem:$0x1A00] =	vst v63  }
0x2b: {  	s24 =	simm.s32 $0x1280  }
0x2c: {  	[tilespmem:s24], [sflag:$0x3] =	stream.indirect.gather [hbm4b:s1+s22], $0x1, s25, s22, $0xb8;
	[tilespmem:$0x1A00] =	vst v63  }
0x2d: {  	s5 =	simm.s32 $0x1100  }
0x2e: {  	[tilespmem:s5], [sflag:$0x4] =	stream.indirect.gather [hbm4b:s0+s22], $0x1, s29, s22, $0xb8;
	[tilespmem:$0x1A00] =	vst v63  }
0x2f: {  	s16 =	simm.s32 $0x1300  }
0x30: {  	[tilespmem:s16], [sflag:$0x4] =	stream.indirect.gather [hbm4b:s1+s22], $0x1, s29, s22, $0xb8;
	[tilespmem:$0x1A00] =	vst v63  }
0x31: {  	s23 =	simm.s32 $0x1180  }
0x32: {  	[tilespmem:s23], [sflag:$0x5] =	stream.indirect.gather [hbm4b:s0+s22], $0x1, s2, s22, $0xb8;
	[tilespmem:$0x1A00] =	vst v63  }
0x33: {  	s24 =	simm.s32 $0x1380  }
0x34: {  	[tilespmem:s24], [sflag:$0x5] =	stream.indirect.gather [hbm4b:s1+s22], $0x1, s2, s22, $0xb8;
	[tilespmem:$0x1A00] =	vst v63  }
0x35: {  	_ =	swait.ge [sflag:s21], $0x400  }
0x36: {  	[sflag:s21] =	ssyncset.done $0x0  }
0x37: {  	[sflag:s21] =	ssyncadd.s32 $0xFFFFFC00  }
0x38: {  	_ =	swait.ge [sflag:s21], $0x200  }
0x39: {  	[sflag:s21] =	ssyncset.done $0x0  }
0x3a: {  	[sflag:s21] =	ssyncadd.s32 $0xFFFFFE00  }
0x3b: {  	_ =	swait.ge [sflag:s21], $0x200  }
0x3c: {  	[sflag:s21] =	ssyncset.done $0x0  }
0x3d: {  	[sflag:s21] =	ssyncadd.s32 $0xFFFFFE00  }
0x3e: {  	_ =	swait.ge [sflag:s21], $0x200  }
0x3f: {  	[sflag:s21] =	ssyncset.done $0x0  }
0x40: {  	[sflag:s21] =	ssyncadd.s32 $0xFFFFFE00  }
0x41: {  	_ =	swait.ge [sflag:s21], $0x200  }
0x42: {  	[sflag:s21] =	ssyncset.done $0x0  }
0x43: {  	[sflag:s21] =	ssyncadd.s32 $0xFFFFFE00  }
0x44: {  	_ =	swait.ge [sflag:s21], $0x200  }
0x45: {  	[sflag:s21] =	ssyncset.done $0x0  }
0x46: {  	[sflag:s21] =	ssyncadd.s32 $0xFFFFFE00  }
0x47: {  	_ =	swait.ge [sflag:s17], $0x80  }
0x48: {  	[sflag:s17] =	ssyncset.done $0x0  }
0x49: {  	[sflag:s17] =	ssyncadd.s32 $0xFFFFFF80  }
0x4a: {  	_ =	swait.ge [sflag:s17], $0x80  }
0x4b: {  	[sflag:s17] =	ssyncset.done $0x0  }
0x4c: {  	s16 =	simm.s32 $0x0;
	[sflag:s17] =	ssyncadd.s32 $0xFFFFFF80  }
0x4d: {  	v0 =	vld [tilespmem:s16+$0x1000]  }
0x4e: {  	v1 =	vld [tilespmem:s16+$0xC00]  }
0x4f: {  	v2 =	vld [tilespmem:s16+$0x1200]  }
0x50: {  	v3 =	vld [tilespmem:s16+$0xE00];
	_ =	sdelay $0x3  }
0x51: {  	v0 =	vadd.f32 v1, v0  }
0x52: {  	v1 =	vadd.f32 v3, v2  }
0x53: {  	s3 =	simm.s32 $0x10;
	v0 =	vsub.f32 $0.0e+00, v0  }
0x54: {  	v4 =	vld [tilespmem:s3+$0x1200];
	v1 =	vsub.f32 $0.0e+00, v1  }
0x55: {  	v2 =	vld [tilespmem:s3+$0x1000];
	v0 =	vmul.f32 $1.442695020e+00, v0  }
0x56: {  	v3 =	vld [tilespmem:s3+$0xC00];
	v1 =	vmul.f32 $1.442695020e+00, v1  }
0x57: {  	(erf) = vpow2.f32 v0;
	v0 =	vld [tilespmem:s3+$0xE00]  }
0x58: {  	(erf) = vpow2.f32 v1;
	_ =	sdelay $0x2  }
0x59: {  	v1 =	vadd.f32 v3, v2  }
0x5a: {  	v0 =	vadd.f32 v0, v4  }
0x5b: {  	v1 =	vsub.f32 $0.0e+00, v1  }
0x5c: {  	s28 =	simm.s32 $0x20;
	v0 =	vsub.f32 $0.0e+00, v0  }
0x5d: {  	v2 =	vld [tilespmem:s28+$0x1000];
	v1 =	vmul.f32 $1.442695020e+00, v1  }
0x5e: {  	v4 =	vld [tilespmem:s28+$0xC00];
	v3 =	vpop (erf);
	v0 =	vmul.f32 $1.442695020e+00, v0  }
0x5f: {  	(erf) = vpow2.f32 v1;
	v5 =	vpop (erf);
	v1 =	vadd.f32 $1.000000000e+00, v3;
	v3 =	vld [tilespmem:s28+$0x1200]  }
0x60: {  	(erf) = vpow2.f32 v0;
	v0 =	vadd.f32 $1.000000000e+00, v5;
	v5 =	vld [tilespmem:s28+$0xE00]  }
0x61: {  	(erf) = vrcp.f32 v1  }
0x62: {  	s30 =	simm.s32 $0x30;
	(erf) = vrcp.f32 v0  }
0x63: {  	v7 =	vld [tilespmem:s30+$0x1000]  }
0x64: {  	v9 =	vld [tilespmem:s30+$0xC00];
	v1 =	vadd.f32 v4, v2  }
0x65: {  	v11 =	vld [tilespmem:s16+$0x800];
	v3 =	vadd.f32 v5, v3  }
0x66: {  	v2 =	vld [tilespmem:s16+$0x400];
	v1 =	vsub.f32 $0.0e+00, v1  }
0x67: {  	v4 =	vld [tilespmem:s16+$0x0];
	v3 =	vsub.f32 $0.0e+00, v3  }
0x68: {  	v0 =	vld [tilespmem:s16+$0xA00];
	v6 =	vpop (erf);
	v1 =	vmul.f32 $1.442695020e+00, v1  }
0x69: {  	v5 =	vld [tilespmem:s16+$0x80];
	v8 =	vpop (erf);
	v3 =	vmul.f32 $1.442695020e+00, v3  }
0x6a: {  	v14 =	vpop (erf);
	(erf) = vpow2.f32 v1;
	v1 =	vadd.f32 $1.000000000e+00, v6;
	v6 =	vld [tilespmem:s30+$0x1200]  }
0x6b: {  	v8 =	vadd.f32 $1.000000000e+00, v8;
	v10 =	vpop (erf);
	(erf) = vpow2.f32 v3;
	v3 =	vld [tilespmem:s30+$0xE00]  }
0x6c: {  	(erf) = vrcp.f32 v1;
	v12 =	vsub.f32 $1.000000000e+00, v10;
	v1 =	vsub.f32 $1.000000000e+00, v14  }
0x6d: {  	v7 =	vadd.f32 v9, v7;
	vm0 =	veq.s32 v2, $0x0  }
0x6e: {  	s31 =	simm.s32 $0x40;
	(erf) = vrcp.f32 v8;
	v8 =	vsel vm0, v10, v12;
	v1 =	vsel vm0, v1, v14  }
0x6f: {  	v15 =	vld [tilespmem:s31+$0x1000];
	v2 =	vsub.f32 $1.000000000e+00, v0;
	v5 =	vmul.f32 v8, v5;
	v1 =	vmul.f32 v1, v4  }
0x70: {  	v19 =	vld [tilespmem:s31+$0xE00];
	v3 =	vadd.f32 v3, v6;
	v6 =	vsub.f32 $1.000000000e+00, v11  }
0x71: {  	v7 =	vsub.f32 $0.0e+00, v7;
	v10 =	vld [tilespmem:s3+$0xA00];
	v2 =	vmul.f32 v5, v2;
	v8 =	vmul.f32 v1, v11  }
0x72: {  	v4 =	vld [tilespmem:s3+$0x400];
	v0 =	vmul.f32 v5, v0;
	v3 =	vsub.f32 $0.0e+00, v3;
	v1 =	vmul.f32 v1, v6  }
0x73: {  	v11 =	vld [tilespmem:s3+$0x0];
	v6 =	vmul.f32 $1.442695020e+00, v7;
	v5 =	vpop (erf)  }
0x74: {  	v7 =	vld [tilespmem:s3+$0x80];
	v16 =	vadd.f32 v2, v8;
	v13 =	vpop (erf);
	v3 =	vmul.f32 $1.442695020e+00, v3;
	v17 =	vadd.f32 v0, v1  }
0x75: {  	v0 =	vld [tilespmem:s31+$0xC00];
	(erf) = vpow2.f32 v6;
	v1 =	vadd.f32 $1.000000000e+00, v5;
	v2 =	vpop (erf)  }
0x76: {  	v6 =	vld [tilespmem:s31+$0x1200];
	v5 =	vsub.f32 $1.000000000e+00, v2;
	(erf) = vpow2.f32 v3;
	v18 =	vadd.f32 v17, v16  }
0x77: {  	v9 =	vld [tilespmem:s3+$0x800];
	vm14 =	veq.s32 v4, $0x0;
	v13 =	vadd.f32 $1.000000000e+00, v13;
	v8 =	vpop (erf);
	(erf) = vrcp.f32 v1  }
0x78: {  	v3 =	vsub.f32 $1.000000000e+00, v8;
	v1 =	vsel vm14, v5, v2;
	v4 =	vadd.f32 $9.999999930e-09, v18  }
0x79: {  	(erf) = vrcp.f32 v13;
	v1 =	vmul.f32 v1, v11  }
0x7a: {  	v8 =	vsel vm14, v8, v3;
	v11 =	vld [tilespmem:s28+$0x400];
	v0 =	vadd.f32 v0, v15;
	(erf) = vrcp.f32 v4  }
0x7b: {  	v5 =	vsub.f32 $1.000000000e+00, v10;
	v6 =	vadd.f32 v19, v6;
	v13 =	vmul.f32 v8, v7  }
0x7c: {  	s23 =	simm.s32 $0x50;
	v8 =	vld [tilespmem:s28+$0xA00];
	v4 =	vsub.f32 $1.000000000e+00, v9;
	v0 =	vsub.f32 $0.0e+00, v0  }
0x7d: {  	v20 =	vld [tilespmem:s23+$0x1000];
	v9 =	vmul.f32 v1, v9;
	v5 =	vmul.f32 v13, v5  }
0x7e: {  	v21 =	vld [tilespmem:s23+$0x1200];
	v6 =	vsub.f32 $0.0e+00, v6;
	v10 =	vmul.f32 v13, v10;
	v1 =	vmul.f32 v1, v4;
	v15 =	vpop (erf)  }
0x7f: {  	v18 =	vld [tilespmem:s28+$0x0];
	v4 =	vmul.f32 $1.442695020e+00, v0;
	vm15 =	veq.s32 v11, $0x0;
	v5 =	vadd.f32 v5, v9;
	v13 =	vpop (erf)  }
0x80: {  	v19 =	vld [tilespmem:s28+$0x80];
	v11 =	vmul.f32 $1.442695020e+00, v6;
	v6 =	vadd.f32 v10, v1;
	v1 =	vadd.f32 $1.000000000e+00, v15;
	v0 =	vpop (erf)  }
0x81: {  	v10 =	vld [tilespmem:s23+$0xC00];
	v9 =	vsub.f32 $1.000000000e+00, v8;
	(erf) = vpow2.f32 v4;
	v4 =	vsub.f32 $1.000000000e+00, v0  }
0x82: {  	v7 =	vld [tilespmem:s28+$0x800];
	v15 =	vpop (erf);
	(erf) = vpow2.f32 v11;
	v11 =	vadd.f32 $1.000000000e+00, v13;
	v13 =	vadd.f32 v6, v5  }
0x83: {  	v22 =	vld [tilespmem:s23+$0xE00];
	(erf) = vrcp.f32 v1;
	v1 =	vsub.f32 $1.000000000e+00, v15;
	v23 =	vsel vm15, v4, v0;
	v24 =	vpop (erf)  }
0x84: {  	(erf) = vrcp.f32 v11;
	v25 =	vadd.f32 $9.999999930e-09, v13;
	v26 =	vmul.f32 v24, v16  }
0x85: {  	v4 =	vld [tilespmem:s30+$0xA00];
	v13 =	vsel vm15, v15, v1;
	v16 =	vmul.f32 v24, v17;
	v11 =	vmul.f32 v23, v18  }
0x86: {  	v17 =	vadd.f32 v10, v20;
	v10 =	vld [tilespmem:s30+$0x400];
	v13 =	vmul.f32 v13, v19;
	(erf) = vrcp.f32 v25  }
0x87: {  	v15 =	vsub.f32 $1.000000000e+00, v7;
	v12 =	vmul.f32 v26, v12;
	[tilespmem:s16+$0x1400] =	vst v16;
	v14 =	vmul.f32 v16, v14  }
0x88: {  	s24 =	simm.s32 $0x180;
	v16 =	vsub.f32 $0.0e+00, v17;
	v17 =	vadd.f32 v22, v21;
	[tilespmem:s16+$0x1480] =	vst v26  }
.LBB2_2:
0x89: {  	p0 =	sne.s32 s24, $0x1C0;
	v18 =	vmul.f32 v13, v9;
	v19 =	vmul.f32 v11, v7;
	v7 =	vld [tilespmem:s30+$0x800];
	v12 =	vadd.f32 v14, v12  }
0x8a: {  	v8 =	vmul.f32 v13, v8;
	v11 =	vmul.f32 v11, v15;
	v14 =	vsub.f32 $0.0e+00, v17;
	v17 =	vpop (erf);
	v20 =	vld [tilespmem:s30+$0x0]  }
0x8b: {  	s5 =	sshra.s32 s24, $0x2;
	v13 =	vmul.f32 $1.442695020e+00, v16;
	v9 =	vsub.f32 $1.000000000e+00, v4;
	v15 =	vpop (erf);
	v16 =	vld [tilespmem:s30+$0x80];
	vm0 =	veq.s32 v10, $0x0;
	[tilespmem:s16+$0x1800] =	vst v12;
	s16 =	smov.u32 s3;
	s3 =	smov.u32 s28  }
0x8c: {  	s28 =	smov.u32 s30;
	s30 =	smov.u32 s31;
	s31 =	smov.u32 s23;
	v10 =	vld [tilespmem:s5+$0x1000];
	v12 =	vmul.f32 $1.442695020e+00, v14;
	v21 =	vpop (erf);
	v14 =	vadd.f32 v18, v19;
	v18 =	vadd.f32 v8, v11  }
0x8d: {  	s23 =	smov.u32 s5;
	v11 =	vadd.f32 $1.000000000e+00, v17;
	v19 =	vld [tilespmem:s5+$0xC00];
	(erf) = vpow2.f32 v13;
	v25 =	vsub.f32 $1.000000000e+00, v21;
	v17 =	vpop (erf)  }
0x8e: {  	v8 =	vmovc v4;
	v22 =	vld [tilespmem:s23+$0x1200];
	(erf) = vpow2.f32 v12;
	v12 =	vadd.f32 $1.000000000e+00, v15;
	v15 =	vadd.f32 v18, v14  }
0x8f: {  	v24 =	vsub.f32 $1.000000000e+00, v17;
	v23 =	vld [tilespmem:s23+$0xE00];
	(erf) = vrcp.f32 v11;
	v4 =	vsel vm0, v25, v21;
	v13 =	vpop (erf)  }
.Ltmp0:
0x90: {  	(erf) = vrcp.f32 v12;
	v11 =	vmul.f32 v4, v20;
	v12 =	vadd.f32 $9.999999930e-09, v15;
	(pc) =	sbr.rel @p0 .LBB2_2-.Ltmp0, $4  }
0x91: {  	v15 =	vsel vm0, v17, v24;
	v20 =	vmul.f32 v13, v5;
	v17 =	vmul.f32 v13, v6;
	v5 =	vmovc v14;
	v4 =	vld [tilespmem:s30+$0xA00]  }
0x92: {  	v6 =	vmovc v18;
	v13 =	vmul.f32 v15, v16;
	v19 =	vadd.f32 v19, v10;
	v10 =	vld [tilespmem:s30+$0x400];
	(erf) = vrcp.f32 v12  }
0x93: {  	v15 =	vsub.f32 $1.000000000e+00, v7;
	v12 =	vmul.f32 v20, v3;
	v14 =	vmul.f32 v17, v2;
	v2 =	vmovc v0;
	[tilespmem:s16+$0x1400] =	vst v17  }
0x94: {  	s24 =	sadd.s32 $0x40, s24;
	v0 =	vmovc v21;
	v3 =	vmovc v1;
	v1 =	vmov v24;
	v16 =	vsub.f32 $0.0e+00, v19;
	v17 =	vadd.f32 v23, v22;
	[tilespmem:s16+$0x1480] =	vst v20  }
0x95: {  	v9 =	vmul.f32 v13, v9;
	v7 =	vmul.f32 v11, v7  }
0x96: {  	v8 =	vmul.f32 v13, v8;
	v45 =	vmul.f32 v11, v15;
	v17 =	vsub.f32 $0.0e+00, v17  }
0x97: {  	v46 =	vmul.f32 $1.442695020e+00, v16  }
0x98: {  	v7 =	vadd.f32 v9, v7;
	v8 =	vadd.f32 v8, v45;
	v47 =	vmul.f32 $1.442695020e+00, v17  }
0x99: {  	v48 =	vpop (erf);
	(erf) = vpow2.f32 v46  }
0x9a: {  	v49 =	vpop (erf);
	v9 =	vadd.f32 $1.000000000e+00, v48;
	v50 =	vadd.f32 v8, v7;
	(erf) = vpow2.f32 v47  }
0x9b: {  	v11 =	vadd.f32 $1.000000000e+00, v49  }
0x9c: {  	v12 =	vadd.f32 v14, v12;
	v14 =	vpop (erf);
	(erf) = vrcp.f32 v9;
	v52 =	vadd.f32 $9.999999930e-09, v50  }
0x9d: {  	v55 =	vpop (erf);
	(erf) = vrcp.f32 v11  }
0x9e: {  	v56 =	vpop (erf);
	(erf) = vrcp.f32 v52  }
0x9f: {  	v51 =	vld [tilespmem:s30+$0x800];
	v6 =	vmul.f32 v56, v6;
	v5 =	vmul.f32 v56, v5  }
0xa0: {  	v53 =	vld [tilespmem:s30+$0x0]  }
0xa1: {  	v54 =	vld [tilespmem:s30+$0x80];
	[tilespmem:s16+$0x1800] =	vst v12;
	v3 =	vmul.f32 v5, v3;
	v2 =	vmul.f32 v6, v2  }
0xa2: {  	v12 =	vld [tilespmem:s31+$0xA00];
	v58 =	vpop (erf)  }
0xa3: {  	v57 =	vld [tilespmem:s31+$0x400];
	[tilespmem:s3+$0x1400] =	vst v6;
	v2 =	vadd.f32 v2, v3;
	v17 =	vadd.f32 $1.000000000e+00, v58;
	v18 =	vpop (erf)  }
0xa4: {  	[tilespmem:s3+$0x1480] =	vst v5;
	v59 =	vadd.f32 $1.000000000e+00, v18  }
0xa5: {  	v61 =	vld [tilespmem:s31+$0x800];
	(erf) = vrcp.f32 v17;
	v63 =	vpop (erf)  }
0xa6: {  	v20 =	vsub.f32 $1.000000000e+00, v4;
	v60 =	vsub.f32 $1.000000000e+00, v55;
	v25 =	vld [tilespmem:s31+$0x80];
	v19 =	vpop (erf);
	(erf) = vrcp.f32 v59  }
0xa7: {  	vm0 =	veq.s32 v10, $0x0;
	v62 =	vsub.f32 $1.000000000e+00, v14;
	v28 =	vsub.f32 $1.000000000e+00, v51;
	v3 =	vld [tilespmem:s31+$0x0];
	[tilespmem:s3+$0x1800] =	vst v2;
	v2 =	vpop (erf)  }
0xa8: {  	v24 =	vsel vm0, v55, v60;
	vm13 =	veq.s32 v57, $0x0;
	v27 =	vld [tilespmem:s23+$0xA00];
	v8 =	vmul.f32 v2, v8  }
0xa9: {  	v5 =	vmul.f32 v24, v54;
	v29 =	vld [tilespmem:s23+$0x400];
	v17 =	vsel vm0, v62, v14;
	v2 =	vmul.f32 v2, v7  }
0xaa: {  	v32 =	vsub.f32 $1.000000000e+00, v12;
	v26 =	vmul.f32 v17, v53;
	v21 =	vsub.f32 $1.000000000e+00, v63;
	[tilespmem:s28+$0x1400] =	vst v8  }
0xab: {  	v20 =	vmul.f32 v5, v20;
	v30 =	vmul.f32 v5, v4;
	v22 =	vsub.f32 $1.000000000e+00, v19;
	[tilespmem:s28+$0x1480] =	vst v2  }
0xac: {  	v39 =	vsub.f32 $1.000000000e+00, v61;
	v15 =	vmul.f32 v26, v51;
	v33 =	vsel vm13, v21, v63;
	v35 =	vld [tilespmem:s23+$0x800]  }
0xad: {  	v31 =	vmul.f32 v26, v28;
	v34 =	vsel vm13, v19, v22;
	v3 =	vmul.f32 v33, v3;
	v40 =	vld [tilespmem:s23+$0x0]  }
0xae: {  	vm14 =	veq.s32 v29, $0x0;
	v45 =	vsub.f32 $1.000000000e+00, v27;
	v15 =	vadd.f32 v20, v15;
	v37 =	vld [tilespmem:s23+$0x80];
	v38 =	vpop (erf)  }
0xaf: {  	v36 =	vmul.f32 v34, v25;
	v4 =	vadd.f32 v30, v31;
	v42 =	vsub.f32 $1.000000000e+00, v38;
	v41 =	vpop (erf)  }
0xb0: {  	v10 =	vmul.f32 v3, v61;
	v3 =	vmul.f32 v3, v39;
	v23 =	vsub.f32 $1.000000000e+00, v41  }
0xb1: {  	v9 =	vmul.f32 v36, v32;
	v11 =	vmul.f32 v36, v12;
	v7 =	vsel vm14, v42, v38  }
0xb2: {  	v47 =	vsub.f32 $1.000000000e+00, v35;
	v7 =	vmul.f32 v7, v40;
	v44 =	vsel vm14, v41, v23  }
0xb3: {  	v46 =	vadd.f32 v4, v15;
	v43 =	vadd.f32 v9, v10;
	v9 =	vmul.f32 v44, v37  }
0xb4: {  	v3 =	vadd.f32 v11, v3;
	v49 =	vmul.f32 v7, v35;
	v7 =	vmul.f32 v7, v47  }
0xb5: {  	v48 =	vadd.f32 $9.999999930e-09, v46;
	v10 =	vmul.f32 v9, v45;
	v9 =	vmul.f32 v9, v27  }
0xb6: {  	v50 =	vadd.f32 v3, v43  }
0xb7: {  	(erf) = vrcp.f32 v48;
	v10 =	vadd.f32 v10, v49;
	v7 =	vadd.f32 v9, v7  }
0xb8: {  	v51 =	vadd.f32 $9.999999930e-09, v50  }
0xb9: {  	v52 =	vadd.f32 v7, v10  }
0xba: {  	(erf) = vrcp.f32 v51  }
0xbb: {  	v53 =	vadd.f32 $9.999999930e-09, v52;
	_ =	sdelay $0x1  }
0xbc: {  	(erf) = vrcp.f32 v53;
	_ =	sdelay $0x2  }
0xbd: {  	v1 =	vmul.f32 v2, v1;
	v0 =	vmul.f32 v8, v0;
	v2 =	vpop (erf)  }
0xbe: {  	v54 =	vmul.f32 v2, v15;
	v2 =	vmul.f32 v2, v4  }
0xbf: {  	v0 =	vadd.f32 v0, v1  }
0xc0: {  	v1 =	vmul.f32 v54, v60;
	v4 =	vmul.f32 v2, v14;
	v55 =	vpop (erf)  }
0xc1: {  	[tilespmem:s28+$0x1800] =	vst v0;
	v0 =	vmul.f32 v55, v43;
	v3 =	vmul.f32 v55, v3  }
0xc2: {  	[tilespmem:s30+$0x1400] =	vst v2;
	v1 =	vadd.f32 v4, v1  }
0xc3: {  	[tilespmem:s30+$0x1480] =	vst v54;
	v2 =	vmul.f32 v0, v22;
	v56 =	vmul.f32 v3, v63;
	v57 =	vpop (erf)  }
0xc4: {  	[tilespmem:s30+$0x1800] =	vst v1;
	v1 =	vmul.f32 v57, v10;
	v5 =	vmul.f32 v57, v7  }
0xc5: {  	[tilespmem:s31+$0x1400] =	vst v3;
	v2 =	vadd.f32 v56, v2  }
0xc6: {  	[tilespmem:s31+$0x1480] =	vst v0;
	v0 =	vmul.f32 v1, v23;
	v3 =	vmul.f32 v5, v38  }
0xc7: {  	[tilespmem:s31+$0x1800] =	vst v2  }
0xc8: {  	[tilespmem:s23+$0x1400] =	vst v5;
	v0 =	vadd.f32 v3, v0  }
0xc9: {  	[tilespmem:s23+$0x1480] =	vst v1  }
0xca: {  	[tilespmem:s23+$0x1800] =	vst v0  }
0xcb: {  	_ =	swait.ge [sflag:s18], $0x80  }
0xcc: {  	[sflag:s18] =	ssyncset.done $0x0  }
0xcd: {  	[sflag:s18] =	ssyncadd.s32 $0xFFFFFF80  }
0xce: {  	_ =	swait.ge [sflag:s18], $0x80  }
0xcf: {  	[sflag:s18] =	ssyncset.done $0x0  }
0xd0: {  	s3 =	simm.s32 $0x0;
	[sflag:s18] =	ssyncadd.s32 $0xFFFFFF80  }
0xd1: {  	v0 =	vld [tilespmem:s3+$0xE80]  }
0xd2: {  	v1 =	vld [tilespmem:s3+$0x1280]  }
0xd3: {  	v2 =	vld [tilespmem:s3+$0xC80]  }
0xd4: {  	v3 =	vld [tilespmem:s3+$0x1080];
	_ =	sdelay $0x3  }
0xd5: {  	v0 =	vadd.f32 v0, v1  }
0xd6: {  	v1 =	vadd.f32 v2, v3  }
0xd7: {  	v0 =	vsub.f32 $0.0e+00, v0  }
0xd8: {  	v1 =	vsub.f32 $0.0e+00, v1  }
0xd9: {  	v0 =	vmul.f32 $1.442695020e+00, v0  }
0xda: {  	v1 =	vmul.f32 $1.442695020e+00, v1  }
0xdb: {  	(erf) = vpow2.f32 v0  }
0xdc: {  	(erf) = vpow2.f32 v1;
	_ =	sdelay $0x7  }
0xdd: {  	v0 =	vpop (erf)  }
0xde: {  	v0 =	vadd.f32 $1.000000000e+00, v0;
	v1 =	vpop (erf)  }
0xdf: {  	v1 =	vadd.f32 $1.000000000e+00, v1  }
0xe0: {  	(erf) = vrcp.f32 v0  }
0xe1: {  	(erf) = vrcp.f32 v1  }
0xe2: {  	s23 =	simm.s32 $0x100  }
0xe3: {  	s24 =	sand.u32 $0x3FFFFF00, s23  }
0xe4: {  	s24 =	sadd.s32 $0x0, s24  }
0xe5: {  	s16 =	simm.s32 $0x80;
	s5 =	sand.u32 $0x100, s23;
	v58 =	vld [tilespmem:s24+$0x0]  }
0xe6: {  	s5 =	sor.u32 s5, s16;
	v1 =	vld [tilespmem:s3+$0x480]  }
0xe7: {  	s5 =	sor.u32 $0x80, s5;
	v2 =	vld [tilespmem:s3+$0xA80]  }
0xe8: {  	v0 =	vld [tilespmem:s5+$0x0]  }
0xe9: {  	v3 =	vld [tilespmem:s3+$0x880];
	v59 =	vpop (erf)  }
0xea: {  	v60 =	vsub.f32 $1.000000000e+00, v59;
	v61 =	vpop (erf)  }
0xeb: {  	vm15 =	veq.s32 v1, $0x0;
	v1 =	vsub.f32 $1.000000000e+00, v61  }
0xec: {  	v5 =	vsel vm15, v59, v60  }
0xed: {  	v62 =	vsub.f32 $1.000000000e+00, v2;
	v1 =	vsel vm15, v1, v61;
	v0 =	vmul.f32 v5, v0  }
0xee: {  	v63 =	vsub.f32 $1.000000000e+00, v3;
	v1 =	vmul.f32 v1, v58  }
0xef: {  	v5 =	vmul.f32 v0, v62;
	v0 =	vmul.f32 v0, v2  }
0xf0: {  	v2 =	vmul.f32 v1, v3;
	v1 =	vmul.f32 v1, v63;
	_ =	sdelay $0x1  }
0xf1: {  	v2 =	vadd.f32 v5, v2;
	v0 =	vadd.f32 v0, v1;
	_ =	sdelay $0x1  }
0xf2: {  	v1 =	vadd.f32 v0, v2;
	_ =	sdelay $0x1  }
0xf3: {  	v1 =	vadd.f32 $9.999999930e-09, v1;
	_ =	sdelay $0x1  }
0xf4: {  	(erf) = vrcp.f32 v1;
	_ =	sdelay $0x8  }
0xf5: {  	v1 =	vpop (erf)  }
0xf6: {  	v0 =	vmul.f32 v1, v0  }
0xf7: {  	v2 =	vmul.f32 v1, v2  }
0xf8: {  	[tilespmem:s24+$0x1400] =	vst v0  }
0xf9: {  	s28 =	simm.s32 $0x80;
	s31 =	simm.s32 $0x10;
	v0 =	vmul.f32 v0, v61;
	v1 =	vmul.f32 v2, v60;
	[tilespmem:s5+$0x1400] =	vst v2  }
.LBB2_4:
0xfa: {  	p0 =	sne.s32 s28, $0x1C0;
	v2 =	vld [tilespmem:s31+$0xE80];
	s23 =	sadd.s32 $0x20, s23  }
0xfb: {  	s16 =	sadd.s32 $0x10, s16;
	s5 =	sand.u32 $0x100, s23;
	v3 =	vld [tilespmem:s31+$0x1280];
	v0 =	vadd.f32 v0, v1  }
0xfc: {  	v1 =	vld [tilespmem:s31+$0xC80];
	s5 =	sor.u32 s5, s16  }
0xfd: {  	v4 =	vld [tilespmem:s31+$0x1080];
	s30 =	sor.u32 $0x80, s5;
	[tilespmem:s3+$0x1880] =	vst v0;
	s3 =	smov.u32 s31  }
0xfe: {  	v0 =	vld [tilespmem:s30+$0x0];
	_ =	sdelay $0x2  }
0xff: {  	v2 =	vadd.f32 v2, v3  }
0x100: {  	v1 =	vadd.f32 v1, v4  }
0x101: {  	v2 =	vsub.f32 $0.0e+00, v2  }
0x102: {  	v1 =	vsub.f32 $0.0e+00, v1  }
0x103: {  	v2 =	vmul.f32 $1.442695020e+00, v2  }
0x104: {  	v1 =	vmul.f32 $1.442695020e+00, v1  }
0x105: {  	(erf) = vpow2.f32 v2  }
0x106: {  	(erf) = vpow2.f32 v1;
	_ =	sdelay $0x7  }
0x107: {  	v1 =	vpop (erf)  }
0x108: {  	v1 =	vadd.f32 $1.000000000e+00, v1;
	v2 =	vpop (erf)  }
0x109: {  	v2 =	vadd.f32 $1.000000000e+00, v2  }
0x10a: {  	(erf) = vrcp.f32 v1  }
0x10b: {  	(erf) = vrcp.f32 v2;
	_ =	sdelay $0x4  }
0x10c: {  	v1 =	vld [tilespmem:s3+$0x480]  }
0x10d: {  	s5 =	sand.u32 $0x3FFFFF00, s23;
	v2 =	vld [tilespmem:s3+$0xA80]  }
0x10e: {  	s5 =	sadd.s32 s3, s5;
	v3 =	vld [tilespmem:s3+$0x880]  }
0x10f: {  	v4 =	vld [tilespmem:s5+$0x0];
	v5 =	vpop (erf)  }
0x110: {  	v6 =	vsub.f32 $1.000000000e+00, v5;
	v7 =	vpop (erf)  }
0x111: {  	vm0 =	veq.s32 v1, $0x0;
	v1 =	vsub.f32 $1.000000000e+00, v7  }
0x112: {  	v5 =	vsel vm0, v5, v6  }
0x113: {  	v1 =	vsel vm0, v1, v7;
	v0 =	vmul.f32 v5, v0;
	v5 =	vsub.f32 $1.000000000e+00, v2  }
0x114: {  	v1 =	vmul.f32 v1, v4;
	v4 =	vsub.f32 $1.000000000e+00, v3  }
0x115: {  	v5 =	vmul.f32 v0, v5;
	v0 =	vmul.f32 v0, v2  }
0x116: {  	v2 =	vmul.f32 v1, v3;
	v1 =	vmul.f32 v1, v4;
	_ =	sdelay $0x1  }
0x117: {  	v2 =	vadd.f32 v5, v2;
	v0 =	vadd.f32 v0, v1;
	_ =	sdelay $0x1  }
0x118: {  	v1 =	vadd.f32 v0, v2;
	_ =	sdelay $0x1  }
0x119: {  	v1 =	vadd.f32 $9.999999930e-09, v1;
	_ =	sdelay $0x1  }
0x11a: {  	(erf) = vrcp.f32 v1;
	_ =	sdelay $0x8  }
.Ltmp1:
0x11b: {  	v1 =	vpop (erf);
	(pc) =	sbr.rel @p0 .LBB2_4-.Ltmp1, $4  }
0x11c: {  	v3 =	vmul.f32 v1, v0  }
0x11d: {  	v2 =	vmul.f32 v1, v2  }
0x11e: {  	v0 =	vmul.f32 v3, v7;
	[tilespmem:s5+$0x1400] =	vst v3  }
0x11f: {  	s31 =	sshra.s32 s28, $0x2;
	s28 =	sadd.s32 $0x40, s28;
	v1 =	vmul.f32 v2, v6;
	[tilespmem:s30+$0x1400] =	vst v2  }
0x120: {  	v2 =	vld [tilespmem:s31+$0xE80]  }
0x121: {  	v3 =	vld [tilespmem:s31+$0x1280]  }
0x122: {  	v4 =	vld [tilespmem:s31+$0xC80]  }
0x123: {  	v5 =	vld [tilespmem:s31+$0x1080];
	_ =	sdelay $0x3  }
0x124: {  	v2 =	vadd.f32 v2, v3  }
0x125: {  	v3 =	vadd.f32 v4, v5  }
0x126: {  	v2 =	vsub.f32 $0.0e+00, v2  }
0x127: {  	v3 =	vsub.f32 $0.0e+00, v3  }
0x128: {  	v2 =	vmul.f32 $1.442695020e+00, v2  }
0x129: {  	v3 =	vmul.f32 $1.442695020e+00, v3  }
0x12a: {  	(erf) = vpow2.f32 v2  }
0x12b: {  	(erf) = vpow2.f32 v3;
	_ =	sdelay $0x7  }
0x12c: {  	v2 =	vpop (erf)  }
0x12d: {  	v2 =	vadd.f32 $1.000000000e+00, v2;
	v3 =	vpop (erf)  }
0x12e: {  	v3 =	vadd.f32 $1.000000000e+00, v3  }
0x12f: {  	(erf) = vrcp.f32 v2  }
0x130: {  	s5 =	sadd.s32 $0x20, s23;
	(erf) = vrcp.f32 v3  }
0x131: {  	s16 =	sadd.s32 $0x10, s16;
	s23 =	sand.u32 $0x100, s5;
	v0 =	vadd.f32 v0, v1  }
0x132: {  	s16 =	sor.u32 s23, s16  }
0x133: {  	s16 =	sor.u32 $0x80, s16;
	[tilespmem:s3+$0x1880] =	vst v0  }
0x134: {  	s24 =	sand.u32 $0x3FFFFF00, s5;
	v0 =	vld [tilespmem:s16+$0x0]  }
0x135: {  	s3 =	sadd.s32 s31, s24;
	v1 =	vld [tilespmem:s31+$0x480]  }
0x136: {  	v54 =	vld [tilespmem:s3+$0x0]  }
0x137: {  	v2 =	vld [tilespmem:s31+$0xA80]  }
0x138: {  	v3 =	vld [tilespmem:s31+$0x880];
	v55 =	vpop (erf)  }
0x139: {  	v6 =	vsub.f32 $1.000000000e+00, v55;
	v7 =	vpop (erf)  }
0x13a: {  	vm0 =	veq.s32 v1, $0x0;
	v1 =	vsub.f32 $1.000000000e+00, v7  }
0x13b: {  	v5 =	vsel vm0, v55, v6  }
0x13c: {  	v56 =	vsub.f32 $1.000000000e+00, v2;
	v1 =	vsel vm0, v1, v7;
	v0 =	vmul.f32 v5, v0  }
0x13d: {  	v57 =	vsub.f32 $1.000000000e+00, v3;
	v1 =	vmul.f32 v1, v54  }
0x13e: {  	v5 =	vmul.f32 v0, v56;
	v0 =	vmul.f32 v0, v2  }
0x13f: {  	v2 =	vmul.f32 v1, v3;
	v1 =	vmul.f32 v1, v57;
	_ =	sdelay $0x1  }
0x140: {  	v2 =	vadd.f32 v5, v2;
	v0 =	vadd.f32 v0, v1;
	_ =	sdelay $0x1  }
0x141: {  	v1 =	vadd.f32 v0, v2;
	_ =	sdelay $0x1  }
0x142: {  	v1 =	vadd.f32 $9.999999930e-09, v1;
	_ =	sdelay $0x1  }
0x143: {  	(erf) = vrcp.f32 v1;
	_ =	sdelay $0x8  }
0x144: {  	v1 =	vpop (erf)  }
0x145: {  	v0 =	vmul.f32 v1, v0;
	v1 =	vmul.f32 v1, v2;
	_ =	sdelay $0x1  }
0x146: {  	v2 =	vmul.f32 v0, v7;
	v3 =	vmul.f32 v1, v6;
	_ =	sdelay $0x1  }
0x147: {  	[tilespmem:s3+$0x1400] =	vst v0;
	v0 =	vadd.f32 v2, v3  }
0x148: {  	[tilespmem:s16+$0x1400] =	vst v1  }
0x149: {  	[tilespmem:s31+$0x1880] =	vst v0  }
0x14a: {  	_ =	swait.ge [sflag:s19], $0x80  }
0x14b: {  	[sflag:s19] =	ssyncset.done $0x0  }
0x14c: {  	[sflag:s19] =	ssyncadd.s32 $0xFFFFFF80  }
0x14d: {  	_ =	swait.ge [sflag:s19], $0x80  }
0x14e: {  	[sflag:s19] =	ssyncset.done $0x0  }
0x14f: {  	s3 =	simm.s32 $0x0;
	[sflag:s19] =	ssyncadd.s32 $0xFFFFFF80  }
0x150: {  	v0 =	vld [tilespmem:s3+$0xD00]  }
0x151: {  	v1 =	vld [tilespmem:s3+$0x1300]  }
0x152: {  	v2 =	vld [tilespmem:s3+$0xF00]  }
0x153: {  	v3 =	vld [tilespmem:s3+$0x1100];
	_ =	sdelay $0x3  }
0x154: {  	v1 =	vadd.f32 v2, v1  }
0x155: {  	v0 =	vadd.f32 v0, v3  }
0x156: {  	v1 =	vsub.f32 $0.0e+00, v1  }
0x157: {  	v0 =	vsub.f32 $0.0e+00, v0  }
0x158: {  	v1 =	vmul.f32 $1.442695020e+00, v1  }
0x159: {  	v0 =	vmul.f32 $1.442695020e+00, v0  }
0x15a: {  	(erf) = vpow2.f32 v1  }
0x15b: {  	(erf) = vpow2.f32 v0;
	_ =	sdelay $0x7  }
0x15c: {  	v0 =	vpop (erf)  }
0x15d: {  	v0 =	vadd.f32 $1.000000000e+00, v0;
	v1 =	vpop (erf)  }
0x15e: {  	v1 =	vadd.f32 $1.000000000e+00, v1  }
0x15f: {  	(erf) = vrcp.f32 v0  }
0x160: {  	(erf) = vrcp.f32 v1  }
0x161: {  	s16 =	simm.s32 $0x200  }
0x162: {  	s31 =	sand.u32 $0x3FFFFF00, s16  }
0x163: {  	s30 =	sadd.s32 $0x0, s31  }
0x164: {  	v58 =	vld [tilespmem:s30+$0x0]  }
0x165: {  	v0 =	vld [tilespmem:s3+$0x500]  }
0x166: {  	v2 =	vld [tilespmem:s3+$0xB00]  }
0x167: {  	v3 =	vld [tilespmem:s30+$0x80]  }
0x168: {  	v1 =	vld [tilespmem:s3+$0x900];
	v59 =	vpop (erf)  }
0x169: {  	v60 =	vsub.f32 $1.000000000e+00, v59;
	v61 =	vpop (erf)  }
0x16a: {  	vm15 =	veq.s32 v0, $0x0;
	v0 =	vsub.f32 $1.000000000e+00, v61  }
0x16b: {  	v5 =	vsel vm15, v59, v60  }
0x16c: {  	v62 =	vsub.f32 $1.000000000e+00, v2;
	v0 =	vsel vm15, v0, v61;
	v3 =	vmul.f32 v5, v3  }
0x16d: {  	v63 =	vsub.f32 $1.000000000e+00, v1;
	v0 =	vmul.f32 v0, v58  }
0x16e: {  	v5 =	vmul.f32 v3, v62;
	v2 =	vmul.f32 v3, v2  }
0x16f: {  	v1 =	vmul.f32 v0, v1;
	v0 =	vmul.f32 v0, v63;
	_ =	sdelay $0x1  }
0x170: {  	v1 =	vadd.f32 v5, v1;
	v0 =	vadd.f32 v2, v0;
	_ =	sdelay $0x1  }
0x171: {  	v2 =	vadd.f32 v0, v1;
	_ =	sdelay $0x1  }
0x172: {  	v2 =	vadd.f32 $9.999999930e-09, v2;
	_ =	sdelay $0x1  }
0x173: {  	(erf) = vrcp.f32 v2;
	_ =	sdelay $0x8  }
0x174: {  	v2 =	vpop (erf)  }
0x175: {  	v3 =	vmul.f32 v2, v1;
	v0 =	vmul.f32 v2, v0;
	_ =	sdelay $0x1  }
0x176: {  	s28 =	simm.s32 $0x80;
	s23 =	simm.s32 $0x40;
	v1 =	vmul.f32 v3, v60;
	v2 =	vmul.f32 v0, v61;
	[tilespmem:s30+$0x1480] =	vst v3  }
.LBB2_6:
0x177: {  	p0 =	sne.s32 s28, $0x1C0;
	s5 =	sshra.s32 s23, $0x2;
	[tilespmem:s30+$0x1400] =	vst v0;
	s23 =	smov.u32 s28  }
0x178: {  	v0 =	vld [tilespmem:s5+$0xD00];
	v1 =	vadd.f32 v2, v1  }
0x179: {  	v2 =	vld [tilespmem:s5+$0x1300]  }
0x17a: {  	v3 =	vld [tilespmem:s5+$0xF00];
	[tilespmem:s3+$0x1900] =	vst v1;
	s3 =	smov.u32 s5  }
0x17b: {  	v1 =	vld [tilespmem:s3+$0x1100]  }
0x17c: {  	v4 =	vld [tilespmem:s3+$0x500]  }
0x17d: {  	v5 =	vld [tilespmem:s3+$0x900]  }
0x17e: {  	v6 =	vld [tilespmem:s3+$0xB00]  }
0x17f: {  	v2 =	vadd.f32 v3, v2  }
0x180: {  	v0 =	vadd.f32 v0, v1  }
0x181: {  	v1 =	vsub.f32 $0.0e+00, v2  }
0x182: {  	v0 =	vsub.f32 $0.0e+00, v0  }
0x183: {  	v1 =	vmul.f32 $1.442695020e+00, v1  }
0x184: {  	v0 =	vmul.f32 $1.442695020e+00, v0  }
0x185: {  	(erf) = vpow2.f32 v1  }
0x186: {  	(erf) = vpow2.f32 v0;
	_ =	sdelay $0x7  }
0x187: {  	v0 =	vpop (erf)  }
0x188: {  	v0 =	vadd.f32 $1.000000000e+00, v0;
	v1 =	vpop (erf)  }
0x189: {  	v1 =	vadd.f32 $1.000000000e+00, v1  }
0x18a: {  	(erf) = vrcp.f32 v0  }
0x18b: {  	(erf) = vrcp.f32 v1;
	_ =	sdelay $0x3  }
0x18c: {  	s16 =	sadd.s32 $0x20, s16  }
0x18d: {  	s5 =	sand.u32 $0x3FFFFF00, s16  }
0x18e: {  	s30 =	sadd.s32 s3, s5  }
0x18f: {  	v0 =	vld [tilespmem:s30+$0x80]  }
0x190: {  	v1 =	vld [tilespmem:s30+$0x0];
	v2 =	vpop (erf)  }
0x191: {  	v3 =	vsub.f32 $1.000000000e+00, v2;
	v7 =	vpop (erf)  }
0x192: {  	vm0 =	veq.s32 v4, $0x0;
	v4 =	vsub.f32 $1.000000000e+00, v7  }
0x193: {  	v2 =	vsel vm0, v2, v3  }
0x194: {  	v4 =	vsel vm0, v4, v7;
	v0 =	vmul.f32 v2, v0;
	v2 =	vsub.f32 $1.000000000e+00, v6  }
0x195: {  	v1 =	vmul.f32 v4, v1;
	v4 =	vsub.f32 $1.000000000e+00, v5  }
0x196: {  	v2 =	vmul.f32 v0, v2;
	v0 =	vmul.f32 v0, v6  }
0x197: {  	v5 =	vmul.f32 v1, v5;
	v1 =	vmul.f32 v1, v4;
	_ =	sdelay $0x1  }
0x198: {  	v2 =	vadd.f32 v2, v5;
	v0 =	vadd.f32 v0, v1;
	_ =	sdelay $0x1  }
0x199: {  	v1 =	vadd.f32 v0, v2;
	_ =	sdelay $0x1  }
0x19a: {  	v1 =	vadd.f32 $9.999999930e-09, v1;
	_ =	sdelay $0x1  }
0x19b: {  	(erf) = vrcp.f32 v1;
	_ =	sdelay $0x7  }
.Ltmp2:
0x19c: {  	(pc) =	sbr.rel @p0 .LBB2_6-.Ltmp2, $3  }
0x19d: {  	v1 =	vpop (erf)  }
0x19e: {  	v4 =	vmul.f32 v1, v2;
	v0 =	vmul.f32 v1, v0;
	_ =	sdelay $0x1  }
0x19f: {  	s28 =	sadd.s32 $0x40, s28;
	v1 =	vmul.f32 v4, v3;
	v2 =	vmul.f32 v0, v7;
	[tilespmem:s30+$0x1480] =	vst v4  }
0x1a0: {  	s5 =	sshra.s32 s23, $0x2;
	[tilespmem:s30+$0x1400] =	vst v0  }
0x1a1: {  	v0 =	vld [tilespmem:s5+$0xD00];
	v1 =	vadd.f32 v2, v1  }
0x1a2: {  	v2 =	vld [tilespmem:s5+$0x1300]  }
0x1a3: {  	v3 =	vld [tilespmem:s5+$0xF00];
	[tilespmem:s3+$0x1900] =	vst v1  }
0x1a4: {  	v1 =	vld [tilespmem:s5+$0x1100];
	_ =	sdelay $0x3  }
0x1a5: {  	v2 =	vadd.f32 v3, v2  }
0x1a6: {  	v0 =	vadd.f32 v0, v1  }
0x1a7: {  	v1 =	vsub.f32 $0.0e+00, v2  }
0x1a8: {  	v0 =	vsub.f32 $0.0e+00, v0  }
0x1a9: {  	v1 =	vmul.f32 $1.442695020e+00, v1  }
0x1aa: {  	v0 =	vmul.f32 $1.442695020e+00, v0  }
0x1ab: {  	(erf) = vpow2.f32 v1  }
0x1ac: {  	(erf) = vpow2.f32 v0;
	_ =	sdelay $0x7  }
0x1ad: {  	v0 =	vpop (erf)  }
0x1ae: {  	v0 =	vadd.f32 $1.000000000e+00, v0;
	v1 =	vpop (erf)  }
0x1af: {  	v1 =	vadd.f32 $1.000000000e+00, v1  }
0x1b0: {  	(erf) = vrcp.f32 v0  }
0x1b1: {  	(erf) = vrcp.f32 v1  }
0x1b2: {  	s24 =	sadd.s32 $0x20, s16  }
0x1b3: {  	s3 =	sand.u32 $0x3FFFFF00, s24  }
0x1b4: {  	s3 =	sadd.s32 s5, s3  }
0x1b5: {  	v4 =	vld [tilespmem:s3+$0x0]  }
0x1b6: {  	v0 =	vld [tilespmem:s5+$0x500]  }
0x1b7: {  	v3 =	vld [tilespmem:s3+$0x80]  }
0x1b8: {  	v2 =	vld [tilespmem:s5+$0xB00]  }
0x1b9: {  	v1 =	vld [tilespmem:s5+$0x900];
	v5 =	vpop (erf)  }
0x1ba: {  	v6 =	vsub.f32 $1.000000000e+00, v5;
	v7 =	vpop (erf)  }
0x1bb: {  	vm0 =	veq.s32 v0, $0x0;
	v0 =	vsub.f32 $1.000000000e+00, v7  }
0x1bc: {  	v5 =	vsel vm0, v5, v6  }
0x1bd: {  	v56 =	vsub.f32 $1.000000000e+00, v2;
	v3 =	vmul.f32 v5, v3;
	v0 =	vsel vm0, v0, v7  }
0x1be: {  	v57 =	vsub.f32 $1.000000000e+00, v1;
	v0 =	vmul.f32 v0, v4  }
0x1bf: {  	v5 =	vmul.f32 v3, v56;
	v2 =	vmul.f32 v3, v2  }
0x1c0: {  	v1 =	vmul.f32 v0, v1;
	v0 =	vmul.f32 v0, v57;
	_ =	sdelay $0x1  }
0x1c1: {  	v1 =	vadd.f32 v5, v1;
	v0 =	vadd.f32 v2, v0;
	_ =	sdelay $0x1  }
0x1c2: {  	v2 =	vadd.f32 v0, v1;
	_ =	sdelay $0x1  }
0x1c3: {  	v2 =	vadd.f32 $9.999999930e-09, v2;
	_ =	sdelay $0x1  }
0x1c4: {  	(erf) = vrcp.f32 v2;
	_ =	sdelay $0x8  }
0x1c5: {  	v2 =	vpop (erf)  }
0x1c6: {  	v1 =	vmul.f32 v2, v1;
	v0 =	vmul.f32 v2, v0;
	_ =	sdelay $0x1  }
0x1c7: {  	v2 =	vmul.f32 v1, v6;
	v3 =	vmul.f32 v0, v7;
	_ =	sdelay $0x1  }
0x1c8: {  	[tilespmem:s3+$0x1480] =	vst v1;
	v1 =	vadd.f32 v3, v2  }
0x1c9: {  	[tilespmem:s3+$0x1400] =	vst v0  }
0x1ca: {  	[tilespmem:s5+$0x1900] =	vst v1  }
0x1cb: {  	_ =	swait.ge [sflag:s20], $0x80  }
0x1cc: {  	[sflag:s20] =	ssyncset.done $0x0  }
0x1cd: {  	[sflag:s20] =	ssyncadd.s32 $0xFFFFFF80  }
0x1ce: {  	_ =	swait.ge [sflag:s20], $0x80  }
0x1cf: {  	[sflag:s20] =	ssyncset.done $0x0  }
0x1d0: {  	s3 =	simm.s32 $0x0;
	[sflag:s20] =	ssyncadd.s32 $0xFFFFFF80  }
0x1d1: {  	v0 =	vld [tilespmem:s3+$0xD80]  }
0x1d2: {  	v1 =	vld [tilespmem:s3+$0x1380]  }
0x1d3: {  	v2 =	vld [tilespmem:s3+$0xF80]  }
0x1d4: {  	v3 =	vld [tilespmem:s3+$0x1180];
	_ =	sdelay $0x3  }
0x1d5: {  	v1 =	vadd.f32 v2, v1  }
0x1d6: {  	v0 =	vadd.f32 v0, v3  }
0x1d7: {  	v1 =	vsub.f32 $0.0e+00, v1  }
0x1d8: {  	v0 =	vsub.f32 $0.0e+00, v0  }
0x1d9: {  	v1 =	vmul.f32 $1.442695020e+00, v1  }
0x1da: {  	v0 =	vmul.f32 $1.442695020e+00, v0  }
0x1db: {  	(erf) = vpow2.f32 v1  }
0x1dc: {  	(erf) = vpow2.f32 v0;
	_ =	sdelay $0x7  }
0x1dd: {  	v0 =	vpop (erf)  }
0x1de: {  	v0 =	vadd.f32 $1.000000000e+00, v0;
	v1 =	vpop (erf)  }
0x1df: {  	v1 =	vadd.f32 $1.000000000e+00, v1  }
0x1e0: {  	(erf) = vrcp.f32 v0  }
0x1e1: {  	(erf) = vrcp.f32 v1  }
0x1e2: {  	s16 =	simm.s32 $0x300  }
0x1e3: {  	s31 =	sand.u32 $0x3FFFFF00, s16  }
0x1e4: {  	s30 =	sadd.s32 $0x0, s31  }
0x1e5: {  	v58 =	vld [tilespmem:s30+$0x0]  }
0x1e6: {  	v0 =	vld [tilespmem:s3+$0x580]  }
0x1e7: {  	v2 =	vld [tilespmem:s3+$0xB80]  }
0x1e8: {  	v3 =	vld [tilespmem:s30+$0x80]  }
0x1e9: {  	v1 =	vld [tilespmem:s3+$0x980];
	v59 =	vpop (erf)  }
0x1ea: {  	v60 =	vsub.f32 $1.000000000e+00, v59;
	v61 =	vpop (erf)  }
0x1eb: {  	vm15 =	veq.s32 v0, $0x0;
	v0 =	vsub.f32 $1.000000000e+00, v61  }
0x1ec: {  	v5 =	vsel vm15, v59, v60  }
0x1ed: {  	v62 =	vsub.f32 $1.000000000e+00, v2;
	v0 =	vsel vm15, v0, v61;
	v3 =	vmul.f32 v5, v3  }
0x1ee: {  	v63 =	vsub.f32 $1.000000000e+00, v1;
	v0 =	vmul.f32 v0, v58  }
0x1ef: {  	v5 =	vmul.f32 v3, v62;
	v2 =	vmul.f32 v3, v2  }
0x1f0: {  	v1 =	vmul.f32 v0, v1;
	v0 =	vmul.f32 v0, v63;
	_ =	sdelay $0x1  }
0x1f1: {  	v1 =	vadd.f32 v5, v1;
	v0 =	vadd.f32 v2, v0;
	_ =	sdelay $0x1  }
0x1f2: {  	v2 =	vadd.f32 v0, v1;
	_ =	sdelay $0x1  }
0x1f3: {  	v2 =	vadd.f32 $9.999999930e-09, v2;
	_ =	sdelay $0x1  }
0x1f4: {  	(erf) = vrcp.f32 v2;
	_ =	sdelay $0x8  }
0x1f5: {  	v2 =	vpop (erf)  }
0x1f6: {  	v3 =	vmul.f32 v2, v1;
	v0 =	vmul.f32 v2, v0;
	_ =	sdelay $0x1  }
0x1f7: {  	s23 =	simm.s32 $0x40;
	s28 =	simm.s32 $0x80;
	v1 =	vmul.f32 v3, v60;
	v2 =	vmul.f32 v0, v61;
	[tilespmem:s30+$0x1480] =	vst v3  }
.LBB2_8:
0x1f8: {  	p0 =	sne.s32 s28, $0x1C0;
	s5 =	sshra.s32 s23, $0x2;
	[tilespmem:s30+$0x1400] =	vst v0;
	s23 =	smov.u32 s28  }
0x1f9: {  	v0 =	vld [tilespmem:s5+$0xD80];
	v1 =	vadd.f32 v2, v1  }
0x1fa: {  	v2 =	vld [tilespmem:s5+$0x1380]  }
0x1fb: {  	v3 =	vld [tilespmem:s5+$0xF80];
	[tilespmem:s3+$0x1980] =	vst v1;
	s3 =	smov.u32 s5  }
0x1fc: {  	v1 =	vld [tilespmem:s3+$0x1180]  }
0x1fd: {  	v4 =	vld [tilespmem:s3+$0x580]  }
0x1fe: {  	v5 =	vld [tilespmem:s3+$0x980]  }
0x1ff: {  	v6 =	vld [tilespmem:s3+$0xB80]  }
0x200: {  	v2 =	vadd.f32 v3, v2  }
0x201: {  	v0 =	vadd.f32 v0, v1  }
0x202: {  	v1 =	vsub.f32 $0.0e+00, v2  }
0x203: {  	v0 =	vsub.f32 $0.0e+00, v0  }
0x204: {  	v1 =	vmul.f32 $1.442695020e+00, v1  }
0x205: {  	v0 =	vmul.f32 $1.442695020e+00, v0  }
0x206: {  	(erf) = vpow2.f32 v1  }
0x207: {  	(erf) = vpow2.f32 v0;
	_ =	sdelay $0x7  }
0x208: {  	v0 =	vpop (erf)  }
0x209: {  	v0 =	vadd.f32 $1.000000000e+00, v0;
	v1 =	vpop (erf)  }
0x20a: {  	v1 =	vadd.f32 $1.000000000e+00, v1  }
0x20b: {  	(erf) = vrcp.f32 v0  }
0x20c: {  	(erf) = vrcp.f32 v1;
	_ =	sdelay $0x3  }
0x20d: {  	s16 =	sadd.s32 $0x20, s16  }
0x20e: {  	s5 =	sand.u32 $0x3FFFFF00, s16  }
0x20f: {  	s30 =	sadd.s32 s3, s5  }
0x210: {  	v0 =	vld [tilespmem:s30+$0x80]  }
0x211: {  	v1 =	vld [tilespmem:s30+$0x0];
	v2 =	vpop (erf)  }
0x212: {  	v3 =	vsub.f32 $1.000000000e+00, v2;
	v7 =	vpop (erf)  }
0x213: {  	vm0 =	veq.s32 v4, $0x0;
	v4 =	vsub.f32 $1.000000000e+00, v7  }
0x214: {  	v2 =	vsel vm0, v2, v3  }
0x215: {  	v4 =	vsel vm0, v4, v7;
	v0 =	vmul.f32 v2, v0;
	v2 =	vsub.f32 $1.000000000e+00, v6  }
0x216: {  	v1 =	vmul.f32 v4, v1;
	v4 =	vsub.f32 $1.000000000e+00, v5  }
0x217: {  	v2 =	vmul.f32 v0, v2;
	v0 =	vmul.f32 v0, v6  }
0x218: {  	v5 =	vmul.f32 v1, v5;
	v1 =	vmul.f32 v1, v4;
	_ =	sdelay $0x1  }
0x219: {  	v2 =	vadd.f32 v2, v5;
	v0 =	vadd.f32 v0, v1;
	_ =	sdelay $0x1  }
0x21a: {  	v1 =	vadd.f32 v0, v2;
	_ =	sdelay $0x1  }
0x21b: {  	v1 =	vadd.f32 $9.999999930e-09, v1;
	_ =	sdelay $0x1  }
0x21c: {  	(erf) = vrcp.f32 v1;
	_ =	sdelay $0x7  }
.Ltmp3:
0x21d: {  	(pc) =	sbr.rel @p0 .LBB2_8-.Ltmp3, $3  }
0x21e: {  	v1 =	vpop (erf)  }
0x21f: {  	v4 =	vmul.f32 v1, v2;
	v0 =	vmul.f32 v1, v0;
	_ =	sdelay $0x1  }
0x220: {  	s28 =	sadd.s32 $0x40, s28;
	v1 =	vmul.f32 v4, v3;
	v2 =	vmul.f32 v0, v7;
	[tilespmem:s30+$0x1480] =	vst v4  }
0x221: {  	s5 =	sshra.s32 s23, $0x2;
	[tilespmem:s30+$0x1400] =	vst v0  }
0x222: {  	v0 =	vld [tilespmem:s5+$0xD80];
	v1 =	vadd.f32 v2, v1  }
0x223: {  	v50 =	vld [tilespmem:s5+$0x1380]  }
0x224: {  	v3 =	vld [tilespmem:s5+$0xF80];
	[tilespmem:s3+$0x1980] =	vst v1  }
0x225: {  	v1 =	vld [tilespmem:s5+$0x1180];
	_ =	sdelay $0x3  }
0x226: {  	v2 =	vadd.f32 v3, v50  }
0x227: {  	v0 =	vadd.f32 v0, v1  }
0x228: {  	v51 =	vsub.f32 $0.0e+00, v2  }
0x229: {  	v0 =	vsub.f32 $0.0e+00, v0  }
0x22a: {  	v1 =	vmul.f32 $1.442695020e+00, v51  }
0x22b: {  	v0 =	vmul.f32 $1.442695020e+00, v0  }
0x22c: {  	(erf) = vpow2.f32 v1  }
0x22d: {  	(erf) = vpow2.f32 v0;
	_ =	sdelay $0x7  }
0x22e: {  	v52 =	vpop (erf)  }
0x22f: {  	v0 =	vadd.f32 $1.000000000e+00, v52;
	v53 =	vpop (erf)  }
0x230: {  	v1 =	vadd.f32 $1.000000000e+00, v53  }
0x231: {  	(erf) = vrcp.f32 v0  }
0x232: {  	(erf) = vrcp.f32 v1;
	_ =	sdelay $0x3  }
0x233: {  	s28 =	sadd.s32 $0x20, s16;
	v54 =	vld [tilespmem:s5+$0x580]  }
0x234: {  	s3 =	sand.u32 $0x3FFFFF00, s28;
	v55 =	vld [tilespmem:s5+$0x980]  }
0x235: {  	v56 =	vld [tilespmem:s5+$0xB80];
	s3 =	sadd.s32 s5, s3  }
0x236: {  	v57 =	vld [tilespmem:s3+$0x80]  }
0x237: {  	v4 =	vld [tilespmem:s3+$0x0];
	v5 =	vpop (erf)  }
0x238: {  	v6 =	vsub.f32 $1.000000000e+00, v5;
	v7 =	vpop (erf)  }
0x239: {  	vm0 =	veq.s32 v54, $0x0;
	v58 =	vsub.f32 $1.000000000e+00, v7  }
0x23a: {  	v5 =	vsel vm0, v5, v6  }
0x23b: {  	v59 =	vsub.f32 $1.000000000e+00, v56;
	v3 =	vmul.f32 v5, v57;
	v0 =	vsel vm0, v58, v7  }
0x23c: {  	v60 =	vsub.f32 $1.000000000e+00, v55;
	v0 =	vmul.f32 v0, v4  }
0x23d: {  	v5 =	vmul.f32 v3, v59;
	v2 =	vmul.f32 v3, v56  }
0x23e: {  	v1 =	vmul.f32 v0, v55;
	v0 =	vmul.f32 v0, v60;
	_ =	sdelay $0x1  }
0x23f: {  	v1 =	vadd.f32 v5, v1;
	v0 =	vadd.f32 v2, v0;
	_ =	sdelay $0x1  }
0x240: {  	v2 =	vadd.f32 v0, v1;
	_ =	sdelay $0x1  }
0x241: {  	v2 =	vadd.f32 $9.999999930e-09, v2;
	_ =	sdelay $0x1  }
0x242: {  	(erf) = vrcp.f32 v2;
	_ =	sdelay $0x8  }
0x243: {  	v2 =	vpop (erf)  }
0x244: {  	v1 =	vmul.f32 v2, v1;
	v0 =	vmul.f32 v2, v0;
	_ =	sdelay $0x1  }
0x245: {  	v61 =	vmul.f32 v1, v6;
	v62 =	vmul.f32 v0, v7;
	_ =	sdelay $0x1  }
0x246: {  	[tilespmem:s3+$0x1480] =	vst v1;
	v63 =	vadd.f32 v62, v61  }
0x247: {  	[tilespmem:s3+$0x1400] =	vst v0  }
0x248: {  	s30 =	simm.s32 $0x1400;
	[tilespmem:s5+$0x1980] =	vst v63  }
0x249: {  	[hbm4b:s12+s4] =	stream.linear.scatter [tilespmem:s30], [sflag:$0x1], $0x400, $0x38;
	[tilespmem:$0x1A00] =	vst v63  }
0x24a: {  	s26 =	sadd.s32 $0x1, s26;
	_ =	swait.ge [sflag:s21], $0x400  }
0x24b: {  	p0 =	sne.s32 s26, s14;
	[sflag:s21] =	ssyncset.done $0x0  }
.Ltmp4:
0x24c: {  	s31 =	simm.s32 $0x1800;
	[sflag:s21] =	ssyncadd.s32 $0xFFFFFC00;
	(pc) =	sbr.rel @p0 .LBB2_1-.Ltmp4, $4  }
0x24d: {  	[hbm4b:s13+s4] =	stream.linear.scatter [tilespmem:s31], [sflag:$0x1], $0x200, $0x38;
	[tilespmem:$0x1A00] =	vst v63  }
0x24e: {  	_ =	swait.ge [sflag:s21], $0x200  }
0x24f: {  	[sflag:s21] =	ssyncset.done $0x0  }
0x250: {  	[sflag:s21] =	ssyncadd.s32 $0xFFFFFE00  }
0x251: {  	_ =	sfence.sel $0x180000  }
0x252: {  	[bflag:$0x0] =	sbarrier.arrive $0xFFFF  }
0x253: {  	_ =	strace $0x9000004A  }
0x254: {  	s0 =	stileid.u32;
	[bflag:$0x2] =	sbarrier.arrive $0xFFFF  }
0x255: {  	p0 =	sne.s32 s0, $0x0;
	s0 =	rddreg [dreg:$0x8]  }
0x256: {  	s0 =	sadd.s32 @!p0 $0x100000, s0  }
0x257: {  	[sflag:s0] =	ssyncadd.tile.s32 @!p0 $0x1;
	_ =	shalt  }
.Lfunc_end2:
_tile_overlayer_lowered:
.L_overlay_start_2:
0x258: {  	(tag) =	ssettag $0x2  }
0x259: {  	s0 =	rddreg [dreg:$0x0];
	s2 =	stileid.u32  }
0x25a: {  	s1 =	rddreg [dreg:$0x1];
	p0 =	sne.s32 s2, $0x0  }
0x25b: {  	s3 =	rddreg [dreg:$0x2];
	[bflag:$0x3] =	sbarrier.arrive $0xFFFF;
	s2 =	simm.s32 @!p0 $0x1C06  }
0x25c: {  	[timem:s3], [sflag:s2] =	dma.local @!p0 [hbm:s0], s1  }
0x25d: {  	s0 =	simm.s32 @!p0 $0x6  }
0x25e: {  	_ =	swait.ge @!p0 [sflag:s0], s1  }
0x25f: {  	s1 =	ssub.s32 @!p0 $0x0, s1;
	[sflag:s0] =	ssyncset.done @!p0 $0x0  }
0x260: {  	[sflag:s0] =	ssyncadd.s32 @!p0 s1  }
0x261: {  	[bflag:$0x3] =	sbarrier.arrive $0xFFFF  }
0x262: {  	_ =	shalt  }

</sc_bundles>
